<compile_context>
chip_gen: v7x
topology: tpu7x:2x2x1
jax: 0.10.2.dev20260603
libtpu: 0.0.44.dev20260713+nightly
codegen_flags: <defaults>
</compile_context>

<pallas_src>
import functools

import numpy as np
import jax
import jax.numpy as jnp
from jax import lax
from jax.experimental import pallas as pl
from jax.experimental.pallas import tpu as pltpu
from jax.experimental.pallas import tpu_sc as plsc

B, L, D = 1024, 50, 64
N_CATS, N_RATINGS = 1000, 10
NR_PAD = 16
BB = 128
R = BB * L

_SEG = np.arange(R, dtype=np.int32) % BB
_PT_NP = (_SEG[:, None] == np.arange(BB, dtype=np.int32)[None, :]
          ).astype(np.float32)



_NW = 32
_NB = B // _NW
_HB = (B * L) // _NW
_CH = 80
_PH = 400
_NPH = _HB // _PH
_CPP = _PH // _CH


def _sc_gather_body(tprod_hbm, cidx_hbm, x_hbm,
                    hidx_v, hbuf0, hbuf1, hsem0, hsem1):
    nc = plsc.get_sparse_core_info().num_cores
    wid = lax.axis_index("s") * nc + lax.axis_index("c")
    hbase = wid * _HB
    pltpu.sync_copy(cidx_hbm.at[pl.ds(hbase, _HB)], hidx_v)

    bufs = (hbuf0, hbuf1)
    sems = (hsem0, hsem1)

    def fire(ph):
        buf, sem = bufs[ph % 2], sems[ph % 2]
        return [
            pltpu.async_copy(
                tprod_hbm.at[hidx_v.at[pl.ds(ph * _PH + j * _CH, _CH)]],
                buf.at[pl.ds(j * _CH, _CH), :],
                sem,
            )
            for j in range(_CPP)
        ]

    inflight = fire(0)
    for ph in range(_NPH):
        nxt = fire(ph + 1) if ph + 1 < _NPH else []
        for c in inflight:
            c.wait()
        pltpu.sync_copy(bufs[ph % 2], x_hbm.at[pl.ds(hbase + ph * _PH, _PH)])
        inflight = nxt


@functools.cache
def _make_sc_gather():
    return functools.partial(
        pl.kernel,
        mesh=plsc.VectorSubcoreMesh(core_axis_name="c", subcore_axis_name="s"),
        out_type=jax.ShapeDtypeStruct((B * L, 2 * D), jnp.float32),
        scratch_types=[
            pltpu.VMEM((_HB,), jnp.int32),
            pltpu.VMEM((_PH, 2 * D), jnp.float32),
            pltpu.VMEM((_PH, 2 * D), jnp.float32),
            pltpu.SemaphoreType.DMA,
            pltpu.SemaphoreType.DMA,
        ],
        compiler_params=pltpu.CompilerParams(use_tc_tiling_on_sc=True),
    )(_sc_gather_body)



_GN = 128


def _vc_gather_body(ndiv_ref, nmod_ref, *refs):
    del ndiv_ref
    tiles, out_ref = refs[:_GN], refs[_GN]
    i = pl.program_id(0)
    for k in range(_GN):
        m = nmod_ref[i * _GN + k]
        out_ref[pl.ds(k, 1), :] = tiles[k][0, pl.ds(m, 1), :]


@functools.cache
def _make_vc_gather():
    in_specs = [
        pl.BlockSpec((1, 8, D), (lambda i, nd, nm, _k=k: (nd[i * _GN + _k], 0, 0)))
        for k in range(_GN)
    ]
    grid_spec = pltpu.PrefetchScalarGridSpec(
        num_scalar_prefetch=2,
        grid=(B // _GN,),
        in_specs=in_specs,
        out_specs=pl.BlockSpec((_GN, D), lambda i, nd, nm: (i, 0)),
    )
    return pl.pallas_call(
        _vc_gather_body,
        grid_spec=grid_spec,
        out_shape=jax.ShapeDtypeStruct((B, D), jnp.float32),
    )



_TB = 8
_TROWS = N_CATS * NR_PAD // _TB
_TC_CATS = N_CATS // _TB


def _tprod_body(c2e_ref, r2e_ref, out_ref):
    i = pl.program_id(0)
    cc = c2e_ref[pl.ds(i * _TC_CATS, _TC_CATS), :]
    rr = r2e_ref[...]
    left = jnp.broadcast_to(cc[:, None, :], (_TC_CATS, NR_PAD, D)
                            ).reshape(_TROWS, D)
    right = jnp.broadcast_to(rr[None, :, :], (_TC_CATS, NR_PAD, D)
                             ).reshape(_TROWS, D)
    out_ref[...] = jnp.concatenate([left, right], axis=1)


@functools.cache
def _make_tprod():
    return pl.pallas_call(
        _tprod_body,
        grid=(_TB,),
        in_specs=[
            pl.BlockSpec((N_CATS, D), lambda i: (0, 0)),
            pl.BlockSpec((NR_PAD, D), lambda i: (0, 0)),
        ],
        out_specs=pl.BlockSpec((_TROWS, 2 * D), lambda i: (i, 0)),
        out_shape=jax.ShapeDtypeStruct((N_CATS * NR_PAD, 2 * D), jnp.float32),
    )



def _tc_body(x_ref, vcrep_ref, w1t_ref, b1_ref, w2t_ref, b2_ref,
             a1t_ref, ab1_ref, a2t_ref, ab2_ref, w3b_ref,
             pt_ref, pm_ref, out_ref):
    f32, bf16 = jnp.float32, jnp.bfloat16
    x = x_ref[...].reshape(R, 2 * D).astype(bf16)
    h = jnp.maximum(
        jnp.dot(x, w1t_ref[...].astype(bf16), preferred_element_type=f32)
        + b1_ref[...], 0.0)
    o = jnp.maximum(
        jnp.dot(h.astype(bf16), w2t_ref[...].astype(bf16),
                preferred_element_type=f32) + b2_ref[...], 0.0)

    u = jnp.dot(pt_ref[...], vcrep_ref[...].astype(bf16),
                preferred_element_type=f32)
    a = jnp.concatenate([o, u], axis=1).astype(bf16)
    a = jnp.maximum(
        jnp.dot(a, a1t_ref[...].astype(bf16), preferred_element_type=f32)
        + ab1_ref[...], 0.0)
    a = jnp.maximum(
        jnp.dot(a.astype(bf16), a2t_ref[...].astype(bf16),
                preferred_element_type=f32) + ab2_ref[...], 0.0)
    logits = jnp.dot(a.astype(bf16), w3b_ref[...].astype(bf16),
                     preferred_element_type=f32)
    e = jnp.exp(jnp.maximum(logits - jnp.max(logits), -80.0))
    cat = jnp.concatenate([o * e, e], axis=1)
    res = jnp.dot(pm_ref[...], cat, preferred_element_type=f32)
    out_ref[...] = res[:, :D] / res[:, D:]


_TC_IN_SPECS = [
        pl.BlockSpec((L, BB, 2 * D), lambda i: (0, i, 0)),
        pl.BlockSpec((BB, D), lambda i: (i, 0)),
        pl.BlockSpec((2 * D, D), lambda i: (0, 0)),
        pl.BlockSpec((1, D), lambda i: (0, 0)),
        pl.BlockSpec((D, D), lambda i: (0, 0)),
        pl.BlockSpec((1, D), lambda i: (0, 0)),
        pl.BlockSpec((2 * D, D), lambda i: (0, 0)),
        pl.BlockSpec((1, D), lambda i: (0, 0)),
        pl.BlockSpec((D, D), lambda i: (0, 0)),
        pl.BlockSpec((1, D), lambda i: (0, 0)),
        pl.BlockSpec((D, D), lambda i: (0, 0)),
        pl.BlockSpec((R, BB), lambda i: (0, 0)),
        pl.BlockSpec((BB, R), lambda i: (0, 0)),
]


@functools.cache
def _make_tc_call():
    return pl.pallas_call(
        _tc_body,
        grid=(B // BB,),
        in_specs=_TC_IN_SPECS,
        out_specs=pl.BlockSpec((BB, D), lambda i: (i, 0)),
        out_shape=jax.ShapeDtypeStruct((B, D), jnp.float32),
    )


def kernel(nodes, history_vc, history_r, c2e_w, r2e_w, v2e_w,
           w_r1_W, w_r1_b, w_r2_W, w_r2_b,
           att1_W, att1_b, att2_W, att2_b, att3_W, att3_b):
    del att3_b
    nodes = nodes.astype(jnp.int32)
    ndiv = nodes // 8
    nmod = nodes % 8
    cidx = (history_vc.astype(jnp.int32) * NR_PAD
            + history_r.astype(jnp.int32)).T.reshape(B * L)
    r2e_p = jnp.pad(r2e_w, ((0, NR_PAD - N_RATINGS), (0, 0)))
    tprod = _make_tprod()(c2e_w, r2e_p)
    v2e3 = v2e_w.reshape(12500, 8, D)
    x = _make_sc_gather()(tprod, cidx)
    vc_rep = _make_vc_gather()(ndiv, nmod, *([v2e3] * _GN))
    x = x.reshape(L, B, 2 * D)
    w3b = jnp.tile(att3_W.T, (1, D))
    pt = jnp.asarray(_PT_NP, dtype=jnp.bfloat16)
    pm = jnp.asarray(_PT_NP.T, dtype=jnp.float32)
    return _make_tc_call()(x, vc_rep,
                    w_r1_W.T, w_r1_b[None], w_r2_W.T, w_r2_b[None],
                    att1_W.T, att1_b[None], att2_W.T, att2_b[None],
                    w3b, pt, pm)

# --- scband reference (transcript-rebuilt; emitter-appended) ---
"""Pipeline reference for scband-vc-aggregator-85048942395941 (READ-ONLY COPY).

The authoritative reference and input builder live on the scoring server;
editing this copy changes nothing except your own understanding.
"""

import jax, jax.numpy as jnp
import numpy as np

B, L, D = 1024, 50, 64
N_ITEMS, N_CATS, N_RATINGS = 100000, 1000, 10


def setup_inputs(seed: int = 0) -> dict:
    key = jax.random.key(seed)
    ks = jax.random.split(key, 16)

    def lin_w(k, out_f, in_f):
        lim = 1.0 / np.sqrt(in_f)
        return jax.random.uniform(k, (out_f, in_f), jnp.float32, -lim, lim)

    def lin_b(k, out_f, in_f):
        lim = 1.0 / np.sqrt(in_f)
        return jax.random.uniform(k, (out_f,), jnp.float32, -lim, lim)

    return {
        "nodes": jax.random.randint(ks[0], (B,), 0, N_ITEMS),
        "history_vc": jax.random.randint(ks[1], (B, L), 0, N_CATS),
        "history_r": jax.random.randint(ks[2], (B, L), 0, N_RATINGS),
        "c2e_w": jax.random.normal(ks[3], (N_CATS, D), jnp.float32) * 0.05,
        "r2e_w": jax.random.normal(ks[4], (N_RATINGS, D), jnp.float32) * 0.05,
        "v2e_w": jax.random.normal(ks[5], (N_ITEMS, D), jnp.float32) * 0.05,
        "w_r1_W": lin_w(ks[6], D, 2 * D),
        "w_r1_b": lin_b(ks[7], D, 2 * D),
        "w_r2_W": lin_w(ks[8], D, D),
        "w_r2_b": lin_b(ks[9], D, D),
        "att1_W": lin_w(ks[10], D, 2 * D),
        "att1_b": lin_b(ks[11], D, 2 * D),
        "att2_W": lin_w(ks[12], D, D),
        "att2_b": lin_b(ks[13], D, D),
        "att3_W": lin_w(ks[14], 1, D),
        "att3_b": lin_b(ks[15], 1, D),
    }


def reference(nodes, history_vc, history_r, c2e_w, r2e_w, v2e_w,
              w_r1_W, w_r1_b, w_r2_W, w_r2_b,
              att1_W, att1_b, att2_W, att2_b, att3_W, att3_b):
    # vc=True: histories index category table, nodes index item table
    e_vc = jnp.take(c2e_w, history_vc, axis=0)          # [B, L, D]
    vc_rep = jnp.take(v2e_w, nodes, axis=0)             # [B, D]
    e_r = jnp.take(r2e_w, history_r, axis=0)            # [B, L, D]

    x = jnp.concatenate([e_vc, e_r], axis=-1)           # [B, L, 2D]
    x = jax.nn.relu(x @ w_r1_W.T + w_r1_b)              # [B, L, D]
    o_history = jax.nn.relu(x @ w_r2_W.T + w_r2_b)      # [B, L, D]

    # Attention(o_history, vc_rep, L): GraphRec-style attention MLP
    # (dropout is identity in eval mode)
    u_rep = jnp.broadcast_to(vc_rep[:, None, :], o_history.shape)  # [B, L, D]
    a = jnp.concatenate([o_history, u_rep], axis=-1)    # [B, L, 2D]
    a = jax.nn.relu(a @ att1_W.T + att1_b)              # [B, L, D]
    a = jax.nn.relu(a @ att2_W.T + att2_b)              # [B, L, D]
    a = a @ att3_W.T + att3_b                           # [B, L, 1]
    att_w = jax.nn.softmax(a, axis=1)                   # softmax over history dim

    # att_history = o_history^T @ att_w per example -> [B, D]
    to_feats = jnp.sum(o_history * att_w, axis=1)       # [B, D]
    return to_feats

if __name__ == "__main__":
    import jax
    _d = setup_inputs()
    print(jax.jit(kernel)(*tuple(_d.values())))

</pallas_src>

<mosaic_0001>
#map = affine_map<(d0, d1) -> (0, 0)>
#map1 = affine_map<(d0, d1) -> (0)>
module attributes {stable_mosaic.version = 14 : i64} {
  func.func @_sc_gather_body(%arg0: i32, %arg1: i32, %arg2: memref<16000x128xf32, #tpu.memory_space<hbm>>, %arg3: memref<51200xi32, #tpu.memory_space<hbm>>, %arg4: memref<51200x128xf32, #tpu.memory_space<hbm>>, %arg5: memref<1600xi32, #tpu.memory_space<vmem>>, %arg6: memref<400x128xf32, #tpu.memory_space<vmem>>, %arg7: memref<400x128xf32, #tpu.memory_space<vmem>>, %arg8: memref<!tpu.dma_semaphore, #tpu.memory_space<semaphore_mem>>, %arg9: memref<!tpu.dma_semaphore, #tpu.memory_space<semaphore_mem>>) attributes {dimension_semantics = [#tpu.dimension_semantics<core_parallel>, #tpu.dimension_semantics<subcore_parallel>], iteration_bounds = array<i64: 2, 16>, scalar_prefetch = 0 : i64, scratch_operands = 5 : i64, tpu.core_type = #tpu.core_type<sc_vector_subcore>, window_params = [{transform_indices = #map}, {transform_indices = #map1}, {transform_indices = #map}]} {
    %mul3A = arith.constant 2 : i32
    %mul3A_0 = arith.muli %arg1, %mul3A : i32
    %add3A = arith.addi %mul3A_0, %arg0 : i32
    %mul3A_1 = arith.constant 1600 : i32
    %mul3A_2 = arith.muli %add3A, %mul3A_1 : i32
    "tpu.region"() ({
      %run_scoped3A = tpu.sem_alloc : memref<!tpu.dma_semaphore, #tpu.memory_space<semaphore_mem>>
      %dma_start3A_329 = tpu.memref_slice %arg3[%mul3A_2] : memref<51200xi32, #tpu.memory_space<hbm>> -> memref<1600xi32, #tpu.memory_space<hbm>>
      %dma_start3A_330 = tpu.memref_slice %arg3[%mul3A_2] : memref<51200xi32, #tpu.memory_space<hbm>> -> memref<1600xi32, #tpu.memory_space<hbm>>
      tpu.enqueue_dma source(%dma_start3A_330 : memref<1600xi32, #tpu.memory_space<hbm>>) target(%arg5 : memref<1600xi32, #tpu.memory_space<vmem>>) target_semaphore(%run_scoped3A : memref<!tpu.dma_semaphore, #tpu.memory_space<semaphore_mem>>)
      %dma_wait3A_331 = tpu.memref_slice %arg3[%mul3A_2] : memref<51200xi32, #tpu.memory_space<hbm>> -> memref<1600xi32, #tpu.memory_space<hbm>>
      %dma_wait3A_332 = tpu.memref_slice %arg3[%mul3A_2] : memref<51200xi32, #tpu.memory_space<hbm>> -> memref<1600xi32, #tpu.memory_space<hbm>>
      tpu.wait_dma2 semaphore(%run_scoped3A : memref<!tpu.dma_semaphore, #tpu.memory_space<semaphore_mem>>) src(%dma_wait3A_332 : memref<1600xi32, #tpu.memory_space<hbm>>) dst(%arg5 : memref<1600xi32, #tpu.memory_space<vmem>>)
      tpu.yield
    }) : () -> ()
    %dma_start3A = arith.constant 0 : i32
    %dma_start3A_3 = arith.constant 0 : i32
    %dma_start3A_4 = tpu.memref_slice %arg6[%dma_start3A, %dma_start3A_3] : memref<400x128xf32, #tpu.memory_space<vmem>> -> memref<80x128xf32, #tpu.memory_space<vmem>>
    %dma_start3A_5 = arith.constant 0 : i32
    %dma_start3A_6 = tpu.memref_slice %arg5[%dma_start3A_5] : memref<1600xi32, #tpu.memory_space<vmem>> -> memref<80xi32, #tpu.memory_space<vmem>>
    %dma_start3A_7 = arith.constant 0 : i32
    %dma_start3A_8 = arith.constant 0 : i32
    %dma_start3A_9 = tpu.memref_slice %arg2[%dma_start3A_7, %dma_start3A_8] : memref<16000x128xf32, #tpu.memory_space<hbm>> -> memref<16000x128xf32, #tpu.memory_space<hbm>>
    tpu.enqueue_indirect_dma source(%dma_start3A_9 : memref<16000x128xf32, #tpu.memory_space<hbm>>) target(%dma_start3A_4 : memref<80x128xf32, #tpu.memory_space<vmem>>) offsets(%dma_start3A_6 : memref<80xi32, #tpu.memory_space<vmem>>) semaphore(%arg8 : memref<!tpu.dma_semaphore, #tpu.memory_space<semaphore_mem>>)
    %dma_start3A_10 = arith.constant 80 : i32
    %dma_start3A_11 = arith.constant 0 : i32
    %dma_start3A_12 = tpu.memref_slice %arg6[%dma_start3A_10, %dma_start3A_11] : memref<400x128xf32, #tpu.memory_space<vmem>> -> memref<80x128xf32, #tpu.memory_space<vmem>>
    %dma_start3A_13 = arith.constant 80 : i32
    %dma_start3A_14 = tpu.memref_slice %arg5[%dma_start3A_13] : memref<1600xi32, #tpu.memory_space<vmem>> -> memref<80xi32, #tpu.memory_space<vmem>>
    %dma_start3A_15 = arith.constant 0 : i32
    %dma_start3A_16 = arith.constant 0 : i32
    %dma_start3A_17 = tpu.memref_slice %arg2[%dma_start3A_15, %dma_start3A_16] : memref<16000x128xf32, #tpu.memory_space<hbm>> -> memref<16000x128xf32, #tpu.memory_space<hbm>>
    tpu.enqueue_indirect_dma source(%dma_start3A_17 : memref<16000x128xf32, #tpu.memory_space<hbm>>) target(%dma_start3A_12 : memref<80x128xf32, #tpu.memory_space<vmem>>) offsets(%dma_start3A_14 : memref<80xi32, #tpu.memory_space<vmem>>) semaphore(%arg8 : memref<!tpu.dma_semaphore, #tpu.memory_space<semaphore_mem>>)
    %dma_start3A_18 = arith.constant 160 : i32
    %dma_start3A_19 = arith.constant 0 : i32
    %dma_start3A_20 = tpu.memref_slice %arg6[%dma_start3A_18, %dma_start3A_19] : memref<400x128xf32, #tpu.memory_space<vmem>> -> memref<80x128xf32, #tpu.memory_space<vmem>>
    %dma_start3A_21 = arith.constant 160 : i32
    %dma_start3A_22 = tpu.memref_slice %arg5[%dma_start3A_21] : memref<1600xi32, #tpu.memory_space<vmem>> -> memref<80xi32, #tpu.memory_space<vmem>>
    %dma_start3A_23 = arith.constant 0 : i32
    %dma_start3A_24 = arith.constant 0 : i32
    %dma_start3A_25 = tpu.memref_slice %arg2[%dma_start3A_23, %dma_start3A_24] : memref<16000x128xf32, #tpu.memory_space<hbm>> -> memref<16000x128xf32, #tpu.memory_space<hbm>>
    tpu.enqueue_indirect_dma source(%dma_start3A_25 : memref<16000x128xf32, #tpu.memory_space<hbm>>) target(%dma_start3A_20 : memref<80x128xf32, #tpu.memory_space<vmem>>) offsets(%dma_start3A_22 : memref<80xi32, #tpu.memory_space<vmem>>) semaphore(%arg8 : memref<!tpu.dma_semaphore, #tpu.memory_space<semaphore_mem>>)
    %dma_start3A_26 = arith.constant 240 : i32
    %dma_start3A_27 = arith.constant 0 : i32
    %dma_start3A_28 = tpu.memref_slice %arg6[%dma_start3A_26, %dma_start3A_27] : memref<400x128xf32, #tpu.memory_space<vmem>> -> memref<80x128xf32, #tpu.memory_space<vmem>>
    %dma_start3A_29 = arith.constant 240 : i32
    %dma_start3A_30 = tpu.memref_slice %arg5[%dma_start3A_29] : memref<1600xi32, #tpu.memory_space<vmem>> -> memref<80xi32, #tpu.memory_space<vmem>>
    %dma_start3A_31 = arith.constant 0 : i32
    %dma_start3A_32 = arith.constant 0 : i32
    %dma_start3A_33 = tpu.memref_slice %arg2[%dma_start3A_31, %dma_start3A_32] : memref<16000x128xf32, #tpu.memory_space<hbm>> -> memref<16000x128xf32, #tpu.memory_space<hbm>>
    tpu.enqueue_indirect_dma source(%dma_start3A_33 : memref<16000x128xf32, #tpu.memory_space<hbm>>) target(%dma_start3A_28 : memref<80x128xf32, #tpu.memory_space<vmem>>) offsets(%dma_start3A_30 : memref<80xi32, #tpu.memory_space<vmem>>) semaphore(%arg8 : memref<!tpu.dma_semaphore, #tpu.memory_space<semaphore_mem>>)
    %dma_start3A_34 = arith.constant 320 : i32
    %dma_start3A_35 = arith.constant 0 : i32
    %dma_start3A_36 = tpu.memref_slice %arg6[%dma_start3A_34, %dma_start3A_35] : memref<400x128xf32, #tpu.memory_space<vmem>> -> memref<80x128xf32, #tpu.memory_space<vmem>>
    %dma_start3A_37 = arith.constant 320 : i32
    %dma_start3A_38 = tpu.memref_slice %arg5[%dma_start3A_37] : memref<1600xi32, #tpu.memory_space<vmem>> -> memref<80xi32, #tpu.memory_space<vmem>>
    %dma_start3A_39 = arith.constant 0 : i32
    %dma_start3A_40 = arith.constant 0 : i32
    %dma_start3A_41 = tpu.memref_slice %arg2[%dma_start3A_39, %dma_start3A_40] : memref<16000x128xf32, #tpu.memory_space<hbm>> -> memref<16000x128xf32, #tpu.memory_space<hbm>>
    tpu.enqueue_indirect_dma source(%dma_start3A_41 : memref<16000x128xf32, #tpu.memory_space<hbm>>) target(%dma_start3A_36 : memref<80x128xf32, #tpu.memory_space<vmem>>) offsets(%dma_start3A_38 : memref<80xi32, #tpu.memory_space<vmem>>) semaphore(%arg8 : memref<!tpu.dma_semaphore, #tpu.memory_space<semaphore_mem>>)
    %dma_start3A_42 = arith.constant 0 : i32
    %dma_start3A_43 = arith.constant 0 : i32
    %dma_start3A_44 = tpu.memref_slice %arg7[%dma_start3A_42, %dma_start3A_43] : memref<400x128xf32, #tpu.memory_space<vmem>> -> memref<80x128xf32, #tpu.memory_space<vmem>>
    %dma_start3A_45 = arith.constant 400 : i32
    %dma_start3A_46 = tpu.memref_slice %arg5[%dma_start3A_45] : memref<1600xi32, #tpu.memory_space<vmem>> -> memref<80xi32, #tpu.memory_space<vmem>>
    %dma_start3A_47 = arith.constant 0 : i32
    %dma_start3A_48 = arith.constant 0 : i32
    %dma_start3A_49 = tpu.memref_slice %arg2[%dma_start3A_47, %dma_start3A_48] : memref<16000x128xf32, #tpu.memory_space<hbm>> -> memref<16000x128xf32, #tpu.memory_space<hbm>>
    tpu.enqueue_indirect_dma source(%dma_start3A_49 : memref<16000x128xf32, #tpu.memory_space<hbm>>) target(%dma_start3A_44 : memref<80x128xf32, #tpu.memory_space<vmem>>) offsets(%dma_start3A_46 : memref<80xi32, #tpu.memory_space<vmem>>) semaphore(%arg9 : memref<!tpu.dma_semaphore, #tpu.memory_space<semaphore_mem>>)
    %dma_start3A_50 = arith.constant 80 : i32
    %dma_start3A_51 = arith.constant 0 : i32
    %dma_start3A_52 = tpu.memref_slice %arg7[%dma_start3A_50, %dma_start3A_51] : memref<400x128xf32, #tpu.memory_space<vmem>> -> memref<80x128xf32, #tpu.memory_space<vmem>>
    %dma_start3A_53 = arith.constant 480 : i32
    %dma_start3A_54 = tpu.memref_slice %arg5[%dma_start3A_53] : memref<1600xi32, #tpu.memory_space<vmem>> -> memref<80xi32, #tpu.memory_space<vmem>>
    %dma_start3A_55 = arith.constant 0 : i32
    %dma_start3A_56 = arith.constant 0 : i32
    %dma_start3A_57 = tpu.memref_slice %arg2[%dma_start3A_55, %dma_start3A_56] : memref<16000x128xf32, #tpu.memory_space<hbm>> -> memref<16000x128xf32, #tpu.memory_space<hbm>>
    tpu.enqueue_indirect_dma source(%dma_start3A_57 : memref<16000x128xf32, #tpu.memory_space<hbm>>) target(%dma_start3A_52 : memref<80x128xf32, #tpu.memory_space<vmem>>) offsets(%dma_start3A_54 : memref<80xi32, #tpu.memory_space<vmem>>) semaphore(%arg9 : memref<!tpu.dma_semaphore, #tpu.memory_space<semaphore_mem>>)
    %dma_start3A_58 = arith.constant 160 : i32
    %dma_start3A_59 = arith.constant 0 : i32
    %dma_start3A_60 = tpu.memref_slice %arg7[%dma_start3A_58, %dma_start3A_59] : memref<400x128xf32, #tpu.memory_space<vmem>> -> memref<80x128xf32, #tpu.memory_space<vmem>>
    %dma_start3A_61 = arith.constant 560 : i32
    %dma_start3A_62 = tpu.memref_slice %arg5[%dma_start3A_61] : memref<1600xi32, #tpu.memory_space<vmem>> -> memref<80xi32, #tpu.memory_space<vmem>>
    %dma_start3A_63 = arith.constant 0 : i32
    %dma_start3A_64 = arith.constant 0 : i32
    %dma_start3A_65 = tpu.memref_slice %arg2[%dma_start3A_63, %dma_start3A_64] : memref<16000x128xf32, #tpu.memory_space<hbm>> -> memref<16000x128xf32, #tpu.memory_space<hbm>>
    tpu.enqueue_indirect_dma source(%dma_start3A_65 : memref<16000x128xf32, #tpu.memory_space<hbm>>) target(%dma_start3A_60 : memref<80x128xf32, #tpu.memory_space<vmem>>) offsets(%dma_start3A_62 : memref<80xi32, #tpu.memory_space<vmem>>) semaphore(%arg9 : memref<!tpu.dma_semaphore, #tpu.memory_space<semaphore_mem>>)
    %dma_start3A_66 = arith.constant 240 : i32
    %dma_start3A_67 = arith.constant 0 : i32
    %dma_start3A_68 = tpu.memref_slice %arg7[%dma_start3A_66, %dma_start3A_67] : memref<400x128xf32, #tpu.memory_space<vmem>> -> memref<80x128xf32, #tpu.memory_space<vmem>>
    %dma_start3A_69 = arith.constant 640 : i32
    %dma_start3A_70 = tpu.memref_slice %arg5[%dma_start3A_69] : memref<1600xi32, #tpu.memory_space<vmem>> -> memref<80xi32, #tpu.memory_space<vmem>>
    %dma_start3A_71 = arith.constant 0 : i32
    %dma_start3A_72 = arith.constant 0 : i32
    %dma_start3A_73 = tpu.memref_slice %arg2[%dma_start3A_71, %dma_start3A_72] : memref<16000x128xf32, #tpu.memory_space<hbm>> -> memref<16000x128xf32, #tpu.memory_space<hbm>>
    tpu.enqueue_indirect_dma source(%dma_start3A_73 : memref<16000x128xf32, #tpu.memory_space<hbm>>) target(%dma_start3A_68 : memref<80x128xf32, #tpu.memory_space<vmem>>) offsets(%dma_start3A_70 : memref<80xi32, #tpu.memory_space<vmem>>) semaphore(%arg9 : memref<!tpu.dma_semaphore, #tpu.memory_space<semaphore_mem>>)
    %dma_start3A_74 = arith.constant 320 : i32
    %dma_start3A_75 = arith.constant 0 : i32
    %dma_start3A_76 = tpu.memref_slice %arg7[%dma_start3A_74, %dma_start3A_75] : memref<400x128xf32, #tpu.memory_space<vmem>> -> memref<80x128xf32, #tpu.memory_space<vmem>>
    %dma_start3A_77 = arith.constant 720 : i32
    %dma_start3A_78 = tpu.memref_slice %arg5[%dma_start3A_77] : memref<1600xi32, #tpu.memory_space<vmem>> -> memref<80xi32, #tpu.memory_space<vmem>>
    %dma_start3A_79 = arith.constant 0 : i32
    %dma_start3A_80 = arith.constant 0 : i32
    %dma_start3A_81 = tpu.memref_slice %arg2[%dma_start3A_79, %dma_start3A_80] : memref<16000x128xf32, #tpu.memory_space<hbm>> -> memref<16000x128xf32, #tpu.memory_space<hbm>>
    tpu.enqueue_indirect_dma source(%dma_start3A_81 : memref<16000x128xf32, #tpu.memory_space<hbm>>) target(%dma_start3A_76 : memref<80x128xf32, #tpu.memory_space<vmem>>) offsets(%dma_start3A_78 : memref<80xi32, #tpu.memory_space<vmem>>) semaphore(%arg9 : memref<!tpu.dma_semaphore, #tpu.memory_space<semaphore_mem>>)
    %dma_wait3A = arith.constant 0 : i32
    %dma_wait3A_82 = arith.constant 0 : i32
    %dma_wait3A_83 = tpu.memref_slice %arg6[%dma_wait3A, %dma_wait3A_82] : memref<400x128xf32, #tpu.memory_space<vmem>> -> memref<80x128xf32, #tpu.memory_space<vmem>>
    %dma_wait3A_84 = arith.constant 0 : i32
    %dma_wait3A_85 = tpu.memref_slice %arg5[%dma_wait3A_84] : memref<1600xi32, #tpu.memory_space<vmem>> -> memref<80xi32, #tpu.memory_space<vmem>>
    %dma_wait3A_86 = arith.constant 0 : i32
    %dma_wait3A_87 = arith.constant 0 : i32
    %dma_wait3A_88 = tpu.memref_slice %arg2[%dma_wait3A_86, %dma_wait3A_87] : memref<16000x128xf32, #tpu.memory_space<hbm>> -> memref<16000x128xf32, #tpu.memory_space<hbm>>
    tpu.wait_indirect_dma semaphore(%arg8 : memref<!tpu.dma_semaphore, #tpu.memory_space<semaphore_mem>>) src(%dma_wait3A_88 : memref<16000x128xf32, #tpu.memory_space<hbm>>) dst(%dma_wait3A_83 : memref<80x128xf32, #tpu.memory_space<vmem>>)
    %dma_wait3A_89 = arith.constant 80 : i32
    %dma_wait3A_90 = arith.constant 0 : i32
    %dma_wait3A_91 = tpu.memref_slice %arg6[%dma_wait3A_89, %dma_wait3A_90] : memref<400x128xf32, #tpu.memory_space<vmem>> -> memref<80x128xf32, #tpu.memory_space<vmem>>
    %dma_wait3A_92 = arith.constant 80 : i32
    %dma_wait3A_93 = tpu.memref_slice %arg5[%dma_wait3A_92] : memref<1600xi32, #tpu.memory_space<vmem>> -> memref<80xi32, #tpu.memory_space<vmem>>
    %dma_wait3A_94 = arith.constant 0 : i32
    %dma_wait3A_95 = arith.constant 0 : i32
    %dma_wait3A_96 = tpu.memref_slice %arg2[%dma_wait3A_94, %dma_wait3A_95] : memref<16000x128xf32, #tpu.memory_space<hbm>> -> memref<16000x128xf32, #tpu.memory_space<hbm>>
    tpu.wait_indirect_dma semaphore(%arg8 : memref<!tpu.dma_semaphore, #tpu.memory_space<semaphore_mem>>) src(%dma_wait3A_96 : memref<16000x128xf32, #tpu.memory_space<hbm>>) dst(%dma_wait3A_91 : memref<80x128xf32, #tpu.memory_space<vmem>>)
    %dma_wait3A_97 = arith.constant 160 : i32
    %dma_wait3A_98 = arith.constant 0 : i32
    %dma_wait3A_99 = tpu.memref_slice %arg6[%dma_wait3A_97, %dma_wait3A_98] : memref<400x128xf32, #tpu.memory_space<vmem>> -> memref<80x128xf32, #tpu.memory_space<vmem>>
    %dma_wait3A_100 = arith.constant 160 : i32
    %dma_wait3A_101 = tpu.memref_slice %arg5[%dma_wait3A_100] : memref<1600xi32, #tpu.memory_space<vmem>> -> memref<80xi32, #tpu.memory_space<vmem>>
    %dma_wait3A_102 = arith.constant 0 : i32
    %dma_wait3A_103 = arith.constant 0 : i32
    %dma_wait3A_104 = tpu.memref_slice %arg2[%dma_wait3A_102, %dma_wait3A_103] : memref<16000x128xf32, #tpu.memory_space<hbm>> -> memref<16000x128xf32, #tpu.memory_space<hbm>>
    tpu.wait_indirect_dma semaphore(%arg8 : memref<!tpu.dma_semaphore, #tpu.memory_space<semaphore_mem>>) src(%dma_wait3A_104 : memref<16000x128xf32, #tpu.memory_space<hbm>>) dst(%dma_wait3A_99 : memref<80x128xf32, #tpu.memory_space<vmem>>)
    %dma_wait3A_105 = arith.constant 240 : i32
    %dma_wait3A_106 = arith.constant 0 : i32
    %dma_wait3A_107 = tpu.memref_slice %arg6[%dma_wait3A_105, %dma_wait3A_106] : memref<400x128xf32, #tpu.memory_space<vmem>> -> memref<80x128xf32, #tpu.memory_space<vmem>>
    %dma_wait3A_108 = arith.constant 240 : i32
    %dma_wait3A_109 = tpu.memref_slice %arg5[%dma_wait3A_108] : memref<1600xi32, #tpu.memory_space<vmem>> -> memref<80xi32, #tpu.memory_space<vmem>>
    %dma_wait3A_110 = arith.constant 0 : i32
    %dma_wait3A_111 = arith.constant 0 : i32
    %dma_wait3A_112 = tpu.memref_slice %arg2[%dma_wait3A_110, %dma_wait3A_111] : memref<16000x128xf32, #tpu.memory_space<hbm>> -> memref<16000x128xf32, #tpu.memory_space<hbm>>
    tpu.wait_indirect_dma semaphore(%arg8 : memref<!tpu.dma_semaphore, #tpu.memory_space<semaphore_mem>>) src(%dma_wait3A_112 : memref<16000x128xf32, #tpu.memory_space<hbm>>) dst(%dma_wait3A_107 : memref<80x128xf32, #tpu.memory_space<vmem>>)
    %dma_wait3A_113 = arith.constant 320 : i32
    %dma_wait3A_114 = arith.constant 0 : i32
    %dma_wait3A_115 = tpu.memref_slice %arg6[%dma_wait3A_113, %dma_wait3A_114] : memref<400x128xf32, #tpu.memory_space<vmem>> -> memref<80x128xf32, #tpu.memory_space<vmem>>
    %dma_wait3A_116 = arith.constant 320 : i32
    %dma_wait3A_117 = tpu.memref_slice %arg5[%dma_wait3A_116] : memref<1600xi32, #tpu.memory_space<vmem>> -> memref<80xi32, #tpu.memory_space<vmem>>
    %dma_wait3A_118 = arith.constant 0 : i32
    %dma_wait3A_119 = arith.constant 0 : i32
    %dma_wait3A_120 = tpu.memref_slice %arg2[%dma_wait3A_118, %dma_wait3A_119] : memref<16000x128xf32, #tpu.memory_space<hbm>> -> memref<16000x128xf32, #tpu.memory_space<hbm>>
    tpu.wait_indirect_dma semaphore(%arg8 : memref<!tpu.dma_semaphore, #tpu.memory_space<semaphore_mem>>) src(%dma_wait3A_120 : memref<16000x128xf32, #tpu.memory_space<hbm>>) dst(%dma_wait3A_115 : memref<80x128xf32, #tpu.memory_space<vmem>>)
    %add3A_121 = arith.constant 0 : i32
    %add3A_122 = arith.addi %mul3A_2, %add3A_121 : i32
    "tpu.region"() ({
      %run_scoped3A = tpu.sem_alloc : memref<!tpu.dma_semaphore, #tpu.memory_space<semaphore_mem>>
      %dma_start3A_329 = arith.constant 0 : i32
      %dma_start3A_330 = tpu.memref_slice %arg4[%add3A_122, %dma_start3A_329] : memref<51200x128xf32, #tpu.memory_space<hbm>> -> memref<400x128xf32, #tpu.memory_space<hbm>>
      %dma_start3A_331 = arith.constant 0 : i32
      %dma_start3A_332 = tpu.memref_slice %arg4[%add3A_122, %dma_start3A_331] : memref<51200x128xf32, #tpu.memory_space<hbm>> -> memref<400x128xf32, #tpu.memory_space<hbm>>
      tpu.enqueue_dma source(%arg6 : memref<400x128xf32, #tpu.memory_space<vmem>>) target(%dma_start3A_332 : memref<400x128xf32, #tpu.memory_space<hbm>>) target_semaphore(%run_scoped3A : memref<!tpu.dma_semaphore, #tpu.memory_space<semaphore_mem>>)
      %dma_wait3A_333 = arith.constant 0 : i32
      %dma_wait3A_334 = tpu.memref_slice %arg4[%add3A_122, %dma_wait3A_333] : memref<51200x128xf32, #tpu.memory_space<hbm>> -> memref<400x128xf32, #tpu.memory_space<hbm>>
      %dma_wait3A_335 = arith.constant 0 : i32
      %dma_wait3A_336 = tpu.memref_slice %arg4[%add3A_122, %dma_wait3A_335] : memref<51200x128xf32, #tpu.memory_space<hbm>> -> memref<400x128xf32, #tpu.memory_space<hbm>>
      tpu.wait_dma2 semaphore(%run_scoped3A : memref<!tpu.dma_semaphore, #tpu.memory_space<semaphore_mem>>) src(%arg6 : memref<400x128xf32, #tpu.memory_space<vmem>>) dst(%dma_wait3A_336 : memref<400x128xf32, #tpu.memory_space<hbm>>)
      tpu.yield
    }) : () -> ()
    %dma_start3A_123 = arith.constant 0 : i32
    %dma_start3A_124 = arith.constant 0 : i32
    %dma_start3A_125 = tpu.memref_slice %arg6[%dma_start3A_123, %dma_start3A_124] : memref<400x128xf32, #tpu.memory_space<vmem>> -> memref<80x128xf32, #tpu.memory_space<vmem>>
    %dma_start3A_126 = arith.constant 800 : i32
    %dma_start3A_127 = tpu.memref_slice %arg5[%dma_start3A_126] : memref<1600xi32, #tpu.memory_space<vmem>> -> memref<80xi32, #tpu.memory_space<vmem>>
    %dma_start3A_128 = arith.constant 0 : i32
    %dma_start3A_129 = arith.constant 0 : i32
    %dma_start3A_130 = tpu.memref_slice %arg2[%dma_start3A_128, %dma_start3A_129] : memref<16000x128xf32, #tpu.memory_space<hbm>> -> memref<16000x128xf32, #tpu.memory_space<hbm>>
    tpu.enqueue_indirect_dma source(%dma_start3A_130 : memref<16000x128xf32, #tpu.memory_space<hbm>>) target(%dma_start3A_125 : memref<80x128xf32, #tpu.memory_space<vmem>>) offsets(%dma_start3A_127 : memref<80xi32, #tpu.memory_space<vmem>>) semaphore(%arg8 : memref<!tpu.dma_semaphore, #tpu.memory_space<semaphore_mem>>)
    %dma_start3A_131 = arith.constant 80 : i32
    %dma_start3A_132 = arith.constant 0 : i32
    %dma_start3A_133 = tpu.memref_slice %arg6[%dma_start3A_131, %dma_start3A_132] : memref<400x128xf32, #tpu.memory_space<vmem>> -> memref<80x128xf32, #tpu.memory_space<vmem>>
    %dma_start3A_134 = arith.constant 880 : i32
    %dma_start3A_135 = tpu.memref_slice %arg5[%dma_start3A_134] : memref<1600xi32, #tpu.memory_space<vmem>> -> memref<80xi32, #tpu.memory_space<vmem>>
    %dma_start3A_136 = arith.constant 0 : i32
    %dma_start3A_137 = arith.constant 0 : i32
    %dma_start3A_138 = tpu.memref_slice %arg2[%dma_start3A_136, %dma_start3A_137] : memref<16000x128xf32, #tpu.memory_space<hbm>> -> memref<16000x128xf32, #tpu.memory_space<hbm>>
    tpu.enqueue_indirect_dma source(%dma_start3A_138 : memref<16000x128xf32, #tpu.memory_space<hbm>>) target(%dma_start3A_133 : memref<80x128xf32, #tpu.memory_space<vmem>>) offsets(%dma_start3A_135 : memref<80xi32, #tpu.memory_space<vmem>>) semaphore(%arg8 : memref<!tpu.dma_semaphore, #tpu.memory_space<semaphore_mem>>)
    %dma_start3A_139 = arith.constant 160 : i32
    %dma_start3A_140 = arith.constant 0 : i32
    %dma_start3A_141 = tpu.memref_slice %arg6[%dma_start3A_139, %dma_start3A_140] : memref<400x128xf32, #tpu.memory_space<vmem>> -> memref<80x128xf32, #tpu.memory_space<vmem>>
    %dma_start3A_142 = arith.constant 960 : i32
    %dma_start3A_143 = tpu.memref_slice %arg5[%dma_start3A_142] : memref<1600xi32, #tpu.memory_space<vmem>> -> memref<80xi32, #tpu.memory_space<vmem>>
    %dma_start3A_144 = arith.constant 0 : i32
    %dma_start3A_145 = arith.constant 0 : i32
    %dma_start3A_146 = tpu.memref_slice %arg2[%dma_start3A_144, %dma_start3A_145] : memref<16000x128xf32, #tpu.memory_space<hbm>> -> memref<16000x128xf32, #tpu.memory_space<hbm>>
    tpu.enqueue_indirect_dma source(%dma_start3A_146 : memref<16000x128xf32, #tpu.memory_space<hbm>>) target(%dma_start3A_141 : memref<80x128xf32, #tpu.memory_space<vmem>>) offsets(%dma_start3A_143 : memref<80xi32, #tpu.memory_space<vmem>>) semaphore(%arg8 : memref<!tpu.dma_semaphore, #tpu.memory_space<semaphore_mem>>)
    %dma_start3A_147 = arith.constant 240 : i32
    %dma_start3A_148 = arith.constant 0 : i32
    %dma_start3A_149 = tpu.memref_slice %arg6[%dma_start3A_147, %dma_start3A_148] : memref<400x128xf32, #tpu.memory_space<vmem>> -> memref<80x128xf32, #tpu.memory_space<vmem>>
    %dma_start3A_150 = arith.constant 1040 : i32
    %dma_start3A_151 = tpu.memref_slice %arg5[%dma_start3A_150] : memref<1600xi32, #tpu.memory_space<vmem>> -> memref<80xi32, #tpu.memory_space<vmem>>
    %dma_start3A_152 = arith.constant 0 : i32
    %dma_start3A_153 = arith.constant 0 : i32
    %dma_start3A_154 = tpu.memref_slice %arg2[%dma_start3A_152, %dma_start3A_153] : memref<16000x128xf32, #tpu.memory_space<hbm>> -> memref<16000x128xf32, #tpu.memory_space<hbm>>
    tpu.enqueue_indirect_dma source(%dma_start3A_154 : memref<16000x128xf32, #tpu.memory_space<hbm>>) target(%dma_start3A_149 : memref<80x128xf32, #tpu.memory_space<vmem>>) offsets(%dma_start3A_151 : memref<80xi32, #tpu.memory_space<vmem>>) semaphore(%arg8 : memref<!tpu.dma_semaphore, #tpu.memory_space<semaphore_mem>>)
    %dma_start3A_155 = arith.constant 320 : i32
    %dma_start3A_156 = arith.constant 0 : i32
    %dma_start3A_157 = tpu.memref_slice %arg6[%dma_start3A_155, %dma_start3A_156] : memref<400x128xf32, #tpu.memory_space<vmem>> -> memref<80x128xf32, #tpu.memory_space<vmem>>
    %dma_start3A_158 = arith.constant 1120 : i32
    %dma_start3A_159 = tpu.memref_slice %arg5[%dma_start3A_158] : memref<1600xi32, #tpu.memory_space<vmem>> -> memref<80xi32, #tpu.memory_space<vmem>>
    %dma_start3A_160 = arith.constant 0 : i32
    %dma_start3A_161 = arith.constant 0 : i32
    %dma_start3A_162 = tpu.memref_slice %arg2[%dma_start3A_160, %dma_start3A_161] : memref<16000x128xf32, #tpu.memory_space<hbm>> -> memref<16000x128xf32, #tpu.memory_space<hbm>>
    tpu.enqueue_indirect_dma source(%dma_start3A_162 : memref<16000x128xf32, #tpu.memory_space<hbm>>) target(%dma_start3A_157 : memref<80x128xf32, #tpu.memory_space<vmem>>) offsets(%dma_start3A_159 : memref<80xi32, #tpu.memory_space<vmem>>) semaphore(%arg8 : memref<!tpu.dma_semaphore, #tpu.memory_space<semaphore_mem>>)
    %dma_wait3A_163 = arith.constant 0 : i32
    %dma_wait3A_164 = arith.constant 0 : i32
    %dma_wait3A_165 = tpu.memref_slice %arg7[%dma_wait3A_163, %dma_wait3A_164] : memref<400x128xf32, #tpu.memory_space<vmem>> -> memref<80x128xf32, #tpu.memory_space<vmem>>
    %dma_wait3A_166 = arith.constant 400 : i32
    %dma_wait3A_167 = tpu.memref_slice %arg5[%dma_wait3A_166] : memref<1600xi32, #tpu.memory_space<vmem>> -> memref<80xi32, #tpu.memory_space<vmem>>
    %dma_wait3A_168 = arith.constant 0 : i32
    %dma_wait3A_169 = arith.constant 0 : i32
    %dma_wait3A_170 = tpu.memref_slice %arg2[%dma_wait3A_168, %dma_wait3A_169] : memref<16000x128xf32, #tpu.memory_space<hbm>> -> memref<16000x128xf32, #tpu.memory_space<hbm>>
    tpu.wait_indirect_dma semaphore(%arg9 : memref<!tpu.dma_semaphore, #tpu.memory_space<semaphore_mem>>) src(%dma_wait3A_170 : memref<16000x128xf32, #tpu.memory_space<hbm>>) dst(%dma_wait3A_165 : memref<80x128xf32, #tpu.memory_space<vmem>>)
    %dma_wait3A_171 = arith.constant 80 : i32
    %dma_wait3A_172 = arith.constant 0 : i32
    %dma_wait3A_173 = tpu.memref_slice %arg7[%dma_wait3A_171, %dma_wait3A_172] : memref<400x128xf32, #tpu.memory_space<vmem>> -> memref<80x128xf32, #tpu.memory_space<vmem>>
    %dma_wait3A_174 = arith.constant 480 : i32
    %dma_wait3A_175 = tpu.memref_slice %arg5[%dma_wait3A_174] : memref<1600xi32, #tpu.memory_space<vmem>> -> memref<80xi32, #tpu.memory_space<vmem>>
    %dma_wait3A_176 = arith.constant 0 : i32
    %dma_wait3A_177 = arith.constant 0 : i32
    %dma_wait3A_178 = tpu.memref_slice %arg2[%dma_wait3A_176, %dma_wait3A_177] : memref<16000x128xf32, #tpu.memory_space<hbm>> -> memref<16000x128xf32, #tpu.memory_space<hbm>>
    tpu.wait_indirect_dma semaphore(%arg9 : memref<!tpu.dma_semaphore, #tpu.memory_space<semaphore_mem>>) src(%dma_wait3A_178 : memref<16000x128xf32, #tpu.memory_space<hbm>>) dst(%dma_wait3A_173 : memref<80x128xf32, #tpu.memory_space<vmem>>)
    %dma_wait3A_179 = arith.constant 160 : i32
    %dma_wait3A_180 = arith.constant 0 : i32
    %dma_wait3A_181 = tpu.memref_slice %arg7[%dma_wait3A_179, %dma_wait3A_180] : memref<400x128xf32, #tpu.memory_space<vmem>> -> memref<80x128xf32, #tpu.memory_space<vmem>>
    %dma_wait3A_182 = arith.constant 560 : i32
    %dma_wait3A_183 = tpu.memref_slice %arg5[%dma_wait3A_182] : memref<1600xi32, #tpu.memory_space<vmem>> -> memref<80xi32, #tpu.memory_space<vmem>>
    %dma_wait3A_184 = arith.constant 0 : i32
    %dma_wait3A_185 = arith.constant 0 : i32
    %dma_wait3A_186 = tpu.memref_slice %arg2[%dma_wait3A_184, %dma_wait3A_185] : memref<16000x128xf32, #tpu.memory_space<hbm>> -> memref<16000x128xf32, #tpu.memory_space<hbm>>
    tpu.wait_indirect_dma semaphore(%arg9 : memref<!tpu.dma_semaphore, #tpu.memory_space<semaphore_mem>>) src(%dma_wait3A_186 : memref<16000x128xf32, #tpu.memory_space<hbm>>) dst(%dma_wait3A_181 : memref<80x128xf32, #tpu.memory_space<vmem>>)
    %dma_wait3A_187 = arith.constant 240 : i32
    %dma_wait3A_188 = arith.constant 0 : i32
    %dma_wait3A_189 = tpu.memref_slice %arg7[%dma_wait3A_187, %dma_wait3A_188] : memref<400x128xf32, #tpu.memory_space<vmem>> -> memref<80x128xf32, #tpu.memory_space<vmem>>
    %dma_wait3A_190 = arith.constant 640 : i32
    %dma_wait3A_191 = tpu.memref_slice %arg5[%dma_wait3A_190] : memref<1600xi32, #tpu.memory_space<vmem>> -> memref<80xi32, #tpu.memory_space<vmem>>
    %dma_wait3A_192 = arith.constant 0 : i32
    %dma_wait3A_193 = arith.constant 0 : i32
    %dma_wait3A_194 = tpu.memref_slice %arg2[%dma_wait3A_192, %dma_wait3A_193] : memref<16000x128xf32, #tpu.memory_space<hbm>> -> memref<16000x128xf32, #tpu.memory_space<hbm>>
    tpu.wait_indirect_dma semaphore(%arg9 : memref<!tpu.dma_semaphore, #tpu.memory_space<semaphore_mem>>) src(%dma_wait3A_194 : memref<16000x128xf32, #tpu.memory_space<hbm>>) dst(%dma_wait3A_189 : memref<80x128xf32, #tpu.memory_space<vmem>>)
    %dma_wait3A_195 = arith.constant 320 : i32
    %dma_wait3A_196 = arith.constant 0 : i32
    %dma_wait3A_197 = tpu.memref_slice %arg7[%dma_wait3A_195, %dma_wait3A_196] : memref<400x128xf32, #tpu.memory_space<vmem>> -> memref<80x128xf32, #tpu.memory_space<vmem>>
    %dma_wait3A_198 = arith.constant 720 : i32
    %dma_wait3A_199 = tpu.memref_slice %arg5[%dma_wait3A_198] : memref<1600xi32, #tpu.memory_space<vmem>> -> memref<80xi32, #tpu.memory_space<vmem>>
    %dma_wait3A_200 = arith.constant 0 : i32
    %dma_wait3A_201 = arith.constant 0 : i32
    %dma_wait3A_202 = tpu.memref_slice %arg2[%dma_wait3A_200, %dma_wait3A_201] : memref<16000x128xf32, #tpu.memory_space<hbm>> -> memref<16000x128xf32, #tpu.memory_space<hbm>>
    tpu.wait_indirect_dma semaphore(%arg9 : memref<!tpu.dma_semaphore, #tpu.memory_space<semaphore_mem>>) src(%dma_wait3A_202 : memref<16000x128xf32, #tpu.memory_space<hbm>>) dst(%dma_wait3A_197 : memref<80x128xf32, #tpu.memory_space<vmem>>)
    %add3A_203 = arith.constant 400 : i32
    %add3A_204 = arith.addi %mul3A_2, %add3A_203 : i32
    "tpu.region"() ({
      %run_scoped3A = tpu.sem_alloc : memref<!tpu.dma_semaphore, #tpu.memory_space<semaphore_mem>>
      %dma_start3A_329 = arith.constant 0 : i32
      %dma_start3A_330 = tpu.memref_slice %arg4[%add3A_204, %dma_start3A_329] : memref<51200x128xf32, #tpu.memory_space<hbm>> -> memref<400x128xf32, #tpu.memory_space<hbm>>
      %dma_start3A_331 = arith.constant 0 : i32
      %dma_start3A_332 = tpu.memref_slice %arg4[%add3A_204, %dma_start3A_331] : memref<51200x128xf32, #tpu.memory_space<hbm>> -> memref<400x128xf32, #tpu.memory_space<hbm>>
      tpu.enqueue_dma source(%arg7 : memref<400x128xf32, #tpu.memory_space<vmem>>) target(%dma_start3A_332 : memref<400x128xf32, #tpu.memory_space<hbm>>) target_semaphore(%run_scoped3A : memref<!tpu.dma_semaphore, #tpu.memory_space<semaphore_mem>>)
      %dma_wait3A_333 = arith.constant 0 : i32
      %dma_wait3A_334 = tpu.memref_slice %arg4[%add3A_204, %dma_wait3A_333] : memref<51200x128xf32, #tpu.memory_space<hbm>> -> memref<400x128xf32, #tpu.memory_space<hbm>>
      %dma_wait3A_335 = arith.constant 0 : i32
      %dma_wait3A_336 = tpu.memref_slice %arg4[%add3A_204, %dma_wait3A_335] : memref<51200x128xf32, #tpu.memory_space<hbm>> -> memref<400x128xf32, #tpu.memory_space<hbm>>
      tpu.wait_dma2 semaphore(%run_scoped3A : memref<!tpu.dma_semaphore, #tpu.memory_space<semaphore_mem>>) src(%arg7 : memref<400x128xf32, #tpu.memory_space<vmem>>) dst(%dma_wait3A_336 : memref<400x128xf32, #tpu.memory_space<hbm>>)
      tpu.yield
    }) : () -> ()
    %dma_start3A_205 = arith.constant 0 : i32
    %dma_start3A_206 = arith.constant 0 : i32
    %dma_start3A_207 = tpu.memref_slice %arg7[%dma_start3A_205, %dma_start3A_206] : memref<400x128xf32, #tpu.memory_space<vmem>> -> memref<80x128xf32, #tpu.memory_space<vmem>>
    %dma_start3A_208 = arith.constant 1200 : i32
    %dma_start3A_209 = tpu.memref_slice %arg5[%dma_start3A_208] : memref<1600xi32, #tpu.memory_space<vmem>> -> memref<80xi32, #tpu.memory_space<vmem>>
    %dma_start3A_210 = arith.constant 0 : i32
    %dma_start3A_211 = arith.constant 0 : i32
    %dma_start3A_212 = tpu.memref_slice %arg2[%dma_start3A_210, %dma_start3A_211] : memref<16000x128xf32, #tpu.memory_space<hbm>> -> memref<16000x128xf32, #tpu.memory_space<hbm>>
    tpu.enqueue_indirect_dma source(%dma_start3A_212 : memref<16000x128xf32, #tpu.memory_space<hbm>>) target(%dma_start3A_207 : memref<80x128xf32, #tpu.memory_space<vmem>>) offsets(%dma_start3A_209 : memref<80xi32, #tpu.memory_space<vmem>>) semaphore(%arg9 : memref<!tpu.dma_semaphore, #tpu.memory_space<semaphore_mem>>)
    %dma_start3A_213 = arith.constant 80 : i32
    %dma_start3A_214 = arith.constant 0 : i32
    %dma_start3A_215 = tpu.memref_slice %arg7[%dma_start3A_213, %dma_start3A_214] : memref<400x128xf32, #tpu.memory_space<vmem>> -> memref<80x128xf32, #tpu.memory_space<vmem>>
    %dma_start3A_216 = arith.constant 1280 : i32
    %dma_start3A_217 = tpu.memref_slice %arg5[%dma_start3A_216] : memref<1600xi32, #tpu.memory_space<vmem>> -> memref<80xi32, #tpu.memory_space<vmem>>
    %dma_start3A_218 = arith.constant 0 : i32
    %dma_start3A_219 = arith.constant 0 : i32
    %dma_start3A_220 = tpu.memref_slice %arg2[%dma_start3A_218, %dma_start3A_219] : memref<16000x128xf32, #tpu.memory_space<hbm>> -> memref<16000x128xf32, #tpu.memory_space<hbm>>
    tpu.enqueue_indirect_dma source(%dma_start3A_220 : memref<16000x128xf32, #tpu.memory_space<hbm>>) target(%dma_start3A_215 : memref<80x128xf32, #tpu.memory_space<vmem>>) offsets(%dma_start3A_217 : memref<80xi32, #tpu.memory_space<vmem>>) semaphore(%arg9 : memref<!tpu.dma_semaphore, #tpu.memory_space<semaphore_mem>>)
    %dma_start3A_221 = arith.constant 160 : i32
    %dma_start3A_222 = arith.constant 0 : i32
    %dma_start3A_223 = tpu.memref_slice %arg7[%dma_start3A_221, %dma_start3A_222] : memref<400x128xf32, #tpu.memory_space<vmem>> -> memref<80x128xf32, #tpu.memory_space<vmem>>
    %dma_start3A_224 = arith.constant 1360 : i32
    %dma_start3A_225 = tpu.memref_slice %arg5[%dma_start3A_224] : memref<1600xi32, #tpu.memory_space<vmem>> -> memref<80xi32, #tpu.memory_space<vmem>>
    %dma_start3A_226 = arith.constant 0 : i32
    %dma_start3A_227 = arith.constant 0 : i32
    %dma_start3A_228 = tpu.memref_slice %arg2[%dma_start3A_226, %dma_start3A_227] : memref<16000x128xf32, #tpu.memory_space<hbm>> -> memref<16000x128xf32, #tpu.memory_space<hbm>>
    tpu.enqueue_indirect_dma source(%dma_start3A_228 : memref<16000x128xf32, #tpu.memory_space<hbm>>) target(%dma_start3A_223 : memref<80x128xf32, #tpu.memory_space<vmem>>) offsets(%dma_start3A_225 : memref<80xi32, #tpu.memory_space<vmem>>) semaphore(%arg9 : memref<!tpu.dma_semaphore, #tpu.memory_space<semaphore_mem>>)
    %dma_start3A_229 = arith.constant 240 : i32
    %dma_start3A_230 = arith.constant 0 : i32
    %dma_start3A_231 = tpu.memref_slice %arg7[%dma_start3A_229, %dma_start3A_230] : memref<400x128xf32, #tpu.memory_space<vmem>> -> memref<80x128xf32, #tpu.memory_space<vmem>>
    %dma_start3A_232 = arith.constant 1440 : i32
    %dma_start3A_233 = tpu.memref_slice %arg5[%dma_start3A_232] : memref<1600xi32, #tpu.memory_space<vmem>> -> memref<80xi32, #tpu.memory_space<vmem>>
    %dma_start3A_234 = arith.constant 0 : i32
    %dma_start3A_235 = arith.constant 0 : i32
    %dma_start3A_236 = tpu.memref_slice %arg2[%dma_start3A_234, %dma_start3A_235] : memref<16000x128xf32, #tpu.memory_space<hbm>> -> memref<16000x128xf32, #tpu.memory_space<hbm>>
    tpu.enqueue_indirect_dma source(%dma_start3A_236 : memref<16000x128xf32, #tpu.memory_space<hbm>>) target(%dma_start3A_231 : memref<80x128xf32, #tpu.memory_space<vmem>>) offsets(%dma_start3A_233 : memref<80xi32, #tpu.memory_space<vmem>>) semaphore(%arg9 : memref<!tpu.dma_semaphore, #tpu.memory_space<semaphore_mem>>)
    %dma_start3A_237 = arith.constant 320 : i32
    %dma_start3A_238 = arith.constant 0 : i32
    %dma_start3A_239 = tpu.memref_slice %arg7[%dma_start3A_237, %dma_start3A_238] : memref<400x128xf32, #tpu.memory_space<vmem>> -> memref<80x128xf32, #tpu.memory_space<vmem>>
    %dma_start3A_240 = arith.constant 1520 : i32
    %dma_start3A_241 = tpu.memref_slice %arg5[%dma_start3A_240] : memref<1600xi32, #tpu.memory_space<vmem>> -> memref<80xi32, #tpu.memory_space<vmem>>
    %dma_start3A_242 = arith.constant 0 : i32
    %dma_start3A_243 = arith.constant 0 : i32
    %dma_start3A_244 = tpu.memref_slice %arg2[%dma_start3A_242, %dma_start3A_243] : memref<16000x128xf32, #tpu.memory_space<hbm>> -> memref<16000x128xf32, #tpu.memory_space<hbm>>
    tpu.enqueue_indirect_dma source(%dma_start3A_244 : memref<16000x128xf32, #tpu.memory_space<hbm>>) target(%dma_start3A_239 : memref<80x128xf32, #tpu.memory_space<vmem>>) offsets(%dma_start3A_241 : memref<80xi32, #tpu.memory_space<vmem>>) semaphore(%arg9 : memref<!tpu.dma_semaphore, #tpu.memory_space<semaphore_mem>>)
    %dma_wait3A_245 = arith.constant 0 : i32
    %dma_wait3A_246 = arith.constant 0 : i32
    %dma_wait3A_247 = tpu.memref_slice %arg6[%dma_wait3A_245, %dma_wait3A_246] : memref<400x128xf32, #tpu.memory_space<vmem>> -> memref<80x128xf32, #tpu.memory_space<vmem>>
    %dma_wait3A_248 = arith.constant 800 : i32
    %dma_wait3A_249 = tpu.memref_slice %arg5[%dma_wait3A_248] : memref<1600xi32, #tpu.memory_space<vmem>> -> memref<80xi32, #tpu.memory_space<vmem>>
    %dma_wait3A_250 = arith.constant 0 : i32
    %dma_wait3A_251 = arith.constant 0 : i32
    %dma_wait3A_252 = tpu.memref_slice %arg2[%dma_wait3A_250, %dma_wait3A_251] : memref<16000x128xf32, #tpu.memory_space<hbm>> -> memref<16000x128xf32, #tpu.memory_space<hbm>>
    tpu.wait_indirect_dma semaphore(%arg8 : memref<!tpu.dma_semaphore, #tpu.memory_space<semaphore_mem>>) src(%dma_wait3A_252 : memref<16000x128xf32, #tpu.memory_space<hbm>>) dst(%dma_wait3A_247 : memref<80x128xf32, #tpu.memory_space<vmem>>)
    %dma_wait3A_253 = arith.constant 80 : i32
    %dma_wait3A_254 = arith.constant 0 : i32
    %dma_wait3A_255 = tpu.memref_slice %arg6[%dma_wait3A_253, %dma_wait3A_254] : memref<400x128xf32, #tpu.memory_space<vmem>> -> memref<80x128xf32, #tpu.memory_space<vmem>>
    %dma_wait3A_256 = arith.constant 880 : i32
    %dma_wait3A_257 = tpu.memref_slice %arg5[%dma_wait3A_256] : memref<1600xi32, #tpu.memory_space<vmem>> -> memref<80xi32, #tpu.memory_space<vmem>>
    %dma_wait3A_258 = arith.constant 0 : i32
    %dma_wait3A_259 = arith.constant 0 : i32
    %dma_wait3A_260 = tpu.memref_slice %arg2[%dma_wait3A_258, %dma_wait3A_259] : memref<16000x128xf32, #tpu.memory_space<hbm>> -> memref<16000x128xf32, #tpu.memory_space<hbm>>
    tpu.wait_indirect_dma semaphore(%arg8 : memref<!tpu.dma_semaphore, #tpu.memory_space<semaphore_mem>>) src(%dma_wait3A_260 : memref<16000x128xf32, #tpu.memory_space<hbm>>) dst(%dma_wait3A_255 : memref<80x128xf32, #tpu.memory_space<vmem>>)
    %dma_wait3A_261 = arith.constant 160 : i32
    %dma_wait3A_262 = arith.constant 0 : i32
    %dma_wait3A_263 = tpu.memref_slice %arg6[%dma_wait3A_261, %dma_wait3A_262] : memref<400x128xf32, #tpu.memory_space<vmem>> -> memref<80x128xf32, #tpu.memory_space<vmem>>
    %dma_wait3A_264 = arith.constant 960 : i32
    %dma_wait3A_265 = tpu.memref_slice %arg5[%dma_wait3A_264] : memref<1600xi32, #tpu.memory_space<vmem>> -> memref<80xi32, #tpu.memory_space<vmem>>
    %dma_wait3A_266 = arith.constant 0 : i32
    %dma_wait3A_267 = arith.constant 0 : i32
    %dma_wait3A_268 = tpu.memref_slice %arg2[%dma_wait3A_266, %dma_wait3A_267] : memref<16000x128xf32, #tpu.memory_space<hbm>> -> memref<16000x128xf32, #tpu.memory_space<hbm>>
    tpu.wait_indirect_dma semaphore(%arg8 : memref<!tpu.dma_semaphore, #tpu.memory_space<semaphore_mem>>) src(%dma_wait3A_268 : memref<16000x128xf32, #tpu.memory_space<hbm>>) dst(%dma_wait3A_263 : memref<80x128xf32, #tpu.memory_space<vmem>>)
    %dma_wait3A_269 = arith.constant 240 : i32
    %dma_wait3A_270 = arith.constant 0 : i32
    %dma_wait3A_271 = tpu.memref_slice %arg6[%dma_wait3A_269, %dma_wait3A_270] : memref<400x128xf32, #tpu.memory_space<vmem>> -> memref<80x128xf32, #tpu.memory_space<vmem>>
    %dma_wait3A_272 = arith.constant 1040 : i32
    %dma_wait3A_273 = tpu.memref_slice %arg5[%dma_wait3A_272] : memref<1600xi32, #tpu.memory_space<vmem>> -> memref<80xi32, #tpu.memory_space<vmem>>
    %dma_wait3A_274 = arith.constant 0 : i32
    %dma_wait3A_275 = arith.constant 0 : i32
    %dma_wait3A_276 = tpu.memref_slice %arg2[%dma_wait3A_274, %dma_wait3A_275] : memref<16000x128xf32, #tpu.memory_space<hbm>> -> memref<16000x128xf32, #tpu.memory_space<hbm>>
    tpu.wait_indirect_dma semaphore(%arg8 : memref<!tpu.dma_semaphore, #tpu.memory_space<semaphore_mem>>) src(%dma_wait3A_276 : memref<16000x128xf32, #tpu.memory_space<hbm>>) dst(%dma_wait3A_271 : memref<80x128xf32, #tpu.memory_space<vmem>>)
    %dma_wait3A_277 = arith.constant 320 : i32
    %dma_wait3A_278 = arith.constant 0 : i32
    %dma_wait3A_279 = tpu.memref_slice %arg6[%dma_wait3A_277, %dma_wait3A_278] : memref<400x128xf32, #tpu.memory_space<vmem>> -> memref<80x128xf32, #tpu.memory_space<vmem>>
    %dma_wait3A_280 = arith.constant 1120 : i32
    %dma_wait3A_281 = tpu.memref_slice %arg5[%dma_wait3A_280] : memref<1600xi32, #tpu.memory_space<vmem>> -> memref<80xi32, #tpu.memory_space<vmem>>
    %dma_wait3A_282 = arith.constant 0 : i32
    %dma_wait3A_283 = arith.constant 0 : i32
    %dma_wait3A_284 = tpu.memref_slice %arg2[%dma_wait3A_282, %dma_wait3A_283] : memref<16000x128xf32, #tpu.memory_space<hbm>> -> memref<16000x128xf32, #tpu.memory_space<hbm>>
    tpu.wait_indirect_dma semaphore(%arg8 : memref<!tpu.dma_semaphore, #tpu.memory_space<semaphore_mem>>) src(%dma_wait3A_284 : memref<16000x128xf32, #tpu.memory_space<hbm>>) dst(%dma_wait3A_279 : memref<80x128xf32, #tpu.memory_space<vmem>>)
    %add3A_285 = arith.constant 800 : i32
    %add3A_286 = arith.addi %mul3A_2, %add3A_285 : i32
    "tpu.region"() ({
      %run_scoped3A = tpu.sem_alloc : memref<!tpu.dma_semaphore, #tpu.memory_space<semaphore_mem>>
      %dma_start3A_329 = arith.constant 0 : i32
      %dma_start3A_330 = tpu.memref_slice %arg4[%add3A_286, %dma_start3A_329] : memref<51200x128xf32, #tpu.memory_space<hbm>> -> memref<400x128xf32, #tpu.memory_space<hbm>>
      %dma_start3A_331 = arith.constant 0 : i32
      %dma_start3A_332 = tpu.memref_slice %arg4[%add3A_286, %dma_start3A_331] : memref<51200x128xf32, #tpu.memory_space<hbm>> -> memref<400x128xf32, #tpu.memory_space<hbm>>
      tpu.enqueue_dma source(%arg6 : memref<400x128xf32, #tpu.memory_space<vmem>>) target(%dma_start3A_332 : memref<400x128xf32, #tpu.memory_space<hbm>>) target_semaphore(%run_scoped3A : memref<!tpu.dma_semaphore, #tpu.memory_space<semaphore_mem>>)
      %dma_wait3A_333 = arith.constant 0 : i32
      %dma_wait3A_334 = tpu.memref_slice %arg4[%add3A_286, %dma_wait3A_333] : memref<51200x128xf32, #tpu.memory_space<hbm>> -> memref<400x128xf32, #tpu.memory_space<hbm>>
      %dma_wait3A_335 = arith.constant 0 : i32
      %dma_wait3A_336 = tpu.memref_slice %arg4[%add3A_286, %dma_wait3A_335] : memref<51200x128xf32, #tpu.memory_space<hbm>> -> memref<400x128xf32, #tpu.memory_space<hbm>>
      tpu.wait_dma2 semaphore(%run_scoped3A : memref<!tpu.dma_semaphore, #tpu.memory_space<semaphore_mem>>) src(%arg6 : memref<400x128xf32, #tpu.memory_space<vmem>>) dst(%dma_wait3A_336 : memref<400x128xf32, #tpu.memory_space<hbm>>)
      tpu.yield
    }) : () -> ()
    %dma_wait3A_287 = arith.constant 0 : i32
    %dma_wait3A_288 = arith.constant 0 : i32
    %dma_wait3A_289 = tpu.memref_slice %arg7[%dma_wait3A_287, %dma_wait3A_288] : memref<400x128xf32, #tpu.memory_space<vmem>> -> memref<80x128xf32, #tpu.memory_space<vmem>>
    %dma_wait3A_290 = arith.constant 1200 : i32
    %dma_wait3A_291 = tpu.memref_slice %arg5[%dma_wait3A_290] : memref<1600xi32, #tpu.memory_space<vmem>> -> memref<80xi32, #tpu.memory_space<vmem>>
    %dma_wait3A_292 = arith.constant 0 : i32
    %dma_wait3A_293 = arith.constant 0 : i32
    %dma_wait3A_294 = tpu.memref_slice %arg2[%dma_wait3A_292, %dma_wait3A_293] : memref<16000x128xf32, #tpu.memory_space<hbm>> -> memref<16000x128xf32, #tpu.memory_space<hbm>>
    tpu.wait_indirect_dma semaphore(%arg9 : memref<!tpu.dma_semaphore, #tpu.memory_space<semaphore_mem>>) src(%dma_wait3A_294 : memref<16000x128xf32, #tpu.memory_space<hbm>>) dst(%dma_wait3A_289 : memref<80x128xf32, #tpu.memory_space<vmem>>)
    %dma_wait3A_295 = arith.constant 80 : i32
    %dma_wait3A_296 = arith.constant 0 : i32
    %dma_wait3A_297 = tpu.memref_slice %arg7[%dma_wait3A_295, %dma_wait3A_296] : memref<400x128xf32, #tpu.memory_space<vmem>> -> memref<80x128xf32, #tpu.memory_space<vmem>>
    %dma_wait3A_298 = arith.constant 1280 : i32
    %dma_wait3A_299 = tpu.memref_slice %arg5[%dma_wait3A_298] : memref<1600xi32, #tpu.memory_space<vmem>> -> memref<80xi32, #tpu.memory_space<vmem>>
    %dma_wait3A_300 = arith.constant 0 : i32
    %dma_wait3A_301 = arith.constant 0 : i32
    %dma_wait3A_302 = tpu.memref_slice %arg2[%dma_wait3A_300, %dma_wait3A_301] : memref<16000x128xf32, #tpu.memory_space<hbm>> -> memref<16000x128xf32, #tpu.memory_space<hbm>>
    tpu.wait_indirect_dma semaphore(%arg9 : memref<!tpu.dma_semaphore, #tpu.memory_space<semaphore_mem>>) src(%dma_wait3A_302 : memref<16000x128xf32, #tpu.memory_space<hbm>>) dst(%dma_wait3A_297 : memref<80x128xf32, #tpu.memory_space<vmem>>)
    %dma_wait3A_303 = arith.constant 160 : i32
    %dma_wait3A_304 = arith.constant 0 : i32
    %dma_wait3A_305 = tpu.memref_slice %arg7[%dma_wait3A_303, %dma_wait3A_304] : memref<400x128xf32, #tpu.memory_space<vmem>> -> memref<80x128xf32, #tpu.memory_space<vmem>>
    %dma_wait3A_306 = arith.constant 1360 : i32
    %dma_wait3A_307 = tpu.memref_slice %arg5[%dma_wait3A_306] : memref<1600xi32, #tpu.memory_space<vmem>> -> memref<80xi32, #tpu.memory_space<vmem>>
    %dma_wait3A_308 = arith.constant 0 : i32
    %dma_wait3A_309 = arith.constant 0 : i32
    %dma_wait3A_310 = tpu.memref_slice %arg2[%dma_wait3A_308, %dma_wait3A_309] : memref<16000x128xf32, #tpu.memory_space<hbm>> -> memref<16000x128xf32, #tpu.memory_space<hbm>>
    tpu.wait_indirect_dma semaphore(%arg9 : memref<!tpu.dma_semaphore, #tpu.memory_space<semaphore_mem>>) src(%dma_wait3A_310 : memref<16000x128xf32, #tpu.memory_space<hbm>>) dst(%dma_wait3A_305 : memref<80x128xf32, #tpu.memory_space<vmem>>)
    %dma_wait3A_311 = arith.constant 240 : i32
    %dma_wait3A_312 = arith.constant 0 : i32
    %dma_wait3A_313 = tpu.memref_slice %arg7[%dma_wait3A_311, %dma_wait3A_312] : memref<400x128xf32, #tpu.memory_space<vmem>> -> memref<80x128xf32, #tpu.memory_space<vmem>>
    %dma_wait3A_314 = arith.constant 1440 : i32
    %dma_wait3A_315 = tpu.memref_slice %arg5[%dma_wait3A_314] : memref<1600xi32, #tpu.memory_space<vmem>> -> memref<80xi32, #tpu.memory_space<vmem>>
    %dma_wait3A_316 = arith.constant 0 : i32
    %dma_wait3A_317 = arith.constant 0 : i32
    %dma_wait3A_318 = tpu.memref_slice %arg2[%dma_wait3A_316, %dma_wait3A_317] : memref<16000x128xf32, #tpu.memory_space<hbm>> -> memref<16000x128xf32, #tpu.memory_space<hbm>>
    tpu.wait_indirect_dma semaphore(%arg9 : memref<!tpu.dma_semaphore, #tpu.memory_space<semaphore_mem>>) src(%dma_wait3A_318 : memref<16000x128xf32, #tpu.memory_space<hbm>>) dst(%dma_wait3A_313 : memref<80x128xf32, #tpu.memory_space<vmem>>)
    %dma_wait3A_319 = arith.constant 320 : i32
    %dma_wait3A_320 = arith.constant 0 : i32
    %dma_wait3A_321 = tpu.memref_slice %arg7[%dma_wait3A_319, %dma_wait3A_320] : memref<400x128xf32, #tpu.memory_space<vmem>> -> memref<80x128xf32, #tpu.memory_space<vmem>>
    %dma_wait3A_322 = arith.constant 1520 : i32
    %dma_wait3A_323 = tpu.memref_slice %arg5[%dma_wait3A_322] : memref<1600xi32, #tpu.memory_space<vmem>> -> memref<80xi32, #tpu.memory_space<vmem>>
    %dma_wait3A_324 = arith.constant 0 : i32
    %dma_wait3A_325 = arith.constant 0 : i32
    %dma_wait3A_326 = tpu.memref_slice %arg2[%dma_wait3A_324, %dma_wait3A_325] : memref<16000x128xf32, #tpu.memory_space<hbm>> -> memref<16000x128xf32, #tpu.memory_space<hbm>>
    tpu.wait_indirect_dma semaphore(%arg9 : memref<!tpu.dma_semaphore, #tpu.memory_space<semaphore_mem>>) src(%dma_wait3A_326 : memref<16000x128xf32, #tpu.memory_space<hbm>>) dst(%dma_wait3A_321 : memref<80x128xf32, #tpu.memory_space<vmem>>)
    %add3A_327 = arith.constant 1200 : i32
    %add3A_328 = arith.addi %mul3A_2, %add3A_327 : i32
    "tpu.region"() ({
      %run_scoped3A = tpu.sem_alloc : memref<!tpu.dma_semaphore, #tpu.memory_space<semaphore_mem>>
      %dma_start3A_329 = arith.constant 0 : i32
      %dma_start3A_330 = tpu.memref_slice %arg4[%add3A_328, %dma_start3A_329] : memref<51200x128xf32, #tpu.memory_space<hbm>> -> memref<400x128xf32, #tpu.memory_space<hbm>>
      %dma_start3A_331 = arith.constant 0 : i32
      %dma_start3A_332 = tpu.memref_slice %arg4[%add3A_328, %dma_start3A_331] : memref<51200x128xf32, #tpu.memory_space<hbm>> -> memref<400x128xf32, #tpu.memory_space<hbm>>
      tpu.enqueue_dma source(%arg7 : memref<400x128xf32, #tpu.memory_space<vmem>>) target(%dma_start3A_332 : memref<400x128xf32, #tpu.memory_space<hbm>>) target_semaphore(%run_scoped3A : memref<!tpu.dma_semaphore, #tpu.memory_space<semaphore_mem>>)
      %dma_wait3A_333 = arith.constant 0 : i32
      %dma_wait3A_334 = tpu.memref_slice %arg4[%add3A_328, %dma_wait3A_333] : memref<51200x128xf32, #tpu.memory_space<hbm>> -> memref<400x128xf32, #tpu.memory_space<hbm>>
      %dma_wait3A_335 = arith.constant 0 : i32
      %dma_wait3A_336 = tpu.memref_slice %arg4[%add3A_328, %dma_wait3A_335] : memref<51200x128xf32, #tpu.memory_space<hbm>> -> memref<400x128xf32, #tpu.memory_space<hbm>>
      tpu.wait_dma2 semaphore(%run_scoped3A : memref<!tpu.dma_semaphore, #tpu.memory_space<semaphore_mem>>) src(%arg7 : memref<400x128xf32, #tpu.memory_space<vmem>>) dst(%dma_wait3A_336 : memref<400x128xf32, #tpu.memory_space<hbm>>)
      tpu.yield
    }) : () -> ()
    return
  }
}

module attributes {stable_mosaic.version = 14 : i64} {
  func.func @_tprod_body(%arg0: i32, %arg1: memref<1000x64xf32, #tpu.memory_space<vmem>>, %arg2: memref<16x64xf32, #tpu.memory_space<vmem>>, %arg3: memref<2000x128xf32, #tpu.memory_space<vmem>>) attributes {dimension_semantics = [#tpu.dimension_semantics<arbitrary>], iteration_bounds = array<i64: 8>, scalar_prefetch = 0 : i64, scratch_operands = 0 : i64, tpu.core_type = #tpu.core_type<tc>, window_params = [{pipeline_mode = #tpu.pipeline_mode<synchronous>, transform_indices = @transform_0, window_bounds = array<i64: 1000, 64>}, {pipeline_mode = #tpu.pipeline_mode<synchronous>, transform_indices = @transform_1, window_bounds = array<i64: 16, 64>}, {transform_indices = @transform_2, window_bounds = array<i64: 2000, 128>}]} {
    %mul3A = arith.constant 125 : i32
    %mul3A_0 = arith.muli %arg0, %mul3A : i32
    %get3A = arith.index_cast %mul3A_0 : i32 to index
    %get3A_1 = arith.constant 0 : index
    %get3A_2 = vector.load %arg1[%get3A, %get3A_1] : memref<1000x64xf32, #tpu.memory_space<vmem>>, vector<125x64xf32>
    %get3A_3 = arith.constant 0 : index
    %get3A_4 = arith.constant 0 : index
    %get3A_5 = vector.load %arg2[%get3A_3, %get3A_4] : memref<16x64xf32, #tpu.memory_space<vmem>>, vector<16x64xf32>
    %broadcast_in_dim3A = vector.shape_cast %get3A_2 : vector<125x64xf32> to vector<125x1x64xf32>
    %broadcast_in_dim3A_6 = vector.shape_cast %broadcast_in_dim3A : vector<125x1x64xf32> to vector<125x1x64xf32>
    %broadcast_in_dim3A_7 = vector.broadcast %broadcast_in_dim3A_6 : vector<125x1x64xf32> to vector<125x16x64xf32>
    %reshape3A = vector.shape_cast %broadcast_in_dim3A_7 : vector<125x16x64xf32> to vector<2000x64xf32>
    %broadcast_in_dim3A_8 = vector.shape_cast %get3A_5 : vector<16x64xf32> to vector<1x16x64xf32>
    %broadcast_in_dim3A_9 = vector.shape_cast %broadcast_in_dim3A_8 : vector<1x16x64xf32> to vector<1x16x64xf32>
    %broadcast_in_dim3A_10 = vector.broadcast %broadcast_in_dim3A_9 : vector<1x16x64xf32> to vector<125x16x64xf32>
    %reshape3A_11 = vector.shape_cast %broadcast_in_dim3A_10 : vector<125x16x64xf32> to vector<2000x64xf32>
    %concatenate3A = tpu.concatenate %reshape3A, %reshape3A_11 in 1 : vector<2000x64xf32>, vector<2000x64xf32> -> vector<2000x128xf32>
    %swap3A = arith.constant 0 : index
    %swap3A_12 = arith.constant 0 : index
    %swap3A_13 = vector.load %arg3[%swap3A, %swap3A_12] : memref<2000x128xf32, #tpu.memory_space<vmem>>, vector<2000x128xf32>
    tpu.vector_store %arg3[%swap3A, %swap3A_12], %concatenate3A {strides = array<i32>} : memref<2000x128xf32, #tpu.memory_space<vmem>>, vector<2000x128xf32>,
    return
  }
  func.func @transform_0(%arg0: i32) -> (i32, i32) {
    %c0_i32 = arith.constant 0 : i32
    %c0_i32_0 = arith.constant 0 : i32
    %c0_i32_1 = arith.constant 0 : i32
    return %c0_i32, %c0_i32_0 : i32, i32
  }
  func.func @transform_1(%arg0: i32) -> (i32, i32) {
    %c0_i32 = arith.constant 0 : i32
    %c0_i32_0 = arith.constant 0 : i32
    %c0_i32_1 = arith.constant 0 : i32
    return %c0_i32, %c0_i32_0 : i32, i32
  }
  func.func @transform_2(%arg0: i32) -> (i32, i32) {
    %c0_i32 = arith.constant 0 : i32
    %c0_i32_0 = arith.constant 0 : i32
    return %arg0, %c0_i32 : i32, i32
  }
}

module attributes {stable_mosaic.version = 14 : i64} {
  func.func @_tc_body(%arg0: i32, %arg1: memref<50x128x128xf32, #tpu.memory_space<vmem>>, %arg2: memref<128x64xf32, #tpu.memory_space<vmem>>, %arg3: memref<128x64xf32, #tpu.memory_space<vmem>>, %arg4: memref<1x64xf32, #tpu.memory_space<vmem>>, %arg5: memref<64x64xf32, #tpu.memory_space<vmem>>, %arg6: memref<1x64xf32, #tpu.memory_space<vmem>>, %arg7: memref<128x64xf32, #tpu.memory_space<vmem>>, %arg8: memref<1x64xf32, #tpu.memory_space<vmem>>, %arg9: memref<64x64xf32, #tpu.memory_space<vmem>>, %arg10: memref<1x64xf32, #tpu.memory_space<vmem>>, %arg11: memref<64x64xf32, #tpu.memory_space<vmem>>, %arg12: memref<6400x128xbf16, #tpu.memory_space<vmem>>, %arg13: memref<128x6400xf32, #tpu.memory_space<vmem>>, %arg14: memref<128x64xf32, #tpu.memory_space<vmem>>) attributes {dimension_semantics = [#tpu.dimension_semantics<arbitrary>], iteration_bounds = array<i64: 8>, scalar_prefetch = 0 : i64, scratch_operands = 0 : i64, tpu.core_type = #tpu.core_type<tc>, window_params = [{transform_indices = @transform_0, window_bounds = array<i64: 50, 128, 128>}, {transform_indices = @transform_1, window_bounds = array<i64: 128, 64>}, {pipeline_mode = #tpu.pipeline_mode<synchronous>, transform_indices = @transform_2, window_bounds = array<i64: 128, 64>}, {pipeline_mode = #tpu.pipeline_mode<synchronous>, transform_indices = @transform_3, window_bounds = array<i64: 1, 64>}, {pipeline_mode = #tpu.pipeline_mode<synchronous>, transform_indices = @transform_4, window_bounds = array<i64: 64, 64>}, {pipeline_mode = #tpu.pipeline_mode<synchronous>, transform_indices = @transform_5, window_bounds = array<i64: 1, 64>}, {pipeline_mode = #tpu.pipeline_mode<synchronous>, transform_indices = @transform_6, window_bounds = array<i64: 128, 64>}, {pipeline_mode = #tpu.pipeline_mode<synchronous>, transform_indices = @transform_7, window_bounds = array<i64: 1, 64>}, {pipeline_mode = #tpu.pipeline_mode<synchronous>, transform_indices = @transform_8, window_bounds = array<i64: 64, 64>}, {pipeline_mode = #tpu.pipeline_mode<synchronous>, transform_indices = @transform_9, window_bounds = array<i64: 1, 64>}, {pipeline_mode = #tpu.pipeline_mode<synchronous>, transform_indices = @transform_10, window_bounds = array<i64: 64, 64>}, {pipeline_mode = #tpu.pipeline_mode<synchronous>, transform_indices = @transform_11, window_bounds = array<i64: 6400, 128>}, {pipeline_mode = #tpu.pipeline_mode<synchronous>, transform_indices = @transform_12, window_bounds = array<i64: 128, 6400>}, {transform_indices = @transform_13, window_bounds = array<i64: 128, 64>}]} {
    %get3A = arith.constant 0 : index
    %get3A_0 = arith.constant 0 : index
    %get3A_1 = arith.constant 0 : index
    %get3A_2 = vector.load %arg1[%get3A, %get3A_0, %get3A_1] : memref<50x128x128xf32, #tpu.memory_space<vmem>>, vector<50x128x128xf32>
    %reshape3A = vector.shape_cast %get3A_2 : vector<50x128x128xf32> to vector<6400x128xf32>
    %convert_element_type3A = arith.truncf %reshape3A : vector<6400x128xf32> to vector<6400x128xbf16>
    %get3A_3 = arith.constant 0 : index
    %get3A_4 = arith.constant 0 : index
    %get3A_5 = vector.load %arg3[%get3A_3, %get3A_4] : memref<128x64xf32, #tpu.memory_space<vmem>>, vector<128x64xf32>
    %convert_element_type3A_6 = arith.truncf %get3A_5 : vector<128x64xf32> to vector<128x64xbf16>
    %dot_general3A = arith.constant dense<0.000000e+00> : vector<6400x64xf32>
    %dot_general3A_7 = tpu.matmul %convert_element_type3A, %convert_element_type3A_6, %dot_general3A {dimension_numbers = #tpu.dot_dimension_numbers<[1], [0], [0], [1], [0, 0, 1, 1], [], []>, transpose_lhs_hint = false} : vector<6400x128xbf16>, vector<128x64xbf16>, vector<6400x64xf32> -> vector<6400x64xf32>
    %get3A_8 = arith.constant 0 : index
    %get3A_9 = arith.constant 0 : index
    %get3A_10 = vector.load %arg4[%get3A_8, %get3A_9] : memref<1x64xf32, #tpu.memory_space<vmem>>, vector<1x64xf32>
    %add3A = vector.broadcast %get3A_10 : vector<1x64xf32> to vector<6400x64xf32>
    %add3A_11 = arith.addf %dot_general3A_7, %add3A : vector<6400x64xf32>
    %max3A = arith.constant 0.000000e+00 : f32
    %max3A_12 = vector.broadcast %max3A : f32 to vector<6400x64xf32>
    %max3A_13 = arith.maximumf %add3A_11, %max3A_12 : vector<6400x64xf32>
    %convert_element_type3A_14 = arith.truncf %max3A_13 : vector<6400x64xf32> to vector<6400x64xbf16>
    %get3A_15 = arith.constant 0 : index
    %get3A_16 = arith.constant 0 : index
    %get3A_17 = vector.load %arg5[%get3A_15, %get3A_16] : memref<64x64xf32, #tpu.memory_space<vmem>>, vector<64x64xf32>
    %convert_element_type3A_18 = arith.truncf %get3A_17 : vector<64x64xf32> to vector<64x64xbf16>
    %dot_general3A_19 = arith.constant dense<0.000000e+00> : vector<6400x64xf32>
    %dot_general3A_20 = tpu.matmul %convert_element_type3A_14, %convert_element_type3A_18, %dot_general3A_19 {dimension_numbers = #tpu.dot_dimension_numbers<[1], [0], [0], [1], [0, 0, 1, 1], [], []>, transpose_lhs_hint = false} : vector<6400x64xbf16>, vector<64x64xbf16>, vector<6400x64xf32> -> vector<6400x64xf32>
    %get3A_21 = arith.constant 0 : index
    %get3A_22 = arith.constant 0 : index
    %get3A_23 = vector.load %arg6[%get3A_21, %get3A_22] : memref<1x64xf32, #tpu.memory_space<vmem>>, vector<1x64xf32>
    %add3A_24 = vector.broadcast %get3A_23 : vector<1x64xf32> to vector<6400x64xf32>
    %add3A_25 = arith.addf %dot_general3A_20, %add3A_24 : vector<6400x64xf32>
    %max3A_26 = arith.constant 0.000000e+00 : f32
    %max3A_27 = vector.broadcast %max3A_26 : f32 to vector<6400x64xf32>
    %max3A_28 = arith.maximumf %add3A_25, %max3A_27 : vector<6400x64xf32>
    %get3A_29 = arith.constant 0 : index
    %get3A_30 = arith.constant 0 : index
    %get3A_31 = vector.load %arg12[%get3A_29, %get3A_30] : memref<6400x128xbf16, #tpu.memory_space<vmem>>, vector<6400x128xbf16>
    %get3A_32 = arith.constant 0 : index
    %get3A_33 = arith.constant 0 : index
    %get3A_34 = vector.load %arg2[%get3A_32, %get3A_33] : memref<128x64xf32, #tpu.memory_space<vmem>>, vector<128x64xf32>
    %convert_element_type3A_35 = arith.truncf %get3A_34 : vector<128x64xf32> to vector<128x64xbf16>
    %dot_general3A_36 = arith.constant dense<0.000000e+00> : vector<6400x64xf32>
    %dot_general3A_37 = tpu.matmul %get3A_31, %convert_element_type3A_35, %dot_general3A_36 {dimension_numbers = #tpu.dot_dimension_numbers<[1], [0], [0], [1], [0, 0, 1, 1], [], []>, transpose_lhs_hint = false} : vector<6400x128xbf16>, vector<128x64xbf16>, vector<6400x64xf32> -> vector<6400x64xf32>
    %concatenate3A = tpu.concatenate %max3A_28, %dot_general3A_37 in 1 : vector<6400x64xf32>, vector<6400x64xf32> -> vector<6400x128xf32>
    %convert_element_type3A_38 = arith.truncf %concatenate3A : vector<6400x128xf32> to vector<6400x128xbf16>
    %get3A_39 = arith.constant 0 : index
    %get3A_40 = arith.constant 0 : index
    %get3A_41 = vector.load %arg7[%get3A_39, %get3A_40] : memref<128x64xf32, #tpu.memory_space<vmem>>, vector<128x64xf32>
    %convert_element_type3A_42 = arith.truncf %get3A_41 : vector<128x64xf32> to vector<128x64xbf16>
    %dot_general3A_43 = arith.constant dense<0.000000e+00> : vector<6400x64xf32>
    %dot_general3A_44 = tpu.matmul %convert_element_type3A_38, %convert_element_type3A_42, %dot_general3A_43 {dimension_numbers = #tpu.dot_dimension_numbers<[1], [0], [0], [1], [0, 0, 1, 1], [], []>, transpose_lhs_hint = false} : vector<6400x128xbf16>, vector<128x64xbf16>, vector<6400x64xf32> -> vector<6400x64xf32>
    %get3A_45 = arith.constant 0 : index
    %get3A_46 = arith.constant 0 : index
    %get3A_47 = vector.load %arg8[%get3A_45, %get3A_46] : memref<1x64xf32, #tpu.memory_space<vmem>>, vector<1x64xf32>
    %add3A_48 = vector.broadcast %get3A_47 : vector<1x64xf32> to vector<6400x64xf32>
    %add3A_49 = arith.addf %dot_general3A_44, %add3A_48 : vector<6400x64xf32>
    %max3A_50 = arith.constant 0.000000e+00 : f32
    %max3A_51 = vector.broadcast %max3A_50 : f32 to vector<6400x64xf32>
    %max3A_52 = arith.maximumf %add3A_49, %max3A_51 : vector<6400x64xf32>
    %convert_element_type3A_53 = arith.truncf %max3A_52 : vector<6400x64xf32> to vector<6400x64xbf16>
    %get3A_54 = arith.constant 0 : index
    %get3A_55 = arith.constant 0 : index
    %get3A_56 = vector.load %arg9[%get3A_54, %get3A_55] : memref<64x64xf32, #tpu.memory_space<vmem>>, vector<64x64xf32>
    %convert_element_type3A_57 = arith.truncf %get3A_56 : vector<64x64xf32> to vector<64x64xbf16>
    %dot_general3A_58 = arith.constant dense<0.000000e+00> : vector<6400x64xf32>
    %dot_general3A_59 = tpu.matmul %convert_element_type3A_53, %convert_element_type3A_57, %dot_general3A_58 {dimension_numbers = #tpu.dot_dimension_numbers<[1], [0], [0], [1], [0, 0, 1, 1], [], []>, transpose_lhs_hint = false} : vector<6400x64xbf16>, vector<64x64xbf16>, vector<6400x64xf32> -> vector<6400x64xf32>
    %get3A_60 = arith.constant 0 : index
    %get3A_61 = arith.constant 0 : index
    %get3A_62 = vector.load %arg10[%get3A_60, %get3A_61] : memref<1x64xf32, #tpu.memory_space<vmem>>, vector<1x64xf32>
    %add3A_63 = vector.broadcast %get3A_62 : vector<1x64xf32> to vector<6400x64xf32>
    %add3A_64 = arith.addf %dot_general3A_59, %add3A_63 : vector<6400x64xf32>
    %max3A_65 = arith.constant 0.000000e+00 : f32
    %max3A_66 = vector.broadcast %max3A_65 : f32 to vector<6400x64xf32>
    %max3A_67 = arith.maximumf %add3A_64, %max3A_66 : vector<6400x64xf32>
    %convert_element_type3A_68 = arith.truncf %max3A_67 : vector<6400x64xf32> to vector<6400x64xbf16>
    %get3A_69 = arith.constant 0 : index
    %get3A_70 = arith.constant 0 : index
    %get3A_71 = vector.load %arg11[%get3A_69, %get3A_70] : memref<64x64xf32, #tpu.memory_space<vmem>>, vector<64x64xf32>
    %convert_element_type3A_72 = arith.truncf %get3A_71 : vector<64x64xf32> to vector<64x64xbf16>
    %dot_general3A_73 = arith.constant dense<0.000000e+00> : vector<6400x64xf32>
    %dot_general3A_74 = tpu.matmul %convert_element_type3A_68, %convert_element_type3A_72, %dot_general3A_73 {dimension_numbers = #tpu.dot_dimension_numbers<[1], [0], [0], [1], [0, 0, 1, 1], [], []>, transpose_lhs_hint = false} : vector<6400x64xbf16>, vector<64x64xbf16>, vector<6400x64xf32> -> vector<6400x64xf32>
    %reduce_max3A = vector.shape_cast %dot_general3A_74 : vector<6400x64xf32> to vector<1x6400x64xf32>
    %reduce_max3A_75 = arith.constant dense<0xFF800000> : vector<1xf32>
    %reduce_max3A_76 = vector.multi_reduction <maximumf>, %reduce_max3A, %reduce_max3A_75 [1, 2] : vector<1x6400x64xf32> to vector<1xf32>
    %reduce_max3A_77 = vector.shape_cast %reduce_max3A_76 : vector<1xf32> to vector<1x1x1xf32>
    %reduce_max3A_78 = vector.extract %reduce_max3A_77[0, 0, 0] : f32 from vector<1x1x1xf32>
    %sub3A = vector.broadcast %reduce_max3A_78 : f32 to vector<6400x64xf32>
    %sub3A_79 = arith.subf %dot_general3A_74, %sub3A : vector<6400x64xf32>
    %max3A_80 = arith.constant -8.000000e+01 : f32
    %max3A_81 = vector.broadcast %max3A_80 : f32 to vector<6400x64xf32>
    %max3A_82 = arith.maximumf %sub3A_79, %max3A_81 : vector<6400x64xf32>
    %exp3A = math.exp %max3A_82 : vector<6400x64xf32>
    %mul3A = arith.mulf %max3A_28, %exp3A : vector<6400x64xf32>
    %concatenate3A_83 = tpu.concatenate %mul3A, %exp3A in 1 : vector<6400x64xf32>, vector<6400x64xf32> -> vector<6400x128xf32>
    %get3A_84 = arith.constant 0 : index
    %get3A_85 = arith.constant 0 : index
    %get3A_86 = vector.load %arg13[%get3A_84, %get3A_85] : memref<128x6400xf32, #tpu.memory_space<vmem>>, vector<128x6400xf32>
    %dot_general3A_87 = arith.constant dense<0.000000e+00> : vector<128x128xf32>
    %dot_general3A_88 = tpu.matmul %get3A_86, %concatenate3A_83, %dot_general3A_87 {dimension_numbers = #tpu.dot_dimension_numbers<[1], [0], [0], [1], [0, 0, 1, 1], [], []>, transpose_lhs_hint = false} : vector<128x6400xf32>, vector<6400x128xf32>, vector<128x128xf32> -> vector<128x128xf32>
    %slice3A = vector.extract_strided_slice %dot_general3A_88 {offsets = [0, 0], sizes = [128, 64], strides = [1, 1]} : vector<128x128xf32> to vector<128x64xf32>
    %slice3A_89 = vector.extract_strided_slice %dot_general3A_88 {offsets = [0, 64], sizes = [128, 64], strides = [1, 1]} : vector<128x128xf32> to vector<128x64xf32>
    %div3A = arith.divf %slice3A, %slice3A_89 : vector<128x64xf32>
    %swap3A = arith.constant 0 : index
    %swap3A_90 = arith.constant 0 : index
    %swap3A_91 = vector.load %arg14[%swap3A, %swap3A_90] : memref<128x64xf32, #tpu.memory_space<vmem>>, vector<128x64xf32>
    tpu.vector_store %arg14[%swap3A, %swap3A_90], %div3A {strides = array<i32>} : memref<128x64xf32, #tpu.memory_space<vmem>>, vector<128x64xf32>,
    return
  }
  func.func @transform_0(%arg0: i32) -> (i32, i32, i32) {
    %c0_i32 = arith.constant 0 : i32
    %c0_i32_0 = arith.constant 0 : i32
    %c0_i32_1 = arith.constant 0 : i32
    return %c0_i32, %arg0, %c0_i32_0 : i32, i32, i32
  }
  func.func @transform_1(%arg0: i32) -> (i32, i32) {
    %c0_i32 = arith.constant 0 : i32
    %c0_i32_0 = arith.constant 0 : i32
    return %arg0, %c0_i32 : i32, i32
  }
  func.func @transform_2(%arg0: i32) -> (i32, i32) {
    %c0_i32 = arith.constant 0 : i32
    %c0_i32_0 = arith.constant 0 : i32
    %c0_i32_1 = arith.constant 0 : i32
    return %c0_i32, %c0_i32_0 : i32, i32
  }
  func.func @transform_3(%arg0: i32) -> (i32, i32) {
    %c0_i32 = arith.constant 0 : i32
    %c0_i32_0 = arith.constant 0 : i32
    %c0_i32_1 = arith.constant 0 : i32
    return %c0_i32, %c0_i32_0 : i32, i32
  }
  func.func @transform_4(%arg0: i32) -> (i32, i32) {
    %c0_i32 = arith.constant 0 : i32
    %c0_i32_0 = arith.constant 0 : i32
    %c0_i32_1 = arith.constant 0 : i32
    return %c0_i32, %c0_i32_0 : i32, i32
  }
  func.func @transform_5(%arg0: i32) -> (i32, i32) {
    %c0_i32 = arith.constant 0 : i32
    %c0_i32_0 = arith.constant 0 : i32
    %c0_i32_1 = arith.constant 0 : i32
    return %c0_i32, %c0_i32_0 : i32, i32
  }
  func.func @transform_6(%arg0: i32) -> (i32, i32) {
    %c0_i32 = arith.constant 0 : i32
    %c0_i32_0 = arith.constant 0 : i32
    %c0_i32_1 = arith.constant 0 : i32
    return %c0_i32, %c0_i32_0 : i32, i32
  }
  func.func @transform_7(%arg0: i32) -> (i32, i32) {
    %c0_i32 = arith.constant 0 : i32
    %c0_i32_0 = arith.constant 0 : i32
    %c0_i32_1 = arith.constant 0 : i32
    return %c0_i32, %c0_i32_0 : i32, i32
  }
  func.func @transform_8(%arg0: i32) -> (i32, i32) {
    %c0_i32 = arith.constant 0 : i32
    %c0_i32_0 = arith.constant 0 : i32
    %c0_i32_1 = arith.constant 0 : i32
    return %c0_i32, %c0_i32_0 : i32, i32
  }
  func.func @transform_9(%arg0: i32) -> (i32, i32) {
    %c0_i32 = arith.constant 0 : i32
    %c0_i32_0 = arith.constant 0 : i32
    %c0_i32_1 = arith.constant 0 : i32
    return %c0_i32, %c0_i32_0 : i32, i32
  }
  func.func @transform_10(%arg0: i32) -> (i32, i32) {
    %c0_i32 = arith.constant 0 : i32
    %c0_i32_0 = arith.constant 0 : i32
    %c0_i32_1 = arith.constant 0 : i32
    return %c0_i32, %c0_i32_0 : i32, i32
  }
  func.func @transform_11(%arg0: i32) -> (i32, i32) {
    %c0_i32 = arith.constant 0 : i32
    %c0_i32_0 = arith.constant 0 : i32
    %c0_i32_1 = arith.constant 0 : i32
    return %c0_i32, %c0_i32_0 : i32, i32
  }
  func.func @transform_12(%arg0: i32) -> (i32, i32) {
    %c0_i32 = arith.constant 0 : i32
    %c0_i32_0 = arith.constant 0 : i32
    %c0_i32_1 = arith.constant 0 : i32
    return %c0_i32, %c0_i32_0 : i32, i32
  }
  func.func @transform_13(%arg0: i32) -> (i32, i32) {
    %c0_i32 = arith.constant 0 : i32
    %c0_i32_0 = arith.constant 0 : i32
    return %arg0, %c0_i32 : i32, i32
  }
}

module attributes {stable_mosaic.version = 14 : i64} {
  func.func @_vc_gather_body(%arg0: i32, %arg1: memref<1024xi32, #tpu.memory_space<smem>>, %arg2: memref<1024xi32, #tpu.memory_space<smem>>, %arg3: memref<1x8x64xf32, #tpu.memory_space<vmem>>, %arg4: memref<1x8x64xf32, #tpu.memory_space<vmem>>, %arg5: memref<1x8x64xf32, #tpu.memory_space<vmem>>, %arg6: memref<1x8x64xf32, #tpu.memory_space<vmem>>, %arg7: memref<1x8x64xf32, #tpu.memory_space<vmem>>, %arg8: memref<1x8x64xf32, #tpu.memory_space<vmem>>, %arg9: memref<1x8x64xf32, #tpu.memory_space<vmem>>, %arg10: memref<1x8x64xf32, #tpu.memory_space<vmem>>, %arg11: memref<1x8x64xf32, #tpu.memory_space<vmem>>, %arg12: memref<1x8x64xf32, #tpu.memory_space<vmem>>, %arg13: memref<1x8x64xf32, #tpu.memory_space<vmem>>, %arg14: memref<1x8x64xf32, #tpu.memory_space<vmem>>, %arg15: memref<1x8x64xf32, #tpu.memory_space<vmem>>, %arg16: memref<1x8x64xf32, #tpu.memory_space<vmem>>, %arg17: memref<1x8x64xf32, #tpu.memory_space<vmem>>, %arg18: memref<1x8x64xf32, #tpu.memory_space<vmem>>, %arg19: memref<1x8x64xf32, #tpu.memory_space<vmem>>, %arg20: memref<1x8x64xf32, #tpu.memory_space<vmem>>, %arg21: memref<1x8x64xf32, #tpu.memory_space<vmem>>, %arg22: memref<1x8x64xf32, #tpu.memory_space<vmem>>, %arg23: memref<1x8x64xf32, #tpu.memory_space<vmem>>, %arg24: memref<1x8x64xf32, #tpu.memory_space<vmem>>, %arg25: memref<1x8x64xf32, #tpu.memory_space<vmem>>, %arg26: memref<1x8x64xf32, #tpu.memory_space<vmem>>, %arg27: memref<1x8x64xf32, #tpu.memory_space<vmem>>, %arg28: memref<1x8x64xf32, #tpu.memory_space<vmem>>, %arg29: memref<1x8x64xf32, #tpu.memory_space<vmem>>, %arg30: memref<1x8x64xf32, #tpu.memory_space<vmem>>, %arg31: memref<1x8x64xf32, #tpu.memory_space<vmem>>, %arg32: memref<1x8x64xf32, #tpu.memory_space<vmem>>, %arg33: memref<1x8x64xf32, #tpu.memory_space<vmem>>, %arg34: memref<1x8x64xf32, #tpu.memory_space<vmem>>, %arg35: memref<1x8x64xf32, #tpu.memory_space<vmem>>, %arg36: memref<1x8x64xf32, #tpu.memory_space<vmem>>, %arg37: memref<1x8x64xf32, #tpu.memory_space<vmem>>, %arg38: memref<1x8x64xf32, #tpu.memory_space<vmem>>, %arg39: memref<1x8x64xf32, #tpu.memory_space<vmem>>, %arg40: memref<1x8x64xf32, #tpu.memory_space<vmem>>, %arg41: memref<1x8x64xf32, #tpu.memory_space<vmem>>, %arg42: memref<1x8x64xf32, #tpu.memory_space<vmem>>, %arg43: memref<1x8x64xf32, #tpu.memory_space<vmem>>, %arg44: memref<1x8x64xf32, #tpu.memory_space<vmem>>, %arg45: memref<1x8x64xf32, #tpu.memory_space<vmem>>, %arg46: memref<1x8x64xf32, #tpu.memory_space<vmem>>, %arg47: memref<1x8x64xf32, #tpu.memory_space<vmem>>, %arg48: memref<1x8x64xf32, #tpu.memory_space<vmem>>, %arg49: memref<1x8x64xf32, #tpu.memory_space<vmem>>, %arg50: memref<1x8x64xf32, #tpu.memory_space<vmem>>, %arg51: memref<1x8x64xf32, #tpu.memory_space<vmem>>, %arg52: memref<1x8x64xf32, #tpu.memory_space<vmem>>, %arg53: memref<1x8x64xf32, #tpu.memory_space<vmem>>, %arg54: memref<1x8x64xf32, #tpu.memory_space<vmem>>, %arg55: memref<1x8x64xf32, #tpu.memory_space<vmem>>, %arg56: memref<1x8x64xf32, #tpu.memory_space<vmem>>, %arg57: memref<1x8x64xf32, #tpu.memory_space<vmem>>, %arg58: memref<1x8x64xf32, #tpu.memory_space<vmem>>, %arg59: memref<1x8x64xf32, #tpu.memory_space<vmem>>, %arg60: memref<1x8x64xf32, #tpu.memory_space<vmem>>, %arg61: memref<1x8x64xf32, #tpu.memory_space<vmem>>, %arg62: memref<1x8x64xf32, #tpu.memory_space<vmem>>, %arg63: memref<1x8x64xf32, #tpu.memory_space<vmem>>, %arg64: memref<1x8x64xf32, #tpu.memory_space<vmem>>, %arg65: memref<1x8x64xf32, #tpu.memory_space<vmem>>, %arg66: memref<1x8x64xf32, #tpu.memory_space<vmem>>, %arg67: memref<1x8x64xf32, #tpu.memory_space<vmem>>, %arg68: memref<1x8x64xf32, #tpu.memory_space<vmem>>, %arg69: memref<1x8x64xf32, #tpu.memory_space<vmem>>, %arg70: memref<1x8x64xf32, #tpu.memory_space<vmem>>, %arg71: memref<1x8x64xf32, #tpu.memory_space<vmem>>, %arg72: memref<1x8x64xf32, #tpu.memory_space<vmem>>, %arg73: memref<1x8x64xf32, #tpu.memory_space<vmem>>, %arg74: memref<1x8x64xf32, #tpu.memory_space<vmem>>, %arg75: memref<1x8x64xf32, #tpu.memory_space<vmem>>, %arg76: memref<1x8x64xf32, #tpu.memory_space<vmem>>, %arg77: memref<1x8x64xf32, #tpu.memory_space<vmem>>, %arg78: memref<1x8x64xf32, #tpu.memory_space<vmem>>, %arg79: memref<1x8x64xf32, #tpu.memory_space<vmem>>, %arg80: memref<1x8x64xf32, #tpu.memory_space<vmem>>, %arg81: memref<1x8x64xf32, #tpu.memory_space<vmem>>, %arg82: memref<1x8x64xf32, #tpu.memory_space<vmem>>, %arg83: memref<1x8x64xf32, #tpu.memory_space<vmem>>, %arg84: memref<1x8x64xf32, #tpu.memory_space<vmem>>, %arg85: memref<1x8x64xf32, #tpu.memory_space<vmem>>, %arg86: memref<1x8x64xf32, #tpu.memory_space<vmem>>, %arg87: memref<1x8x64xf32, #tpu.memory_space<vmem>>, %arg88: memref<1x8x64xf32, #tpu.memory_space<vmem>>, %arg89: memref<1x8x64xf32, #tpu.memory_space<vmem>>, %arg90: memref<1x8x64xf32, #tpu.memory_space<vmem>>, %arg91: memref<1x8x64xf32, #tpu.memory_space<vmem>>, %arg92: memref<1x8x64xf32, #tpu.memory_space<vmem>>, %arg93: memref<1x8x64xf32, #tpu.memory_space<vmem>>, %arg94: memref<1x8x64xf32, #tpu.memory_space<vmem>>, %arg95: memref<1x8x64xf32, #tpu.memory_space<vmem>>, %arg96: memref<1x8x64xf32, #tpu.memory_space<vmem>>, %arg97: memref<1x8x64xf32, #tpu.memory_space<vmem>>, %arg98: memref<1x8x64xf32, #tpu.memory_space<vmem>>, %arg99: memref<1x8x64xf32, #tpu.memory_space<vmem>>, %arg100: memref<1x8x64xf32, #tpu.memory_space<vmem>>, %arg101: memref<1x8x64xf32, #tpu.memory_space<vmem>>, %arg102: memref<1x8x64xf32, #tpu.memory_space<vmem>>, %arg103: memref<1x8x64xf32, #tpu.memory_space<vmem>>, %arg104: memref<1x8x64xf32, #tpu.memory_space<vmem>>, %arg105: memref<1x8x64xf32, #tpu.memory_space<vmem>>, %arg106: memref<1x8x64xf32, #tpu.memory_space<vmem>>, %arg107: memref<1x8x64xf32, #tpu.memory_space<vmem>>, %arg108: memref<1x8x64xf32, #tpu.memory_space<vmem>>, %arg109: memref<1x8x64xf32, #tpu.memory_space<vmem>>, %arg110: memref<1x8x64xf32, #tpu.memory_space<vmem>>, %arg111: memref<1x8x64xf32, #tpu.memory_space<vmem>>, %arg112: memref<1x8x64xf32, #tpu.memory_space<vmem>>, %arg113: memref<1x8x64xf32, #tpu.memory_space<vmem>>, %arg114: memref<1x8x64xf32, #tpu.memory_space<vmem>>, %arg115: memref<1x8x64xf32, #tpu.memory_space<vmem>>, %arg116: memref<1x8x64xf32, #tpu.memory_space<vmem>>, %arg117: memref<1x8x64xf32, #tpu.memory_space<vmem>>, %arg118: memref<1x8x64xf32, #tpu.memory_space<vmem>>, %arg119: memref<1x8x64xf32, #tpu.memory_space<vmem>>, %arg120: memref<1x8x64xf32, #tpu.memory_space<vmem>>, %arg121: memref<1x8x64xf32, #tpu.memory_space<vmem>>, %arg122: memref<1x8x64xf32, #tpu.memory_space<vmem>>, %arg123: memref<1x8x64xf32, #tpu.memory_space<vmem>>, %arg124: memref<1x8x64xf32, #tpu.memory_space<vmem>>, %arg125: memref<1x8x64xf32, #tpu.memory_space<vmem>>, %arg126: memref<1x8x64xf32, #tpu.memory_space<vmem>>, %arg127: memref<1x8x64xf32, #tpu.memory_space<vmem>>, %arg128: memref<1x8x64xf32, #tpu.memory_space<vmem>>, %arg129: memref<1x8x64xf32, #tpu.memory_space<vmem>>, %arg130: memref<1x8x64xf32, #tpu.memory_space<vmem>>, %arg131: memref<128x64xf32, #tpu.memory_space<vmem>>) attributes {dimension_semantics = [#tpu.dimension_semantics<arbitrary>], iteration_bounds = array<i64: 8>, scalar_prefetch = 2 : i64, scratch_operands = 0 : i64, tpu.core_type = #tpu.core_type<tc>, window_params = [{transform_indices = @transform_0, window_bounds = array<i64: 1, 8, 64>}, {transform_indices = @transform_1, window_bounds = array<i64: 1, 8, 64>}, {transform_indices = @transform_2, window_bounds = array<i64: 1, 8, 64>}, {transform_indices = @transform_3, window_bounds = array<i64: 1, 8, 64>}, {transform_indices = @transform_4, window_bounds = array<i64: 1, 8, 64>}, {transform_indices = @transform_5, window_bounds = array<i64: 1, 8, 64>}, {transform_indices = @transform_6, window_bounds = array<i64: 1, 8, 64>}, {transform_indices = @transform_7, window_bounds = array<i64: 1, 8, 64>}, {transform_indices = @transform_8, window_bounds = array<i64: 1, 8, 64>}, {transform_indices = @transform_9, window_bounds = array<i64: 1, 8, 64>}, {transform_indices = @transform_10, window_bounds = array<i64: 1, 8, 64>}, {transform_indices = @transform_11, window_bounds = array<i64: 1, 8, 64>}, {transform_indices = @transform_12, window_bounds = array<i64: 1, 8, 64>}, {transform_indices = @transform_13, window_bounds = array<i64: 1, 8, 64>}, {transform_indices = @transform_14, window_bounds = array<i64: 1, 8, 64>}, {transform_indices = @transform_15, window_bounds = array<i64: 1, 8, 64>}, {transform_indices = @transform_16, window_bounds = array<i64: 1, 8, 64>}, {transform_indices = @transform_17, window_bounds = array<i64: 1, 8, 64>}, {transform_indices = @transform_18, window_bounds = array<i64: 1, 8, 64>}, {transform_indices = @transform_19, window_bounds = array<i64: 1, 8, 64>}, {transform_indices = @transform_20, window_bounds = array<i64: 1, 8, 64>}, {transform_indices = @transform_21, window_bounds = array<i64: 1, 8, 64>}, {transform_indices = @transform_22, window_bounds = array<i64: 1, 8, 64>}, {transform_indices = @transform_23, window_bounds = array<i64: 1, 8, 64>}, {transform_indices = @transform_24, window_bounds = array<i64: 1, 8, 64>}, {transform_indices = @transform_25, window_bounds = array<i64: 1, 8, 64>}, {transform_indices = @transform_26, window_bounds = array<i64: 1, 8, 64>}, {transform_indices = @transform_27, window_bounds = array<i64: 1, 8, 64>}, {transform_indices = @transform_28, window_bounds = array<i64: 1, 8, 64>}, {transform_indices = @transform_29, window_bounds = array<i64: 1, 8, 64>}, {transform_indices = @transform_30, window_bounds = array<i64: 1, 8, 64>}, {transform_indices = @transform_31, window_bounds = array<i64: 1, 8, 64>}, {transform_indices = @transform_32, window_bounds = array<i64: 1, 8, 64>}, {transform_indices = @transform_33, window_bounds = array<i64: 1, 8, 64>}, {transform_indices = @transform_34, window_bounds = array<i64: 1, 8, 64>}, {transform_indices = @transform_35, window_bounds = array<i64: 1, 8, 64>}, {transform_indices = @transform_36, window_bounds = array<i64: 1, 8, 64>}, {transform_indices = @transform_37, window_bounds = array<i64: 1, 8, 64>}, {transform_indices = @transform_38, window_bounds = array<i64: 1, 8, 64>}, {transform_indices = @transform_39, window_bounds = array<i64: 1, 8, 64>}, {transform_indices = @transform_40, window_bounds = array<i64: 1, 8, 64>}, {transform_indices = @transform_41, window_bounds = array<i64: 1, 8, 64>}, {transform_indices = @transform_42, window_bounds = array<i64: 1, 8, 64>}, {transform_indices = @transform_43, window_bounds = array<i64: 1, 8, 64>}, {transform_indices = @transform_44, window_bounds = array<i64: 1, 8, 64>}, {transform_indices = @transform_45, window_bounds = array<i64: 1, 8, 64>}, {transform_indices = @transform_46, window_bounds = array<i64: 1, 8, 64>}, {transform_indices = @transform_47, window_bounds = array<i64: 1, 8, 64>}, {transform_indices = @transform_48, window_bounds = array<i64: 1, 8, 64>}, {transform_indices = @transform_49, window_bounds = array<i64: 1, 8, 64>}, {transform_indices = @transform_50, window_bounds = array<i64: 1, 8, 64>}, {transform_indices = @transform_51, window_bounds = array<i64: 1, 8, 64>}, {transform_indices = @transform_52, window_bounds = array<i64: 1, 8, 64>}, {transform_indices = @transform_53, window_bounds = array<i64: 1, 8, 64>}, {transform_indices = @transform_54, window_bounds = array<i64: 1, 8, 64>}, {transform_indices = @transform_55, window_bounds = array<i64: 1, 8, 64>}, {transform_indices = @transform_56, window_bounds = array<i64: 1, 8, 64>}, {transform_indices = @transform_57, window_bounds = array<i64: 1, 8, 64>}, {transform_indices = @transform_58, window_bounds = array<i64: 1, 8, 64>}, {transform_indices = @transform_59, window_bounds = array<i64: 1, 8, 64>}, {transform_indices = @transform_60, window_bounds = array<i64: 1, 8, 64>}, {transform_indices = @transform_61, window_bounds = array<i64: 1, 8, 64>}, {transform_indices = @transform_62, window_bounds = array<i64: 1, 8, 64>}, {transform_indices = @transform_63, window_bounds = array<i64: 1, 8, 64>}, {transform_indices = @transform_64, window_bounds = array<i64: 1, 8, 64>}, {transform_indices = @transform_65, window_bounds = array<i64: 1, 8, 64>}, {transform_indices = @transform_66, window_bounds = array<i64: 1, 8, 64>}, {transform_indices = @transform_67, window_bounds = array<i64: 1, 8, 64>}, {transform_indices = @transform_68, window_bounds = array<i64: 1, 8, 64>}, {transform_indices = @transform_69, window_bounds = array<i64: 1, 8, 64>}, {transform_indices = @transform_70, window_bounds = array<i64: 1, 8, 64>}, {transform_indices = @transform_71, window_bounds = array<i64: 1, 8, 64>}, {transform_indices = @transform_72, window_bounds = array<i64: 1, 8, 64>}, {transform_indices = @transform_73, window_bounds = array<i64: 1, 8, 64>}, {transform_indices = @transform_74, window_bounds = array<i64: 1, 8, 64>}, {transform_indices = @transform_75, window_bounds = array<i64: 1, 8, 64>}, {transform_indices = @transform_76, window_bounds = array<i64: 1, 8, 64>}, {transform_indices = @transform_77, window_bounds = array<i64: 1, 8, 64>}, {transform_indices = @transform_78, window_bounds = array<i64: 1, 8, 64>}, {transform_indices = @transform_79, window_bounds = array<i64: 1, 8, 64>}, {transform_indices = @transform_80, window_bounds = array<i64: 1, 8, 64>}, {transform_indices = @transform_81, window_bounds = array<i64: 1, 8, 64>}, {transform_indices = @transform_82, window_bounds = array<i64: 1, 8, 64>}, {transform_indices = @transform_83, window_bounds = array<i64: 1, 8, 64>}, {transform_indices = @transform_84, window_bounds = array<i64: 1, 8, 64>}, {transform_indices = @transform_85, window_bounds = array<i64: 1, 8, 64>}, {transform_indices = @transform_86, window_bounds = array<i64: 1, 8, 64>}, {transform_indices = @transform_87, window_bounds = array<i64: 1, 8, 64>}, {transform_indices = @transform_88, window_bounds = array<i64: 1, 8, 64>}, {transform_indices = @transform_89, window_bounds = array<i64: 1, 8, 64>}, {transform_indices = @transform_90, window_bounds = array<i64: 1, 8, 64>}, {transform_indices = @transform_91, window_bounds = array<i64: 1, 8, 64>}, {transform_indices = @transform_92, window_bounds = array<i64: 1, 8, 64>}, {transform_indices = @transform_93, window_bounds = array<i64: 1, 8, 64>}, {transform_indices = @transform_94, window_bounds = array<i64: 1, 8, 64>}, {transform_indices = @transform_95, window_bounds = array<i64: 1, 8, 64>}, {transform_indices = @transform_96, window_bounds = array<i64: 1, 8, 64>}, {transform_indices = @transform_97, window_bounds = array<i64: 1, 8, 64>}, {transform_indices = @transform_98, window_bounds = array<i64: 1, 8, 64>}, {transform_indices = @transform_99, window_bounds = array<i64: 1, 8, 64>}, {transform_indices = @transform_100, window_bounds = array<i64: 1, 8, 64>}, {transform_indices = @transform_101, window_bounds = array<i64: 1, 8, 64>}, {transform_indices = @transform_102, window_bounds = array<i64: 1, 8, 64>}, {transform_indices = @transform_103, window_bounds = array<i64: 1, 8, 64>}, {transform_indices = @transform_104, window_bounds = array<i64: 1, 8, 64>}, {transform_indices = @transform_105, window_bounds = array<i64: 1, 8, 64>}, {transform_indices = @transform_106, window_bounds = array<i64: 1, 8, 64>}, {transform_indices = @transform_107, window_bounds = array<i64: 1, 8, 64>}, {transform_indices = @transform_108, window_bounds = array<i64: 1, 8, 64>}, {transform_indices = @transform_109, window_bounds = array<i64: 1, 8, 64>}, {transform_indices = @transform_110, window_bounds = array<i64: 1, 8, 64>}, {transform_indices = @transform_111, window_bounds = array<i64: 1, 8, 64>}, {transform_indices = @transform_112, window_bounds = array<i64: 1, 8, 64>}, {transform_indices = @transform_113, window_bounds = array<i64: 1, 8, 64>}, {transform_indices = @transform_114, window_bounds = array<i64: 1, 8, 64>}, {transform_indices = @transform_115, window_bounds = array<i64: 1, 8, 64>}, {transform_indices = @transform_116, window_bounds = array<i64: 1, 8, 64>}, {transform_indices = @transform_117, window_bounds = array<i64: 1, 8, 64>}, {transform_indices = @transform_118, window_bounds = array<i64: 1, 8, 64>}, {transform_indices = @transform_119, window_bounds = array<i64: 1, 8, 64>}, {transform_indices = @transform_120, window_bounds = array<i64: 1, 8, 64>}, {transform_indices = @transform_121, window_bounds = array<i64: 1, 8, 64>}, {transform_indices = @transform_122, window_bounds = array<i64: 1, 8, 64>}, {transform_indices = @transform_123, window_bounds = array<i64: 1, 8, 64>}, {transform_indices = @transform_124, window_bounds = array<i64: 1, 8, 64>}, {transform_indices = @transform_125, window_bounds = array<i64: 1, 8, 64>}, {transform_indices = @transform_126, window_bounds = array<i64: 1, 8, 64>}, {transform_indices = @transform_127, window_bounds = array<i64: 1, 8, 64>}, {transform_indices = @transform_128, window_bounds = array<i64: 128, 64>}]} {
    %mul3A = arith.constant 128 : i32
    %mul3A_0 = arith.muli %arg0, %mul3A : i32
    %add3A = arith.constant 0 : i32
    %add3A_1 = arith.addi %mul3A_0, %add3A : i32
    %get3A = arith.index_cast %add3A_1 : i32 to index
    %get3A_2 = memref.load %arg2[%get3A] : memref<1024xi32, #tpu.memory_space<smem>>
    %get3A_3 = arith.constant 0 : index
    %get3A_4 = arith.index_cast %get3A_2 : i32 to index
    %get3A_5 = arith.constant 0 : index
    %get3A_6 = vector.load %arg3[%get3A_3, %get3A_4, %get3A_5] : memref<1x8x64xf32, #tpu.memory_space<vmem>>, vector<1x1x64xf32>
    %get3A_7 = vector.shape_cast %get3A_6 : vector<1x1x64xf32> to vector<1x64xf32>
    %swap3A = arith.constant 0 : index
    %swap3A_8 = arith.constant 0 : index
    %swap3A_9 = vector.load %arg131[%swap3A, %swap3A_8] : memref<128x64xf32, #tpu.memory_space<vmem>>, vector<1x64xf32>
    tpu.vector_store %arg131[%swap3A, %swap3A_8], %get3A_7 {strides = array<i32>} : memref<128x64xf32, #tpu.memory_space<vmem>>, vector<1x64xf32>,
    %mul3A_10 = arith.constant 128 : i32
    %mul3A_11 = arith.muli %arg0, %mul3A_10 : i32
    %add3A_12 = arith.constant 1 : i32
    %add3A_13 = arith.addi %mul3A_11, %add3A_12 : i32
    %get3A_14 = arith.index_cast %add3A_13 : i32 to index
    %get3A_15 = memref.load %arg2[%get3A_14] : memref<1024xi32, #tpu.memory_space<smem>>
    %get3A_16 = arith.constant 0 : index
    %get3A_17 = arith.index_cast %get3A_15 : i32 to index
    %get3A_18 = arith.constant 0 : index
    %get3A_19 = vector.load %arg4[%get3A_16, %get3A_17, %get3A_18] : memref<1x8x64xf32, #tpu.memory_space<vmem>>, vector<1x1x64xf32>
    %get3A_20 = vector.shape_cast %get3A_19 : vector<1x1x64xf32> to vector<1x64xf32>
    %swap3A_21 = arith.constant 1 : index
    %swap3A_22 = arith.constant 0 : index
    %swap3A_23 = vector.load %arg131[%swap3A_21, %swap3A_22] : memref<128x64xf32, #tpu.memory_space<vmem>>, vector<1x64xf32>
    tpu.vector_store %arg131[%swap3A_21, %swap3A_22], %get3A_20 {strides = array<i32>} : memref<128x64xf32, #tpu.memory_space<vmem>>, vector<1x64xf32>,
    %mul3A_24 = arith.constant 128 : i32
    %mul3A_25 = arith.muli %arg0, %mul3A_24 : i32
    %add3A_26 = arith.constant 2 : i32
    %add3A_27 = arith.addi %mul3A_25, %add3A_26 : i32
    %get3A_28 = arith.index_cast %add3A_27 : i32 to index
    %get3A_29 = memref.load %arg2[%get3A_28] : memref<1024xi32, #tpu.memory_space<smem>>
    %get3A_30 = arith.constant 0 : index
    %get3A_31 = arith.index_cast %get3A_29 : i32 to index
    %get3A_32 = arith.constant 0 : index
    %get3A_33 = vector.load %arg5[%get3A_30, %get3A_31, %get3A_32] : memref<1x8x64xf32, #tpu.memory_space<vmem>>, vector<1x1x64xf32>
    %get3A_34 = vector.shape_cast %get3A_33 : vector<1x1x64xf32> to vector<1x64xf32>
    %swap3A_35 = arith.constant 2 : index
    %swap3A_36 = arith.constant 0 : index
    %swap3A_37 = vector.load %arg131[%swap3A_35, %swap3A_36] : memref<128x64xf32, #tpu.memory_space<vmem>>, vector<1x64xf32>
    tpu.vector_store %arg131[%swap3A_35, %swap3A_36], %get3A_34 {strides = array<i32>} : memref<128x64xf32, #tpu.memory_space<vmem>>, vector<1x64xf32>,
    %mul3A_38 = arith.constant 128 : i32
    %mul3A_39 = arith.muli %arg0, %mul3A_38 : i32
    %add3A_40 = arith.constant 3 : i32
    %add3A_41 = arith.addi %mul3A_39, %add3A_40 : i32
    %get3A_42 = arith.index_cast %add3A_41 : i32 to index
    %get3A_43 = memref.load %arg2[%get3A_42] : memref<1024xi32, #tpu.memory_space<smem>>
    %get3A_44 = arith.constant 0 : index
    %get3A_45 = arith.index_cast %get3A_43 : i32 to index
    %get3A_46 = arith.constant 0 : index
    %get3A_47 = vector.load %arg6[%get3A_44, %get3A_45, %get3A_46] : memref<1x8x64xf32, #tpu.memory_space<vmem>>, vector<1x1x64xf32>
    %get3A_48 = vector.shape_cast %get3A_47 : vector<1x1x64xf32> to vector<1x64xf32>
    %swap3A_49 = arith.constant 3 : index
    %swap3A_50 = arith.constant 0 : index
    %swap3A_51 = vector.load %arg131[%swap3A_49, %swap3A_50] : memref<128x64xf32, #tpu.memory_space<vmem>>, vector<1x64xf32>
    tpu.vector_store %arg131[%swap3A_49, %swap3A_50], %get3A_48 {strides = array<i32>} : memref<128x64xf32, #tpu.memory_space<vmem>>, vector<1x64xf32>,
    %mul3A_52 = arith.constant 128 : i32
    %mul3A_53 = arith.muli %arg0, %mul3A_52 : i32
    %add3A_54 = arith.constant 4 : i32
    %add3A_55 = arith.addi %mul3A_53, %add3A_54 : i32
    %get3A_56 = arith.index_cast %add3A_55 : i32 to index
    %get3A_57 = memref.load %arg2[%get3A_56] : memref<1024xi32, #tpu.memory_space<smem>>
    %get3A_58 = arith.constant 0 : index
    %get3A_59 = arith.index_cast %get3A_57 : i32 to index
    %get3A_60 = arith.constant 0 : index
    %get3A_61 = vector.load %arg7[%get3A_58, %get3A_59, %get3A_60] : memref<1x8x64xf32, #tpu.memory_space<vmem>>, vector<1x1x64xf32>
    %get3A_62 = vector.shape_cast %get3A_61 : vector<1x1x64xf32> to vector<1x64xf32>
    %swap3A_63 = arith.constant 4 : index
    %swap3A_64 = arith.constant 0 : index
    %swap3A_65 = vector.load %arg131[%swap3A_63, %swap3A_64] : memref<128x64xf32, #tpu.memory_space<vmem>>, vector<1x64xf32>
    tpu.vector_store %arg131[%swap3A_63, %swap3A_64], %get3A_62 {strides = array<i32>} : memref<128x64xf32, #tpu.memory_space<vmem>>, vector<1x64xf32>,
    %mul3A_66 = arith.constant 128 : i32
    %mul3A_67 = arith.muli %arg0, %mul3A_66 : i32
    %add3A_68 = arith.constant 5 : i32
    %add3A_69 = arith.addi %mul3A_67, %add3A_68 : i32
    %get3A_70 = arith.index_cast %add3A_69 : i32 to index
    %get3A_71 = memref.load %arg2[%get3A_70] : memref<1024xi32, #tpu.memory_space<smem>>
    %get3A_72 = arith.constant 0 : index
    %get3A_73 = arith.index_cast %get3A_71 : i32 to index
    %get3A_74 = arith.constant 0 : index
    %get3A_75 = vector.load %arg8[%get3A_72, %get3A_73, %get3A_74] : memref<1x8x64xf32, #tpu.memory_space<vmem>>, vector<1x1x64xf32>
    %get3A_76 = vector.shape_cast %get3A_75 : vector<1x1x64xf32> to vector<1x64xf32>
    %swap3A_77 = arith.constant 5 : index
    %swap3A_78 = arith.constant 0 : index
    %swap3A_79 = vector.load %arg131[%swap3A_77, %swap3A_78] : memref<128x64xf32, #tpu.memory_space<vmem>>, vector<1x64xf32>
    tpu.vector_store %arg131[%swap3A_77, %swap3A_78], %get3A_76 {strides = array<i32>} : memref<128x64xf32, #tpu.memory_space<vmem>>, vector<1x64xf32>,
    %mul3A_80 = arith.constant 128 : i32
    %mul3A_81 = arith.muli %arg0, %mul3A_80 : i32
    %add3A_82 = arith.constant 6 : i32
    %add3A_83 = arith.addi %mul3A_81, %add3A_82 : i32
    %get3A_84 = arith.index_cast %add3A_83 : i32 to index
    %get3A_85 = memref.load %arg2[%get3A_84] : memref<1024xi32, #tpu.memory_space<smem>>
    %get3A_86 = arith.constant 0 : index
    %get3A_87 = arith.index_cast %get3A_85 : i32 to index
    %get3A_88 = arith.constant 0 : index
    %get3A_89 = vector.load %arg9[%get3A_86, %get3A_87, %get3A_88] : memref<1x8x64xf32, #tpu.memory_space<vmem>>, vector<1x1x64xf32>
    %get3A_90 = vector.shape_cast %get3A_89 : vector<1x1x64xf32> to vector<1x64xf32>
    %swap3A_91 = arith.constant 6 : index
    %swap3A_92 = arith.constant 0 : index
    %swap3A_93 = vector.load %arg131[%swap3A_91, %swap3A_92] : memref<128x64xf32, #tpu.memory_space<vmem>>, vector<1x64xf32>
    tpu.vector_store %arg131[%swap3A_91, %swap3A_92], %get3A_90 {strides = array<i32>} : memref<128x64xf32, #tpu.memory_space<vmem>>, vector<1x64xf32>,
    %mul3A_94 = arith.constant 128 : i32
    %mul3A_95 = arith.muli %arg0, %mul3A_94 : i32
    %add3A_96 = arith.constant 7 : i32
    %add3A_97 = arith.addi %mul3A_95, %add3A_96 : i32
    %get3A_98 = arith.index_cast %add3A_97 : i32 to index
    %get3A_99 = memref.load %arg2[%get3A_98] : memref<1024xi32, #tpu.memory_space<smem>>
    %get3A_100 = arith.constant 0 : index
    %get3A_101 = arith.index_cast %get3A_99 : i32 to index
    %get3A_102 = arith.constant 0 : index
    %get3A_103 = vector.load %arg10[%get3A_100, %get3A_101, %get3A_102] : memref<1x8x64xf32, #tpu.memory_space<vmem>>, vector<1x1x64xf32>
    %get3A_104 = vector.shape_cast %get3A_103 : vector<1x1x64xf32> to vector<1x64xf32>
    %swap3A_105 = arith.constant 7 : index
    %swap3A_106 = arith.constant 0 : index
    %swap3A_107 = vector.load %arg131[%swap3A_105, %swap3A_106] : memref<128x64xf32, #tpu.memory_space<vmem>>, vector<1x64xf32>
    tpu.vector_store %arg131[%swap3A_105, %swap3A_106], %get3A_104 {strides = array<i32>} : memref<128x64xf32, #tpu.memory_space<vmem>>, vector<1x64xf32>,
    %mul3A_108 = arith.constant 128 : i32
    %mul3A_109 = arith.muli %arg0, %mul3A_108 : i32
    %add3A_110 = arith.constant 8 : i32
    %add3A_111 = arith.addi %mul3A_109, %add3A_110 : i32
    %get3A_112 = arith.index_cast %add3A_111 : i32 to index
    %get3A_113 = memref.load %arg2[%get3A_112] : memref<1024xi32, #tpu.memory_space<smem>>
    %get3A_114 = arith.constant 0 : index
    %get3A_115 = arith.index_cast %get3A_113 : i32 to index
    %get3A_116 = arith.constant 0 : index
    %get3A_117 = vector.load %arg11[%get3A_114, %get3A_115, %get3A_116] : memref<1x8x64xf32, #tpu.memory_space<vmem>>, vector<1x1x64xf32>
    %get3A_118 = vector.shape_cast %get3A_117 : vector<1x1x64xf32> to vector<1x64xf32>
    %swap3A_119 = arith.constant 8 : index
    %swap3A_120 = arith.constant 0 : index
    %swap3A_121 = vector.load %arg131[%swap3A_119, %swap3A_120] : memref<128x64xf32, #tpu.memory_space<vmem>>, vector<1x64xf32>
    tpu.vector_store %arg131[%swap3A_119, %swap3A_120], %get3A_118 {strides = array<i32>} : memref<128x64xf32, #tpu.memory_space<vmem>>, vector<1x64xf32>,
    %mul3A_122 = arith.constant 128 : i32
    %mul3A_123 = arith.muli %arg0, %mul3A_122 : i32
    %add3A_124 = arith.constant 9 : i32
    %add3A_125 = arith.addi %mul3A_123, %add3A_124 : i32
    %get3A_126 = arith.index_cast %add3A_125 : i32 to index
    %get3A_127 = memref.load %arg2[%get3A_126] : memref<1024xi32, #tpu.memory_space<smem>>
    %get3A_128 = arith.constant 0 : index
    %get3A_129 = arith.index_cast %get3A_127 : i32 to index
    %get3A_130 = arith.constant 0 : index
    %get3A_131 = vector.load %arg12[%get3A_128, %get3A_129, %get3A_130] : memref<1x8x64xf32, #tpu.memory_space<vmem>>, vector<1x1x64xf32>
    %get3A_132 = vector.shape_cast %get3A_131 : vector<1x1x64xf32> to vector<1x64xf32>
    %swap3A_133 = arith.constant 9 : index
    %swap3A_134 = arith.constant 0 : index
    %swap3A_135 = vector.load %arg131[%swap3A_133, %swap3A_134] : memref<128x64xf32, #tpu.memory_space<vmem>>, vector<1x64xf32>
    tpu.vector_store %arg131[%swap3A_133, %swap3A_134], %get3A_132 {strides = array<i32>} : memref<128x64xf32, #tpu.memory_space<vmem>>, vector<1x64xf32>,
    %mul3A_136 = arith.constant 128 : i32
    %mul3A_137 = arith.muli %arg0, %mul3A_136 : i32
    %add3A_138 = arith.constant 10 : i32
    %add3A_139 = arith.addi %mul3A_137, %add3A_138 : i32
    %get3A_140 = arith.index_cast %add3A_139 : i32 to index
    %get3A_141 = memref.load %arg2[%get3A_140] : memref<1024xi32, #tpu.memory_space<smem>>
    %get3A_142 = arith.constant 0 : index
    %get3A_143 = arith.index_cast %get3A_141 : i32 to index
    %get3A_144 = arith.constant 0 : index
    %get3A_145 = vector.load %arg13[%get3A_142, %get3A_143, %get3A_144] : memref<1x8x64xf32, #tpu.memory_space<vmem>>, vector<1x1x64xf32>
    %get3A_146 = vector.shape_cast %get3A_145 : vector<1x1x64xf32> to vector<1x64xf32>
    %swap3A_147 = arith.constant 10 : index
    %swap3A_148 = arith.constant 0 : index
    %swap3A_149 = vector.load %arg131[%swap3A_147, %swap3A_148] : memref<128x64xf32, #tpu.memory_space<vmem>>, vector<1x64xf32>
    tpu.vector_store %arg131[%swap3A_147, %swap3A_148], %get3A_146 {strides = array<i32>} : memref<128x64xf32, #tpu.memory_space<vmem>>, vector<1x64xf32>,
    %mul3A_150 = arith.constant 128 : i32
    %mul3A_151 = arith.muli %arg0, %mul3A_150 : i32
    %add3A_152 = arith.constant 11 : i32
    %add3A_153 = arith.addi %mul3A_151, %add3A_152 : i32
    %get3A_154 = arith.index_cast %add3A_153 : i32 to index
    %get3A_155 = memref.load %arg2[%get3A_154] : memref<1024xi32, #tpu.memory_space<smem>>
    %get3A_156 = arith.constant 0 : index
    %get3A_157 = arith.index_cast %get3A_155 : i32 to index
    %get3A_158 = arith.constant 0 : index
    %get3A_159 = vector.load %arg14[%get3A_156, %get3A_157, %get3A_158] : memref<1x8x64xf32, #tpu.memory_space<vmem>>, vector<1x1x64xf32>
    %get3A_160 = vector.shape_cast %get3A_159 : vector<1x1x64xf32> to vector<1x64xf32>
    %swap3A_161 = arith.constant 11 : index
    %swap3A_162 = arith.constant 0 : index
    %swap3A_163 = vector.load %arg131[%swap3A_161, %swap3A_162] : memref<128x64xf32, #tpu.memory_space<vmem>>, vector<1x64xf32>
    tpu.vector_store %arg131[%swap3A_161, %swap3A_162], %get3A_160 {strides = array<i32>} : memref<128x64xf32, #tpu.memory_space<vmem>>, vector<1x64xf32>,
    %mul3A_164 = arith.constant 128 : i32
    %mul3A_165 = arith.muli %arg0, %mul3A_164 : i32
    %add3A_166 = arith.constant 12 : i32
    %add3A_167 = arith.addi %mul3A_165, %add3A_166 : i32
    %get3A_168 = arith.index_cast %add3A_167 : i32 to index
    %get3A_169 = memref.load %arg2[%get3A_168] : memref<1024xi32, #tpu.memory_space<smem>>
    %get3A_170 = arith.constant 0 : index
    %get3A_171 = arith.index_cast %get3A_169 : i32 to index
    %get3A_172 = arith.constant 0 : index
    %get3A_173 = vector.load %arg15[%get3A_170, %get3A_171, %get3A_172] : memref<1x8x64xf32, #tpu.memory_space<vmem>>, vector<1x1x64xf32>
    %get3A_174 = vector.shape_cast %get3A_173 : vector<1x1x64xf32> to vector<1x64xf32>
    %swap3A_175 = arith.constant 12 : index
    %swap3A_176 = arith.constant 0 : index
    %swap3A_177 = vector.load %arg131[%swap3A_175, %swap3A_176] : memref<128x64xf32, #tpu.memory_space<vmem>>, vector<1x64xf32>
    tpu.vector_store %arg131[%swap3A_175, %swap3A_176], %get3A_174 {strides = array<i32>} : memref<128x64xf32, #tpu.memory_space<vmem>>, vector<1x64xf32>,
    %mul3A_178 = arith.constant 128 : i32
    %mul3A_179 = arith.muli %arg0, %mul3A_178 : i32
    %add3A_180 = arith.constant 13 : i32
    %add3A_181 = arith.addi %mul3A_179, %add3A_180 : i32
    %get3A_182 = arith.index_cast %add3A_181 : i32 to index
    %get3A_183 = memref.load %arg2[%get3A_182] : memref<1024xi32, #tpu.memory_space<smem>>
    %get3A_184 = arith.constant 0 : index
    %get3A_185 = arith.index_cast %get3A_183 : i32 to index
    %get3A_186 = arith.constant 0 : index
    %get3A_187 = vector.load %arg16[%get3A_184, %get3A_185, %get3A_186] : memref<1x8x64xf32, #tpu.memory_space<vmem>>, vector<1x1x64xf32>
    %get3A_188 = vector.shape_cast %get3A_187 : vector<1x1x64xf32> to vector<1x64xf32>
    %swap3A_189 = arith.constant 13 : index
    %swap3A_190 = arith.constant 0 : index
    %swap3A_191 = vector.load %arg131[%swap3A_189, %swap3A_190] : memref<128x64xf32, #tpu.memory_space<vmem>>, vector<1x64xf32>
    tpu.vector_store %arg131[%swap3A_189, %swap3A_190], %get3A_188 {strides = array<i32>} : memref<128x64xf32, #tpu.memory_space<vmem>>, vector<1x64xf32>,
    %mul3A_192 = arith.constant 128 : i32
    %mul3A_193 = arith.muli %arg0, %mul3A_192 : i32
    %add3A_194 = arith.constant 14 : i32
    %add3A_195 = arith.addi %mul3A_193, %add3A_194 : i32
    %get3A_196 = arith.index_cast %add3A_195 : i32 to index
    %get3A_197 = memref.load %arg2[%get3A_196] : memref<1024xi32, #tpu.memory_space<smem>>
    %get3A_198 = arith.constant 0 : index
    %get3A_199 = arith.index_cast %get3A_197 : i32 to index
    %get3A_200 = arith.constant 0 : index
    %get3A_201 = vector.load %arg17[%get3A_198, %get3A_199, %get3A_200] : memref<1x8x64xf32, #tpu.memory_space<vmem>>, vector<1x1x64xf32>
    %get3A_202 = vector.shape_cast %get3A_201 : vector<1x1x64xf32> to vector<1x64xf32>
    %swap3A_203 = arith.constant 14 : index
    %swap3A_204 = arith.constant 0 : index
    %swap3A_205 = vector.load %arg131[%swap3A_203, %swap3A_204] : memref<128x64xf32, #tpu.memory_space<vmem>>, vector<1x64xf32>
    tpu.vector_store %arg131[%swap3A_203, %swap3A_204], %get3A_202 {strides = array<i32>} : memref<128x64xf32, #tpu.memory_space<vmem>>, vector<1x64xf32>,
    %mul3A_206 = arith.constant 128 : i32
    %mul3A_207 = arith.muli %arg0, %mul3A_206 : i32
    %add3A_208 = arith.constant 15 : i32
    %add3A_209 = arith.addi %mul3A_207, %add3A_208 : i32
    %get3A_210 = arith.index_cast %add3A_209 : i32 to index
    %get3A_211 = memref.load %arg2[%get3A_210] : memref<1024xi32, #tpu.memory_space<smem>>
    %get3A_212 = arith.constant 0 : index
    %get3A_213 = arith.index_cast %get3A_211 : i32 to index
    %get3A_214 = arith.constant 0 : index
    %get3A_215 = vector.load %arg18[%get3A_212, %get3A_213, %get3A_214] : memref<1x8x64xf32, #tpu.memory_space<vmem>>, vector<1x1x64xf32>
    %get3A_216 = vector.shape_cast %get3A_215 : vector<1x1x64xf32> to vector<1x64xf32>
    %swap3A_217 = arith.constant 15 : index
    %swap3A_218 = arith.constant 0 : index
    %swap3A_219 = vector.load %arg131[%swap3A_217, %swap3A_218] : memref<128x64xf32, #tpu.memory_space<vmem>>, vector<1x64xf32>
    tpu.vector_store %arg131[%swap3A_217, %swap3A_218], %get3A_216 {strides = array<i32>} : memref<128x64xf32, #tpu.memory_space<vmem>>, vector<1x64xf32>,
    %mul3A_220 = arith.constant 128 : i32
    %mul3A_221 = arith.muli %arg0, %mul3A_220 : i32
    %add3A_222 = arith.constant 16 : i32
    %add3A_223 = arith.addi %mul3A_221, %add3A_222 : i32
    %get3A_224 = arith.index_cast %add3A_223 : i32 to index
    %get3A_225 = memref.load %arg2[%get3A_224] : memref<1024xi32, #tpu.memory_space<smem>>
    %get3A_226 = arith.constant 0 : index
    %get3A_227 = arith.index_cast %get3A_225 : i32 to index
    %get3A_228 = arith.constant 0 : index
    %get3A_229 = vector.load %arg19[%get3A_226, %get3A_227, %get3A_228] : memref<1x8x64xf32, #tpu.memory_space<vmem>>, vector<1x1x64xf32>
    %get3A_230 = vector.shape_cast %get3A_229 : vector<1x1x64xf32> to vector<1x64xf32>
    %swap3A_231 = arith.constant 16 : index
    %swap3A_232 = arith.constant 0 : index
    %swap3A_233 = vector.load %arg131[%swap3A_231, %swap3A_232] : memref<128x64xf32, #tpu.memory_space<vmem>>, vector<1x64xf32>
    tpu.vector_store %arg131[%swap3A_231, %swap3A_232], %get3A_230 {strides = array<i32>} : memref<128x64xf32, #tpu.memory_space<vmem>>, vector<1x64xf32>,
    %mul3A_234 = arith.constant 128 : i32
    %mul3A_235 = arith.muli %arg0, %mul3A_234 : i32
    %add3A_236 = arith.constant 17 : i32
    %add3A_237 = arith.addi %mul3A_235, %add3A_236 : i32
    %get3A_238 = arith.index_cast %add3A_237 : i32 to index
    %get3A_239 = memref.load %arg2[%get3A_238] : memref<1024xi32, #tpu.memory_space<smem>>
    %get3A_240 = arith.constant 0 : index
    %get3A_241 = arith.index_cast %get3A_239 : i32 to index
    %get3A_242 = arith.constant 0 : index
    %get3A_243 = vector.load %arg20[%get3A_240, %get3A_241, %get3A_242] : memref<1x8x64xf32, #tpu.memory_space<vmem>>, vector<1x1x64xf32>
    %get3A_244 = vector.shape_cast %get3A_243 : vector<1x1x64xf32> to vector<1x64xf32>
    %swap3A_245 = arith.constant 17 : index
    %swap3A_246 = arith.constant 0 : index
    %swap3A_247 = vector.load %arg131[%swap3A_245, %swap3A_246] : memref<128x64xf32, #tpu.memory_space<vmem>>, vector<1x64xf32>
    tpu.vector_store %arg131[%swap3A_245, %swap3A_246], %get3A_244 {strides = array<i32>} : memref<128x64xf32, #tpu.memory_space<vmem>>, vector<1x64xf32>,
    %mul3A_248 = arith.constant 128 : i32
    %mul3A_249 = arith.muli %arg0, %mul3A_248 : i32
    %add3A_250 = arith.constant 18 : i32
    %add3A_251 = arith.addi %mul3A_249, %add3A_250 : i32
    %get3A_252 = arith.index_cast %add3A_251 : i32 to index
    %get3A_253 = memref.load %arg2[%get3A_252] : memref<1024xi32, #tpu.memory_space<smem>>
    %get3A_254 = arith.constant 0 : index
    %get3A_255 = arith.index_cast %get3A_253 : i32 to index
    %get3A_256 = arith.constant 0 : index
    %get3A_257 = vector.load %arg21[%get3A_254, %get3A_255, %get3A_256] : memref<1x8x64xf32, #tpu.memory_space<vmem>>, vector<1x1x64xf32>
    %get3A_258 = vector.shape_cast %get3A_257 : vector<1x1x64xf32> to vector<1x64xf32>
    %swap3A_259 = arith.constant 18 : index
    %swap3A_260 = arith.constant 0 : index
    %swap3A_261 = vector.load %arg131[%swap3A_259, %swap3A_260] : memref<128x64xf32, #tpu.memory_space<vmem>>, vector<1x64xf32>
    tpu.vector_store %arg131[%swap3A_259, %swap3A_260], %get3A_258 {strides = array<i32>} : memref<128x64xf32, #tpu.memory_space<vmem>>, vector<1x64xf32>,
    %mul3A_262 = arith.constant 128 : i32
    %mul3A_263 = arith.muli %arg0, %mul3A_262 : i32
    %add3A_264 = arith.constant 19 : i32
    %add3A_265 = arith.addi %mul3A_263, %add3A_264 : i32
    %get3A_266 = arith.index_cast %add3A_265 : i32 to index
    %get3A_267 = memref.load %arg2[%get3A_266] : memref<1024xi32, #tpu.memory_space<smem>>
    %get3A_268 = arith.constant 0 : index
    %get3A_269 = arith.index_cast %get3A_267 : i32 to index
    %get3A_270 = arith.constant 0 : index
    %get3A_271 = vector.load %arg22[%get3A_268, %get3A_269, %get3A_270] : memref<1x8x64xf32, #tpu.memory_space<vmem>>, vector<1x1x64xf32>
    %get3A_272 = vector.shape_cast %get3A_271 : vector<1x1x64xf32> to vector<1x64xf32>
    %swap3A_273 = arith.constant 19 : index
    %swap3A_274 = arith.constant 0 : index
    %swap3A_275 = vector.load %arg131[%swap3A_273, %swap3A_274] : memref<128x64xf32, #tpu.memory_space<vmem>>, vector<1x64xf32>
    tpu.vector_store %arg131[%swap3A_273, %swap3A_274], %get3A_272 {strides = array<i32>} : memref<128x64xf32, #tpu.memory_space<vmem>>, vector<1x64xf32>,
    %mul3A_276 = arith.constant 128 : i32
    %mul3A_277 = arith.muli %arg0, %mul3A_276 : i32
    %add3A_278 = arith.constant 20 : i32
    %add3A_279 = arith.addi %mul3A_277, %add3A_278 : i32
    %get3A_280 = arith.index_cast %add3A_279 : i32 to index
    %get3A_281 = memref.load %arg2[%get3A_280] : memref<1024xi32, #tpu.memory_space<smem>>
    %get3A_282 = arith.constant 0 : index
    %get3A_283 = arith.index_cast %get3A_281 : i32 to index
    %get3A_284 = arith.constant 0 : index
    %get3A_285 = vector.load %arg23[%get3A_282, %get3A_283, %get3A_284] : memref<1x8x64xf32, #tpu.memory_space<vmem>>, vector<1x1x64xf32>
    %get3A_286 = vector.shape_cast %get3A_285 : vector<1x1x64xf32> to vector<1x64xf32>
    %swap3A_287 = arith.constant 20 : index
    %swap3A_288 = arith.constant 0 : index
    %swap3A_289 = vector.load %arg131[%swap3A_287, %swap3A_288] : memref<128x64xf32, #tpu.memory_space<vmem>>, vector<1x64xf32>
    tpu.vector_store %arg131[%swap3A_287, %swap3A_288], %get3A_286 {strides = array<i32>} : memref<128x64xf32, #tpu.memory_space<vmem>>, vector<1x64xf32>,
    %mul3A_290 = arith.constant 128 : i32
    %mul3A_291 = arith.muli %arg0, %mul3A_290 : i32
    %add3A_292 = arith.constant 21 : i32
    %add3A_293 = arith.addi %mul3A_291, %add3A_292 : i32
    %get3A_294 = arith.index_cast %add3A_293 : i32 to index
    %get3A_295 = memref.load %arg2[%get3A_294] : memref<1024xi32, #tpu.memory_space<smem>>
    %get3A_296 = arith.constant 0 : index
    %get3A_297 = arith.index_cast %get3A_295 : i32 to index
    %get3A_298 = arith.constant 0 : index
    %get3A_299 = vector.load %arg24[%get3A_296, %get3A_297, %get3A_298] : memref<1x8x64xf32, #tpu.memory_space<vmem>>, vector<1x1x64xf32>
    %get3A_300 = vector.shape_cast %get3A_299 : vector<1x1x64xf32> to vector<1x64xf32>
    %swap3A_301 = arith.constant 21 : index
    %swap3A_302 = arith.constant 0 : index
    %swap3A_303 = vector.load %arg131[%swap3A_301, %swap3A_302] : memref<128x64xf32, #tpu.memory_space<vmem>>, vector<1x64xf32>
    tpu.vector_store %arg131[%swap3A_301, %swap3A_302], %get3A_300 {strides = array<i32>} : memref<128x64xf32, #tpu.memory_space<vmem>>, vector<1x64xf32>,
    %mul3A_304 = arith.constant 128 : i32
    %mul3A_305 = arith.muli %arg0, %mul3A_304 : i32
    %add3A_306 = arith.constant 22 : i32
    %add3A_307 = arith.addi %mul3A_305, %add3A_306 : i32
    %get3A_308 = arith.index_cast %add3A_307 : i32 to index
    %get3A_309 = memref.load %arg2[%get3A_308] : memref<1024xi32, #tpu.memory_space<smem>>
    %get3A_310 = arith.constant 0 : index
    %get3A_311 = arith.index_cast %get3A_309 : i32 to index
    %get3A_312 = arith.constant 0 : index
    %get3A_313 = vector.load %arg25[%get3A_310, %get3A_311, %get3A_312] : memref<1x8x64xf32, #tpu.memory_space<vmem>>, vector<1x1x64xf32>
    %get3A_314 = vector.shape_cast %get3A_313 : vector<1x1x64xf32> to vector<1x64xf32>
    %swap3A_315 = arith.constant 22 : index
    %swap3A_316 = arith.constant 0 : index
    %swap3A_317 = vector.load %arg131[%swap3A_315, %swap3A_316] : memref<128x64xf32, #tpu.memory_space<vmem>>, vector<1x64xf32>
    tpu.vector_store %arg131[%swap3A_315, %swap3A_316], %get3A_314 {strides = array<i32>} : memref<128x64xf32, #tpu.memory_space<vmem>>, vector<1x64xf32>,
    %mul3A_318 = arith.constant 128 : i32
    %mul3A_319 = arith.muli %arg0, %mul3A_318 : i32
    %add3A_320 = arith.constant 23 : i32
    %add3A_321 = arith.addi %mul3A_319, %add3A_320 : i32
    %get3A_322 = arith.index_cast %add3A_321 : i32 to index
    %get3A_323 = memref.load %arg2[%get3A_322] : memref<1024xi32, #tpu.memory_space<smem>>
    %get3A_324 = arith.constant 0 : index
    %get3A_325 = arith.index_cast %get3A_323 : i32 to index
    %get3A_326 = arith.constant 0 : index
    %get3A_327 = vector.load %arg26[%get3A_324, %get3A_325, %get3A_326] : memref<1x8x64xf32, #tpu.memory_space<vmem>>, vector<1x1x64xf32>
    %get3A_328 = vector.shape_cast %get3A_327 : vector<1x1x64xf32> to vector<1x64xf32>
    %swap3A_329 = arith.constant 23 : index
    %swap3A_330 = arith.constant 0 : index
    %swap3A_331 = vector.load %arg131[%swap3A_329, %swap3A_330] : memref<128x64xf32, #tpu.memory_space<vmem>>, vector<1x64xf32>
    tpu.vector_store %arg131[%swap3A_329, %swap3A_330], %get3A_328 {strides = array<i32>} : memref<128x64xf32, #tpu.memory_space<vmem>>, vector<1x64xf32>,
    %mul3A_332 = arith.constant 128 : i32
    %mul3A_333 = arith.muli %arg0, %mul3A_332 : i32
    %add3A_334 = arith.constant 24 : i32
    %add3A_335 = arith.addi %mul3A_333, %add3A_334 : i32
    %get3A_336 = arith.index_cast %add3A_335 : i32 to index
    %get3A_337 = memref.load %arg2[%get3A_336] : memref<1024xi32, #tpu.memory_space<smem>>
    %get3A_338 = arith.constant 0 : index
    %get3A_339 = arith.index_cast %get3A_337 : i32 to index
    %get3A_340 = arith.constant 0 : index
    %get3A_341 = vector.load %arg27[%get3A_338, %get3A_339, %get3A_340] : memref<1x8x64xf32, #tpu.memory_space<vmem>>, vector<1x1x64xf32>
    %get3A_342 = vector.shape_cast %get3A_341 : vector<1x1x64xf32> to vector<1x64xf32>
    %swap3A_343 = arith.constant 24 : index
    %swap3A_344 = arith.constant 0 : index
    %swap3A_345 = vector.load %arg131[%swap3A_343, %swap3A_344] : memref<128x64xf32, #tpu.memory_space<vmem>>, vector<1x64xf32>
    tpu.vector_store %arg131[%swap3A_343, %swap3A_344], %get3A_342 {strides = array<i32>} : memref<128x64xf32, #tpu.memory_space<vmem>>, vector<1x64xf32>,
    %mul3A_346 = arith.constant 128 : i32
    %mul3A_347 = arith.muli %arg0, %mul3A_346 : i32
    %add3A_348 = arith.constant 25 : i32
    %add3A_349 = arith.addi %mul3A_347, %add3A_348 : i32
    %get3A_350 = arith.index_cast %add3A_349 : i32 to index
    %get3A_351 = memref.load %arg2[%get3A_350] : memref<1024xi32, #tpu.memory_space<smem>>
    %get3A_352 = arith.constant 0 : index
    %get3A_353 = arith.index_cast %get3A_351 : i32 to index
    %get3A_354 = arith.constant 0 : index
    %get3A_355 = vector.load %arg28[%get3A_352, %get3A_353, %get3A_354] : memref<1x8x64xf32, #tpu.memory_space<vmem>>, vector<1x1x64xf32>
    %get3A_356 = vector.shape_cast %get3A_355 : vector<1x1x64xf32> to vector<1x64xf32>
    %swap3A_357 = arith.constant 25 : index
    %swap3A_358 = arith.constant 0 : index
    %swap3A_359 = vector.load %arg131[%swap3A_357, %swap3A_358] : memref<128x64xf32, #tpu.memory_space<vmem>>, vector<1x64xf32>
    tpu.vector_store %arg131[%swap3A_357, %swap3A_358], %get3A_356 {strides = array<i32>} : memref<128x64xf32, #tpu.memory_space<vmem>>, vector<1x64xf32>,
    %mul3A_360 = arith.constant 128 : i32
    %mul3A_361 = arith.muli %arg0, %mul3A_360 : i32
    %add3A_362 = arith.constant 26 : i32
    %add3A_363 = arith.addi %mul3A_361, %add3A_362 : i32
    %get3A_364 = arith.index_cast %add3A_363 : i32 to index
    %get3A_365 = memref.load %arg2[%get3A_364] : memref<1024xi32, #tpu.memory_space<smem>>
    %get3A_366 = arith.constant 0 : index
    %get3A_367 = arith.index_cast %get3A_365 : i32 to index
    %get3A_368 = arith.constant 0 : index
    %get3A_369 = vector.load %arg29[%get3A_366, %get3A_367, %get3A_368] : memref<1x8x64xf32, #tpu.memory_space<vmem>>, vector<1x1x64xf32>
    %get3A_370 = vector.shape_cast %get3A_369 : vector<1x1x64xf32> to vector<1x64xf32>
    %swap3A_371 = arith.constant 26 : index
    %swap3A_372 = arith.constant 0 : index
    %swap3A_373 = vector.load %arg131[%swap3A_371, %swap3A_372] : memref<128x64xf32, #tpu.memory_space<vmem>>, vector<1x64xf32>
    tpu.vector_store %arg131[%swap3A_371, %swap3A_372], %get3A_370 {strides = array<i32>} : memref<128x64xf32, #tpu.memory_space<vmem>>, vector<1x64xf32>,
    %mul3A_374 = arith.constant 128 : i32
    %mul3A_375 = arith.muli %arg0, %mul3A_374 : i32
    %add3A_376 = arith.constant 27 : i32
    %add3A_377 = arith.addi %mul3A_375, %add3A_376 : i32
    %get3A_378 = arith.index_cast %add3A_377 : i32 to index
    %get3A_379 = memref.load %arg2[%get3A_378] : memref<1024xi32, #tpu.memory_space<smem>>
    %get3A_380 = arith.constant 0 : index
    %get3A_381 = arith.index_cast %get3A_379 : i32 to index
    %get3A_382 = arith.constant 0 : index
    %get3A_383 = vector.load %arg30[%get3A_380, %get3A_381, %get3A_382] : memref<1x8x64xf32, #tpu.memory_space<vmem>>, vector<1x1x64xf32>
    %get3A_384 = vector.shape_cast %get3A_383 : vector<1x1x64xf32> to vector<1x64xf32>
    %swap3A_385 = arith.constant 27 : index
    %swap3A_386 = arith.constant 0 : index
    %swap3A_387 = vector.load %arg131[%swap3A_385, %swap3A_386] : memref<128x64xf32, #tpu.memory_space<vmem>>, vector<1x64xf32>
    tpu.vector_store %arg131[%swap3A_385, %swap3A_386], %get3A_384 {strides = array<i32>} : memref<128x64xf32, #tpu.memory_space<vmem>>, vector<1x64xf32>,
    %mul3A_388 = arith.constant 128 : i32
    %mul3A_389 = arith.muli %arg0, %mul3A_388 : i32
    %add3A_390 = arith.constant 28 : i32
    %add3A_391 = arith.addi %mul3A_389, %add3A_390 : i32
    %get3A_392 = arith.index_cast %add3A_391 : i32 to index
    %get3A_393 = memref.load %arg2[%get3A_392] : memref<1024xi32, #tpu.memory_space<smem>>
    %get3A_394 = arith.constant 0 : index
    %get3A_395 = arith.index_cast %get3A_393 : i32 to index
    %get3A_396 = arith.constant 0 : index
    %get3A_397 = vector.load %arg31[%get3A_394, %get3A_395, %get3A_396] : memref<1x8x64xf32, #tpu.memory_space<vmem>>, vector<1x1x64xf32>
    %get3A_398 = vector.shape_cast %get3A_397 : vector<1x1x64xf32> to vector<1x64xf32>
    %swap3A_399 = arith.constant 28 : index
    %swap3A_400 = arith.constant 0 : index
    %swap3A_401 = vector.load %arg131[%swap3A_399, %swap3A_400] : memref<128x64xf32, #tpu.memory_space<vmem>>, vector<1x64xf32>
    tpu.vector_store %arg131[%swap3A_399, %swap3A_400], %get3A_398 {strides = array<i32>} : memref<128x64xf32, #tpu.memory_space<vmem>>, vector<1x64xf32>,
    %mul3A_402 = arith.constant 128 : i32
    %mul3A_403 = arith.muli %arg0, %mul3A_402 : i32
    %add3A_404 = arith.constant 29 : i32
    %add3A_405 = arith.addi %mul3A_403, %add3A_404 : i32
    %get3A_406 = arith.index_cast %add3A_405 : i32 to index
    %get3A_407 = memref.load %arg2[%get3A_406] : memref<1024xi32, #tpu.memory_space<smem>>
    %get3A_408 = arith.constant 0 : index
    %get3A_409 = arith.index_cast %get3A_407 : i32 to index
    %get3A_410 = arith.constant 0 : index
    %get3A_411 = vector.load %arg32[%get3A_408, %get3A_409, %get3A_410] : memref<1x8x64xf32, #tpu.memory_space<vmem>>, vector<1x1x64xf32>
    %get3A_412 = vector.shape_cast %get3A_411 : vector<1x1x64xf32> to vector<1x64xf32>
    %swap3A_413 = arith.constant 29 : index
    %swap3A_414 = arith.constant 0 : index
    %swap3A_415 = vector.load %arg131[%swap3A_413, %swap3A_414] : memref<128x64xf32, #tpu.memory_space<vmem>>, vector<1x64xf32>
    tpu.vector_store %arg131[%swap3A_413, %swap3A_414], %get3A_412 {strides = array<i32>} : memref<128x64xf32, #tpu.memory_space<vmem>>, vector<1x64xf32>,
    %mul3A_416 = arith.constant 128 : i32
    %mul3A_417 = arith.muli %arg0, %mul3A_416 : i32
    %add3A_418 = arith.constant 30 : i32
    %add3A_419 = arith.addi %mul3A_417, %add3A_418 : i32
    %get3A_420 = arith.index_cast %add3A_419 : i32 to index
    %get3A_421 = memref.load %arg2[%get3A_420] : memref<1024xi32, #tpu.memory_space<smem>>
    %get3A_422 = arith.constant 0 : index
    %get3A_423 = arith.index_cast %get3A_421 : i32 to index
    %get3A_424 = arith.constant 0 : index
    %get3A_425 = vector.load %arg33[%get3A_422, %get3A_423, %get3A_424] : memref<1x8x64xf32, #tpu.memory_space<vmem>>, vector<1x1x64xf32>
    %get3A_426 = vector.shape_cast %get3A_425 : vector<1x1x64xf32> to vector<1x64xf32>
    %swap3A_427 = arith.constant 30 : index
    %swap3A_428 = arith.constant 0 : index
    %swap3A_429 = vector.load %arg131[%swap3A_427, %swap3A_428] : memref<128x64xf32, #tpu.memory_space<vmem>>, vector<1x64xf32>
    tpu.vector_store %arg131[%swap3A_427, %swap3A_428], %get3A_426 {strides = array<i32>} : memref<128x64xf32, #tpu.memory_space<vmem>>, vector<1x64xf32>,
    %mul3A_430 = arith.constant 128 : i32
    %mul3A_431 = arith.muli %arg0, %mul3A_430 : i32
    %add3A_432 = arith.constant 31 : i32
    %add3A_433 = arith.addi %mul3A_431, %add3A_432 : i32
    %get3A_434 = arith.index_cast %add3A_433 : i32 to index
    %get3A_435 = memref.load %arg2[%get3A_434] : memref<1024xi32, #tpu.memory_space<smem>>
    %get3A_436 = arith.constant 0 : index
    %get3A_437 = arith.index_cast %get3A_435 : i32 to index
    %get3A_438 = arith.constant 0 : index
    %get3A_439 = vector.load %arg34[%get3A_436, %get3A_437, %get3A_438] : memref<1x8x64xf32, #tpu.memory_space<vmem>>, vector<1x1x64xf32>
    %get3A_440 = vector.shape_cast %get3A_439 : vector<1x1x64xf32> to vector<1x64xf32>
    %swap3A_441 = arith.constant 31 : index
    %swap3A_442 = arith.constant 0 : index
    %swap3A_443 = vector.load %arg131[%swap3A_441, %swap3A_442] : memref<128x64xf32, #tpu.memory_space<vmem>>, vector<1x64xf32>
    tpu.vector_store %arg131[%swap3A_441, %swap3A_442], %get3A_440 {strides = array<i32>} : memref<128x64xf32, #tpu.memory_space<vmem>>, vector<1x64xf32>,
    %mul3A_444 = arith.constant 128 : i32
    %mul3A_445 = arith.muli %arg0, %mul3A_444 : i32
    %add3A_446 = arith.constant 32 : i32
    %add3A_447 = arith.addi %mul3A_445, %add3A_446 : i32
    %get3A_448 = arith.index_cast %add3A_447 : i32 to index
    %get3A_449 = memref.load %arg2[%get3A_448] : memref<1024xi32, #tpu.memory_space<smem>>
    %get3A_450 = arith.constant 0 : index
    %get3A_451 = arith.index_cast %get3A_449 : i32 to index
    %get3A_452 = arith.constant 0 : index
    %get3A_453 = vector.load %arg35[%get3A_450, %get3A_451, %get3A_452] : memref<1x8x64xf32, #tpu.memory_space<vmem>>, vector<1x1x64xf32>
    %get3A_454 = vector.shape_cast %get3A_453 : vector<1x1x64xf32> to vector<1x64xf32>
    %swap3A_455 = arith.constant 32 : index
    %swap3A_456 = arith.constant 0 : index
    %swap3A_457 = vector.load %arg131[%swap3A_455, %swap3A_456] : memref<128x64xf32, #tpu.memory_space<vmem>>, vector<1x64xf32>
    tpu.vector_store %arg131[%swap3A_455, %swap3A_456], %get3A_454 {strides = array<i32>} : memref<128x64xf32, #tpu.memory_space<vmem>>, vector<1x64xf32>,
    %mul3A_458 = arith.constant 128 : i32
    %mul3A_459 = arith.muli %arg0, %mul3A_458 : i32
    %add3A_460 = arith.constant 33 : i32
    %add3A_461 = arith.addi %mul3A_459, %add3A_460 : i32
    %get3A_462 = arith.index_cast %add3A_461 : i32 to index
    %get3A_463 = memref.load %arg2[%get3A_462] : memref<1024xi32, #tpu.memory_space<smem>>
    %get3A_464 = arith.constant 0 : index
    %get3A_465 = arith.index_cast %get3A_463 : i32 to index
    %get3A_466 = arith.constant 0 : index
    %get3A_467 = vector.load %arg36[%get3A_464, %get3A_465, %get3A_466] : memref<1x8x64xf32, #tpu.memory_space<vmem>>, vector<1x1x64xf32>
    %get3A_468 = vector.shape_cast %get3A_467 : vector<1x1x64xf32> to vector<1x64xf32>
    %swap3A_469 = arith.constant 33 : index
    %swap3A_470 = arith.constant 0 : index
    %swap3A_471 = vector.load %arg131[%swap3A_469, %swap3A_470] : memref<128x64xf32, #tpu.memory_space<vmem>>, vector<1x64xf32>
    tpu.vector_store %arg131[%swap3A_469, %swap3A_470], %get3A_468 {strides = array<i32>} : memref<128x64xf32, #tpu.memory_space<vmem>>, vector<1x64xf32>,
    %mul3A_472 = arith.constant 128 : i32
    %mul3A_473 = arith.muli %arg0, %mul3A_472 : i32
    %add3A_474 = arith.constant 34 : i32
    %add3A_475 = arith.addi %mul3A_473, %add3A_474 : i32
    %get3A_476 = arith.index_cast %add3A_475 : i32 to index
    %get3A_477 = memref.load %arg2[%get3A_476] : memref<1024xi32, #tpu.memory_space<smem>>
    %get3A_478 = arith.constant 0 : index
    %get3A_479 = arith.index_cast %get3A_477 : i32 to index
    %get3A_480 = arith.constant 0 : index
    %get3A_481 = vector.load %arg37[%get3A_478, %get3A_479, %get3A_480] : memref<1x8x64xf32, #tpu.memory_space<vmem>>, vector<1x1x64xf32>
    %get3A_482 = vector.shape_cast %get3A_481 : vector<1x1x64xf32> to vector<1x64xf32>
    %swap3A_483 = arith.constant 34 : index
    %swap3A_484 = arith.constant 0 : index
    %swap3A_485 = vector.load %arg131[%swap3A_483, %swap3A_484] : memref<128x64xf32, #tpu.memory_space<vmem>>, vector<1x64xf32>
    tpu.vector_store %arg131[%swap3A_483, %swap3A_484], %get3A_482 {strides = array<i32>} : memref<128x64xf32, #tpu.memory_space<vmem>>, vector<1x64xf32>,
    %mul3A_486 = arith.constant 128 : i32
    %mul3A_487 = arith.muli %arg0, %mul3A_486 : i32
    %add3A_488 = arith.constant 35 : i32
    %add3A_489 = arith.addi %mul3A_487, %add3A_488 : i32
    %get3A_490 = arith.index_cast %add3A_489 : i32 to index
    %get3A_491 = memref.load %arg2[%get3A_490] : memref<1024xi32, #tpu.memory_space<smem>>
    %get3A_492 = arith.constant 0 : index
    %get3A_493 = arith.index_cast %get3A_491 : i32 to index
    %get3A_494 = arith.constant 0 : index
    %get3A_495 = vector.load %arg38[%get3A_492, %get3A_493, %get3A_494] : memref<1x8x64xf32, #tpu.memory_space<vmem>>, vector<1x1x64xf32>
    %get3A_496 = vector.shape_cast %get3A_495 : vector<1x1x64xf32> to vector<1x64xf32>
    %swap3A_497 = arith.constant 35 : index
    %swap3A_498 = arith.constant 0 : index
    %swap3A_499 = vector.load %arg131[%swap3A_497, %swap3A_498] : memref<128x64xf32, #tpu.memory_space<vmem>>, vector<1x64xf32>
    tpu.vector_store %arg131[%swap3A_497, %swap3A_498], %get3A_496 {strides = array<i32>} : memref<128x64xf32, #tpu.memory_space<vmem>>, vector<1x64xf32>,
    %mul3A_500 = arith.constant 128 : i32
    %mul3A_501 = arith.muli %arg0, %mul3A_500 : i32
    %add3A_502 = arith.constant 36 : i32
    %add3A_503 = arith.addi %mul3A_501, %add3A_502 : i32
    %get3A_504 = arith.index_cast %add3A_503 : i32 to index
    %get3A_505 = memref.load %arg2[%get3A_504] : memref<1024xi32, #tpu.memory_space<smem>>
    %get3A_506 = arith.constant 0 : index
    %get3A_507 = arith.index_cast %get3A_505 : i32 to index
    %get3A_508 = arith.constant 0 : index
    %get3A_509 = vector.load %arg39[%get3A_506, %get3A_507, %get3A_508] : memref<1x8x64xf32, #tpu.memory_space<vmem>>, vector<1x1x64xf32>
    %get3A_510 = vector.shape_cast %get3A_509 : vector<1x1x64xf32> to vector<1x64xf32>
    %swap3A_511 = arith.constant 36 : index
    %swap3A_512 = arith.constant 0 : index
    %swap3A_513 = vector.load %arg131[%swap3A_511, %swap3A_512] : memref<128x64xf32, #tpu.memory_space<vmem>>, vector<1x64xf32>
    tpu.vector_store %arg131[%swap3A_511, %swap3A_512], %get3A_510 {strides = array<i32>} : memref<128x64xf32, #tpu.memory_space<vmem>>, vector<1x64xf32>,
    %mul3A_514 = arith.constant 128 : i32
    %mul3A_515 = arith.muli %arg0, %mul3A_514 : i32
    %add3A_516 = arith.constant 37 : i32
    %add3A_517 = arith.addi %mul3A_515, %add3A_516 : i32
    %get3A_518 = arith.index_cast %add3A_517 : i32 to index
    %get3A_519 = memref.load %arg2[%get3A_518] : memref<1024xi32, #tpu.memory_space<smem>>
    %get3A_520 = arith.constant 0 : index
    %get3A_521 = arith.index_cast %get3A_519 : i32 to index
    %get3A_522 = arith.constant 0 : index
    %get3A_523 = vector.load %arg40[%get3A_520, %get3A_521, %get3A_522] : memref<1x8x64xf32, #tpu.memory_space<vmem>>, vector<1x1x64xf32>
    %get3A_524 = vector.shape_cast %get3A_523 : vector<1x1x64xf32> to vector<1x64xf32>
    %swap3A_525 = arith.constant 37 : index
    %swap3A_526 = arith.constant 0 : index
    %swap3A_527 = vector.load %arg131[%swap3A_525, %swap3A_526] : memref<128x64xf32, #tpu.memory_space<vmem>>, vector<1x64xf32>
    tpu.vector_store %arg131[%swap3A_525, %swap3A_526], %get3A_524 {strides = array<i32>} : memref<128x64xf32, #tpu.memory_space<vmem>>, vector<1x64xf32>,
    %mul3A_528 = arith.constant 128 : i32
    %mul3A_529 = arith.muli %arg0, %mul3A_528 : i32
    %add3A_530 = arith.constant 38 : i32
    %add3A_531 = arith.addi %mul3A_529, %add3A_530 : i32
    %get3A_532 = arith.index_cast %add3A_531 : i32 to index
    %get3A_533 = memref.load %arg2[%get3A_532] : memref<1024xi32, #tpu.memory_space<smem>>
    %get3A_534 = arith.constant 0 : index
    %get3A_535 = arith.index_cast %get3A_533 : i32 to index
    %get3A_536 = arith.constant 0 : index
    %get3A_537 = vector.load %arg41[%get3A_534, %get3A_535, %get3A_536] : memref<1x8x64xf32, #tpu.memory_space<vmem>>, vector<1x1x64xf32>
    %get3A_538 = vector.shape_cast %get3A_537 : vector<1x1x64xf32> to vector<1x64xf32>
    %swap3A_539 = arith.constant 38 : index
    %swap3A_540 = arith.constant 0 : index
    %swap3A_541 = vector.load %arg131[%swap3A_539, %swap3A_540] : memref<128x64xf32, #tpu.memory_space<vmem>>, vector<1x64xf32>
    tpu.vector_store %arg131[%swap3A_539, %swap3A_540], %get3A_538 {strides = array<i32>} : memref<128x64xf32, #tpu.memory_space<vmem>>, vector<1x64xf32>,
    %mul3A_542 = arith.constant 128 : i32
    %mul3A_543 = arith.muli %arg0, %mul3A_542 : i32
    %add3A_544 = arith.constant 39 : i32
    %add3A_545 = arith.addi %mul3A_543, %add3A_544 : i32
    %get3A_546 = arith.index_cast %add3A_545 : i32 to index
    %get3A_547 = memref.load %arg2[%get3A_546] : memref<1024xi32, #tpu.memory_space<smem>>
    %get3A_548 = arith.constant 0 : index
    %get3A_549 = arith.index_cast %get3A_547 : i32 to index
    %get3A_550 = arith.constant 0 : index
    %get3A_551 = vector.load %arg42[%get3A_548, %get3A_549, %get3A_550] : memref<1x8x64xf32, #tpu.memory_space<vmem>>, vector<1x1x64xf32>
    %get3A_552 = vector.shape_cast %get3A_551 : vector<1x1x64xf32> to vector<1x64xf32>
    %swap3A_553 = arith.constant 39 : index
    %swap3A_554 = arith.constant 0 : index
    %swap3A_555 = vector.load %arg131[%swap3A_553, %swap3A_554] : memref<128x64xf32, #tpu.memory_space<vmem>>, vector<1x64xf32>
    tpu.vector_store %arg131[%swap3A_553, %swap3A_554], %get3A_552 {strides = array<i32>} : memref<128x64xf32, #tpu.memory_space<vmem>>, vector<1x64xf32>,
    %mul3A_556 = arith.constant 128 : i32
    %mul3A_557 = arith.muli %arg0, %mul3A_556 : i32
    %add3A_558 = arith.constant 40 : i32
    %add3A_559 = arith.addi %mul3A_557, %add3A_558 : i32
    %get3A_560 = arith.index_cast %add3A_559 : i32 to index
    %get3A_561 = memref.load %arg2[%get3A_560] : memref<1024xi32, #tpu.memory_space<smem>>
    %get3A_562 = arith.constant 0 : index
    %get3A_563 = arith.index_cast %get3A_561 : i32 to index
    %get3A_564 = arith.constant 0 : index
    %get3A_565 = vector.load %arg43[%get3A_562, %get3A_563, %get3A_564] : memref<1x8x64xf32, #tpu.memory_space<vmem>>, vector<1x1x64xf32>
    %get3A_566 = vector.shape_cast %get3A_565 : vector<1x1x64xf32> to vector<1x64xf32>
    %swap3A_567 = arith.constant 40 : index
    %swap3A_568 = arith.constant 0 : index
    %swap3A_569 = vector.load %arg131[%swap3A_567, %swap3A_568] : memref<128x64xf32, #tpu.memory_space<vmem>>, vector<1x64xf32>
    tpu.vector_store %arg131[%swap3A_567, %swap3A_568], %get3A_566 {strides = array<i32>} : memref<128x64xf32, #tpu.memory_space<vmem>>, vector<1x64xf32>,
    %mul3A_570 = arith.constant 128 : i32
    %mul3A_571 = arith.muli %arg0, %mul3A_570 : i32
    %add3A_572 = arith.constant 41 : i32
    %add3A_573 = arith.addi %mul3A_571, %add3A_572 : i32
    %get3A_574 = arith.index_cast %add3A_573 : i32 to index
    %get3A_575 = memref.load %arg2[%get3A_574] : memref<1024xi32, #tpu.memory_space<smem>>
    %get3A_576 = arith.constant 0 : index
    %get3A_577 = arith.index_cast %get3A_575 : i32 to index
    %get3A_578 = arith.constant 0 : index
    %get3A_579 = vector.load %arg44[%get3A_576, %get3A_577, %get3A_578] : memref<1x8x64xf32, #tpu.memory_space<vmem>>, vector<1x1x64xf32>
    %get3A_580 = vector.shape_cast %get3A_579 : vector<1x1x64xf32> to vector<1x64xf32>
    %swap3A_581 = arith.constant 41 : index
    %swap3A_582 = arith.constant 0 : index
    %swap3A_583 = vector.load %arg131[%swap3A_581, %swap3A_582] : memref<128x64xf32, #tpu.memory_space<vmem>>, vector<1x64xf32>
    tpu.vector_store %arg131[%swap3A_581, %swap3A_582], %get3A_580 {strides = array<i32>} : memref<128x64xf32, #tpu.memory_space<vmem>>, vector<1x64xf32>,
    %mul3A_584 = arith.constant 128 : i32
    %mul3A_585 = arith.muli %arg0, %mul3A_584 : i32
    %add3A_586 = arith.constant 42 : i32
    %add3A_587 = arith.addi %mul3A_585, %add3A_586 : i32
    %get3A_588 = arith.index_cast %add3A_587 : i32 to index
    %get3A_589 = memref.load %arg2[%get3A_588] : memref<1024xi32, #tpu.memory_space<smem>>
    %get3A_590 = arith.constant 0 : index
    %get3A_591 = arith.index_cast %get3A_589 : i32 to index
    %get3A_592 = arith.constant 0 : index
    %get3A_593 = vector.load %arg45[%get3A_590, %get3A_591, %get3A_592] : memref<1x8x64xf32, #tpu.memory_space<vmem>>, vector<1x1x64xf32>
    %get3A_594 = vector.shape_cast %get3A_593 : vector<1x1x64xf32> to vector<1x64xf32>
    %swap3A_595 = arith.constant 42 : index
    %swap3A_596 = arith.constant 0 : index
    %swap3A_597 = vector.load %arg131[%swap3A_595, %swap3A_596] : memref<128x64xf32, #tpu.memory_space<vmem>>, vector<1x64xf32>
    tpu.vector_store %arg131[%swap3A_595, %swap3A_596], %get3A_594 {strides = array<i32>} : memref<128x64xf32, #tpu.memory_space<vmem>>, vector<1x64xf32>,
    %mul3A_598 = arith.constant 128 : i32
    %mul3A_599 = arith.muli %arg0, %mul3A_598 : i32
    %add3A_600 = arith.constant 43 : i32
    %add3A_601 = arith.addi %mul3A_599, %add3A_600 : i32
    %get3A_602 = arith.index_cast %add3A_601 : i32 to index
    %get3A_603 = memref.load %arg2[%get3A_602] : memref<1024xi32, #tpu.memory_space<smem>>
    %get3A_604 = arith.constant 0 : index
    %get3A_605 = arith.index_cast %get3A_603 : i32 to index
    %get3A_606 = arith.constant 0 : index
    %get3A_607 = vector.load %arg46[%get3A_604, %get3A_605, %get3A_606] : memref<1x8x64xf32, #tpu.memory_space<vmem>>, vector<1x1x64xf32>
    %get3A_608 = vector.shape_cast %get3A_607 : vector<1x1x64xf32> to vector<1x64xf32>
    %swap3A_609 = arith.constant 43 : index
    %swap3A_610 = arith.constant 0 : index
    %swap3A_611 = vector.load %arg131[%swap3A_609, %swap3A_610] : memref<128x64xf32, #tpu.memory_space<vmem>>, vector<1x64xf32>
    tpu.vector_store %arg131[%swap3A_609, %swap3A_610], %get3A_608 {strides = array<i32>} : memref<128x64xf32, #tpu.memory_space<vmem>>, vector<1x64xf32>,
    %mul3A_612 = arith.constant 128 : i32
    %mul3A_613 = arith.muli %arg0, %mul3A_612 : i32
    %add3A_614 = arith.constant 44 : i32
    %add3A_615 = arith.addi %mul3A_613, %add3A_614 : i32
    %get3A_616 = arith.index_cast %add3A_615 : i32 to index
    %get3A_617 = memref.load %arg2[%get3A_616] : memref<1024xi32, #tpu.memory_space<smem>>
    %get3A_618 = arith.constant 0 : index
    %get3A_619 = arith.index_cast %get3A_617 : i32 to index
    %get3A_620 = arith.constant 0 : index
    %get3A_621 = vector.load %arg47[%get3A_618, %get3A_619, %get3A_620] : memref<1x8x64xf32, #tpu.memory_space<vmem>>, vector<1x1x64xf32>
    %get3A_622 = vector.shape_cast %get3A_621 : vector<1x1x64xf32> to vector<1x64xf32>
    %swap3A_623 = arith.constant 44 : index
    %swap3A_624 = arith.constant 0 : index
    %swap3A_625 = vector.load %arg131[%swap3A_623, %swap3A_624] : memref<128x64xf32, #tpu.memory_space<vmem>>, vector<1x64xf32>
    tpu.vector_store %arg131[%swap3A_623, %swap3A_624], %get3A_622 {strides = array<i32>} : memref<128x64xf32, #tpu.memory_space<vmem>>, vector<1x64xf32>,
    %mul3A_626 = arith.constant 128 : i32
    %mul3A_627 = arith.muli %arg0, %mul3A_626 : i32
    %add3A_628 = arith.constant 45 : i32
    %add3A_629 = arith.addi %mul3A_627, %add3A_628 : i32
    %get3A_630 = arith.index_cast %add3A_629 : i32 to index
    %get3A_631 = memref.load %arg2[%get3A_630] : memref<1024xi32, #tpu.memory_space<smem>>
    %get3A_632 = arith.constant 0 : index
    %get3A_633 = arith.index_cast %get3A_631 : i32 to index
    %get3A_634 = arith.constant 0 : index
    %get3A_635 = vector.load %arg48[%get3A_632, %get3A_633, %get3A_634] : memref<1x8x64xf32, #tpu.memory_space<vmem>>, vector<1x1x64xf32>
    %get3A_636 = vector.shape_cast %get3A_635 : vector<1x1x64xf32> to vector<1x64xf32>
    %swap3A_637 = arith.constant 45 : index
    %swap3A_638 = arith.constant 0 : index
    %swap3A_639 = vector.load %arg131[%swap3A_637, %swap3A_638] : memref<128x64xf32, #tpu.memory_space<vmem>>, vector<1x64xf32>
    tpu.vector_store %arg131[%swap3A_637, %swap3A_638], %get3A_636 {strides = array<i32>} : memref<128x64xf32, #tpu.memory_space<vmem>>, vector<1x64xf32>,
    %mul3A_640 = arith.constant 128 : i32
    %mul3A_641 = arith.muli %arg0, %mul3A_640 : i32
    %add3A_642 = arith.constant 46 : i32
    %add3A_643 = arith.addi %mul3A_641, %add3A_642 : i32
    %get3A_644 = arith.index_cast %add3A_643 : i32 to index
    %get3A_645 = memref.load %arg2[%get3A_644] : memref<1024xi32, #tpu.memory_space<smem>>
    %get3A_646 = arith.constant 0 : index
    %get3A_647 = arith.index_cast %get3A_645 : i32 to index
    %get3A_648 = arith.constant 0 : index
    %get3A_649 = vector.load %arg49[%get3A_646, %get3A_647, %get3A_648] : memref<1x8x64xf32, #tpu.memory_space<vmem>>, vector<1x1x64xf32>
    %get3A_650 = vector.shape_cast %get3A_649 : vector<1x1x64xf32> to vector<1x64xf32>
    %swap3A_651 = arith.constant 46 : index
    %swap3A_652 = arith.constant 0 : index
    %swap3A_653 = vector.load %arg131[%swap3A_651, %swap3A_652] : memref<128x64xf32, #tpu.memory_space<vmem>>, vector<1x64xf32>
    tpu.vector_store %arg131[%swap3A_651, %swap3A_652], %get3A_650 {strides = array<i32>} : memref<128x64xf32, #tpu.memory_space<vmem>>, vector<1x64xf32>,
    %mul3A_654 = arith.constant 128 : i32
    %mul3A_655 = arith.muli %arg0, %mul3A_654 : i32
    %add3A_656 = arith.constant 47 : i32
    %add3A_657 = arith.addi %mul3A_655, %add3A_656 : i32
    %get3A_658 = arith.index_cast %add3A_657 : i32 to index
    %get3A_659 = memref.load %arg2[%get3A_658] : memref<1024xi32, #tpu.memory_space<smem>>
    %get3A_660 = arith.constant 0 : index
    %get3A_661 = arith.index_cast %get3A_659 : i32 to index
    %get3A_662 = arith.constant 0 : index
    %get3A_663 = vector.load %arg50[%get3A_660, %get3A_661, %get3A_662] : memref<1x8x64xf32, #tpu.memory_space<vmem>>, vector<1x1x64xf32>
    %get3A_664 = vector.shape_cast %get3A_663 : vector<1x1x64xf32> to vector<1x64xf32>
    %swap3A_665 = arith.constant 47 : index
    %swap3A_666 = arith.constant 0 : index
    %swap3A_667 = vector.load %arg131[%swap3A_665, %swap3A_666] : memref<128x64xf32, #tpu.memory_space<vmem>>, vector<1x64xf32>
    tpu.vector_store %arg131[%swap3A_665, %swap3A_666], %get3A_664 {strides = array<i32>} : memref<128x64xf32, #tpu.memory_space<vmem>>, vector<1x64xf32>,
    %mul3A_668 = arith.constant 128 : i32
    %mul3A_669 = arith.muli %arg0, %mul3A_668 : i32
    %add3A_670 = arith.constant 48 : i32
    %add3A_671 = arith.addi %mul3A_669, %add3A_670 : i32
    %get3A_672 = arith.index_cast %add3A_671 : i32 to index
    %get3A_673 = memref.load %arg2[%get3A_672] : memref<1024xi32, #tpu.memory_space<smem>>
    %get3A_674 = arith.constant 0 : index
    %get3A_675 = arith.index_cast %get3A_673 : i32 to index
    %get3A_676 = arith.constant 0 : index
    %get3A_677 = vector.load %arg51[%get3A_674, %get3A_675, %get3A_676] : memref<1x8x64xf32, #tpu.memory_space<vmem>>, vector<1x1x64xf32>
    %get3A_678 = vector.shape_cast %get3A_677 : vector<1x1x64xf32> to vector<1x64xf32>
    %swap3A_679 = arith.constant 48 : index
    %swap3A_680 = arith.constant 0 : index
    %swap3A_681 = vector.load %arg131[%swap3A_679, %swap3A_680] : memref<128x64xf32, #tpu.memory_space<vmem>>, vector<1x64xf32>
    tpu.vector_store %arg131[%swap3A_679, %swap3A_680], %get3A_678 {strides = array<i32>} : memref<128x64xf32, #tpu.memory_space<vmem>>, vector<1x64xf32>,
    %mul3A_682 = arith.constant 128 : i32
    %mul3A_683 = arith.muli %arg0, %mul3A_682 : i32
    %add3A_684 = arith.constant 49 : i32
    %add3A_685 = arith.addi %mul3A_683, %add3A_684 : i32
    %get3A_686 = arith.index_cast %add3A_685 : i32 to index
    %get3A_687 = memref.load %arg2[%get3A_686] : memref<1024xi32, #tpu.memory_space<smem>>
    %get3A_688 = arith.constant 0 : index
    %get3A_689 = arith.index_cast %get3A_687 : i32 to index
    %get3A_690 = arith.constant 0 : index
    %get3A_691 = vector.load %arg52[%get3A_688, %get3A_689, %get3A_690] : memref<1x8x64xf32, #tpu.memory_space<vmem>>, vector<1x1x64xf32>
    %get3A_692 = vector.shape_cast %get3A_691 : vector<1x1x64xf32> to vector<1x64xf32>
    %swap3A_693 = arith.constant 49 : index
    %swap3A_694 = arith.constant 0 : index
    %swap3A_695 = vector.load %arg131[%swap3A_693, %swap3A_694] : memref<128x64xf32, #tpu.memory_space<vmem>>, vector<1x64xf32>
    tpu.vector_store %arg131[%swap3A_693, %swap3A_694], %get3A_692 {strides = array<i32>} : memref<128x64xf32, #tpu.memory_space<vmem>>, vector<1x64xf32>,
    %mul3A_696 = arith.constant 128 : i32
    %mul3A_697 = arith.muli %arg0, %mul3A_696 : i32
    %add3A_698 = arith.constant 50 : i32
    %add3A_699 = arith.addi %mul3A_697, %add3A_698 : i32
    %get3A_700 = arith.index_cast %add3A_699 : i32 to index
    %get3A_701 = memref.load %arg2[%get3A_700] : memref<1024xi32, #tpu.memory_space<smem>>
    %get3A_702 = arith.constant 0 : index
    %get3A_703 = arith.index_cast %get3A_701 : i32 to index
    %get3A_704 = arith.constant 0 : index
    %get3A_705 = vector.load %arg53[%get3A_702, %get3A_703, %get3A_704] : memref<1x8x64xf32, #tpu.memory_space<vmem>>, vector<1x1x64xf32>
    %get3A_706 = vector.shape_cast %get3A_705 : vector<1x1x64xf32> to vector<1x64xf32>
    %swap3A_707 = arith.constant 50 : index
    %swap3A_708 = arith.constant 0 : index
    %swap3A_709 = vector.load %arg131[%swap3A_707, %swap3A_708] : memref<128x64xf32, #tpu.memory_space<vmem>>, vector<1x64xf32>
    tpu.vector_store %arg131[%swap3A_707, %swap3A_708], %get3A_706 {strides = array<i32>} : memref<128x64xf32, #tpu.memory_space<vmem>>, vector<1x64xf32>,
    %mul3A_710 = arith.constant 128 : i32
    %mul3A_711 = arith.muli %arg0, %mul3A_710 : i32
    %add3A_712 = arith.constant 51 : i32
    %add3A_713 = arith.addi %mul3A_711, %add3A_712 : i32
    %get3A_714 = arith.index_cast %add3A_713 : i32 to index
    %get3A_715 = memref.load %arg2[%get3A_714] : memref<1024xi32, #tpu.memory_space<smem>>
    %get3A_716 = arith.constant 0 : index
    %get3A_717 = arith.index_cast %get3A_715 : i32 to index
    %get3A_718 = arith.constant 0 : index
    %get3A_719 = vector.load %arg54[%get3A_716, %get3A_717, %get3A_718] : memref<1x8x64xf32, #tpu.memory_space<vmem>>, vector<1x1x64xf32>
    %get3A_720 = vector.shape_cast %get3A_719 : vector<1x1x64xf32> to vector<1x64xf32>
    %swap3A_721 = arith.constant 51 : index
    %swap3A_722 = arith.constant 0 : index
    %swap3A_723 = vector.load %arg131[%swap3A_721, %swap3A_722] : memref<128x64xf32, #tpu.memory_space<vmem>>, vector<1x64xf32>
    tpu.vector_store %arg131[%swap3A_721, %swap3A_722], %get3A_720 {strides = array<i32>} : memref<128x64xf32, #tpu.memory_space<vmem>>, vector<1x64xf32>,
    %mul3A_724 = arith.constant 128 : i32
    %mul3A_725 = arith.muli %arg0, %mul3A_724 : i32
    %add3A_726 = arith.constant 52 : i32
    %add3A_727 = arith.addi %mul3A_725, %add3A_726 : i32
    %get3A_728 = arith.index_cast %add3A_727 : i32 to index
    %get3A_729 = memref.load %arg2[%get3A_728] : memref<1024xi32, #tpu.memory_space<smem>>
    %get3A_730 = arith.constant 0 : index
    %get3A_731 = arith.index_cast %get3A_729 : i32 to index
    %get3A_732 = arith.constant 0 : index
    %get3A_733 = vector.load %arg55[%get3A_730, %get3A_731, %get3A_732] : memref<1x8x64xf32, #tpu.memory_space<vmem>>, vector<1x1x64xf32>
    %get3A_734 = vector.shape_cast %get3A_733 : vector<1x1x64xf32> to vector<1x64xf32>
    %swap3A_735 = arith.constant 52 : index
    %swap3A_736 = arith.constant 0 : index
    %swap3A_737 = vector.load %arg131[%swap3A_735, %swap3A_736] : memref<128x64xf32, #tpu.memory_space<vmem>>, vector<1x64xf32>
    tpu.vector_store %arg131[%swap3A_735, %swap3A_736], %get3A_734 {strides = array<i32>} : memref<128x64xf32, #tpu.memory_space<vmem>>, vector<1x64xf32>,
    %mul3A_738 = arith.constant 128 : i32
    %mul3A_739 = arith.muli %arg0, %mul3A_738 : i32
    %add3A_740 = arith.constant 53 : i32
    %add3A_741 = arith.addi %mul3A_739, %add3A_740 : i32
    %get3A_742 = arith.index_cast %add3A_741 : i32 to index
    %get3A_743 = memref.load %arg2[%get3A_742] : memref<1024xi32, #tpu.memory_space<smem>>
    %get3A_744 = arith.constant 0 : index
    %get3A_745 = arith.index_cast %get3A_743 : i32 to index
    %get3A_746 = arith.constant 0 : index
    %get3A_747 = vector.load %arg56[%get3A_744, %get3A_745, %get3A_746] : memref<1x8x64xf32, #tpu.memory_space<vmem>>, vector<1x1x64xf32>
    %get3A_748 = vector.shape_cast %get3A_747 : vector<1x1x64xf32> to vector<1x64xf32>
    %swap3A_749 = arith.constant 53 : index
    %swap3A_750 = arith.constant 0 : index
    %swap3A_751 = vector.load %arg131[%swap3A_749, %swap3A_750] : memref<128x64xf32, #tpu.memory_space<vmem>>, vector<1x64xf32>
    tpu.vector_store %arg131[%swap3A_749, %swap3A_750], %get3A_748 {strides = array<i32>} : memref<128x64xf32, #tpu.memory_space<vmem>>, vector<1x64xf32>,
    %mul3A_752 = arith.constant 128 : i32
    %mul3A_753 = arith.muli %arg0, %mul3A_752 : i32
    %add3A_754 = arith.constant 54 : i32
    %add3A_755 = arith.addi %mul3A_753, %add3A_754 : i32
    %get3A_756 = arith.index_cast %add3A_755 : i32 to index
    %get3A_757 = memref.load %arg2[%get3A_756] : memref<1024xi32, #tpu.memory_space<smem>>
    %get3A_758 = arith.constant 0 : index
    %get3A_759 = arith.index_cast %get3A_757 : i32 to index
    %get3A_760 = arith.constant 0 : index
    %get3A_761 = vector.load %arg57[%get3A_758, %get3A_759, %get3A_760] : memref<1x8x64xf32, #tpu.memory_space<vmem>>, vector<1x1x64xf32>
    %get3A_762 = vector.shape_cast %get3A_761 : vector<1x1x64xf32> to vector<1x64xf32>
    %swap3A_763 = arith.constant 54 : index
    %swap3A_764 = arith.constant 0 : index
    %swap3A_765 = vector.load %arg131[%swap3A_763, %swap3A_764] : memref<128x64xf32, #tpu.memory_space<vmem>>, vector<1x64xf32>
    tpu.vector_store %arg131[%swap3A_763, %swap3A_764], %get3A_762 {strides = array<i32>} : memref<128x64xf32, #tpu.memory_space<vmem>>, vector<1x64xf32>,
    %mul3A_766 = arith.constant 128 : i32
    %mul3A_767 = arith.muli %arg0, %mul3A_766 : i32
    %add3A_768 = arith.constant 55 : i32
    %add3A_769 = arith.addi %mul3A_767, %add3A_768 : i32
    %get3A_770 = arith.index_cast %add3A_769 : i32 to index
    %get3A_771 = memref.load %arg2[%get3A_770] : memref<1024xi32, #tpu.memory_space<smem>>
    %get3A_772 = arith.constant 0 : index
    %get3A_773 = arith.index_cast %get3A_771 : i32 to index
    %get3A_774 = arith.constant 0 : index
    %get3A_775 = vector.load %arg58[%get3A_772, %get3A_773, %get3A_774] : memref<1x8x64xf32, #tpu.memory_space<vmem>>, vector<1x1x64xf32>
    %get3A_776 = vector.shape_cast %get3A_775 : vector<1x1x64xf32> to vector<1x64xf32>
    %swap3A_777 = arith.constant 55 : index
    %swap3A_778 = arith.constant 0 : index
    %swap3A_779 = vector.load %arg131[%swap3A_777, %swap3A_778] : memref<128x64xf32, #tpu.memory_space<vmem>>, vector<1x64xf32>
    tpu.vector_store %arg131[%swap3A_777, %swap3A_778], %get3A_776 {strides = array<i32>} : memref<128x64xf32, #tpu.memory_space<vmem>>, vector<1x64xf32>,
    %mul3A_780 = arith.constant 128 : i32
    %mul3A_781 = arith.muli %arg0, %mul3A_780 : i32
    %add3A_782 = arith.constant 56 : i32
    %add3A_783 = arith.addi %mul3A_781, %add3A_782 : i32
    %get3A_784 = arith.index_cast %add3A_783 : i32 to index
    %get3A_785 = memref.load %arg2[%get3A_784] : memref<1024xi32, #tpu.memory_space<smem>>
    %get3A_786 = arith.constant 0 : index
    %get3A_787 = arith.index_cast %get3A_785 : i32 to index
    %get3A_788 = arith.constant 0 : index
    %get3A_789 = vector.load %arg59[%get3A_786, %get3A_787, %get3A_788] : memref<1x8x64xf32, #tpu.memory_space<vmem>>, vector<1x1x64xf32>
    %get3A_790 = vector.shape_cast %get3A_789 : vector<1x1x64xf32> to vector<1x64xf32>
    %swap3A_791 = arith.constant 56 : index
    %swap3A_792 = arith.constant 0 : index
    %swap3A_793 = vector.load %arg131[%swap3A_791, %swap3A_792] : memref<128x64xf32, #tpu.memory_space<vmem>>, vector<1x64xf32>
    tpu.vector_store %arg131[%swap3A_791, %swap3A_792], %get3A_790 {strides = array<i32>} : memref<128x64xf32, #tpu.memory_space<vmem>>, vector<1x64xf32>,
    %mul3A_794 = arith.constant 128 : i32
    %mul3A_795 = arith.muli %arg0, %mul3A_794 : i32
    %add3A_796 = arith.constant 57 : i32
    %add3A_797 = arith.addi %mul3A_795, %add3A_796 : i32
    %get3A_798 = arith.index_cast %add3A_797 : i32 to index
    %get3A_799 = memref.load %arg2[%get3A_798] : memref<1024xi32, #tpu.memory_space<smem>>
    %get3A_800 = arith.constant 0 : index
    %get3A_801 = arith.index_cast %get3A_799 : i32 to index
    %get3A_802 = arith.constant 0 : index
    %get3A_803 = vector.load %arg60[%get3A_800, %get3A_801, %get3A_802] : memref<1x8x64xf32, #tpu.memory_space<vmem>>, vector<1x1x64xf32>
    %get3A_804 = vector.shape_cast %get3A_803 : vector<1x1x64xf32> to vector<1x64xf32>
    %swap3A_805 = arith.constant 57 : index
    %swap3A_806 = arith.constant 0 : index
    %swap3A_807 = vector.load %arg131[%swap3A_805, %swap3A_806] : memref<128x64xf32, #tpu.memory_space<vmem>>, vector<1x64xf32>
    tpu.vector_store %arg131[%swap3A_805, %swap3A_806], %get3A_804 {strides = array<i32>} : memref<128x64xf32, #tpu.memory_space<vmem>>, vector<1x64xf32>,
    %mul3A_808 = arith.constant 128 : i32
    %mul3A_809 = arith.muli %arg0, %mul3A_808 : i32
    %add3A_810 = arith.constant 58 : i32
    %add3A_811 = arith.addi %mul3A_809, %add3A_810 : i32
    %get3A_812 = arith.index_cast %add3A_811 : i32 to index
    %get3A_813 = memref.load %arg2[%get3A_812] : memref<1024xi32, #tpu.memory_space<smem>>
    %get3A_814 = arith.constant 0 : index
    %get3A_815 = arith.index_cast %get3A_813 : i32 to index
    %get3A_816 = arith.constant 0 : index
    %get3A_817 = vector.load %arg61[%get3A_814, %get3A_815, %get3A_816] : memref<1x8x64xf32, #tpu.memory_space<vmem>>, vector<1x1x64xf32>
    %get3A_818 = vector.shape_cast %get3A_817 : vector<1x1x64xf32> to vector<1x64xf32>
    %swap3A_819 = arith.constant 58 : index
    %swap3A_820 = arith.constant 0 : index
    %swap3A_821 = vector.load %arg131[%swap3A_819, %swap3A_820] : memref<128x64xf32, #tpu.memory_space<vmem>>, vector<1x64xf32>
    tpu.vector_store %arg131[%swap3A_819, %swap3A_820], %get3A_818 {strides = array<i32>} : memref<128x64xf32, #tpu.memory_space<vmem>>, vector<1x64xf32>,
    %mul3A_822 = arith.constant 128 : i32
    %mul3A_823 = arith.muli %arg0, %mul3A_822 : i32
    %add3A_824 = arith.constant 59 : i32
    %add3A_825 = arith.addi %mul3A_823, %add3A_824 : i32
    %get3A_826 = arith.index_cast %add3A_825 : i32 to index
    %get3A_827 = memref.load %arg2[%get3A_826] : memref<1024xi32, #tpu.memory_space<smem>>
    %get3A_828 = arith.constant 0 : index
    %get3A_829 = arith.index_cast %get3A_827 : i32 to index
    %get3A_830 = arith.constant 0 : index
    %get3A_831 = vector.load %arg62[%get3A_828, %get3A_829, %get3A_830] : memref<1x8x64xf32, #tpu.memory_space<vmem>>, vector<1x1x64xf32>
    %get3A_832 = vector.shape_cast %get3A_831 : vector<1x1x64xf32> to vector<1x64xf32>
    %swap3A_833 = arith.constant 59 : index
    %swap3A_834 = arith.constant 0 : index
    %swap3A_835 = vector.load %arg131[%swap3A_833, %swap3A_834] : memref<128x64xf32, #tpu.memory_space<vmem>>, vector<1x64xf32>
    tpu.vector_store %arg131[%swap3A_833, %swap3A_834], %get3A_832 {strides = array<i32>} : memref<128x64xf32, #tpu.memory_space<vmem>>, vector<1x64xf32>,
    %mul3A_836 = arith.constant 128 : i32
    %mul3A_837 = arith.muli %arg0, %mul3A_836 : i32
    %add3A_838 = arith.constant 60 : i32
    %add3A_839 = arith.addi %mul3A_837, %add3A_838 : i32
    %get3A_840 = arith.index_cast %add3A_839 : i32 to index
    %get3A_841 = memref.load %arg2[%get3A_840] : memref<1024xi32, #tpu.memory_space<smem>>
    %get3A_842 = arith.constant 0 : index
    %get3A_843 = arith.index_cast %get3A_841 : i32 to index
    %get3A_844 = arith.constant 0 : index
    %get3A_845 = vector.load %arg63[%get3A_842, %get3A_843, %get3A_844] : memref<1x8x64xf32, #tpu.memory_space<vmem>>, vector<1x1x64xf32>
    %get3A_846 = vector.shape_cast %get3A_845 : vector<1x1x64xf32> to vector<1x64xf32>
    %swap3A_847 = arith.constant 60 : index
    %swap3A_848 = arith.constant 0 : index
    %swap3A_849 = vector.load %arg131[%swap3A_847, %swap3A_848] : memref<128x64xf32, #tpu.memory_space<vmem>>, vector<1x64xf32>
    tpu.vector_store %arg131[%swap3A_847, %swap3A_848], %get3A_846 {strides = array<i32>} : memref<128x64xf32, #tpu.memory_space<vmem>>, vector<1x64xf32>,
    %mul3A_850 = arith.constant 128 : i32
    %mul3A_851 = arith.muli %arg0, %mul3A_850 : i32
    %add3A_852 = arith.constant 61 : i32
    %add3A_853 = arith.addi %mul3A_851, %add3A_852 : i32
    %get3A_854 = arith.index_cast %add3A_853 : i32 to index
    %get3A_855 = memref.load %arg2[%get3A_854] : memref<1024xi32, #tpu.memory_space<smem>>
    %get3A_856 = arith.constant 0 : index
    %get3A_857 = arith.index_cast %get3A_855 : i32 to index
    %get3A_858 = arith.constant 0 : index
    %get3A_859 = vector.load %arg64[%get3A_856, %get3A_857, %get3A_858] : memref<1x8x64xf32, #tpu.memory_space<vmem>>, vector<1x1x64xf32>
    %get3A_860 = vector.shape_cast %get3A_859 : vector<1x1x64xf32> to vector<1x64xf32>
    %swap3A_861 = arith.constant 61 : index
    %swap3A_862 = arith.constant 0 : index
    %swap3A_863 = vector.load %arg131[%swap3A_861, %swap3A_862] : memref<128x64xf32, #tpu.memory_space<vmem>>, vector<1x64xf32>
    tpu.vector_store %arg131[%swap3A_861, %swap3A_862], %get3A_860 {strides = array<i32>} : memref<128x64xf32, #tpu.memory_space<vmem>>, vector<1x64xf32>,
    %mul3A_864 = arith.constant 128 : i32
    %mul3A_865 = arith.muli %arg0, %mul3A_864 : i32
    %add3A_866 = arith.constant 62 : i32
    %add3A_867 = arith.addi %mul3A_865, %add3A_866 : i32
    %get3A_868 = arith.index_cast %add3A_867 : i32 to index
    %get3A_869 = memref.load %arg2[%get3A_868] : memref<1024xi32, #tpu.memory_space<smem>>
    %get3A_870 = arith.constant 0 : index
    %get3A_871 = arith.index_cast %get3A_869 : i32 to index
    %get3A_872 = arith.constant 0 : index
    %get3A_873 = vector.load %arg65[%get3A_870, %get3A_871, %get3A_872] : memref<1x8x64xf32, #tpu.memory_space<vmem>>, vector<1x1x64xf32>
    %get3A_874 = vector.shape_cast %get3A_873 : vector<1x1x64xf32> to vector<1x64xf32>
    %swap3A_875 = arith.constant 62 : index
    %swap3A_876 = arith.constant 0 : index
    %swap3A_877 = vector.load %arg131[%swap3A_875, %swap3A_876] : memref<128x64xf32, #tpu.memory_space<vmem>>, vector<1x64xf32>
    tpu.vector_store %arg131[%swap3A_875, %swap3A_876], %get3A_874 {strides = array<i32>} : memref<128x64xf32, #tpu.memory_space<vmem>>, vector<1x64xf32>,
    %mul3A_878 = arith.constant 128 : i32
    %mul3A_879 = arith.muli %arg0, %mul3A_878 : i32
    %add3A_880 = arith.constant 63 : i32
    %add3A_881 = arith.addi %mul3A_879, %add3A_880 : i32
    %get3A_882 = arith.index_cast %add3A_881 : i32 to index
    %get3A_883 = memref.load %arg2[%get3A_882] : memref<1024xi32, #tpu.memory_space<smem>>
    %get3A_884 = arith.constant 0 : index
    %get3A_885 = arith.index_cast %get3A_883 : i32 to index
    %get3A_886 = arith.constant 0 : index
    %get3A_887 = vector.load %arg66[%get3A_884, %get3A_885, %get3A_886] : memref<1x8x64xf32, #tpu.memory_space<vmem>>, vector<1x1x64xf32>
    %get3A_888 = vector.shape_cast %get3A_887 : vector<1x1x64xf32> to vector<1x64xf32>
    %swap3A_889 = arith.constant 63 : index
    %swap3A_890 = arith.constant 0 : index
    %swap3A_891 = vector.load %arg131[%swap3A_889, %swap3A_890] : memref<128x64xf32, #tpu.memory_space<vmem>>, vector<1x64xf32>
    tpu.vector_store %arg131[%swap3A_889, %swap3A_890], %get3A_888 {strides = array<i32>} : memref<128x64xf32, #tpu.memory_space<vmem>>, vector<1x64xf32>,
    %mul3A_892 = arith.constant 128 : i32
    %mul3A_893 = arith.muli %arg0, %mul3A_892 : i32
    %add3A_894 = arith.constant 64 : i32
    %add3A_895 = arith.addi %mul3A_893, %add3A_894 : i32
    %get3A_896 = arith.index_cast %add3A_895 : i32 to index
    %get3A_897 = memref.load %arg2[%get3A_896] : memref<1024xi32, #tpu.memory_space<smem>>
    %get3A_898 = arith.constant 0 : index
    %get3A_899 = arith.index_cast %get3A_897 : i32 to index
    %get3A_900 = arith.constant 0 : index
    %get3A_901 = vector.load %arg67[%get3A_898, %get3A_899, %get3A_900] : memref<1x8x64xf32, #tpu.memory_space<vmem>>, vector<1x1x64xf32>
    %get3A_902 = vector.shape_cast %get3A_901 : vector<1x1x64xf32> to vector<1x64xf32>
    %swap3A_903 = arith.constant 64 : index
    %swap3A_904 = arith.constant 0 : index
    %swap3A_905 = vector.load %arg131[%swap3A_903, %swap3A_904] : memref<128x64xf32, #tpu.memory_space<vmem>>, vector<1x64xf32>
    tpu.vector_store %arg131[%swap3A_903, %swap3A_904], %get3A_902 {strides = array<i32>} : memref<128x64xf32, #tpu.memory_space<vmem>>, vector<1x64xf32>,
    %mul3A_906 = arith.constant 128 : i32
    %mul3A_907 = arith.muli %arg0, %mul3A_906 : i32
    %add3A_908 = arith.constant 65 : i32
    %add3A_909 = arith.addi %mul3A_907, %add3A_908 : i32
    %get3A_910 = arith.index_cast %add3A_909 : i32 to index
    %get3A_911 = memref.load %arg2[%get3A_910] : memref<1024xi32, #tpu.memory_space<smem>>
    %get3A_912 = arith.constant 0 : index
    %get3A_913 = arith.index_cast %get3A_911 : i32 to index
    %get3A_914 = arith.constant 0 : index
    %get3A_915 = vector.load %arg68[%get3A_912, %get3A_913, %get3A_914] : memref<1x8x64xf32, #tpu.memory_space<vmem>>, vector<1x1x64xf32>
    %get3A_916 = vector.shape_cast %get3A_915 : vector<1x1x64xf32> to vector<1x64xf32>
    %swap3A_917 = arith.constant 65 : index
    %swap3A_918 = arith.constant 0 : index
    %swap3A_919 = vector.load %arg131[%swap3A_917, %swap3A_918] : memref<128x64xf32, #tpu.memory_space<vmem>>, vector<1x64xf32>
    tpu.vector_store %arg131[%swap3A_917, %swap3A_918], %get3A_916 {strides = array<i32>} : memref<128x64xf32, #tpu.memory_space<vmem>>, vector<1x64xf32>,
    %mul3A_920 = arith.constant 128 : i32
    %mul3A_921 = arith.muli %arg0, %mul3A_920 : i32
    %add3A_922 = arith.constant 66 : i32
    %add3A_923 = arith.addi %mul3A_921, %add3A_922 : i32
    %get3A_924 = arith.index_cast %add3A_923 : i32 to index
    %get3A_925 = memref.load %arg2[%get3A_924] : memref<1024xi32, #tpu.memory_space<smem>>
    %get3A_926 = arith.constant 0 : index
    %get3A_927 = arith.index_cast %get3A_925 : i32 to index
    %get3A_928 = arith.constant 0 : index
    %get3A_929 = vector.load %arg69[%get3A_926, %get3A_927, %get3A_928] : memref<1x8x64xf32, #tpu.memory_space<vmem>>, vector<1x1x64xf32>
    %get3A_930 = vector.shape_cast %get3A_929 : vector<1x1x64xf32> to vector<1x64xf32>
    %swap3A_931 = arith.constant 66 : index
    %swap3A_932 = arith.constant 0 : index
    %swap3A_933 = vector.load %arg131[%swap3A_931, %swap3A_932] : memref<128x64xf32, #tpu.memory_space<vmem>>, vector<1x64xf32>
    tpu.vector_store %arg131[%swap3A_931, %swap3A_932], %get3A_930 {strides = array<i32>} : memref<128x64xf32, #tpu.memory_space<vmem>>, vector<1x64xf32>,
    %mul3A_934 = arith.constant 128 : i32
    %mul3A_935 = arith.muli %arg0, %mul3A_934 : i32
    %add3A_936 = arith.constant 67 : i32
    %add3A_937 = arith.addi %mul3A_935, %add3A_936 : i32
    %get3A_938 = arith.index_cast %add3A_937 : i32 to index
    %get3A_939 = memref.load %arg2[%get3A_938] : memref<1024xi32, #tpu.memory_space<smem>>
    %get3A_940 = arith.constant 0 : index
    %get3A_941 = arith.index_cast %get3A_939 : i32 to index
    %get3A_942 = arith.constant 0 : index
    %get3A_943 = vector.load %arg70[%get3A_940, %get3A_941, %get3A_942] : memref<1x8x64xf32, #tpu.memory_space<vmem>>, vector<1x1x64xf32>
    %get3A_944 = vector.shape_cast %get3A_943 : vector<1x1x64xf32> to vector<1x64xf32>
    %swap3A_945 = arith.constant 67 : index
    %swap3A_946 = arith.constant 0 : index
    %swap3A_947 = vector.load %arg131[%swap3A_945, %swap3A_946] : memref<128x64xf32, #tpu.memory_space<vmem>>, vector<1x64xf32>
    tpu.vector_store %arg131[%swap3A_945, %swap3A_946], %get3A_944 {strides = array<i32>} : memref<128x64xf32, #tpu.memory_space<vmem>>, vector<1x64xf32>,
    %mul3A_948 = arith.constant 128 : i32
    %mul3A_949 = arith.muli %arg0, %mul3A_948 : i32
    %add3A_950 = arith.constant 68 : i32
    %add3A_951 = arith.addi %mul3A_949, %add3A_950 : i32
    %get3A_952 = arith.index_cast %add3A_951 : i32 to index
    %get3A_953 = memref.load %arg2[%get3A_952] : memref<1024xi32, #tpu.memory_space<smem>>
    %get3A_954 = arith.constant 0 : index
    %get3A_955 = arith.index_cast %get3A_953 : i32 to index
    %get3A_956 = arith.constant 0 : index
    %get3A_957 = vector.load %arg71[%get3A_954, %get3A_955, %get3A_956] : memref<1x8x64xf32, #tpu.memory_space<vmem>>, vector<1x1x64xf32>
    %get3A_958 = vector.shape_cast %get3A_957 : vector<1x1x64xf32> to vector<1x64xf32>
    %swap3A_959 = arith.constant 68 : index
    %swap3A_960 = arith.constant 0 : index
    %swap3A_961 = vector.load %arg131[%swap3A_959, %swap3A_960] : memref<128x64xf32, #tpu.memory_space<vmem>>, vector<1x64xf32>
    tpu.vector_store %arg131[%swap3A_959, %swap3A_960], %get3A_958 {strides = array<i32>} : memref<128x64xf32, #tpu.memory_space<vmem>>, vector<1x64xf32>,
    %mul3A_962 = arith.constant 128 : i32
    %mul3A_963 = arith.muli %arg0, %mul3A_962 : i32
    %add3A_964 = arith.constant 69 : i32
    %add3A_965 = arith.addi %mul3A_963, %add3A_964 : i32
    %get3A_966 = arith.index_cast %add3A_965 : i32 to index
    %get3A_967 = memref.load %arg2[%get3A_966] : memref<1024xi32, #tpu.memory_space<smem>>
    %get3A_968 = arith.constant 0 : index
    %get3A_969 = arith.index_cast %get3A_967 : i32 to index
    %get3A_970 = arith.constant 0 : index
    %get3A_971 = vector.load %arg72[%get3A_968, %get3A_969, %get3A_970] : memref<1x8x64xf32, #tpu.memory_space<vmem>>, vector<1x1x64xf32>
    %get3A_972 = vector.shape_cast %get3A_971 : vector<1x1x64xf32> to vector<1x64xf32>
    %swap3A_973 = arith.constant 69 : index
    %swap3A_974 = arith.constant 0 : index
    %swap3A_975 = vector.load %arg131[%swap3A_973, %swap3A_974] : memref<128x64xf32, #tpu.memory_space<vmem>>, vector<1x64xf32>
    tpu.vector_store %arg131[%swap3A_973, %swap3A_974], %get3A_972 {strides = array<i32>} : memref<128x64xf32, #tpu.memory_space<vmem>>, vector<1x64xf32>,
    %mul3A_976 = arith.constant 128 : i32
    %mul3A_977 = arith.muli %arg0, %mul3A_976 : i32
    %add3A_978 = arith.constant 70 : i32
    %add3A_979 = arith.addi %mul3A_977, %add3A_978 : i32
    %get3A_980 = arith.index_cast %add3A_979 : i32 to index
    %get3A_981 = memref.load %arg2[%get3A_980] : memref<1024xi32, #tpu.memory_space<smem>>
    %get3A_982 = arith.constant 0 : index
    %get3A_983 = arith.index_cast %get3A_981 : i32 to index
    %get3A_984 = arith.constant 0 : index
    %get3A_985 = vector.load %arg73[%get3A_982, %get3A_983, %get3A_984] : memref<1x8x64xf32, #tpu.memory_space<vmem>>, vector<1x1x64xf32>
    %get3A_986 = vector.shape_cast %get3A_985 : vector<1x1x64xf32> to vector<1x64xf32>
    %swap3A_987 = arith.constant 70 : index
    %swap3A_988 = arith.constant 0 : index
    %swap3A_989 = vector.load %arg131[%swap3A_987, %swap3A_988] : memref<128x64xf32, #tpu.memory_space<vmem>>, vector<1x64xf32>
    tpu.vector_store %arg131[%swap3A_987, %swap3A_988], %get3A_986 {strides = array<i32>} : memref<128x64xf32, #tpu.memory_space<vmem>>, vector<1x64xf32>,
    %mul3A_990 = arith.constant 128 : i32
    %mul3A_991 = arith.muli %arg0, %mul3A_990 : i32
    %add3A_992 = arith.constant 71 : i32
    %add3A_993 = arith.addi %mul3A_991, %add3A_992 : i32
    %get3A_994 = arith.index_cast %add3A_993 : i32 to index
    %get3A_995 = memref.load %arg2[%get3A_994] : memref<1024xi32, #tpu.memory_space<smem>>
    %get3A_996 = arith.constant 0 : index
    %get3A_997 = arith.index_cast %get3A_995 : i32 to index
    %get3A_998 = arith.constant 0 : index
    %get3A_999 = vector.load %arg74[%get3A_996, %get3A_997, %get3A_998] : memref<1x8x64xf32, #tpu.memory_space<vmem>>, vector<1x1x64xf32>
    %get3A_1000 = vector.shape_cast %get3A_999 : vector<1x1x64xf32> to vector<1x64xf32>
    %swap3A_1001 = arith.constant 71 : index
    %swap3A_1002 = arith.constant 0 : index
    %swap3A_1003 = vector.load %arg131[%swap3A_1001, %swap3A_1002] : memref<128x64xf32, #tpu.memory_space<vmem>>, vector<1x64xf32>
    tpu.vector_store %arg131[%swap3A_1001, %swap3A_1002], %get3A_1000 {strides = array<i32>} : memref<128x64xf32, #tpu.memory_space<vmem>>, vector<1x64xf32>,
    %mul3A_1004 = arith.constant 128 : i32
    %mul3A_1005 = arith.muli %arg0, %mul3A_1004 : i32
    %add3A_1006 = arith.constant 72 : i32
    %add3A_1007 = arith.addi %mul3A_1005, %add3A_1006 : i32
    %get3A_1008 = arith.index_cast %add3A_1007 : i32 to index
    %get3A_1009 = memref.load %arg2[%get3A_1008] : memref<1024xi32, #tpu.memory_space<smem>>
    %get3A_1010 = arith.constant 0 : index
    %get3A_1011 = arith.index_cast %get3A_1009 : i32 to index
    %get3A_1012 = arith.constant 0 : index
    %get3A_1013 = vector.load %arg75[%get3A_1010, %get3A_1011, %get3A_1012] : memref<1x8x64xf32, #tpu.memory_space<vmem>>, vector<1x1x64xf32>
    %get3A_1014 = vector.shape_cast %get3A_1013 : vector<1x1x64xf32> to vector<1x64xf32>
    %swap3A_1015 = arith.constant 72 : index
    %swap3A_1016 = arith.constant 0 : index
    %swap3A_1017 = vector.load %arg131[%swap3A_1015, %swap3A_1016] : memref<128x64xf32, #tpu.memory_space<vmem>>, vector<1x64xf32>
    tpu.vector_store %arg131[%swap3A_1015, %swap3A_1016], %get3A_1014 {strides = array<i32>} : memref<128x64xf32, #tpu.memory_space<vmem>>, vector<1x64xf32>,
    %mul3A_1018 = arith.constant 128 : i32
    %mul3A_1019 = arith.muli %arg0, %mul3A_1018 : i32
    %add3A_1020 = arith.constant 73 : i32
    %add3A_1021 = arith.addi %mul3A_1019, %add3A_1020 : i32
    %get3A_1022 = arith.index_cast %add3A_1021 : i32 to index
    %get3A_1023 = memref.load %arg2[%get3A_1022] : memref<1024xi32, #tpu.memory_space<smem>>
    %get3A_1024 = arith.constant 0 : index
    %get3A_1025 = arith.index_cast %get3A_1023 : i32 to index
    %get3A_1026 = arith.constant 0 : index
    %get3A_1027 = vector.load %arg76[%get3A_1024, %get3A_1025, %get3A_1026] : memref<1x8x64xf32, #tpu.memory_space<vmem>>, vector<1x1x64xf32>
    %get3A_1028 = vector.shape_cast %get3A_1027 : vector<1x1x64xf32> to vector<1x64xf32>
    %swap3A_1029 = arith.constant 73 : index
    %swap3A_1030 = arith.constant 0 : index
    %swap3A_1031 = vector.load %arg131[%swap3A_1029, %swap3A_1030] : memref<128x64xf32, #tpu.memory_space<vmem>>, vector<1x64xf32>
    tpu.vector_store %arg131[%swap3A_1029, %swap3A_1030], %get3A_1028 {strides = array<i32>} : memref<128x64xf32, #tpu.memory_space<vmem>>, vector<1x64xf32>,
    %mul3A_1032 = arith.constant 128 : i32
    %mul3A_1033 = arith.muli %arg0, %mul3A_1032 : i32
    %add3A_1034 = arith.constant 74 : i32
    %add3A_1035 = arith.addi %mul3A_1033, %add3A_1034 : i32
    %get3A_1036 = arith.index_cast %add3A_1035 : i32 to index
    %get3A_1037 = memref.load %arg2[%get3A_1036] : memref<1024xi32, #tpu.memory_space<smem>>
    %get3A_1038 = arith.constant 0 : index
    %get3A_1039 = arith.index_cast %get3A_1037 : i32 to index
    %get3A_1040 = arith.constant 0 : index
    %get3A_1041 = vector.load %arg77[%get3A_1038, %get3A_1039, %get3A_1040] : memref<1x8x64xf32, #tpu.memory_space<vmem>>, vector<1x1x64xf32>
    %get3A_1042 = vector.shape_cast %get3A_1041 : vector<1x1x64xf32> to vector<1x64xf32>
    %swap3A_1043 = arith.constant 74 : index
    %swap3A_1044 = arith.constant 0 : index
    %swap3A_1045 = vector.load %arg131[%swap3A_1043, %swap3A_1044] : memref<128x64xf32, #tpu.memory_space<vmem>>, vector<1x64xf32>
    tpu.vector_store %arg131[%swap3A_1043, %swap3A_1044], %get3A_1042 {strides = array<i32>} : memref<128x64xf32, #tpu.memory_space<vmem>>, vector<1x64xf32>,
    %mul3A_1046 = arith.constant 128 : i32
    %mul3A_1047 = arith.muli %arg0, %mul3A_1046 : i32
    %add3A_1048 = arith.constant 75 : i32
    %add3A_1049 = arith.addi %mul3A_1047, %add3A_1048 : i32
    %get3A_1050 = arith.index_cast %add3A_1049 : i32 to index
    %get3A_1051 = memref.load %arg2[%get3A_1050] : memref<1024xi32, #tpu.memory_space<smem>>
    %get3A_1052 = arith.constant 0 : index
    %get3A_1053 = arith.index_cast %get3A_1051 : i32 to index
    %get3A_1054 = arith.constant 0 : index
    %get3A_1055 = vector.load %arg78[%get3A_1052, %get3A_1053, %get3A_1054] : memref<1x8x64xf32, #tpu.memory_space<vmem>>, vector<1x1x64xf32>
    %get3A_1056 = vector.shape_cast %get3A_1055 : vector<1x1x64xf32> to vector<1x64xf32>
    %swap3A_1057 = arith.constant 75 : index
    %swap3A_1058 = arith.constant 0 : index
    %swap3A_1059 = vector.load %arg131[%swap3A_1057, %swap3A_1058] : memref<128x64xf32, #tpu.memory_space<vmem>>, vector<1x64xf32>
    tpu.vector_store %arg131[%swap3A_1057, %swap3A_1058], %get3A_1056 {strides = array<i32>} : memref<128x64xf32, #tpu.memory_space<vmem>>, vector<1x64xf32>,
    %mul3A_1060 = arith.constant 128 : i32
    %mul3A_1061 = arith.muli %arg0, %mul3A_1060 : i32
    %add3A_1062 = arith.constant 76 : i32
    %add3A_1063 = arith.addi %mul3A_1061, %add3A_1062 : i32
    %get3A_1064 = arith.index_cast %add3A_1063 : i32 to index
    %get3A_1065 = memref.load %arg2[%get3A_1064] : memref<1024xi32, #tpu.memory_space<smem>>
    %get3A_1066 = arith.constant 0 : index
    %get3A_1067 = arith.index_cast %get3A_1065 : i32 to index
    %get3A_1068 = arith.constant 0 : index
    %get3A_1069 = vector.load %arg79[%get3A_1066, %get3A_1067, %get3A_1068] : memref<1x8x64xf32, #tpu.memory_space<vmem>>, vector<1x1x64xf32>
    %get3A_1070 = vector.shape_cast %get3A_1069 : vector<1x1x64xf32> to vector<1x64xf32>
    %swap3A_1071 = arith.constant 76 : index
    %swap3A_1072 = arith.constant 0 : index
    %swap3A_1073 = vector.load %arg131[%swap3A_1071, %swap3A_1072] : memref<128x64xf32, #tpu.memory_space<vmem>>, vector<1x64xf32>
    tpu.vector_store %arg131[%swap3A_1071, %swap3A_1072], %get3A_1070 {strides = array<i32>} : memref<128x64xf32, #tpu.memory_space<vmem>>, vector<1x64xf32>,
    %mul3A_1074 = arith.constant 128 : i32
    %mul3A_1075 = arith.muli %arg0, %mul3A_1074 : i32
    %add3A_1076 = arith.constant 77 : i32
    %add3A_1077 = arith.addi %mul3A_1075, %add3A_1076 : i32
    %get3A_1078 = arith.index_cast %add3A_1077 : i32 to index
    %get3A_1079 = memref.load %arg2[%get3A_1078] : memref<1024xi32, #tpu.memory_space<smem>>
    %get3A_1080 = arith.constant 0 : index
    %get3A_1081 = arith.index_cast %get3A_1079 : i32 to index
    %get3A_1082 = arith.constant 0 : index
    %get3A_1083 = vector.load %arg80[%get3A_1080, %get3A_1081, %get3A_1082] : memref<1x8x64xf32, #tpu.memory_space<vmem>>, vector<1x1x64xf32>
    %get3A_1084 = vector.shape_cast %get3A_1083 : vector<1x1x64xf32> to vector<1x64xf32>
    %swap3A_1085 = arith.constant 77 : index
    %swap3A_1086 = arith.constant 0 : index
    %swap3A_1087 = vector.load %arg131[%swap3A_1085, %swap3A_1086] : memref<128x64xf32, #tpu.memory_space<vmem>>, vector<1x64xf32>
    tpu.vector_store %arg131[%swap3A_1085, %swap3A_1086], %get3A_1084 {strides = array<i32>} : memref<128x64xf32, #tpu.memory_space<vmem>>, vector<1x64xf32>,
    %mul3A_1088 = arith.constant 128 : i32
    %mul3A_1089 = arith.muli %arg0, %mul3A_1088 : i32
    %add3A_1090 = arith.constant 78 : i32
    %add3A_1091 = arith.addi %mul3A_1089, %add3A_1090 : i32
    %get3A_1092 = arith.index_cast %add3A_1091 : i32 to index
    %get3A_1093 = memref.load %arg2[%get3A_1092] : memref<1024xi32, #tpu.memory_space<smem>>
    %get3A_1094 = arith.constant 0 : index
    %get3A_1095 = arith.index_cast %get3A_1093 : i32 to index
    %get3A_1096 = arith.constant 0 : index
    %get3A_1097 = vector.load %arg81[%get3A_1094, %get3A_1095, %get3A_1096] : memref<1x8x64xf32, #tpu.memory_space<vmem>>, vector<1x1x64xf32>
    %get3A_1098 = vector.shape_cast %get3A_1097 : vector<1x1x64xf32> to vector<1x64xf32>
    %swap3A_1099 = arith.constant 78 : index
    %swap3A_1100 = arith.constant 0 : index
    %swap3A_1101 = vector.load %arg131[%swap3A_1099, %swap3A_1100] : memref<128x64xf32, #tpu.memory_space<vmem>>, vector<1x64xf32>
    tpu.vector_store %arg131[%swap3A_1099, %swap3A_1100], %get3A_1098 {strides = array<i32>} : memref<128x64xf32, #tpu.memory_space<vmem>>, vector<1x64xf32>,
    %mul3A_1102 = arith.constant 128 : i32
    %mul3A_1103 = arith.muli %arg0, %mul3A_1102 : i32
    %add3A_1104 = arith.constant 79 : i32
    %add3A_1105 = arith.addi %mul3A_1103, %add3A_1104 : i32
    %get3A_1106 = arith.index_cast %add3A_1105 : i32 to index
    %get3A_1107 = memref.load %arg2[%get3A_1106] : memref<1024xi32, #tpu.memory_space<smem>>
    %get3A_1108 = arith.constant 0 : index
    %get3A_1109 = arith.index_cast %get3A_1107 : i32 to index
    %get3A_1110 = arith.constant 0 : index
    %get3A_1111 = vector.load %arg82[%get3A_1108, %get3A_1109, %get3A_1110] : memref<1x8x64xf32, #tpu.memory_space<vmem>>, vector<1x1x64xf32>
    %get3A_1112 = vector.shape_cast %get3A_1111 : vector<1x1x64xf32> to vector<1x64xf32>
    %swap3A_1113 = arith.constant 79 : index
    %swap3A_1114 = arith.constant 0 : index
    %swap3A_1115 = vector.load %arg131[%swap3A_1113, %swap3A_1114] : memref<128x64xf32, #tpu.memory_space<vmem>>, vector<1x64xf32>
    tpu.vector_store %arg131[%swap3A_1113, %swap3A_1114], %get3A_1112 {strides = array<i32>} : memref<128x64xf32, #tpu.memory_space<vmem>>, vector<1x64xf32>,
    %mul3A_1116 = arith.constant 128 : i32
    %mul3A_1117 = arith.muli %arg0, %mul3A_1116 : i32
    %add3A_1118 = arith.constant 80 : i32
    %add3A_1119 = arith.addi %mul3A_1117, %add3A_1118 : i32
    %get3A_1120 = arith.index_cast %add3A_1119 : i32 to index
    %get3A_1121 = memref.load %arg2[%get3A_1120] : memref<1024xi32, #tpu.memory_space<smem>>
    %get3A_1122 = arith.constant 0 : index
    %get3A_1123 = arith.index_cast %get3A_1121 : i32 to index
    %get3A_1124 = arith.constant 0 : index
    %get3A_1125 = vector.load %arg83[%get3A_1122, %get3A_1123, %get3A_1124] : memref<1x8x64xf32, #tpu.memory_space<vmem>>, vector<1x1x64xf32>
    %get3A_1126 = vector.shape_cast %get3A_1125 : vector<1x1x64xf32> to vector<1x64xf32>
    %swap3A_1127 = arith.constant 80 : index
    %swap3A_1128 = arith.constant 0 : index
    %swap3A_1129 = vector.load %arg131[%swap3A_1127, %swap3A_1128] : memref<128x64xf32, #tpu.memory_space<vmem>>, vector<1x64xf32>
    tpu.vector_store %arg131[%swap3A_1127, %swap3A_1128], %get3A_1126 {strides = array<i32>} : memref<128x64xf32, #tpu.memory_space<vmem>>, vector<1x64xf32>,
    %mul3A_1130 = arith.constant 128 : i32
    %mul3A_1131 = arith.muli %arg0, %mul3A_1130 : i32
    %add3A_1132 = arith.constant 81 : i32
    %add3A_1133 = arith.addi %mul3A_1131, %add3A_1132 : i32
    %get3A_1134 = arith.index_cast %add3A_1133 : i32 to index
    %get3A_1135 = memref.load %arg2[%get3A_1134] : memref<1024xi32, #tpu.memory_space<smem>>
    %get3A_1136 = arith.constant 0 : index
    %get3A_1137 = arith.index_cast %get3A_1135 : i32 to index
    %get3A_1138 = arith.constant 0 : index
    %get3A_1139 = vector.load %arg84[%get3A_1136, %get3A_1137, %get3A_1138] : memref<1x8x64xf32, #tpu.memory_space<vmem>>, vector<1x1x64xf32>
    %get3A_1140 = vector.shape_cast %get3A_1139 : vector<1x1x64xf32> to vector<1x64xf32>
    %swap3A_1141 = arith.constant 81 : index
    %swap3A_1142 = arith.constant 0 : index
    %swap3A_1143 = vector.load %arg131[%swap3A_1141, %swap3A_1142] : memref<128x64xf32, #tpu.memory_space<vmem>>, vector<1x64xf32>
    tpu.vector_store %arg131[%swap3A_1141, %swap3A_1142], %get3A_1140 {strides = array<i32>} : memref<128x64xf32, #tpu.memory_space<vmem>>, vector<1x64xf32>,
    %mul3A_1144 = arith.constant 128 : i32
    %mul3A_1145 = arith.muli %arg0, %mul3A_1144 : i32
    %add3A_1146 = arith.constant 82 : i32
    %add3A_1147 = arith.addi %mul3A_1145, %add3A_1146 : i32
    %get3A_1148 = arith.index_cast %add3A_1147 : i32 to index
    %get3A_1149 = memref.load %arg2[%get3A_1148] : memref<1024xi32, #tpu.memory_space<smem>>
    %get3A_1150 = arith.constant 0 : index
    %get3A_1151 = arith.index_cast %get3A_1149 : i32 to index
    %get3A_1152 = arith.constant 0 : index
    %get3A_1153 = vector.load %arg85[%get3A_1150, %get3A_1151, %get3A_1152] : memref<1x8x64xf32, #tpu.memory_space<vmem>>, vector<1x1x64xf32>
    %get3A_1154 = vector.shape_cast %get3A_1153 : vector<1x1x64xf32> to vector<1x64xf32>
    %swap3A_1155 = arith.constant 82 : index
    %swap3A_1156 = arith.constant 0 : index
    %swap3A_1157 = vector.load %arg131[%swap3A_1155, %swap3A_1156] : memref<128x64xf32, #tpu.memory_space<vmem>>, vector<1x64xf32>
    tpu.vector_store %arg131[%swap3A_1155, %swap3A_1156], %get3A_1154 {strides = array<i32>} : memref<128x64xf32, #tpu.memory_space<vmem>>, vector<1x64xf32>,
    %mul3A_1158 = arith.constant 128 : i32
    %mul3A_1159 = arith.muli %arg0, %mul3A_1158 : i32
    %add3A_1160 = arith.constant 83 : i32
    %add3A_1161 = arith.addi %mul3A_1159, %add3A_1160 : i32
    %get3A_1162 = arith.index_cast %add3A_1161 : i32 to index
    %get3A_1163 = memref.load %arg2[%get3A_1162] : memref<1024xi32, #tpu.memory_space<smem>>
    %get3A_1164 = arith.constant 0 : index
    %get3A_1165 = arith.index_cast %get3A_1163 : i32 to index
    %get3A_1166 = arith.constant 0 : index
    %get3A_1167 = vector.load %arg86[%get3A_1164, %get3A_1165, %get3A_1166] : memref<1x8x64xf32, #tpu.memory_space<vmem>>, vector<1x1x64xf32>
    %get3A_1168 = vector.shape_cast %get3A_1167 : vector<1x1x64xf32> to vector<1x64xf32>
    %swap3A_1169 = arith.constant 83 : index
    %swap3A_1170 = arith.constant 0 : index
    %swap3A_1171 = vector.load %arg131[%swap3A_1169, %swap3A_1170] : memref<128x64xf32, #tpu.memory_space<vmem>>, vector<1x64xf32>
    tpu.vector_store %arg131[%swap3A_1169, %swap3A_1170], %get3A_1168 {strides = array<i32>} : memref<128x64xf32, #tpu.memory_space<vmem>>, vector<1x64xf32>,
    %mul3A_1172 = arith.constant 128 : i32
    %mul3A_1173 = arith.muli %arg0, %mul3A_1172 : i32
    %add3A_1174 = arith.constant 84 : i32
    %add3A_1175 = arith.addi %mul3A_1173, %add3A_1174 : i32
    %get3A_1176 = arith.index_cast %add3A_1175 : i32 to index
    %get3A_1177 = memref.load %arg2[%get3A_1176] : memref<1024xi32, #tpu.memory_space<smem>>
    %get3A_1178 = arith.constant 0 : index
    %get3A_1179 = arith.index_cast %get3A_1177 : i32 to index
    %get3A_1180 = arith.constant 0 : index
    %get3A_1181 = vector.load %arg87[%get3A_1178, %get3A_1179, %get3A_1180] : memref<1x8x64xf32, #tpu.memory_space<vmem>>, vector<1x1x64xf32>
    %get3A_1182 = vector.shape_cast %get3A_1181 : vector<1x1x64xf32> to vector<1x64xf32>
    %swap3A_1183 = arith.constant 84 : index
    %swap3A_1184 = arith.constant 0 : index
    %swap3A_1185 = vector.load %arg131[%swap3A_1183, %swap3A_1184] : memref<128x64xf32, #tpu.memory_space<vmem>>, vector<1x64xf32>
    tpu.vector_store %arg131[%swap3A_1183, %swap3A_1184], %get3A_1182 {strides = array<i32>} : memref<128x64xf32, #tpu.memory_space<vmem>>, vector<1x64xf32>,
    %mul3A_1186 = arith.constant 128 : i32
    %mul3A_1187 = arith.muli %arg0, %mul3A_1186 : i32
    %add3A_1188 = arith.constant 85 : i32
    %add3A_1189 = arith.addi %mul3A_1187, %add3A_1188 : i32
    %get3A_1190 = arith.index_cast %add3A_1189 : i32 to index
    %get3A_1191 = memref.load %arg2[%get3A_1190] : memref<1024xi32, #tpu.memory_space<smem>>
    %get3A_1192 = arith.constant 0 : index
    %get3A_1193 = arith.index_cast %get3A_1191 : i32 to index
    %get3A_1194 = arith.constant 0 : index
    %get3A_1195 = vector.load %arg88[%get3A_1192, %get3A_1193, %get3A_1194] : memref<1x8x64xf32, #tpu.memory_space<vmem>>, vector<1x1x64xf32>
    %get3A_1196 = vector.shape_cast %get3A_1195 : vector<1x1x64xf32> to vector<1x64xf32>
    %swap3A_1197 = arith.constant 85 : index
    %swap3A_1198 = arith.constant 0 : index
    %swap3A_1199 = vector.load %arg131[%swap3A_1197, %swap3A_1198] : memref<128x64xf32, #tpu.memory_space<vmem>>, vector<1x64xf32>
    tpu.vector_store %arg131[%swap3A_1197, %swap3A_1198], %get3A_1196 {strides = array<i32>} : memref<128x64xf32, #tpu.memory_space<vmem>>, vector<1x64xf32>,
    %mul3A_1200 = arith.constant 128 : i32
    %mul3A_1201 = arith.muli %arg0, %mul3A_1200 : i32
    %add3A_1202 = arith.constant 86 : i32
    %add3A_1203 = arith.addi %mul3A_1201, %add3A_1202 : i32
    %get3A_1204 = arith.index_cast %add3A_1203 : i32 to index
    %get3A_1205 = memref.load %arg2[%get3A_1204] : memref<1024xi32, #tpu.memory_space<smem>>
    %get3A_1206 = arith.constant 0 : index
    %get3A_1207 = arith.index_cast %get3A_1205 : i32 to index
    %get3A_1208 = arith.constant 0 : index
    %get3A_1209 = vector.load %arg89[%get3A_1206, %get3A_1207, %get3A_1208] : memref<1x8x64xf32, #tpu.memory_space<vmem>>, vector<1x1x64xf32>
    %get3A_1210 = vector.shape_cast %get3A_1209 : vector<1x1x64xf32> to vector<1x64xf32>
    %swap3A_1211 = arith.constant 86 : index
    %swap3A_1212 = arith.constant 0 : index
    %swap3A_1213 = vector.load %arg131[%swap3A_1211, %swap3A_1212] : memref<128x64xf32, #tpu.memory_space<vmem>>, vector<1x64xf32>
    tpu.vector_store %arg131[%swap3A_1211, %swap3A_1212], %get3A_1210 {strides = array<i32>} : memref<128x64xf32, #tpu.memory_space<vmem>>, vector<1x64xf32>,
    %mul3A_1214 = arith.constant 128 : i32
    %mul3A_1215 = arith.muli %arg0, %mul3A_1214 : i32
    %add3A_1216 = arith.constant 87 : i32
    %add3A_1217 = arith.addi %mul3A_1215, %add3A_1216 : i32
    %get3A_1218 = arith.index_cast %add3A_1217 : i32 to index
    %get3A_1219 = memref.load %arg2[%get3A_1218] : memref<1024xi32, #tpu.memory_space<smem>>
    %get3A_1220 = arith.constant 0 : index
    %get3A_1221 = arith.index_cast %get3A_1219 : i32 to index
    %get3A_1222 = arith.constant 0 : index
    %get3A_1223 = vector.load %arg90[%get3A_1220, %get3A_1221, %get3A_1222] : memref<1x8x64xf32, #tpu.memory_space<vmem>>, vector<1x1x64xf32>
    %get3A_1224 = vector.shape_cast %get3A_1223 : vector<1x1x64xf32> to vector<1x64xf32>
    %swap3A_1225 = arith.constant 87 : index
    %swap3A_1226 = arith.constant 0 : index
    %swap3A_1227 = vector.load %arg131[%swap3A_1225, %swap3A_1226] : memref<128x64xf32, #tpu.memory_space<vmem>>, vector<1x64xf32>
    tpu.vector_store %arg131[%swap3A_1225, %swap3A_1226], %get3A_1224 {strides = array<i32>} : memref<128x64xf32, #tpu.memory_space<vmem>>, vector<1x64xf32>,
    %mul3A_1228 = arith.constant 128 : i32
    %mul3A_1229 = arith.muli %arg0, %mul3A_1228 : i32
    %add3A_1230 = arith.constant 88 : i32
    %add3A_1231 = arith.addi %mul3A_1229, %add3A_1230 : i32
    %get3A_1232 = arith.index_cast %add3A_1231 : i32 to index
    %get3A_1233 = memref.load %arg2[%get3A_1232] : memref<1024xi32, #tpu.memory_space<smem>>
    %get3A_1234 = arith.constant 0 : index
    %get3A_1235 = arith.index_cast %get3A_1233 : i32 to index
    %get3A_1236 = arith.constant 0 : index
    %get3A_1237 = vector.load %arg91[%get3A_1234, %get3A_1235, %get3A_1236] : memref<1x8x64xf32, #tpu.memory_space<vmem>>, vector<1x1x64xf32>
    %get3A_1238 = vector.shape_cast %get3A_1237 : vector<1x1x64xf32> to vector<1x64xf32>
    %swap3A_1239 = arith.constant 88 : index
    %swap3A_1240 = arith.constant 0 : index
    %swap3A_1241 = vector.load %arg131[%swap3A_1239, %swap3A_1240] : memref<128x64xf32, #tpu.memory_space<vmem>>, vector<1x64xf32>
    tpu.vector_store %arg131[%swap3A_1239, %swap3A_1240], %get3A_1238 {strides = array<i32>} : memref<128x64xf32, #tpu.memory_space<vmem>>, vector<1x64xf32>,
    %mul3A_1242 = arith.constant 128 : i32
    %mul3A_1243 = arith.muli %arg0, %mul3A_1242 : i32
    %add3A_1244 = arith.constant 89 : i32
    %add3A_1245 = arith.addi %mul3A_1243, %add3A_1244 : i32
    %get3A_1246 = arith.index_cast %add3A_1245 : i32 to index
    %get3A_1247 = memref.load %arg2[%get3A_1246] : memref<1024xi32, #tpu.memory_space<smem>>
    %get3A_1248 = arith.constant 0 : index
    %get3A_1249 = arith.index_cast %get3A_1247 : i32 to index
    %get3A_1250 = arith.constant 0 : index
    %get3A_1251 = vector.load %arg92[%get3A_1248, %get3A_1249, %get3A_1250] : memref<1x8x64xf32, #tpu.memory_space<vmem>>, vector<1x1x64xf32>
    %get3A_1252 = vector.shape_cast %get3A_1251 : vector<1x1x64xf32> to vector<1x64xf32>
    %swap3A_1253 = arith.constant 89 : index
    %swap3A_1254 = arith.constant 0 : index
    %swap3A_1255 = vector.load %arg131[%swap3A_1253, %swap3A_1254] : memref<128x64xf32, #tpu.memory_space<vmem>>, vector<1x64xf32>
    tpu.vector_store %arg131[%swap3A_1253, %swap3A_1254], %get3A_1252 {strides = array<i32>} : memref<128x64xf32, #tpu.memory_space<vmem>>, vector<1x64xf32>,
    %mul3A_1256 = arith.constant 128 : i32
    %mul3A_1257 = arith.muli %arg0, %mul3A_1256 : i32
    %add3A_1258 = arith.constant 90 : i32
    %add3A_1259 = arith.addi %mul3A_1257, %add3A_1258 : i32
    %get3A_1260 = arith.index_cast %add3A_1259 : i32 to index
    %get3A_1261 = memref.load %arg2[%get3A_1260] : memref<1024xi32, #tpu.memory_space<smem>>
    %get3A_1262 = arith.constant 0 : index
    %get3A_1263 = arith.index_cast %get3A_1261 : i32 to index
    %get3A_1264 = arith.constant 0 : index
    %get3A_1265 = vector.load %arg93[%get3A_1262, %get3A_1263, %get3A_1264] : memref<1x8x64xf32, #tpu.memory_space<vmem>>, vector<1x1x64xf32>
    %get3A_1266 = vector.shape_cast %get3A_1265 : vector<1x1x64xf32> to vector<1x64xf32>
    %swap3A_1267 = arith.constant 90 : index
    %swap3A_1268 = arith.constant 0 : index
    %swap3A_1269 = vector.load %arg131[%swap3A_1267, %swap3A_1268] : memref<128x64xf32, #tpu.memory_space<vmem>>, vector<1x64xf32>
    tpu.vector_store %arg131[%swap3A_1267, %swap3A_1268], %get3A_1266 {strides = array<i32>} : memref<128x64xf32, #tpu.memory_space<vmem>>, vector<1x64xf32>,
    %mul3A_1270 = arith.constant 128 : i32
    %mul3A_1271 = arith.muli %arg0, %mul3A_1270 : i32
    %add3A_1272 = arith.constant 91 : i32
    %add3A_1273 = arith.addi %mul3A_1271, %add3A_1272 : i32
    %get3A_1274 = arith.index_cast %add3A_1273 : i32 to index
    %get3A_1275 = memref.load %arg2[%get3A_1274] : memref<1024xi32, #tpu.memory_space<smem>>
    %get3A_1276 = arith.constant 0 : index
    %get3A_1277 = arith.index_cast %get3A_1275 : i32 to index
    %get3A_1278 = arith.constant 0 : index
    %get3A_1279 = vector.load %arg94[%get3A_1276, %get3A_1277, %get3A_1278] : memref<1x8x64xf32, #tpu.memory_space<vmem>>, vector<1x1x64xf32>
    %get3A_1280 = vector.shape_cast %get3A_1279 : vector<1x1x64xf32> to vector<1x64xf32>
    %swap3A_1281 = arith.constant 91 : index
    %swap3A_1282 = arith.constant 0 : index
    %swap3A_1283 = vector.load %arg131[%swap3A_1281, %swap3A_1282] : memref<128x64xf32, #tpu.memory_space<vmem>>, vector<1x64xf32>
    tpu.vector_store %arg131[%swap3A_1281, %swap3A_1282], %get3A_1280 {strides = array<i32>} : memref<128x64xf32, #tpu.memory_space<vmem>>, vector<1x64xf32>,
    %mul3A_1284 = arith.constant 128 : i32
    %mul3A_1285 = arith.muli %arg0, %mul3A_1284 : i32
    %add3A_1286 = arith.constant 92 : i32
    %add3A_1287 = arith.addi %mul3A_1285, %add3A_1286 : i32
    %get3A_1288 = arith.index_cast %add3A_1287 : i32 to index
    %get3A_1289 = memref.load %arg2[%get3A_1288] : memref<1024xi32, #tpu.memory_space<smem>>
    %get3A_1290 = arith.constant 0 : index
    %get3A_1291 = arith.index_cast %get3A_1289 : i32 to index
    %get3A_1292 = arith.constant 0 : index
    %get3A_1293 = vector.load %arg95[%get3A_1290, %get3A_1291, %get3A_1292] : memref<1x8x64xf32, #tpu.memory_space<vmem>>, vector<1x1x64xf32>
    %get3A_1294 = vector.shape_cast %get3A_1293 : vector<1x1x64xf32> to vector<1x64xf32>
    %swap3A_1295 = arith.constant 92 : index
    %swap3A_1296 = arith.constant 0 : index
    %swap3A_1297 = vector.load %arg131[%swap3A_1295, %swap3A_1296] : memref<128x64xf32, #tpu.memory_space<vmem>>, vector<1x64xf32>
    tpu.vector_store %arg131[%swap3A_1295, %swap3A_1296], %get3A_1294 {strides = array<i32>} : memref<128x64xf32, #tpu.memory_space<vmem>>, vector<1x64xf32>,
    %mul3A_1298 = arith.constant 128 : i32
    %mul3A_1299 = arith.muli %arg0, %mul3A_1298 : i32
    %add3A_1300 = arith.constant 93 : i32
    %add3A_1301 = arith.addi %mul3A_1299, %add3A_1300 : i32
    %get3A_1302 = arith.index_cast %add3A_1301 : i32 to index
    %get3A_1303 = memref.load %arg2[%get3A_1302] : memref<1024xi32, #tpu.memory_space<smem>>
    %get3A_1304 = arith.constant 0 : index
    %get3A_1305 = arith.index_cast %get3A_1303 : i32 to index
    %get3A_1306 = arith.constant 0 : index
    %get3A_1307 = vector.load %arg96[%get3A_1304, %get3A_1305, %get3A_1306] : memref<1x8x64xf32, #tpu.memory_space<vmem>>, vector<1x1x64xf32>
    %get3A_1308 = vector.shape_cast %get3A_1307 : vector<1x1x64xf32> to vector<1x64xf32>
    %swap3A_1309 = arith.constant 93 : index
    %swap3A_1310 = arith.constant 0 : index
    %swap3A_1311 = vector.load %arg131[%swap3A_1309, %swap3A_1310] : memref<128x64xf32, #tpu.memory_space<vmem>>, vector<1x64xf32>
    tpu.vector_store %arg131[%swap3A_1309, %swap3A_1310], %get3A_1308 {strides = array<i32>} : memref<128x64xf32, #tpu.memory_space<vmem>>, vector<1x64xf32>,
    %mul3A_1312 = arith.constant 128 : i32
    %mul3A_1313 = arith.muli %arg0, %mul3A_1312 : i32
    %add3A_1314 = arith.constant 94 : i32
    %add3A_1315 = arith.addi %mul3A_1313, %add3A_1314 : i32
    %get3A_1316 = arith.index_cast %add3A_1315 : i32 to index
    %get3A_1317 = memref.load %arg2[%get3A_1316] : memref<1024xi32, #tpu.memory_space<smem>>
    %get3A_1318 = arith.constant 0 : index
    %get3A_1319 = arith.index_cast %get3A_1317 : i32 to index
    %get3A_1320 = arith.constant 0 : index
    %get3A_1321 = vector.load %arg97[%get3A_1318, %get3A_1319, %get3A_1320] : memref<1x8x64xf32, #tpu.memory_space<vmem>>, vector<1x1x64xf32>
    %get3A_1322 = vector.shape_cast %get3A_1321 : vector<1x1x64xf32> to vector<1x64xf32>
    %swap3A_1323 = arith.constant 94 : index
    %swap3A_1324 = arith.constant 0 : index
    %swap3A_1325 = vector.load %arg131[%swap3A_1323, %swap3A_1324] : memref<128x64xf32, #tpu.memory_space<vmem>>, vector<1x64xf32>
    tpu.vector_store %arg131[%swap3A_1323, %swap3A_1324], %get3A_1322 {strides = array<i32>} : memref<128x64xf32, #tpu.memory_space<vmem>>, vector<1x64xf32>,
    %mul3A_1326 = arith.constant 128 : i32
    %mul3A_1327 = arith.muli %arg0, %mul3A_1326 : i32
    %add3A_1328 = arith.constant 95 : i32
    %add3A_1329 = arith.addi %mul3A_1327, %add3A_1328 : i32
    %get3A_1330 = arith.index_cast %add3A_1329 : i32 to index
    %get3A_1331 = memref.load %arg2[%get3A_1330] : memref<1024xi32, #tpu.memory_space<smem>>
    %get3A_1332 = arith.constant 0 : index
    %get3A_1333 = arith.index_cast %get3A_1331 : i32 to index
    %get3A_1334 = arith.constant 0 : index
    %get3A_1335 = vector.load %arg98[%get3A_1332, %get3A_1333, %get3A_1334] : memref<1x8x64xf32, #tpu.memory_space<vmem>>, vector<1x1x64xf32>
    %get3A_1336 = vector.shape_cast %get3A_1335 : vector<1x1x64xf32> to vector<1x64xf32>
    %swap3A_1337 = arith.constant 95 : index
    %swap3A_1338 = arith.constant 0 : index
    %swap3A_1339 = vector.load %arg131[%swap3A_1337, %swap3A_1338] : memref<128x64xf32, #tpu.memory_space<vmem>>, vector<1x64xf32>
    tpu.vector_store %arg131[%swap3A_1337, %swap3A_1338], %get3A_1336 {strides = array<i32>} : memref<128x64xf32, #tpu.memory_space<vmem>>, vector<1x64xf32>,
    %mul3A_1340 = arith.constant 128 : i32
    %mul3A_1341 = arith.muli %arg0, %mul3A_1340 : i32
    %add3A_1342 = arith.constant 96 : i32
    %add3A_1343 = arith.addi %mul3A_1341, %add3A_1342 : i32
    %get3A_1344 = arith.index_cast %add3A_1343 : i32 to index
    %get3A_1345 = memref.load %arg2[%get3A_1344] : memref<1024xi32, #tpu.memory_space<smem>>
    %get3A_1346 = arith.constant 0 : index
    %get3A_1347 = arith.index_cast %get3A_1345 : i32 to index
    %get3A_1348 = arith.constant 0 : index
    %get3A_1349 = vector.load %arg99[%get3A_1346, %get3A_1347, %get3A_1348] : memref<1x8x64xf32, #tpu.memory_space<vmem>>, vector<1x1x64xf32>
    %get3A_1350 = vector.shape_cast %get3A_1349 : vector<1x1x64xf32> to vector<1x64xf32>
    %swap3A_1351 = arith.constant 96 : index
    %swap3A_1352 = arith.constant 0 : index
    %swap3A_1353 = vector.load %arg131[%swap3A_1351, %swap3A_1352] : memref<128x64xf32, #tpu.memory_space<vmem>>, vector<1x64xf32>
    tpu.vector_store %arg131[%swap3A_1351, %swap3A_1352], %get3A_1350 {strides = array<i32>} : memref<128x64xf32, #tpu.memory_space<vmem>>, vector<1x64xf32>,
    %mul3A_1354 = arith.constant 128 : i32
    %mul3A_1355 = arith.muli %arg0, %mul3A_1354 : i32
    %add3A_1356 = arith.constant 97 : i32
    %add3A_1357 = arith.addi %mul3A_1355, %add3A_1356 : i32
    %get3A_1358 = arith.index_cast %add3A_1357 : i32 to index
    %get3A_1359 = memref.load %arg2[%get3A_1358] : memref<1024xi32, #tpu.memory_space<smem>>
    %get3A_1360 = arith.constant 0 : index
    %get3A_1361 = arith.index_cast %get3A_1359 : i32 to index
    %get3A_1362 = arith.constant 0 : index
    %get3A_1363 = vector.load %arg100[%get3A_1360, %get3A_1361, %get3A_1362] : memref<1x8x64xf32, #tpu.memory_space<vmem>>, vector<1x1x64xf32>
    %get3A_1364 = vector.shape_cast %get3A_1363 : vector<1x1x64xf32> to vector<1x64xf32>
    %swap3A_1365 = arith.constant 97 : index
    %swap3A_1366 = arith.constant 0 : index
    %swap3A_1367 = vector.load %arg131[%swap3A_1365, %swap3A_1366] : memref<128x64xf32, #tpu.memory_space<vmem>>, vector<1x64xf32>
    tpu.vector_store %arg131[%swap3A_1365, %swap3A_1366], %get3A_1364 {strides = array<i32>} : memref<128x64xf32, #tpu.memory_space<vmem>>, vector<1x64xf32>,
    %mul3A_1368 = arith.constant 128 : i32
    %mul3A_1369 = arith.muli %arg0, %mul3A_1368 : i32
    %add3A_1370 = arith.constant 98 : i32
    %add3A_1371 = arith.addi %mul3A_1369, %add3A_1370 : i32
    %get3A_1372 = arith.index_cast %add3A_1371 : i32 to index
    %get3A_1373 = memref.load %arg2[%get3A_1372] : memref<1024xi32, #tpu.memory_space<smem>>
    %get3A_1374 = arith.constant 0 : index
    %get3A_1375 = arith.index_cast %get3A_1373 : i32 to index
    %get3A_1376 = arith.constant 0 : index
    %get3A_1377 = vector.load %arg101[%get3A_1374, %get3A_1375, %get3A_1376] : memref<1x8x64xf32, #tpu.memory_space<vmem>>, vector<1x1x64xf32>
    %get3A_1378 = vector.shape_cast %get3A_1377 : vector<1x1x64xf32> to vector<1x64xf32>
    %swap3A_1379 = arith.constant 98 : index
    %swap3A_1380 = arith.constant 0 : index
    %swap3A_1381 = vector.load %arg131[%swap3A_1379, %swap3A_1380] : memref<128x64xf32, #tpu.memory_space<vmem>>, vector<1x64xf32>
    tpu.vector_store %arg131[%swap3A_1379, %swap3A_1380], %get3A_1378 {strides = array<i32>} : memref<128x64xf32, #tpu.memory_space<vmem>>, vector<1x64xf32>,
    %mul3A_1382 = arith.constant 128 : i32
    %mul3A_1383 = arith.muli %arg0, %mul3A_1382 : i32
    %add3A_1384 = arith.constant 99 : i32
    %add3A_1385 = arith.addi %mul3A_1383, %add3A_1384 : i32
    %get3A_1386 = arith.index_cast %add3A_1385 : i32 to index
    %get3A_1387 = memref.load %arg2[%get3A_1386] : memref<1024xi32, #tpu.memory_space<smem>>
    %get3A_1388 = arith.constant 0 : index
    %get3A_1389 = arith.index_cast %get3A_1387 : i32 to index
    %get3A_1390 = arith.constant 0 : index
    %get3A_1391 = vector.load %arg102[%get3A_1388, %get3A_1389, %get3A_1390] : memref<1x8x64xf32, #tpu.memory_space<vmem>>, vector<1x1x64xf32>
    %get3A_1392 = vector.shape_cast %get3A_1391 : vector<1x1x64xf32> to vector<1x64xf32>
    %swap3A_1393 = arith.constant 99 : index
    %swap3A_1394 = arith.constant 0 : index
    %swap3A_1395 = vector.load %arg131[%swap3A_1393, %swap3A_1394] : memref<128x64xf32, #tpu.memory_space<vmem>>, vector<1x64xf32>
    tpu.vector_store %arg131[%swap3A_1393, %swap3A_1394], %get3A_1392 {strides = array<i32>} : memref<128x64xf32, #tpu.memory_space<vmem>>, vector<1x64xf32>,
    %mul3A_1396 = arith.constant 128 : i32
    %mul3A_1397 = arith.muli %arg0, %mul3A_1396 : i32
    %add3A_1398 = arith.constant 100 : i32
    %add3A_1399 = arith.addi %mul3A_1397, %add3A_1398 : i32
    %get3A_1400 = arith.index_cast %add3A_1399 : i32 to index
    %get3A_1401 = memref.load %arg2[%get3A_1400] : memref<1024xi32, #tpu.memory_space<smem>>
    %get3A_1402 = arith.constant 0 : index
    %get3A_1403 = arith.index_cast %get3A_1401 : i32 to index
    %get3A_1404 = arith.constant 0 : index
    %get3A_1405 = vector.load %arg103[%get3A_1402, %get3A_1403, %get3A_1404] : memref<1x8x64xf32, #tpu.memory_space<vmem>>, vector<1x1x64xf32>
    %get3A_1406 = vector.shape_cast %get3A_1405 : vector<1x1x64xf32> to vector<1x64xf32>
    %swap3A_1407 = arith.constant 100 : index
    %swap3A_1408 = arith.constant 0 : index
    %swap3A_1409 = vector.load %arg131[%swap3A_1407, %swap3A_1408] : memref<128x64xf32, #tpu.memory_space<vmem>>, vector<1x64xf32>
    tpu.vector_store %arg131[%swap3A_1407, %swap3A_1408], %get3A_1406 {strides = array<i32>} : memref<128x64xf32, #tpu.memory_space<vmem>>, vector<1x64xf32>,
    %mul3A_1410 = arith.constant 128 : i32
    %mul3A_1411 = arith.muli %arg0, %mul3A_1410 : i32
    %add3A_1412 = arith.constant 101 : i32
    %add3A_1413 = arith.addi %mul3A_1411, %add3A_1412 : i32
    %get3A_1414 = arith.index_cast %add3A_1413 : i32 to index
    %get3A_1415 = memref.load %arg2[%get3A_1414] : memref<1024xi32, #tpu.memory_space<smem>>
    %get3A_1416 = arith.constant 0 : index
    %get3A_1417 = arith.index_cast %get3A_1415 : i32 to index
    %get3A_1418 = arith.constant 0 : index
    %get3A_1419 = vector.load %arg104[%get3A_1416, %get3A_1417, %get3A_1418] : memref<1x8x64xf32, #tpu.memory_space<vmem>>, vector<1x1x64xf32>
    %get3A_1420 = vector.shape_cast %get3A_1419 : vector<1x1x64xf32> to vector<1x64xf32>
    %swap3A_1421 = arith.constant 101 : index
    %swap3A_1422 = arith.constant 0 : index
    %swap3A_1423 = vector.load %arg131[%swap3A_1421, %swap3A_1422] : memref<128x64xf32, #tpu.memory_space<vmem>>, vector<1x64xf32>
    tpu.vector_store %arg131[%swap3A_1421, %swap3A_1422], %get3A_1420 {strides = array<i32>} : memref<128x64xf32, #tpu.memory_space<vmem>>, vector<1x64xf32>,
    %mul3A_1424 = arith.constant 128 : i32
    %mul3A_1425 = arith.muli %arg0, %mul3A_1424 : i32
    %add3A_1426 = arith.constant 102 : i32
    %add3A_1427 = arith.addi %mul3A_1425, %add3A_1426 : i32
    %get3A_1428 = arith.index_cast %add3A_1427 : i32 to index
    %get3A_1429 = memref.load %arg2[%get3A_1428] : memref<1024xi32, #tpu.memory_space<smem>>
    %get3A_1430 = arith.constant 0 : index
    %get3A_1431 = arith.index_cast %get3A_1429 : i32 to index
    %get3A_1432 = arith.constant 0 : index
    %get3A_1433 = vector.load %arg105[%get3A_1430, %get3A_1431, %get3A_1432] : memref<1x8x64xf32, #tpu.memory_space<vmem>>, vector<1x1x64xf32>
    %get3A_1434 = vector.shape_cast %get3A_1433 : vector<1x1x64xf32> to vector<1x64xf32>
    %swap3A_1435 = arith.constant 102 : index
    %swap3A_1436 = arith.constant 0 : index
    %swap3A_1437 = vector.load %arg131[%swap3A_1435, %swap3A_1436] : memref<128x64xf32, #tpu.memory_space<vmem>>, vector<1x64xf32>
    tpu.vector_store %arg131[%swap3A_1435, %swap3A_1436], %get3A_1434 {strides = array<i32>} : memref<128x64xf32, #tpu.memory_space<vmem>>, vector<1x64xf32>,
    %mul3A_1438 = arith.constant 128 : i32
    %mul3A_1439 = arith.muli %arg0, %mul3A_1438 : i32
    %add3A_1440 = arith.constant 103 : i32
    %add3A_1441 = arith.addi %mul3A_1439, %add3A_1440 : i32
    %get3A_1442 = arith.index_cast %add3A_1441 : i32 to index
    %get3A_1443 = memref.load %arg2[%get3A_1442] : memref<1024xi32, #tpu.memory_space<smem>>
    %get3A_1444 = arith.constant 0 : index
    %get3A_1445 = arith.index_cast %get3A_1443 : i32 to index
    %get3A_1446 = arith.constant 0 : index
    %get3A_1447 = vector.load %arg106[%get3A_1444, %get3A_1445, %get3A_1446] : memref<1x8x64xf32, #tpu.memory_space<vmem>>, vector<1x1x64xf32>
    %get3A_1448 = vector.shape_cast %get3A_1447 : vector<1x1x64xf32> to vector<1x64xf32>
    %swap3A_1449 = arith.constant 103 : index
    %swap3A_1450 = arith.constant 0 : index
    %swap3A_1451 = vector.load %arg131[%swap3A_1449, %swap3A_1450] : memref<128x64xf32, #tpu.memory_space<vmem>>, vector<1x64xf32>
    tpu.vector_store %arg131[%swap3A_1449, %swap3A_1450], %get3A_1448 {strides = array<i32>} : memref<128x64xf32, #tpu.memory_space<vmem>>, vector<1x64xf32>,
    %mul3A_1452 = arith.constant 128 : i32
    %mul3A_1453 = arith.muli %arg0, %mul3A_1452 : i32
    %add3A_1454 = arith.constant 104 : i32
    %add3A_1455 = arith.addi %mul3A_1453, %add3A_1454 : i32
    %get3A_1456 = arith.index_cast %add3A_1455 : i32 to index
    %get3A_1457 = memref.load %arg2[%get3A_1456] : memref<1024xi32, #tpu.memory_space<smem>>
    %get3A_1458 = arith.constant 0 : index
    %get3A_1459 = arith.index_cast %get3A_1457 : i32 to index
    %get3A_1460 = arith.constant 0 : index
    %get3A_1461 = vector.load %arg107[%get3A_1458, %get3A_1459, %get3A_1460] : memref<1x8x64xf32, #tpu.memory_space<vmem>>, vector<1x1x64xf32>
    %get3A_1462 = vector.shape_cast %get3A_1461 : vector<1x1x64xf32> to vector<1x64xf32>
    %swap3A_1463 = arith.constant 104 : index
    %swap3A_1464 = arith.constant 0 : index
    %swap3A_1465 = vector.load %arg131[%swap3A_1463, %swap3A_1464] : memref<128x64xf32, #tpu.memory_space<vmem>>, vector<1x64xf32>
    tpu.vector_store %arg131[%swap3A_1463, %swap3A_1464], %get3A_1462 {strides = array<i32>} : memref<128x64xf32, #tpu.memory_space<vmem>>, vector<1x64xf32>,
    %mul3A_1466 = arith.constant 128 : i32
    %mul3A_1467 = arith.muli %arg0, %mul3A_1466 : i32
    %add3A_1468 = arith.constant 105 : i32
    %add3A_1469 = arith.addi %mul3A_1467, %add3A_1468 : i32
    %get3A_1470 = arith.index_cast %add3A_1469 : i32 to index
    %get3A_1471 = memref.load %arg2[%get3A_1470] : memref<1024xi32, #tpu.memory_space<smem>>
    %get3A_1472 = arith.constant 0 : index
    %get3A_1473 = arith.index_cast %get3A_1471 : i32 to index
    %get3A_1474 = arith.constant 0 : index
    %get3A_1475 = vector.load %arg108[%get3A_1472, %get3A_1473, %get3A_1474] : memref<1x8x64xf32, #tpu.memory_space<vmem>>, vector<1x1x64xf32>
    %get3A_1476 = vector.shape_cast %get3A_1475 : vector<1x1x64xf32> to vector<1x64xf32>
    %swap3A_1477 = arith.constant 105 : index
    %swap3A_1478 = arith.constant 0 : index
    %swap3A_1479 = vector.load %arg131[%swap3A_1477, %swap3A_1478] : memref<128x64xf32, #tpu.memory_space<vmem>>, vector<1x64xf32>
    tpu.vector_store %arg131[%swap3A_1477, %swap3A_1478], %get3A_1476 {strides = array<i32>} : memref<128x64xf32, #tpu.memory_space<vmem>>, vector<1x64xf32>,
    %mul3A_1480 = arith.constant 128 : i32
    %mul3A_1481 = arith.muli %arg0, %mul3A_1480 : i32
    %add3A_1482 = arith.constant 106 : i32
    %add3A_1483 = arith.addi %mul3A_1481, %add3A_1482 : i32
    %get3A_1484 = arith.index_cast %add3A_1483 : i32 to index
    %get3A_1485 = memref.load %arg2[%get3A_1484] : memref<1024xi32, #tpu.memory_space<smem>>
    %get3A_1486 = arith.constant 0 : index
    %get3A_1487 = arith.index_cast %get3A_1485 : i32 to index
    %get3A_1488 = arith.constant 0 : index
    %get3A_1489 = vector.load %arg109[%get3A_1486, %get3A_1487, %get3A_1488] : memref<1x8x64xf32, #tpu.memory_space<vmem>>, vector<1x1x64xf32>
    %get3A_1490 = vector.shape_cast %get3A_1489 : vector<1x1x64xf32> to vector<1x64xf32>
    %swap3A_1491 = arith.constant 106 : index
    %swap3A_1492 = arith.constant 0 : index
    %swap3A_1493 = vector.load %arg131[%swap3A_1491, %swap3A_1492] : memref<128x64xf32, #tpu.memory_space<vmem>>, vector<1x64xf32>
    tpu.vector_store %arg131[%swap3A_1491, %swap3A_1492], %get3A_1490 {strides = array<i32>} : memref<128x64xf32, #tpu.memory_space<vmem>>, vector<1x64xf32>,
    %mul3A_1494 = arith.constant 128 : i32
    %mul3A_1495 = arith.muli %arg0, %mul3A_1494 : i32
    %add3A_1496 = arith.constant 107 : i32
    %add3A_1497 = arith.addi %mul3A_1495, %add3A_1496 : i32
    %get3A_1498 = arith.index_cast %add3A_1497 : i32 to index
    %get3A_1499 = memref.load %arg2[%get3A_1498] : memref<1024xi32, #tpu.memory_space<smem>>
    %get3A_1500 = arith.constant 0 : index
    %get3A_1501 = arith.index_cast %get3A_1499 : i32 to index
    %get3A_1502 = arith.constant 0 : index
    %get3A_1503 = vector.load %arg110[%get3A_1500, %get3A_1501, %get3A_1502] : memref<1x8x64xf32, #tpu.memory_space<vmem>>, vector<1x1x64xf32>
    %get3A_1504 = vector.shape_cast %get3A_1503 : vector<1x1x64xf32> to vector<1x64xf32>
    %swap3A_1505 = arith.constant 107 : index
    %swap3A_1506 = arith.constant 0 : index
    %swap3A_1507 = vector.load %arg131[%swap3A_1505, %swap3A_1506] : memref<128x64xf32, #tpu.memory_space<vmem>>, vector<1x64xf32>
    tpu.vector_store %arg131[%swap3A_1505, %swap3A_1506], %get3A_1504 {strides = array<i32>} : memref<128x64xf32, #tpu.memory_space<vmem>>, vector<1x64xf32>,
    %mul3A_1508 = arith.constant 128 : i32
    %mul3A_1509 = arith.muli %arg0, %mul3A_1508 : i32
    %add3A_1510 = arith.constant 108 : i32
    %add3A_1511 = arith.addi %mul3A_1509, %add3A_1510 : i32
    %get3A_1512 = arith.index_cast %add3A_1511 : i32 to index
    %get3A_1513 = memref.load %arg2[%get3A_1512] : memref<1024xi32, #tpu.memory_space<smem>>
    %get3A_1514 = arith.constant 0 : index
    %get3A_1515 = arith.index_cast %get3A_1513 : i32 to index
    %get3A_1516 = arith.constant 0 : index
    %get3A_1517 = vector.load %arg111[%get3A_1514, %get3A_1515, %get3A_1516] : memref<1x8x64xf32, #tpu.memory_space<vmem>>, vector<1x1x64xf32>
    %get3A_1518 = vector.shape_cast %get3A_1517 : vector<1x1x64xf32> to vector<1x64xf32>
    %swap3A_1519 = arith.constant 108 : index
    %swap3A_1520 = arith.constant 0 : index
    %swap3A_1521 = vector.load %arg131[%swap3A_1519, %swap3A_1520] : memref<128x64xf32, #tpu.memory_space<vmem>>, vector<1x64xf32>
    tpu.vector_store %arg131[%swap3A_1519, %swap3A_1520], %get3A_1518 {strides = array<i32>} : memref<128x64xf32, #tpu.memory_space<vmem>>, vector<1x64xf32>,
    %mul3A_1522 = arith.constant 128 : i32
    %mul3A_1523 = arith.muli %arg0, %mul3A_1522 : i32
    %add3A_1524 = arith.constant 109 : i32
    %add3A_1525 = arith.addi %mul3A_1523, %add3A_1524 : i32
    %get3A_1526 = arith.index_cast %add3A_1525 : i32 to index
    %get3A_1527 = memref.load %arg2[%get3A_1526] : memref<1024xi32, #tpu.memory_space<smem>>
    %get3A_1528 = arith.constant 0 : index
    %get3A_1529 = arith.index_cast %get3A_1527 : i32 to index
    %get3A_1530 = arith.constant 0 : index
    %get3A_1531 = vector.load %arg112[%get3A_1528, %get3A_1529, %get3A_1530] : memref<1x8x64xf32, #tpu.memory_space<vmem>>, vector<1x1x64xf32>
    %get3A_1532 = vector.shape_cast %get3A_1531 : vector<1x1x64xf32> to vector<1x64xf32>
    %swap3A_1533 = arith.constant 109 : index
    %swap3A_1534 = arith.constant 0 : index
    %swap3A_1535 = vector.load %arg131[%swap3A_1533, %swap3A_1534] : memref<128x64xf32, #tpu.memory_space<vmem>>, vector<1x64xf32>
    tpu.vector_store %arg131[%swap3A_1533, %swap3A_1534], %get3A_1532 {strides = array<i32>} : memref<128x64xf32, #tpu.memory_space<vmem>>, vector<1x64xf32>,
    %mul3A_1536 = arith.constant 128 : i32
    %mul3A_1537 = arith.muli %arg0, %mul3A_1536 : i32
    %add3A_1538 = arith.constant 110 : i32
    %add3A_1539 = arith.addi %mul3A_1537, %add3A_1538 : i32
    %get3A_1540 = arith.index_cast %add3A_1539 : i32 to index
    %get3A_1541 = memref.load %arg2[%get3A_1540] : memref<1024xi32, #tpu.memory_space<smem>>
    %get3A_1542 = arith.constant 0 : index
    %get3A_1543 = arith.index_cast %get3A_1541 : i32 to index
    %get3A_1544 = arith.constant 0 : index
    %get3A_1545 = vector.load %arg113[%get3A_1542, %get3A_1543, %get3A_1544] : memref<1x8x64xf32, #tpu.memory_space<vmem>>, vector<1x1x64xf32>
    %get3A_1546 = vector.shape_cast %get3A_1545 : vector<1x1x64xf32> to vector<1x64xf32>
    %swap3A_1547 = arith.constant 110 : index
    %swap3A_1548 = arith.constant 0 : index
    %swap3A_1549 = vector.load %arg131[%swap3A_1547, %swap3A_1548] : memref<128x64xf32, #tpu.memory_space<vmem>>, vector<1x64xf32>
    tpu.vector_store %arg131[%swap3A_1547, %swap3A_1548], %get3A_1546 {strides = array<i32>} : memref<128x64xf32, #tpu.memory_space<vmem>>, vector<1x64xf32>,
    %mul3A_1550 = arith.constant 128 : i32
    %mul3A_1551 = arith.muli %arg0, %mul3A_1550 : i32
    %add3A_1552 = arith.constant 111 : i32
    %add3A_1553 = arith.addi %mul3A_1551, %add3A_1552 : i32
    %get3A_1554 = arith.index_cast %add3A_1553 : i32 to index
    %get3A_1555 = memref.load %arg2[%get3A_1554] : memref<1024xi32, #tpu.memory_space<smem>>
    %get3A_1556 = arith.constant 0 : index
    %get3A_1557 = arith.index_cast %get3A_1555 : i32 to index
    %get3A_1558 = arith.constant 0 : index
    %get3A_1559 = vector.load %arg114[%get3A_1556, %get3A_1557, %get3A_1558] : memref<1x8x64xf32, #tpu.memory_space<vmem>>, vector<1x1x64xf32>
    %get3A_1560 = vector.shape_cast %get3A_1559 : vector<1x1x64xf32> to vector<1x64xf32>
    %swap3A_1561 = arith.constant 111 : index
    %swap3A_1562 = arith.constant 0 : index
    %swap3A_1563 = vector.load %arg131[%swap3A_1561, %swap3A_1562] : memref<128x64xf32, #tpu.memory_space<vmem>>, vector<1x64xf32>
    tpu.vector_store %arg131[%swap3A_1561, %swap3A_1562], %get3A_1560 {strides = array<i32>} : memref<128x64xf32, #tpu.memory_space<vmem>>, vector<1x64xf32>,
    %mul3A_1564 = arith.constant 128 : i32
    %mul3A_1565 = arith.muli %arg0, %mul3A_1564 : i32
    %add3A_1566 = arith.constant 112 : i32
    %add3A_1567 = arith.addi %mul3A_1565, %add3A_1566 : i32
    %get3A_1568 = arith.index_cast %add3A_1567 : i32 to index
    %get3A_1569 = memref.load %arg2[%get3A_1568] : memref<1024xi32, #tpu.memory_space<smem>>
    %get3A_1570 = arith.constant 0 : index
    %get3A_1571 = arith.index_cast %get3A_1569 : i32 to index
    %get3A_1572 = arith.constant 0 : index
    %get3A_1573 = vector.load %arg115[%get3A_1570, %get3A_1571, %get3A_1572] : memref<1x8x64xf32, #tpu.memory_space<vmem>>, vector<1x1x64xf32>
    %get3A_1574 = vector.shape_cast %get3A_1573 : vector<1x1x64xf32> to vector<1x64xf32>
    %swap3A_1575 = arith.constant 112 : index
    %swap3A_1576 = arith.constant 0 : index
    %swap3A_1577 = vector.load %arg131[%swap3A_1575, %swap3A_1576] : memref<128x64xf32, #tpu.memory_space<vmem>>, vector<1x64xf32>
    tpu.vector_store %arg131[%swap3A_1575, %swap3A_1576], %get3A_1574 {strides = array<i32>} : memref<128x64xf32, #tpu.memory_space<vmem>>, vector<1x64xf32>,
    %mul3A_1578 = arith.constant 128 : i32
    %mul3A_1579 = arith.muli %arg0, %mul3A_1578 : i32
    %add3A_1580 = arith.constant 113 : i32
    %add3A_1581 = arith.addi %mul3A_1579, %add3A_1580 : i32
    %get3A_1582 = arith.index_cast %add3A_1581 : i32 to index
    %get3A_1583 = memref.load %arg2[%get3A_1582] : memref<1024xi32, #tpu.memory_space<smem>>
    %get3A_1584 = arith.constant 0 : index
    %get3A_1585 = arith.index_cast %get3A_1583 : i32 to index
    %get3A_1586 = arith.constant 0 : index
    %get3A_1587 = vector.load %arg116[%get3A_1584, %get3A_1585, %get3A_1586] : memref<1x8x64xf32, #tpu.memory_space<vmem>>, vector<1x1x64xf32>
    %get3A_1588 = vector.shape_cast %get3A_1587 : vector<1x1x64xf32> to vector<1x64xf32>
    %swap3A_1589 = arith.constant 113 : index
    %swap3A_1590 = arith.constant 0 : index
    %swap3A_1591 = vector.load %arg131[%swap3A_1589, %swap3A_1590] : memref<128x64xf32, #tpu.memory_space<vmem>>, vector<1x64xf32>
    tpu.vector_store %arg131[%swap3A_1589, %swap3A_1590], %get3A_1588 {strides = array<i32>} : memref<128x64xf32, #tpu.memory_space<vmem>>, vector<1x64xf32>,
    %mul3A_1592 = arith.constant 128 : i32
    %mul3A_1593 = arith.muli %arg0, %mul3A_1592 : i32
    %add3A_1594 = arith.constant 114 : i32
    %add3A_1595 = arith.addi %mul3A_1593, %add3A_1594 : i32
    %get3A_1596 = arith.index_cast %add3A_1595 : i32 to index
    %get3A_1597 = memref.load %arg2[%get3A_1596] : memref<1024xi32, #tpu.memory_space<smem>>
    %get3A_1598 = arith.constant 0 : index
    %get3A_1599 = arith.index_cast %get3A_1597 : i32 to index
    %get3A_1600 = arith.constant 0 : index
    %get3A_1601 = vector.load %arg117[%get3A_1598, %get3A_1599, %get3A_1600] : memref<1x8x64xf32, #tpu.memory_space<vmem>>, vector<1x1x64xf32>
    %get3A_1602 = vector.shape_cast %get3A_1601 : vector<1x1x64xf32> to vector<1x64xf32>
    %swap3A_1603 = arith.constant 114 : index
    %swap3A_1604 = arith.constant 0 : index
    %swap3A_1605 = vector.load %arg131[%swap3A_1603, %swap3A_1604] : memref<128x64xf32, #tpu.memory_space<vmem>>, vector<1x64xf32>
    tpu.vector_store %arg131[%swap3A_1603, %swap3A_1604], %get3A_1602 {strides = array<i32>} : memref<128x64xf32, #tpu.memory_space<vmem>>, vector<1x64xf32>,
    %mul3A_1606 = arith.constant 128 : i32
    %mul3A_1607 = arith.muli %arg0, %mul3A_1606 : i32
    %add3A_1608 = arith.constant 115 : i32
    %add3A_1609 = arith.addi %mul3A_1607, %add3A_1608 : i32
    %get3A_1610 = arith.index_cast %add3A_1609 : i32 to index
    %get3A_1611 = memref.load %arg2[%get3A_1610] : memref<1024xi32, #tpu.memory_space<smem>>
    %get3A_1612 = arith.constant 0 : index
    %get3A_1613 = arith.index_cast %get3A_1611 : i32 to index
    %get3A_1614 = arith.constant 0 : index
    %get3A_1615 = vector.load %arg118[%get3A_1612, %get3A_1613, %get3A_1614] : memref<1x8x64xf32, #tpu.memory_space<vmem>>, vector<1x1x64xf32>
    %get3A_1616 = vector.shape_cast %get3A_1615 : vector<1x1x64xf32> to vector<1x64xf32>
    %swap3A_1617 = arith.constant 115 : index
    %swap3A_1618 = arith.constant 0 : index
    %swap3A_1619 = vector.load %arg131[%swap3A_1617, %swap3A_1618] : memref<128x64xf32, #tpu.memory_space<vmem>>, vector<1x64xf32>
    tpu.vector_store %arg131[%swap3A_1617, %swap3A_1618], %get3A_1616 {strides = array<i32>} : memref<128x64xf32, #tpu.memory_space<vmem>>, vector<1x64xf32>,
    %mul3A_1620 = arith.constant 128 : i32
    %mul3A_1621 = arith.muli %arg0, %mul3A_1620 : i32
    %add3A_1622 = arith.constant 116 : i32
    %add3A_1623 = arith.addi %mul3A_1621, %add3A_1622 : i32
    %get3A_1624 = arith.index_cast %add3A_1623 : i32 to index
    %get3A_1625 = memref.load %arg2[%get3A_1624] : memref<1024xi32, #tpu.memory_space<smem>>
    %get3A_1626 = arith.constant 0 : index
    %get3A_1627 = arith.index_cast %get3A_1625 : i32 to index
    %get3A_1628 = arith.constant 0 : index
    %get3A_1629 = vector.load %arg119[%get3A_1626, %get3A_1627, %get3A_1628] : memref<1x8x64xf32, #tpu.memory_space<vmem>>, vector<1x1x64xf32>
    %get3A_1630 = vector.shape_cast %get3A_1629 : vector<1x1x64xf32> to vector<1x64xf32>
    %swap3A_1631 = arith.constant 116 : index
    %swap3A_1632 = arith.constant 0 : index
    %swap3A_1633 = vector.load %arg131[%swap3A_1631, %swap3A_1632] : memref<128x64xf32, #tpu.memory_space<vmem>>, vector<1x64xf32>
    tpu.vector_store %arg131[%swap3A_1631, %swap3A_1632], %get3A_1630 {strides = array<i32>} : memref<128x64xf32, #tpu.memory_space<vmem>>, vector<1x64xf32>,
    %mul3A_1634 = arith.constant 128 : i32
    %mul3A_1635 = arith.muli %arg0, %mul3A_1634 : i32
    %add3A_1636 = arith.constant 117 : i32
    %add3A_1637 = arith.addi %mul3A_1635, %add3A_1636 : i32
    %get3A_1638 = arith.index_cast %add3A_1637 : i32 to index
    %get3A_1639 = memref.load %arg2[%get3A_1638] : memref<1024xi32, #tpu.memory_space<smem>>
    %get3A_1640 = arith.constant 0 : index
    %get3A_1641 = arith.index_cast %get3A_1639 : i32 to index
    %get3A_1642 = arith.constant 0 : index
    %get3A_1643 = vector.load %arg120[%get3A_1640, %get3A_1641, %get3A_1642] : memref<1x8x64xf32, #tpu.memory_space<vmem>>, vector<1x1x64xf32>
    %get3A_1644 = vector.shape_cast %get3A_1643 : vector<1x1x64xf32> to vector<1x64xf32>
    %swap3A_1645 = arith.constant 117 : index
    %swap3A_1646 = arith.constant 0 : index
    %swap3A_1647 = vector.load %arg131[%swap3A_1645, %swap3A_1646] : memref<128x64xf32, #tpu.memory_space<vmem>>, vector<1x64xf32>
    tpu.vector_store %arg131[%swap3A_1645, %swap3A_1646], %get3A_1644 {strides = array<i32>} : memref<128x64xf32, #tpu.memory_space<vmem>>, vector<1x64xf32>,
    %mul3A_1648 = arith.constant 128 : i32
    %mul3A_1649 = arith.muli %arg0, %mul3A_1648 : i32
    %add3A_1650 = arith.constant 118 : i32
    %add3A_1651 = arith.addi %mul3A_1649, %add3A_1650 : i32
    %get3A_1652 = arith.index_cast %add3A_1651 : i32 to index
    %get3A_1653 = memref.load %arg2[%get3A_1652] : memref<1024xi32, #tpu.memory_space<smem>>
    %get3A_1654 = arith.constant 0 : index
    %get3A_1655 = arith.index_cast %get3A_1653 : i32 to index
    %get3A_1656 = arith.constant 0 : index
    %get3A_1657 = vector.load %arg121[%get3A_1654, %get3A_1655, %get3A_1656] : memref<1x8x64xf32, #tpu.memory_space<vmem>>, vector<1x1x64xf32>
    %get3A_1658 = vector.shape_cast %get3A_1657 : vector<1x1x64xf32> to vector<1x64xf32>
    %swap3A_1659 = arith.constant 118 : index
    %swap3A_1660 = arith.constant 0 : index
    %swap3A_1661 = vector.load %arg131[%swap3A_1659, %swap3A_1660] : memref<128x64xf32, #tpu.memory_space<vmem>>, vector<1x64xf32>
    tpu.vector_store %arg131[%swap3A_1659, %swap3A_1660], %get3A_1658 {strides = array<i32>} : memref<128x64xf32, #tpu.memory_space<vmem>>, vector<1x64xf32>,
    %mul3A_1662 = arith.constant 128 : i32
    %mul3A_1663 = arith.muli %arg0, %mul3A_1662 : i32
    %add3A_1664 = arith.constant 119 : i32
    %add3A_1665 = arith.addi %mul3A_1663, %add3A_1664 : i32
    %get3A_1666 = arith.index_cast %add3A_1665 : i32 to index
    %get3A_1667 = memref.load %arg2[%get3A_1666] : memref<1024xi32, #tpu.memory_space<smem>>
    %get3A_1668 = arith.constant 0 : index
    %get3A_1669 = arith.index_cast %get3A_1667 : i32 to index
    %get3A_1670 = arith.constant 0 : index
    %get3A_1671 = vector.load %arg122[%get3A_1668, %get3A_1669, %get3A_1670] : memref<1x8x64xf32, #tpu.memory_space<vmem>>, vector<1x1x64xf32>
    %get3A_1672 = vector.shape_cast %get3A_1671 : vector<1x1x64xf32> to vector<1x64xf32>
    %swap3A_1673 = arith.constant 119 : index
    %swap3A_1674 = arith.constant 0 : index
    %swap3A_1675 = vector.load %arg131[%swap3A_1673, %swap3A_1674] : memref<128x64xf32, #tpu.memory_space<vmem>>, vector<1x64xf32>
    tpu.vector_store %arg131[%swap3A_1673, %swap3A_1674], %get3A_1672 {strides = array<i32>} : memref<128x64xf32, #tpu.memory_space<vmem>>, vector<1x64xf32>,
    %mul3A_1676 = arith.constant 128 : i32
    %mul3A_1677 = arith.muli %arg0, %mul3A_1676 : i32
    %add3A_1678 = arith.constant 120 : i32
    %add3A_1679 = arith.addi %mul3A_1677, %add3A_1678 : i32
    %get3A_1680 = arith.index_cast %add3A_1679 : i32 to index
    %get3A_1681 = memref.load %arg2[%get3A_1680] : memref<1024xi32, #tpu.memory_space<smem>>
    %get3A_1682 = arith.constant 0 : index
    %get3A_1683 = arith.index_cast %get3A_1681 : i32 to index
    %get3A_1684 = arith.constant 0 : index
    %get3A_1685 = vector.load %arg123[%get3A_1682, %get3A_1683, %get3A_1684] : memref<1x8x64xf32, #tpu.memory_space<vmem>>, vector<1x1x64xf32>
    %get3A_1686 = vector.shape_cast %get3A_1685 : vector<1x1x64xf32> to vector<1x64xf32>
    %swap3A_1687 = arith.constant 120 : index
    %swap3A_1688 = arith.constant 0 : index
    %swap3A_1689 = vector.load %arg131[%swap3A_1687, %swap3A_1688] : memref<128x64xf32, #tpu.memory_space<vmem>>, vector<1x64xf32>
    tpu.vector_store %arg131[%swap3A_1687, %swap3A_1688], %get3A_1686 {strides = array<i32>} : memref<128x64xf32, #tpu.memory_space<vmem>>, vector<1x64xf32>,
    %mul3A_1690 = arith.constant 128 : i32
    %mul3A_1691 = arith.muli %arg0, %mul3A_1690 : i32
    %add3A_1692 = arith.constant 121 : i32
    %add3A_1693 = arith.addi %mul3A_1691, %add3A_1692 : i32
    %get3A_1694 = arith.index_cast %add3A_1693 : i32 to index
    %get3A_1695 = memref.load %arg2[%get3A_1694] : memref<1024xi32, #tpu.memory_space<smem>>
    %get3A_1696 = arith.constant 0 : index
    %get3A_1697 = arith.index_cast %get3A_1695 : i32 to index
    %get3A_1698 = arith.constant 0 : index
    %get3A_1699 = vector.load %arg124[%get3A_1696, %get3A_1697, %get3A_1698] : memref<1x8x64xf32, #tpu.memory_space<vmem>>, vector<1x1x64xf32>
    %get3A_1700 = vector.shape_cast %get3A_1699 : vector<1x1x64xf32> to vector<1x64xf32>
    %swap3A_1701 = arith.constant 121 : index
    %swap3A_1702 = arith.constant 0 : index
    %swap3A_1703 = vector.load %arg131[%swap3A_1701, %swap3A_1702] : memref<128x64xf32, #tpu.memory_space<vmem>>, vector<1x64xf32>
    tpu.vector_store %arg131[%swap3A_1701, %swap3A_1702], %get3A_1700 {strides = array<i32>} : memref<128x64xf32, #tpu.memory_space<vmem>>, vector<1x64xf32>,
    %mul3A_1704 = arith.constant 128 : i32
    %mul3A_1705 = arith.muli %arg0, %mul3A_1704 : i32
    %add3A_1706 = arith.constant 122 : i32
    %add3A_1707 = arith.addi %mul3A_1705, %add3A_1706 : i32
    %get3A_1708 = arith.index_cast %add3A_1707 : i32 to index
    %get3A_1709 = memref.load %arg2[%get3A_1708] : memref<1024xi32, #tpu.memory_space<smem>>
    %get3A_1710 = arith.constant 0 : index
    %get3A_1711 = arith.index_cast %get3A_1709 : i32 to index
    %get3A_1712 = arith.constant 0 : index
    %get3A_1713 = vector.load %arg125[%get3A_1710, %get3A_1711, %get3A_1712] : memref<1x8x64xf32, #tpu.memory_space<vmem>>, vector<1x1x64xf32>
    %get3A_1714 = vector.shape_cast %get3A_1713 : vector<1x1x64xf32> to vector<1x64xf32>
    %swap3A_1715 = arith.constant 122 : index
    %swap3A_1716 = arith.constant 0 : index
    %swap3A_1717 = vector.load %arg131[%swap3A_1715, %swap3A_1716] : memref<128x64xf32, #tpu.memory_space<vmem>>, vector<1x64xf32>
    tpu.vector_store %arg131[%swap3A_1715, %swap3A_1716], %get3A_1714 {strides = array<i32>} : memref<128x64xf32, #tpu.memory_space<vmem>>, vector<1x64xf32>,
    %mul3A_1718 = arith.constant 128 : i32
    %mul3A_1719 = arith.muli %arg0, %mul3A_1718 : i32
    %add3A_1720 = arith.constant 123 : i32
    %add3A_1721 = arith.addi %mul3A_1719, %add3A_1720 : i32
    %get3A_1722 = arith.index_cast %add3A_1721 : i32 to index
    %get3A_1723 = memref.load %arg2[%get3A_1722] : memref<1024xi32, #tpu.memory_space<smem>>
    %get3A_1724 = arith.constant 0 : index
    %get3A_1725 = arith.index_cast %get3A_1723 : i32 to index
    %get3A_1726 = arith.constant 0 : index
    %get3A_1727 = vector.load %arg126[%get3A_1724, %get3A_1725, %get3A_1726] : memref<1x8x64xf32, #tpu.memory_space<vmem>>, vector<1x1x64xf32>
    %get3A_1728 = vector.shape_cast %get3A_1727 : vector<1x1x64xf32> to vector<1x64xf32>
    %swap3A_1729 = arith.constant 123 : index
    %swap3A_1730 = arith.constant 0 : index
    %swap3A_1731 = vector.load %arg131[%swap3A_1729, %swap3A_1730] : memref<128x64xf32, #tpu.memory_space<vmem>>, vector<1x64xf32>
    tpu.vector_store %arg131[%swap3A_1729, %swap3A_1730], %get3A_1728 {strides = array<i32>} : memref<128x64xf32, #tpu.memory_space<vmem>>, vector<1x64xf32>,
    %mul3A_1732 = arith.constant 128 : i32
    %mul3A_1733 = arith.muli %arg0, %mul3A_1732 : i32
    %add3A_1734 = arith.constant 124 : i32
    %add3A_1735 = arith.addi %mul3A_1733, %add3A_1734 : i32
    %get3A_1736 = arith.index_cast %add3A_1735 : i32 to index
    %get3A_1737 = memref.load %arg2[%get3A_1736] : memref<1024xi32, #tpu.memory_space<smem>>
    %get3A_1738 = arith.constant 0 : index
    %get3A_1739 = arith.index_cast %get3A_1737 : i32 to index
    %get3A_1740 = arith.constant 0 : index
    %get3A_1741 = vector.load %arg127[%get3A_1738, %get3A_1739, %get3A_1740] : memref<1x8x64xf32, #tpu.memory_space<vmem>>, vector<1x1x64xf32>
    %get3A_1742 = vector.shape_cast %get3A_1741 : vector<1x1x64xf32> to vector<1x64xf32>
    %swap3A_1743 = arith.constant 124 : index
    %swap3A_1744 = arith.constant 0 : index
    %swap3A_1745 = vector.load %arg131[%swap3A_1743, %swap3A_1744] : memref<128x64xf32, #tpu.memory_space<vmem>>, vector<1x64xf32>
    tpu.vector_store %arg131[%swap3A_1743, %swap3A_1744], %get3A_1742 {strides = array<i32>} : memref<128x64xf32, #tpu.memory_space<vmem>>, vector<1x64xf32>,
    %mul3A_1746 = arith.constant 128 : i32
    %mul3A_1747 = arith.muli %arg0, %mul3A_1746 : i32
    %add3A_1748 = arith.constant 125 : i32
    %add3A_1749 = arith.addi %mul3A_1747, %add3A_1748 : i32
    %get3A_1750 = arith.index_cast %add3A_1749 : i32 to index
    %get3A_1751 = memref.load %arg2[%get3A_1750] : memref<1024xi32, #tpu.memory_space<smem>>
    %get3A_1752 = arith.constant 0 : index
    %get3A_1753 = arith.index_cast %get3A_1751 : i32 to index
    %get3A_1754 = arith.constant 0 : index
    %get3A_1755 = vector.load %arg128[%get3A_1752, %get3A_1753, %get3A_1754] : memref<1x8x64xf32, #tpu.memory_space<vmem>>, vector<1x1x64xf32>
    %get3A_1756 = vector.shape_cast %get3A_1755 : vector<1x1x64xf32> to vector<1x64xf32>
    %swap3A_1757 = arith.constant 125 : index
    %swap3A_1758 = arith.constant 0 : index
    %swap3A_1759 = vector.load %arg131[%swap3A_1757, %swap3A_1758] : memref<128x64xf32, #tpu.memory_space<vmem>>, vector<1x64xf32>
    tpu.vector_store %arg131[%swap3A_1757, %swap3A_1758], %get3A_1756 {strides = array<i32>} : memref<128x64xf32, #tpu.memory_space<vmem>>, vector<1x64xf32>,
    %mul3A_1760 = arith.constant 128 : i32
    %mul3A_1761 = arith.muli %arg0, %mul3A_1760 : i32
    %add3A_1762 = arith.constant 126 : i32
    %add3A_1763 = arith.addi %mul3A_1761, %add3A_1762 : i32
    %get3A_1764 = arith.index_cast %add3A_1763 : i32 to index
    %get3A_1765 = memref.load %arg2[%get3A_1764] : memref<1024xi32, #tpu.memory_space<smem>>
    %get3A_1766 = arith.constant 0 : index
    %get3A_1767 = arith.index_cast %get3A_1765 : i32 to index
    %get3A_1768 = arith.constant 0 : index
    %get3A_1769 = vector.load %arg129[%get3A_1766, %get3A_1767, %get3A_1768] : memref<1x8x64xf32, #tpu.memory_space<vmem>>, vector<1x1x64xf32>
    %get3A_1770 = vector.shape_cast %get3A_1769 : vector<1x1x64xf32> to vector<1x64xf32>
    %swap3A_1771 = arith.constant 126 : index
    %swap3A_1772 = arith.constant 0 : index
    %swap3A_1773 = vector.load %arg131[%swap3A_1771, %swap3A_1772] : memref<128x64xf32, #tpu.memory_space<vmem>>, vector<1x64xf32>
    tpu.vector_store %arg131[%swap3A_1771, %swap3A_1772], %get3A_1770 {strides = array<i32>} : memref<128x64xf32, #tpu.memory_space<vmem>>, vector<1x64xf32>,
    %mul3A_1774 = arith.constant 128 : i32
    %mul3A_1775 = arith.muli %arg0, %mul3A_1774 : i32
    %add3A_1776 = arith.constant 127 : i32
    %add3A_1777 = arith.addi %mul3A_1775, %add3A_1776 : i32
    %get3A_1778 = arith.index_cast %add3A_1777 : i32 to index
    %get3A_1779 = memref.load %arg2[%get3A_1778] : memref<1024xi32, #tpu.memory_space<smem>>
    %get3A_1780 = arith.constant 0 : index
    %get3A_1781 = arith.index_cast %get3A_1779 : i32 to index
    %get3A_1782 = arith.constant 0 : index
    %get3A_1783 = vector.load %arg130[%get3A_1780, %get3A_1781, %get3A_1782] : memref<1x8x64xf32, #tpu.memory_space<vmem>>, vector<1x1x64xf32>
    %get3A_1784 = vector.shape_cast %get3A_1783 : vector<1x1x64xf32> to vector<1x64xf32>
    %swap3A_1785 = arith.constant 127 : index
    %swap3A_1786 = arith.constant 0 : index
    %swap3A_1787 = vector.load %arg131[%swap3A_1785, %swap3A_1786] : memref<128x64xf32, #tpu.memory_space<vmem>>, vector<1x64xf32>
    tpu.vector_store %arg131[%swap3A_1785, %swap3A_1786], %get3A_1784 {strides = array<i32>} : memref<128x64xf32, #tpu.memory_space<vmem>>, vector<1x64xf32>,
    return
  }
  func.func @transform_0(%arg0: i32, %arg1: memref<1024xi32, #tpu.memory_space<smem>>, %arg2: memref<1024xi32, #tpu.memory_space<smem>>) -> (i32, i32, i32) {
    %mul3A = arith.constant 128 : i32
    %mul3A_0 = arith.muli %arg0, %mul3A : i32
    %add3A = arith.constant 0 : i32
    %add3A_1 = arith.addi %mul3A_0, %add3A : i32
    %get3A = arith.index_cast %add3A_1 : i32 to index
    %get3A_2 = memref.load %arg1[%get3A] : memref<1024xi32, #tpu.memory_space<smem>>
    %c0_i32 = arith.constant 0 : i32
    %c0_i32_3 = arith.constant 0 : i32
    %c0_i32_4 = arith.constant 0 : i32
    return %get3A_2, %c0_i32, %c0_i32_3 : i32, i32, i32
  }
  func.func @transform_1(%arg0: i32, %arg1: memref<1024xi32, #tpu.memory_space<smem>>, %arg2: memref<1024xi32, #tpu.memory_space<smem>>) -> (i32, i32, i32) {
    %mul3A = arith.constant 128 : i32
    %mul3A_0 = arith.muli %arg0, %mul3A : i32
    %add3A = arith.constant 1 : i32
    %add3A_1 = arith.addi %mul3A_0, %add3A : i32
    %get3A = arith.index_cast %add3A_1 : i32 to index
    %get3A_2 = memref.load %arg1[%get3A] : memref<1024xi32, #tpu.memory_space<smem>>
    %c0_i32 = arith.constant 0 : i32
    %c0_i32_3 = arith.constant 0 : i32
    %c0_i32_4 = arith.constant 0 : i32
    return %get3A_2, %c0_i32, %c0_i32_3 : i32, i32, i32
  }
  func.func @transform_2(%arg0: i32, %arg1: memref<1024xi32, #tpu.memory_space<smem>>, %arg2: memref<1024xi32, #tpu.memory_space<smem>>) -> (i32, i32, i32) {
    %mul3A = arith.constant 128 : i32
    %mul3A_0 = arith.muli %arg0, %mul3A : i32
    %add3A = arith.constant 2 : i32
    %add3A_1 = arith.addi %mul3A_0, %add3A : i32
    %get3A = arith.index_cast %add3A_1 : i32 to index
    %get3A_2 = memref.load %arg1[%get3A] : memref<1024xi32, #tpu.memory_space<smem>>
    %c0_i32 = arith.constant 0 : i32
    %c0_i32_3 = arith.constant 0 : i32
    %c0_i32_4 = arith.constant 0 : i32
    return %get3A_2, %c0_i32, %c0_i32_3 : i32, i32, i32
  }
  func.func @transform_3(%arg0: i32, %arg1: memref<1024xi32, #tpu.memory_space<smem>>, %arg2: memref<1024xi32, #tpu.memory_space<smem>>) -> (i32, i32, i32) {
    %mul3A = arith.constant 128 : i32
    %mul3A_0 = arith.muli %arg0, %mul3A : i32
    %add3A = arith.constant 3 : i32
    %add3A_1 = arith.addi %mul3A_0, %add3A : i32
    %get3A = arith.index_cast %add3A_1 : i32 to index
    %get3A_2 = memref.load %arg1[%get3A] : memref<1024xi32, #tpu.memory_space<smem>>
    %c0_i32 = arith.constant 0 : i32
    %c0_i32_3 = arith.constant 0 : i32
    %c0_i32_4 = arith.constant 0 : i32
    return %get3A_2, %c0_i32, %c0_i32_3 : i32, i32, i32
  }
  func.func @transform_4(%arg0: i32, %arg1: memref<1024xi32, #tpu.memory_space<smem>>, %arg2: memref<1024xi32, #tpu.memory_space<smem>>) -> (i32, i32, i32) {
    %mul3A = arith.constant 128 : i32
    %mul3A_0 = arith.muli %arg0, %mul3A : i32
    %add3A = arith.constant 4 : i32
    %add3A_1 = arith.addi %mul3A_0, %add3A : i32
    %get3A = arith.index_cast %add3A_1 : i32 to index
    %get3A_2 = memref.load %arg1[%get3A] : memref<1024xi32, #tpu.memory_space<smem>>
    %c0_i32 = arith.constant 0 : i32
    %c0_i32_3 = arith.constant 0 : i32
    %c0_i32_4 = arith.constant 0 : i32
    return %get3A_2, %c0_i32, %c0_i32_3 : i32, i32, i32
  }
  func.func @transform_5(%arg0: i32, %arg1: memref<1024xi32, #tpu.memory_space<smem>>, %arg2: memref<1024xi32, #tpu.memory_space<smem>>) -> (i32, i32, i32) {
    %mul3A = arith.constant 128 : i32
    %mul3A_0 = arith.muli %arg0, %mul3A : i32
    %add3A = arith.constant 5 : i32
    %add3A_1 = arith.addi %mul3A_0, %add3A : i32
    %get3A = arith.index_cast %add3A_1 : i32 to index
    %get3A_2 = memref.load %arg1[%get3A] : memref<1024xi32, #tpu.memory_space<smem>>
    %c0_i32 = arith.constant 0 : i32
    %c0_i32_3 = arith.constant 0 : i32
    %c0_i32_4 = arith.constant 0 : i32
    return %get3A_2, %c0_i32, %c0_i32_3 : i32, i32, i32
  }
  func.func @transform_6(%arg0: i32, %arg1: memref<1024xi32, #tpu.memory_space<smem>>, %arg2: memref<1024xi32, #tpu.memory_space<smem>>) -> (i32, i32, i32) {
    %mul3A = arith.constant 128 : i32
    %mul3A_0 = arith.muli %arg0, %mul3A : i32
    %add3A = arith.constant 6 : i32
    %add3A_1 = arith.addi %mul3A_0, %add3A : i32
    %get3A = arith.index_cast %add3A_1 : i32 to index
    %get3A_2 = memref.load %arg1[%get3A] : memref<1024xi32, #tpu.memory_space<smem>>
    %c0_i32 = arith.constant 0 : i32
    %c0_i32_3 = arith.constant 0 : i32
    %c0_i32_4 = arith.constant 0 : i32
    return %get3A_2, %c0_i32, %c0_i32_3 : i32, i32, i32
  }
  func.func @transform_7(%arg0: i32, %arg1: memref<1024xi32, #tpu.memory_space<smem>>, %arg2: memref<1024xi32, #tpu.memory_space<smem>>) -> (i32, i32, i32) {
    %mul3A = arith.constant 128 : i32
    %mul3A_0 = arith.muli %arg0, %mul3A : i32
    %add3A = arith.constant 7 : i32
    %add3A_1 = arith.addi %mul3A_0, %add3A : i32
    %get3A = arith.index_cast %add3A_1 : i32 to index
    %get3A_2 = memref.load %arg1[%get3A] : memref<1024xi32, #tpu.memory_space<smem>>
    %c0_i32 = arith.constant 0 : i32
    %c0_i32_3 = arith.constant 0 : i32
    %c0_i32_4 = arith.constant 0 : i32
    return %get3A_2, %c0_i32, %c0_i32_3 : i32, i32, i32
  }
  func.func @transform_8(%arg0: i32, %arg1: memref<1024xi32, #tpu.memory_space<smem>>, %arg2: memref<1024xi32, #tpu.memory_space<smem>>) -> (i32, i32, i32) {
    %mul3A = arith.constant 128 : i32
    %mul3A_0 = arith.muli %arg0, %mul3A : i32
    %add3A = arith.constant 8 : i32
    %add3A_1 = arith.addi %mul3A_0, %add3A : i32
    %get3A = arith.index_cast %add3A_1 : i32 to index
    %get3A_2 = memref.load %arg1[%get3A] : memref<1024xi32, #tpu.memory_space<smem>>
    %c0_i32 = arith.constant 0 : i32
    %c0_i32_3 = arith.constant 0 : i32
    %c0_i32_4 = arith.constant 0 : i32
    return %get3A_2, %c0_i32, %c0_i32_3 : i32, i32, i32
  }
  func.func @transform_9(%arg0: i32, %arg1: memref<1024xi32, #tpu.memory_space<smem>>, %arg2: memref<1024xi32, #tpu.memory_space<smem>>) -> (i32, i32, i32) {
    %mul3A = arith.constant 128 : i32
    %mul3A_0 = arith.muli %arg0, %mul3A : i32
    %add3A = arith.constant 9 : i32
    %add3A_1 = arith.addi %mul3A_0, %add3A : i32
    %get3A = arith.index_cast %add3A_1 : i32 to index
    %get3A_2 = memref.load %arg1[%get3A] : memref<1024xi32, #tpu.memory_space<smem>>
    %c0_i32 = arith.constant 0 : i32
    %c0_i32_3 = arith.constant 0 : i32
    %c0_i32_4 = arith.constant 0 : i32
    return %get3A_2, %c0_i32, %c0_i32_3 : i32, i32, i32
  }
  func.func @transform_10(%arg0: i32, %arg1: memref<1024xi32, #tpu.memory_space<smem>>, %arg2: memref<1024xi32, #tpu.memory_space<smem>>) -> (i32, i32, i32) {
    %mul3A = arith.constant 128 : i32
    %mul3A_0 = arith.muli %arg0, %mul3A : i32
    %add3A = arith.constant 10 : i32
    %add3A_1 = arith.addi %mul3A_0, %add3A : i32
    %get3A = arith.index_cast %add3A_1 : i32 to index
    %get3A_2 = memref.load %arg1[%get3A] : memref<1024xi32, #tpu.memory_space<smem>>
    %c0_i32 = arith.constant 0 : i32
    %c0_i32_3 = arith.constant 0 : i32
    %c0_i32_4 = arith.constant 0 : i32
    return %get3A_2, %c0_i32, %c0_i32_3 : i32, i32, i32
  }
  func.func @transform_11(%arg0: i32, %arg1: memref<1024xi32, #tpu.memory_space<smem>>, %arg2: memref<1024xi32, #tpu.memory_space<smem>>) -> (i32, i32, i32) {
    %mul3A = arith.constant 128 : i32
    %mul3A_0 = arith.muli %arg0, %mul3A : i32
    %add3A = arith.constant 11 : i32
    %add3A_1 = arith.addi %mul3A_0, %add3A : i32
    %get3A = arith.index_cast %add3A_1 : i32 to index
    %get3A_2 = memref.load %arg1[%get3A] : memref<1024xi32, #tpu.memory_space<smem>>
    %c0_i32 = arith.constant 0 : i32
    %c0_i32_3 = arith.constant 0 : i32
    %c0_i32_4 = arith.constant 0 : i32
    return %get3A_2, %c0_i32, %c0_i32_3 : i32, i32, i32
  }
  func.func @transform_12(%arg0: i32, %arg1: memref<1024xi32, #tpu.memory_space<smem>>, %arg2: memref<1024xi32, #tpu.memory_space<smem>>) -> (i32, i32, i32) {
    %mul3A = arith.constant 128 : i32
    %mul3A_0 = arith.muli %arg0, %mul3A : i32
    %add3A = arith.constant 12 : i32
    %add3A_1 = arith.addi %mul3A_0, %add3A : i32
    %get3A = arith.index_cast %add3A_1 : i32 to index
    %get3A_2 = memref.load %arg1[%get3A] : memref<1024xi32, #tpu.memory_space<smem>>
    %c0_i32 = arith.constant 0 : i32
    %c0_i32_3 = arith.constant 0 : i32
    %c0_i32_4 = arith.constant 0 : i32
    return %get3A_2, %c0_i32, %c0_i32_3 : i32, i32, i32
  }
  func.func @transform_13(%arg0: i32, %arg1: memref<1024xi32, #tpu.memory_space<smem>>, %arg2: memref<1024xi32, #tpu.memory_space<smem>>) -> (i32, i32, i32) {
    %mul3A = arith.constant 128 : i32
    %mul3A_0 = arith.muli %arg0, %mul3A : i32
    %add3A = arith.constant 13 : i32
    %add3A_1 = arith.addi %mul3A_0, %add3A : i32
    %get3A = arith.index_cast %add3A_1 : i32 to index
    %get3A_2 = memref.load %arg1[%get3A] : memref<1024xi32, #tpu.memory_space<smem>>
    %c0_i32 = arith.constant 0 : i32
    %c0_i32_3 = arith.constant 0 : i32
    %c0_i32_4 = arith.constant 0 : i32
    return %get3A_2, %c0_i32, %c0_i32_3 : i32, i32, i32
  }
  func.func @transform_14(%arg0: i32, %arg1: memref<1024xi32, #tpu.memory_space<smem>>, %arg2: memref<1024xi32, #tpu.memory_space<smem>>) -> (i32, i32, i32) {
    %mul3A = arith.constant 128 : i32
    %mul3A_0 = arith.muli %arg0, %mul3A : i32
    %add3A = arith.constant 14 : i32
    %add3A_1 = arith.addi %mul3A_0, %add3A : i32
    %get3A = arith.index_cast %add3A_1 : i32 to index
    %get3A_2 = memref.load %arg1[%get3A] : memref<1024xi32, #tpu.memory_space<smem>>
    %c0_i32 = arith.constant 0 : i32
    %c0_i32_3 = arith.constant 0 : i32
    %c0_i32_4 = arith.constant 0 : i32
    return %get3A_2, %c0_i32, %c0_i32_3 : i32, i32, i32
  }
  func.func @transform_15(%arg0: i32, %arg1: memref<1024xi32, #tpu.memory_space<smem>>, %arg2: memref<1024xi32, #tpu.memory_space<smem>>) -> (i32, i32, i32) {
    %mul3A = arith.constant 128 : i32
    %mul3A_0 = arith.muli %arg0, %mul3A : i32
    %add3A = arith.constant 15 : i32
    %add3A_1 = arith.addi %mul3A_0, %add3A : i32
    %get3A = arith.index_cast %add3A_1 : i32 to index
    %get3A_2 = memref.load %arg1[%get3A] : memref<1024xi32, #tpu.memory_space<smem>>
    %c0_i32 = arith.constant 0 : i32
    %c0_i32_3 = arith.constant 0 : i32
    %c0_i32_4 = arith.constant 0 : i32
    return %get3A_2, %c0_i32, %c0_i32_3 : i32, i32, i32
  }
  func.func @transform_16(%arg0: i32, %arg1: memref<1024xi32, #tpu.memory_space<smem>>, %arg2: memref<1024xi32, #tpu.memory_space<smem>>) -> (i32, i32, i32) {
    %mul3A = arith.constant 128 : i32
    %mul3A_0 = arith.muli %arg0, %mul3A : i32
    %add3A = arith.constant 16 : i32
    %add3A_1 = arith.addi %mul3A_0, %add3A : i32
    %get3A = arith.index_cast %add3A_1 : i32 to index
    %get3A_2 = memref.load %arg1[%get3A] : memref<1024xi32, #tpu.memory_space<smem>>
    %c0_i32 = arith.constant 0 : i32
    %c0_i32_3 = arith.constant 0 : i32
    %c0_i32_4 = arith.constant 0 : i32
    return %get3A_2, %c0_i32, %c0_i32_3 : i32, i32, i32
  }
  func.func @transform_17(%arg0: i32, %arg1: memref<1024xi32, #tpu.memory_space<smem>>, %arg2: memref<1024xi32, #tpu.memory_space<smem>>) -> (i32, i32, i32) {
    %mul3A = arith.constant 128 : i32
    %mul3A_0 = arith.muli %arg0, %mul3A : i32
    %add3A = arith.constant 17 : i32
    %add3A_1 = arith.addi %mul3A_0, %add3A : i32
    %get3A = arith.index_cast %add3A_1 : i32 to index
    %get3A_2 = memref.load %arg1[%get3A] : memref<1024xi32, #tpu.memory_space<smem>>
    %c0_i32 = arith.constant 0 : i32
    %c0_i32_3 = arith.constant 0 : i32
    %c0_i32_4 = arith.constant 0 : i32
    return %get3A_2, %c0_i32, %c0_i32_3 : i32, i32, i32
  }
  func.func @transform_18(%arg0: i32, %arg1: memref<1024xi32, #tpu.memory_space<smem>>, %arg2: memref<1024xi32, #tpu.memory_space<smem>>) -> (i32, i32, i32) {
    %mul3A = arith.constant 128 : i32
    %mul3A_0 = arith.muli %arg0, %mul3A : i32
    %add3A = arith.constant 18 : i32
    %add3A_1 = arith.addi %mul3A_0, %add3A : i32
    %get3A = arith.index_cast %add3A_1 : i32 to index
    %get3A_2 = memref.load %arg1[%get3A] : memref<1024xi32, #tpu.memory_space<smem>>
    %c0_i32 = arith.constant 0 : i32
    %c0_i32_3 = arith.constant 0 : i32
    %c0_i32_4 = arith.constant 0 : i32
    return %get3A_2, %c0_i32, %c0_i32_3 : i32, i32, i32
  }
  func.func @transform_19(%arg0: i32, %arg1: memref<1024xi32, #tpu.memory_space<smem>>, %arg2: memref<1024xi32, #tpu.memory_space<smem>>) -> (i32, i32, i32) {
    %mul3A = arith.constant 128 : i32
    %mul3A_0 = arith.muli %arg0, %mul3A : i32
    %add3A = arith.constant 19 : i32
    %add3A_1 = arith.addi %mul3A_0, %add3A : i32
    %get3A = arith.index_cast %add3A_1 : i32 to index
    %get3A_2 = memref.load %arg1[%get3A] : memref<1024xi32, #tpu.memory_space<smem>>
    %c0_i32 = arith.constant 0 : i32
    %c0_i32_3 = arith.constant 0 : i32
    %c0_i32_4 = arith.constant 0 : i32
    return %get3A_2, %c0_i32, %c0_i32_3 : i32, i32, i32
  }
  func.func @transform_20(%arg0: i32, %arg1: memref<1024xi32, #tpu.memory_space<smem>>, %arg2: memref<1024xi32, #tpu.memory_space<smem>>) -> (i32, i32, i32) {
    %mul3A = arith.constant 128 : i32
    %mul3A_0 = arith.muli %arg0, %mul3A : i32
    %add3A = arith.constant 20 : i32
    %add3A_1 = arith.addi %mul3A_0, %add3A : i32
    %get3A = arith.index_cast %add3A_1 : i32 to index
    %get3A_2 = memref.load %arg1[%get3A] : memref<1024xi32, #tpu.memory_space<smem>>
    %c0_i32 = arith.constant 0 : i32
    %c0_i32_3 = arith.constant 0 : i32
    %c0_i32_4 = arith.constant 0 : i32
    return %get3A_2, %c0_i32, %c0_i32_3 : i32, i32, i32
  }
  func.func @transform_21(%arg0: i32, %arg1: memref<1024xi32, #tpu.memory_space<smem>>, %arg2: memref<1024xi32, #tpu.memory_space<smem>>) -> (i32, i32, i32) {
    %mul3A = arith.constant 128 : i32
    %mul3A_0 = arith.muli %arg0, %mul3A : i32
    %add3A = arith.constant 21 : i32
    %add3A_1 = arith.addi %mul3A_0, %add3A : i32
    %get3A = arith.index_cast %add3A_1 : i32 to index
    %get3A_2 = memref.load %arg1[%get3A] : memref<1024xi32, #tpu.memory_space<smem>>
    %c0_i32 = arith.constant 0 : i32
    %c0_i32_3 = arith.constant 0 : i32
    %c0_i32_4 = arith.constant 0 : i32
    return %get3A_2, %c0_i32, %c0_i32_3 : i32, i32, i32
  }
  func.func @transform_22(%arg0: i32, %arg1: memref<1024xi32, #tpu.memory_space<smem>>, %arg2: memref<1024xi32, #tpu.memory_space<smem>>) -> (i32, i32, i32) {
    %mul3A = arith.constant 128 : i32
    %mul3A_0 = arith.muli %arg0, %mul3A : i32
    %add3A = arith.constant 22 : i32
    %add3A_1 = arith.addi %mul3A_0, %add3A : i32
    %get3A = arith.index_cast %add3A_1 : i32 to index
    %get3A_2 = memref.load %arg1[%get3A] : memref<1024xi32, #tpu.memory_space<smem>>
    %c0_i32 = arith.constant 0 : i32
    %c0_i32_3 = arith.constant 0 : i32
    %c0_i32_4 = arith.constant 0 : i32
    return %get3A_2, %c0_i32, %c0_i32_3 : i32, i32, i32
  }
  func.func @transform_23(%arg0: i32, %arg1: memref<1024xi32, #tpu.memory_space<smem>>, %arg2: memref<1024xi32, #tpu.memory_space<smem>>) -> (i32, i32, i32) {
    %mul3A = arith.constant 128 : i32
    %mul3A_0 = arith.muli %arg0, %mul3A : i32
    %add3A = arith.constant 23 : i32
    %add3A_1 = arith.addi %mul3A_0, %add3A : i32
    %get3A = arith.index_cast %add3A_1 : i32 to index
    %get3A_2 = memref.load %arg1[%get3A] : memref<1024xi32, #tpu.memory_space<smem>>
    %c0_i32 = arith.constant 0 : i32
    %c0_i32_3 = arith.constant 0 : i32
    %c0_i32_4 = arith.constant 0 : i32
    return %get3A_2, %c0_i32, %c0_i32_3 : i32, i32, i32
  }
  func.func @transform_24(%arg0: i32, %arg1: memref<1024xi32, #tpu.memory_space<smem>>, %arg2: memref<1024xi32, #tpu.memory_space<smem>>) -> (i32, i32, i32) {
    %mul3A = arith.constant 128 : i32
    %mul3A_0 = arith.muli %arg0, %mul3A : i32
    %add3A = arith.constant 24 : i32
    %add3A_1 = arith.addi %mul3A_0, %add3A : i32
    %get3A = arith.index_cast %add3A_1 : i32 to index
    %get3A_2 = memref.load %arg1[%get3A] : memref<1024xi32, #tpu.memory_space<smem>>
    %c0_i32 = arith.constant 0 : i32
    %c0_i32_3 = arith.constant 0 : i32
    %c0_i32_4 = arith.constant 0 : i32
    return %get3A_2, %c0_i32, %c0_i32_3 : i32, i32, i32
  }
  func.func @transform_25(%arg0: i32, %arg1: memref<1024xi32, #tpu.memory_space<smem>>, %arg2: memref<1024xi32, #tpu.memory_space<smem>>) -> (i32, i32, i32) {
    %mul3A = arith.constant 128 : i32
    %mul3A_0 = arith.muli %arg0, %mul3A : i32
    %add3A = arith.constant 25 : i32
    %add3A_1 = arith.addi %mul3A_0, %add3A : i32
    %get3A = arith.index_cast %add3A_1 : i32 to index
    %get3A_2 = memref.load %arg1[%get3A] : memref<1024xi32, #tpu.memory_space<smem>>
    %c0_i32 = arith.constant 0 : i32
    %c0_i32_3 = arith.constant 0 : i32
    %c0_i32_4 = arith.constant 0 : i32
    return %get3A_2, %c0_i32, %c0_i32_3 : i32, i32, i32
  }
  func.func @transform_26(%arg0: i32, %arg1: memref<1024xi32, #tpu.memory_space<smem>>, %arg2: memref<1024xi32, #tpu.memory_space<smem>>) -> (i32, i32, i32) {
    %mul3A = arith.constant 128 : i32
    %mul3A_0 = arith.muli %arg0, %mul3A : i32
    %add3A = arith.constant 26 : i32
    %add3A_1 = arith.addi %mul3A_0, %add3A : i32
    %get3A = arith.index_cast %add3A_1 : i32 to index
    %get3A_2 = memref.load %arg1[%get3A] : memref<1024xi32, #tpu.memory_space<smem>>
    %c0_i32 = arith.constant 0 : i32
    %c0_i32_3 = arith.constant 0 : i32
    %c0_i32_4 = arith.constant 0 : i32
    return %get3A_2, %c0_i32, %c0_i32_3 : i32, i32, i32
  }
  func.func @transform_27(%arg0: i32, %arg1: memref<1024xi32, #tpu.memory_space<smem>>, %arg2: memref<1024xi32, #tpu.memory_space<smem>>) -> (i32, i32, i32) {
    %mul3A = arith.constant 128 : i32
    %mul3A_0 = arith.muli %arg0, %mul3A : i32
    %add3A = arith.constant 27 : i32
    %add3A_1 = arith.addi %mul3A_0, %add3A : i32
    %get3A = arith.index_cast %add3A_1 : i32 to index
    %get3A_2 = memref.load %arg1[%get3A] : memref<1024xi32, #tpu.memory_space<smem>>
    %c0_i32 = arith.constant 0 : i32
    %c0_i32_3 = arith.constant 0 : i32
    %c0_i32_4 = arith.constant 0 : i32
    return %get3A_2, %c0_i32, %c0_i32_3 : i32, i32, i32
  }
  func.func @transform_28(%arg0: i32, %arg1: memref<1024xi32, #tpu.memory_space<smem>>, %arg2: memref<1024xi32, #tpu.memory_space<smem>>) -> (i32, i32, i32) {
    %mul3A = arith.constant 128 : i32
    %mul3A_0 = arith.muli %arg0, %mul3A : i32
    %add3A = arith.constant 28 : i32
    %add3A_1 = arith.addi %mul3A_0, %add3A : i32
    %get3A = arith.index_cast %add3A_1 : i32 to index
    %get3A_2 = memref.load %arg1[%get3A] : memref<1024xi32, #tpu.memory_space<smem>>
    %c0_i32 = arith.constant 0 : i32
    %c0_i32_3 = arith.constant 0 : i32
    %c0_i32_4 = arith.constant 0 : i32
    return %get3A_2, %c0_i32, %c0_i32_3 : i32, i32, i32
  }
  func.func @transform_29(%arg0: i32, %arg1: memref<1024xi32, #tpu.memory_space<smem>>, %arg2: memref<1024xi32, #tpu.memory_space<smem>>) -> (i32, i32, i32) {
    %mul3A = arith.constant 128 : i32
    %mul3A_0 = arith.muli %arg0, %mul3A : i32
    %add3A = arith.constant 29 : i32
    %add3A_1 = arith.addi %mul3A_0, %add3A : i32
    %get3A = arith.index_cast %add3A_1 : i32 to index
    %get3A_2 = memref.load %arg1[%get3A] : memref<1024xi32, #tpu.memory_space<smem>>
    %c0_i32 = arith.constant 0 : i32
    %c0_i32_3 = arith.constant 0 : i32
    %c0_i32_4 = arith.constant 0 : i32
    return %get3A_2, %c0_i32, %c0_i32_3 : i32, i32, i32
  }
  func.func @transform_30(%arg0: i32, %arg1: memref<1024xi32, #tpu.memory_space<smem>>, %arg2: memref<1024xi32, #tpu.memory_space<smem>>) -> (i32, i32, i32) {
    %mul3A = arith.constant 128 : i32
    %mul3A_0 = arith.muli %arg0, %mul3A : i32
    %add3A = arith.constant 30 : i32
    %add3A_1 = arith.addi %mul3A_0, %add3A : i32
    %get3A = arith.index_cast %add3A_1 : i32 to index
    %get3A_2 = memref.load %arg1[%get3A] : memref<1024xi32, #tpu.memory_space<smem>>
    %c0_i32 = arith.constant 0 : i32
    %c0_i32_3 = arith.constant 0 : i32
    %c0_i32_4 = arith.constant 0 : i32
    return %get3A_2, %c0_i32, %c0_i32_3 : i32, i32, i32
  }
  func.func @transform_31(%arg0: i32, %arg1: memref<1024xi32, #tpu.memory_space<smem>>, %arg2: memref<1024xi32, #tpu.memory_space<smem>>) -> (i32, i32, i32) {
    %mul3A = arith.constant 128 : i32
    %mul3A_0 = arith.muli %arg0, %mul3A : i32
    %add3A = arith.constant 31 : i32
    %add3A_1 = arith.addi %mul3A_0, %add3A : i32
    %get3A = arith.index_cast %add3A_1 : i32 to index
    %get3A_2 = memref.load %arg1[%get3A] : memref<1024xi32, #tpu.memory_space<smem>>
    %c0_i32 = arith.constant 0 : i32
    %c0_i32_3 = arith.constant 0 : i32
    %c0_i32_4 = arith.constant 0 : i32
    return %get3A_2, %c0_i32, %c0_i32_3 : i32, i32, i32
  }
  func.func @transform_32(%arg0: i32, %arg1: memref<1024xi32, #tpu.memory_space<smem>>, %arg2: memref<1024xi32, #tpu.memory_space<smem>>) -> (i32, i32, i32) {
    %mul3A = arith.constant 128 : i32
    %mul3A_0 = arith.muli %arg0, %mul3A : i32
    %add3A = arith.constant 32 : i32
    %add3A_1 = arith.addi %mul3A_0, %add3A : i32
    %get3A = arith.index_cast %add3A_1 : i32 to index
    %get3A_2 = memref.load %arg1[%get3A] : memref<1024xi32, #tpu.memory_space<smem>>
    %c0_i32 = arith.constant 0 : i32
    %c0_i32_3 = arith.constant 0 : i32
    %c0_i32_4 = arith.constant 0 : i32
    return %get3A_2, %c0_i32, %c0_i32_3 : i32, i32, i32
  }
  func.func @transform_33(%arg0: i32, %arg1: memref<1024xi32, #tpu.memory_space<smem>>, %arg2: memref<1024xi32, #tpu.memory_space<smem>>) -> (i32, i32, i32) {
    %mul3A = arith.constant 128 : i32
    %mul3A_0 = arith.muli %arg0, %mul3A : i32
    %add3A = arith.constant 33 : i32
    %add3A_1 = arith.addi %mul3A_0, %add3A : i32
    %get3A = arith.index_cast %add3A_1 : i32 to index
    %get3A_2 = memref.load %arg1[%get3A] : memref<1024xi32, #tpu.memory_space<smem>>
    %c0_i32 = arith.constant 0 : i32
    %c0_i32_3 = arith.constant 0 : i32
    %c0_i32_4 = arith.constant 0 : i32
    return %get3A_2, %c0_i32, %c0_i32_3 : i32, i32, i32
  }
  func.func @transform_34(%arg0: i32, %arg1: memref<1024xi32, #tpu.memory_space<smem>>, %arg2: memref<1024xi32, #tpu.memory_space<smem>>) -> (i32, i32, i32) {
    %mul3A = arith.constant 128 : i32
    %mul3A_0 = arith.muli %arg0, %mul3A : i32
    %add3A = arith.constant 34 : i32
    %add3A_1 = arith.addi %mul3A_0, %add3A : i32
    %get3A = arith.index_cast %add3A_1 : i32 to index
    %get3A_2 = memref.load %arg1[%get3A] : memref<1024xi32, #tpu.memory_space<smem>>
    %c0_i32 = arith.constant 0 : i32
    %c0_i32_3 = arith.constant 0 : i32
    %c0_i32_4 = arith.constant 0 : i32
    return %get3A_2, %c0_i32, %c0_i32_3 : i32, i32, i32
  }
  func.func @transform_35(%arg0: i32, %arg1: memref<1024xi32, #tpu.memory_space<smem>>, %arg2: memref<1024xi32, #tpu.memory_space<smem>>) -> (i32, i32, i32) {
    %mul3A = arith.constant 128 : i32
    %mul3A_0 = arith.muli %arg0, %mul3A : i32
    %add3A = arith.constant 35 : i32
    %add3A_1 = arith.addi %mul3A_0, %add3A : i32
    %get3A = arith.index_cast %add3A_1 : i32 to index
    %get3A_2 = memref.load %arg1[%get3A] : memref<1024xi32, #tpu.memory_space<smem>>
    %c0_i32 = arith.constant 0 : i32
    %c0_i32_3 = arith.constant 0 : i32
    %c0_i32_4 = arith.constant 0 : i32
    return %get3A_2, %c0_i32, %c0_i32_3 : i32, i32, i32
  }
  func.func @transform_36(%arg0: i32, %arg1: memref<1024xi32, #tpu.memory_space<smem>>, %arg2: memref<1024xi32, #tpu.memory_space<smem>>) -> (i32, i32, i32) {
    %mul3A = arith.constant 128 : i32
    %mul3A_0 = arith.muli %arg0, %mul3A : i32
    %add3A = arith.constant 36 : i32
    %add3A_1 = arith.addi %mul3A_0, %add3A : i32
    %get3A = arith.index_cast %add3A_1 : i32 to index
    %get3A_2 = memref.load %arg1[%get3A] : memref<1024xi32, #tpu.memory_space<smem>>
    %c0_i32 = arith.constant 0 : i32
    %c0_i32_3 = arith.constant 0 : i32
    %c0_i32_4 = arith.constant 0 : i32
    return %get3A_2, %c0_i32, %c0_i32_3 : i32, i32, i32
  }
  func.func @transform_37(%arg0: i32, %arg1: memref<1024xi32, #tpu.memory_space<smem>>, %arg2: memref<1024xi32, #tpu.memory_space<smem>>) -> (i32, i32, i32) {
    %mul3A = arith.constant 128 : i32
    %mul3A_0 = arith.muli %arg0, %mul3A : i32
    %add3A = arith.constant 37 : i32
    %add3A_1 = arith.addi %mul3A_0, %add3A : i32
    %get3A = arith.index_cast %add3A_1 : i32 to index
    %get3A_2 = memref.load %arg1[%get3A] : memref<1024xi32, #tpu.memory_space<smem>>
    %c0_i32 = arith.constant 0 : i32
    %c0_i32_3 = arith.constant 0 : i32
    %c0_i32_4 = arith.constant 0 : i32
    return %get3A_2, %c0_i32, %c0_i32_3 : i32, i32, i32
  }
  func.func @transform_38(%arg0: i32, %arg1: memref<1024xi32, #tpu.memory_space<smem>>, %arg2: memref<1024xi32, #tpu.memory_space<smem>>) -> (i32, i32, i32) {
    %mul3A = arith.constant 128 : i32
    %mul3A_0 = arith.muli %arg0, %mul3A : i32
    %add3A = arith.constant 38 : i32
    %add3A_1 = arith.addi %mul3A_0, %add3A : i32
    %get3A = arith.index_cast %add3A_1 : i32 to index
    %get3A_2 = memref.load %arg1[%get3A] : memref<1024xi32, #tpu.memory_space<smem>>
    %c0_i32 = arith.constant 0 : i32
    %c0_i32_3 = arith.constant 0 : i32
    %c0_i32_4 = arith.constant 0 : i32
    return %get3A_2, %c0_i32, %c0_i32_3 : i32, i32, i32
  }
  func.func @transform_39(%arg0: i32, %arg1: memref<1024xi32, #tpu.memory_space<smem>>, %arg2: memref<1024xi32, #tpu.memory_space<smem>>) -> (i32, i32, i32) {
    %mul3A = arith.constant 128 : i32
    %mul3A_0 = arith.muli %arg0, %mul3A : i32
    %add3A = arith.constant 39 : i32
    %add3A_1 = arith.addi %mul3A_0, %add3A : i32
    %get3A = arith.index_cast %add3A_1 : i32 to index
    %get3A_2 = memref.load %arg1[%get3A] : memref<1024xi32, #tpu.memory_space<smem>>
    %c0_i32 = arith.constant 0 : i32
    %c0_i32_3 = arith.constant 0 : i32
    %c0_i32_4 = arith.constant 0 : i32
    return %get3A_2, %c0_i32, %c0_i32_3 : i32, i32, i32
  }
  func.func @transform_40(%arg0: i32, %arg1: memref<1024xi32, #tpu.memory_space<smem>>, %arg2: memref<1024xi32, #tpu.memory_space<smem>>) -> (i32, i32, i32) {
    %mul3A = arith.constant 128 : i32
    %mul3A_0 = arith.muli %arg0, %mul3A : i32
    %add3A = arith.constant 40 : i32
    %add3A_1 = arith.addi %mul3A_0, %add3A : i32
    %get3A = arith.index_cast %add3A_1 : i32 to index
    %get3A_2 = memref.load %arg1[%get3A] : memref<1024xi32, #tpu.memory_space<smem>>
    %c0_i32 = arith.constant 0 : i32
    %c0_i32_3 = arith.constant 0 : i32
    %c0_i32_4 = arith.constant 0 : i32
    return %get3A_2, %c0_i32, %c0_i32_3 : i32, i32, i32
  }
  func.func @transform_41(%arg0: i32, %arg1: memref<1024xi32, #tpu.memory_space<smem>>, %arg2: memref<1024xi32, #tpu.memory_space<smem>>) -> (i32, i32, i32) {
    %mul3A = arith.constant 128 : i32
    %mul3A_0 = arith.muli %arg0, %mul3A : i32
    %add3A = arith.constant 41 : i32
    %add3A_1 = arith.addi %mul3A_0, %add3A : i32
    %get3A = arith.index_cast %add3A_1 : i32 to index
    %get3A_2 = memref.load %arg1[%get3A] : memref<1024xi32, #tpu.memory_space<smem>>
    %c0_i32 = arith.constant 0 : i32
    %c0_i32_3 = arith.constant 0 : i32
    %c0_i32_4 = arith.constant 0 : i32
    return %get3A_2, %c0_i32, %c0_i32_3 : i32, i32, i32
  }
  func.func @transform_42(%arg0: i32, %arg1: memref<1024xi32, #tpu.memory_space<smem>>, %arg2: memref<1024xi32, #tpu.memory_space<smem>>) -> (i32, i32, i32) {
    %mul3A = arith.constant 128 : i32
    %mul3A_0 = arith.muli %arg0, %mul3A : i32
    %add3A = arith.constant 42 : i32
    %add3A_1 = arith.addi %mul3A_0, %add3A : i32
    %get3A = arith.index_cast %add3A_1 : i32 to index
    %get3A_2 = memref.load %arg1[%get3A] : memref<1024xi32, #tpu.memory_space<smem>>
    %c0_i32 = arith.constant 0 : i32
    %c0_i32_3 = arith.constant 0 : i32
    %c0_i32_4 = arith.constant 0 : i32
    return %get3A_2, %c0_i32, %c0_i32_3 : i32, i32, i32
  }
  func.func @transform_43(%arg0: i32, %arg1: memref<1024xi32, #tpu.memory_space<smem>>, %arg2: memref<1024xi32, #tpu.memory_space<smem>>) -> (i32, i32, i32) {
    %mul3A = arith.constant 128 : i32
    %mul3A_0 = arith.muli %arg0, %mul3A : i32
    %add3A = arith.constant 43 : i32
    %add3A_1 = arith.addi %mul3A_0, %add3A : i32
    %get3A = arith.index_cast %add3A_1 : i32 to index
    %get3A_2 = memref.load %arg1[%get3A] : memref<1024xi32, #tpu.memory_space<smem>>
    %c0_i32 = arith.constant 0 : i32
    %c0_i32_3 = arith.constant 0 : i32
    %c0_i32_4 = arith.constant 0 : i32
    return %get3A_2, %c0_i32, %c0_i32_3 : i32, i32, i32
  }
  func.func @transform_44(%arg0: i32, %arg1: memref<1024xi32, #tpu.memory_space<smem>>, %arg2: memref<1024xi32, #tpu.memory_space<smem>>) -> (i32, i32, i32) {
    %mul3A = arith.constant 128 : i32
    %mul3A_0 = arith.muli %arg0, %mul3A : i32
    %add3A = arith.constant 44 : i32
    %add3A_1 = arith.addi %mul3A_0, %add3A : i32
    %get3A = arith.index_cast %add3A_1 : i32 to index
    %get3A_2 = memref.load %arg1[%get3A] : memref<1024xi32, #tpu.memory_space<smem>>
    %c0_i32 = arith.constant 0 : i32
    %c0_i32_3 = arith.constant 0 : i32
    %c0_i32_4 = arith.constant 0 : i32
    return %get3A_2, %c0_i32, %c0_i32_3 : i32, i32, i32
  }
  func.func @transform_45(%arg0: i32, %arg1: memref<1024xi32, #tpu.memory_space<smem>>, %arg2: memref<1024xi32, #tpu.memory_space<smem>>) -> (i32, i32, i32) {
    %mul3A = arith.constant 128 : i32
    %mul3A_0 = arith.muli %arg0, %mul3A : i32
    %add3A = arith.constant 45 : i32
    %add3A_1 = arith.addi %mul3A_0, %add3A : i32
    %get3A = arith.index_cast %add3A_1 : i32 to index
    %get3A_2 = memref.load %arg1[%get3A] : memref<1024xi32, #tpu.memory_space<smem>>
    %c0_i32 = arith.constant 0 : i32
    %c0_i32_3 = arith.constant 0 : i32
    %c0_i32_4 = arith.constant 0 : i32
    return %get3A_2, %c0_i32, %c0_i32_3 : i32, i32, i32
  }
  func.func @transform_46(%arg0: i32, %arg1: memref<1024xi32, #tpu.memory_space<smem>>, %arg2: memref<1024xi32, #tpu.memory_space<smem>>) -> (i32, i32, i32) {
    %mul3A = arith.constant 128 : i32
    %mul3A_0 = arith.muli %arg0, %mul3A : i32
    %add3A = arith.constant 46 : i32
    %add3A_1 = arith.addi %mul3A_0, %add3A : i32
    %get3A = arith.index_cast %add3A_1 : i32 to index
    %get3A_2 = memref.load %arg1[%get3A] : memref<1024xi32, #tpu.memory_space<smem>>
    %c0_i32 = arith.constant 0 : i32
    %c0_i32_3 = arith.constant 0 : i32
    %c0_i32_4 = arith.constant 0 : i32
    return %get3A_2, %c0_i32, %c0_i32_3 : i32, i32, i32
  }
  func.func @transform_47(%arg0: i32, %arg1: memref<1024xi32, #tpu.memory_space<smem>>, %arg2: memref<1024xi32, #tpu.memory_space<smem>>) -> (i32, i32, i32) {
    %mul3A = arith.constant 128 : i32
    %mul3A_0 = arith.muli %arg0, %mul3A : i32
    %add3A = arith.constant 47 : i32
    %add3A_1 = arith.addi %mul3A_0, %add3A : i32
    %get3A = arith.index_cast %add3A_1 : i32 to index
    %get3A_2 = memref.load %arg1[%get3A] : memref<1024xi32, #tpu.memory_space<smem>>
    %c0_i32 = arith.constant 0 : i32
    %c0_i32_3 = arith.constant 0 : i32
    %c0_i32_4 = arith.constant 0 : i32
    return %get3A_2, %c0_i32, %c0_i32_3 : i32, i32, i32
  }
  func.func @transform_48(%arg0: i32, %arg1: memref<1024xi32, #tpu.memory_space<smem>>, %arg2: memref<1024xi32, #tpu.memory_space<smem>>) -> (i32, i32, i32) {
    %mul3A = arith.constant 128 : i32
    %mul3A_0 = arith.muli %arg0, %mul3A : i32
    %add3A = arith.constant 48 : i32
    %add3A_1 = arith.addi %mul3A_0, %add3A : i32
    %get3A = arith.index_cast %add3A_1 : i32 to index
    %get3A_2 = memref.load %arg1[%get3A] : memref<1024xi32, #tpu.memory_space<smem>>
    %c0_i32 = arith.constant 0 : i32
    %c0_i32_3 = arith.constant 0 : i32
    %c0_i32_4 = arith.constant 0 : i32
    return %get3A_2, %c0_i32, %c0_i32_3 : i32, i32, i32
  }
  func.func @transform_49(%arg0: i32, %arg1: memref<1024xi32, #tpu.memory_space<smem>>, %arg2: memref<1024xi32, #tpu.memory_space<smem>>) -> (i32, i32, i32) {
    %mul3A = arith.constant 128 : i32
    %mul3A_0 = arith.muli %arg0, %mul3A : i32
    %add3A = arith.constant 49 : i32
    %add3A_1 = arith.addi %mul3A_0, %add3A : i32
    %get3A = arith.index_cast %add3A_1 : i32 to index
    %get3A_2 = memref.load %arg1[%get3A] : memref<1024xi32, #tpu.memory_space<smem>>
    %c0_i32 = arith.constant 0 : i32
    %c0_i32_3 = arith.constant 0 : i32
    %c0_i32_4 = arith.constant 0 : i32
    return %get3A_2, %c0_i32, %c0_i32_3 : i32, i32, i32
  }
  func.func @transform_50(%arg0: i32, %arg1: memref<1024xi32, #tpu.memory_space<smem>>, %arg2: memref<1024xi32, #tpu.memory_space<smem>>) -> (i32, i32, i32) {
    %mul3A = arith.constant 128 : i32
    %mul3A_0 = arith.muli %arg0, %mul3A : i32
    %add3A = arith.constant 50 : i32
    %add3A_1 = arith.addi %mul3A_0, %add3A : i32
    %get3A = arith.index_cast %add3A_1 : i32 to index
    %get3A_2 = memref.load %arg1[%get3A] : memref<1024xi32, #tpu.memory_space<smem>>
    %c0_i32 = arith.constant 0 : i32
    %c0_i32_3 = arith.constant 0 : i32
    %c0_i32_4 = arith.constant 0 : i32
    return %get3A_2, %c0_i32, %c0_i32_3 : i32, i32, i32
  }
  func.func @transform_51(%arg0: i32, %arg1: memref<1024xi32, #tpu.memory_space<smem>>, %arg2: memref<1024xi32, #tpu.memory_space<smem>>) -> (i32, i32, i32) {
    %mul3A = arith.constant 128 : i32
    %mul3A_0 = arith.muli %arg0, %mul3A : i32
    %add3A = arith.constant 51 : i32
    %add3A_1 = arith.addi %mul3A_0, %add3A : i32
    %get3A = arith.index_cast %add3A_1 : i32 to index
    %get3A_2 = memref.load %arg1[%get3A] : memref<1024xi32, #tpu.memory_space<smem>>
    %c0_i32 = arith.constant 0 : i32
    %c0_i32_3 = arith.constant 0 : i32
    %c0_i32_4 = arith.constant 0 : i32
    return %get3A_2, %c0_i32, %c0_i32_3 : i32, i32, i32
  }
  func.func @transform_52(%arg0: i32, %arg1: memref<1024xi32, #tpu.memory_space<smem>>, %arg2: memref<1024xi32, #tpu.memory_space<smem>>) -> (i32, i32, i32) {
    %mul3A = arith.constant 128 : i32
    %mul3A_0 = arith.muli %arg0, %mul3A : i32
    %add3A = arith.constant 52 : i32
    %add3A_1 = arith.addi %mul3A_0, %add3A : i32
    %get3A = arith.index_cast %add3A_1 : i32 to index
    %get3A_2 = memref.load %arg1[%get3A] : memref<1024xi32, #tpu.memory_space<smem>>
    %c0_i32 = arith.constant 0 : i32
    %c0_i32_3 = arith.constant 0 : i32
    %c0_i32_4 = arith.constant 0 : i32
    return %get3A_2, %c0_i32, %c0_i32_3 : i32, i32, i32
  }
  func.func @transform_53(%arg0: i32, %arg1: memref<1024xi32, #tpu.memory_space<smem>>, %arg2: memref<1024xi32, #tpu.memory_space<smem>>) -> (i32, i32, i32) {
    %mul3A = arith.constant 128 : i32
    %mul3A_0 = arith.muli %arg0, %mul3A : i32
    %add3A = arith.constant 53 : i32
    %add3A_1 = arith.addi %mul3A_0, %add3A : i32
    %get3A = arith.index_cast %add3A_1 : i32 to index
    %get3A_2 = memref.load %arg1[%get3A] : memref<1024xi32, #tpu.memory_space<smem>>
    %c0_i32 = arith.constant 0 : i32
    %c0_i32_3 = arith.constant 0 : i32
    %c0_i32_4 = arith.constant 0 : i32
    return %get3A_2, %c0_i32, %c0_i32_3 : i32, i32, i32
  }
  func.func @transform_54(%arg0: i32, %arg1: memref<1024xi32, #tpu.memory_space<smem>>, %arg2: memref<1024xi32, #tpu.memory_space<smem>>) -> (i32, i32, i32) {
    %mul3A = arith.constant 128 : i32
    %mul3A_0 = arith.muli %arg0, %mul3A : i32
    %add3A = arith.constant 54 : i32
    %add3A_1 = arith.addi %mul3A_0, %add3A : i32
    %get3A = arith.index_cast %add3A_1 : i32 to index
    %get3A_2 = memref.load %arg1[%get3A] : memref<1024xi32, #tpu.memory_space<smem>>
    %c0_i32 = arith.constant 0 : i32
    %c0_i32_3 = arith.constant 0 : i32
    %c0_i32_4 = arith.constant 0 : i32
    return %get3A_2, %c0_i32, %c0_i32_3 : i32, i32, i32
  }
  func.func @transform_55(%arg0: i32, %arg1: memref<1024xi32, #tpu.memory_space<smem>>, %arg2: memref<1024xi32, #tpu.memory_space<smem>>) -> (i32, i32, i32) {
    %mul3A = arith.constant 128 : i32
    %mul3A_0 = arith.muli %arg0, %mul3A : i32
    %add3A = arith.constant 55 : i32
    %add3A_1 = arith.addi %mul3A_0, %add3A : i32
    %get3A = arith.index_cast %add3A_1 : i32 to index
    %get3A_2 = memref.load %arg1[%get3A] : memref<1024xi32, #tpu.memory_space<smem>>
    %c0_i32 = arith.constant 0 : i32
    %c0_i32_3 = arith.constant 0 : i32
    %c0_i32_4 = arith.constant 0 : i32
    return %get3A_2, %c0_i32, %c0_i32_3 : i32, i32, i32
  }
  func.func @transform_56(%arg0: i32, %arg1: memref<1024xi32, #tpu.memory_space<smem>>, %arg2: memref<1024xi32, #tpu.memory_space<smem>>) -> (i32, i32, i32) {
    %mul3A = arith.constant 128 : i32
    %mul3A_0 = arith.muli %arg0, %mul3A : i32
    %add3A = arith.constant 56 : i32
    %add3A_1 = arith.addi %mul3A_0, %add3A : i32
    %get3A = arith.index_cast %add3A_1 : i32 to index
    %get3A_2 = memref.load %arg1[%get3A] : memref<1024xi32, #tpu.memory_space<smem>>
    %c0_i32 = arith.constant 0 : i32
    %c0_i32_3 = arith.constant 0 : i32
    %c0_i32_4 = arith.constant 0 : i32
    return %get3A_2, %c0_i32, %c0_i32_3 : i32, i32, i32
  }
  func.func @transform_57(%arg0: i32, %arg1: memref<1024xi32, #tpu.memory_space<smem>>, %arg2: memref<1024xi32, #tpu.memory_space<smem>>) -> (i32, i32, i32) {
    %mul3A = arith.constant 128 : i32
    %mul3A_0 = arith.muli %arg0, %mul3A : i32
    %add3A = arith.constant 57 : i32
    %add3A_1 = arith.addi %mul3A_0, %add3A : i32
    %get3A = arith.index_cast %add3A_1 : i32 to index
    %get3A_2 = memref.load %arg1[%get3A] : memref<1024xi32, #tpu.memory_space<smem>>
    %c0_i32 = arith.constant 0 : i32
    %c0_i32_3 = arith.constant 0 : i32
    %c0_i32_4 = arith.constant 0 : i32
    return %get3A_2, %c0_i32, %c0_i32_3 : i32, i32, i32
  }
  func.func @transform_58(%arg0: i32, %arg1: memref<1024xi32, #tpu.memory_space<smem>>, %arg2: memref<1024xi32, #tpu.memory_space<smem>>) -> (i32, i32, i32) {
    %mul3A = arith.constant 128 : i32
    %mul3A_0 = arith.muli %arg0, %mul3A : i32
    %add3A = arith.constant 58 : i32
    %add3A_1 = arith.addi %mul3A_0, %add3A : i32
    %get3A = arith.index_cast %add3A_1 : i32 to index
    %get3A_2 = memref.load %arg1[%get3A] : memref<1024xi32, #tpu.memory_space<smem>>
    %c0_i32 = arith.constant 0 : i32
    %c0_i32_3 = arith.constant 0 : i32
    %c0_i32_4 = arith.constant 0 : i32
    return %get3A_2, %c0_i32, %c0_i32_3 : i32, i32, i32
  }
  func.func @transform_59(%arg0: i32, %arg1: memref<1024xi32, #tpu.memory_space<smem>>, %arg2: memref<1024xi32, #tpu.memory_space<smem>>) -> (i32, i32, i32) {
    %mul3A = arith.constant 128 : i32
    %mul3A_0 = arith.muli %arg0, %mul3A : i32
    %add3A = arith.constant 59 : i32
    %add3A_1 = arith.addi %mul3A_0, %add3A : i32
    %get3A = arith.index_cast %add3A_1 : i32 to index
    %get3A_2 = memref.load %arg1[%get3A] : memref<1024xi32, #tpu.memory_space<smem>>
    %c0_i32 = arith.constant 0 : i32
    %c0_i32_3 = arith.constant 0 : i32
    %c0_i32_4 = arith.constant 0 : i32
    return %get3A_2, %c0_i32, %c0_i32_3 : i32, i32, i32
  }
  func.func @transform_60(%arg0: i32, %arg1: memref<1024xi32, #tpu.memory_space<smem>>, %arg2: memref<1024xi32, #tpu.memory_space<smem>>) -> (i32, i32, i32) {
    %mul3A = arith.constant 128 : i32
    %mul3A_0 = arith.muli %arg0, %mul3A : i32
    %add3A = arith.constant 60 : i32
    %add3A_1 = arith.addi %mul3A_0, %add3A : i32
    %get3A = arith.index_cast %add3A_1 : i32 to index
    %get3A_2 = memref.load %arg1[%get3A] : memref<1024xi32, #tpu.memory_space<smem>>
    %c0_i32 = arith.constant 0 : i32
    %c0_i32_3 = arith.constant 0 : i32
    %c0_i32_4 = arith.constant 0 : i32
    return %get3A_2, %c0_i32, %c0_i32_3 : i32, i32, i32
  }
  func.func @transform_61(%arg0: i32, %arg1: memref<1024xi32, #tpu.memory_space<smem>>, %arg2: memref<1024xi32, #tpu.memory_space<smem>>) -> (i32, i32, i32) {
    %mul3A = arith.constant 128 : i32
    %mul3A_0 = arith.muli %arg0, %mul3A : i32
    %add3A = arith.constant 61 : i32
    %add3A_1 = arith.addi %mul3A_0, %add3A : i32
    %get3A = arith.index_cast %add3A_1 : i32 to index
    %get3A_2 = memref.load %arg1[%get3A] : memref<1024xi32, #tpu.memory_space<smem>>
    %c0_i32 = arith.constant 0 : i32
    %c0_i32_3 = arith.constant 0 : i32
    %c0_i32_4 = arith.constant 0 : i32
    return %get3A_2, %c0_i32, %c0_i32_3 : i32, i32, i32
  }
  func.func @transform_62(%arg0: i32, %arg1: memref<1024xi32, #tpu.memory_space<smem>>, %arg2: memref<1024xi32, #tpu.memory_space<smem>>) -> (i32, i32, i32) {
    %mul3A = arith.constant 128 : i32
    %mul3A_0 = arith.muli %arg0, %mul3A : i32
    %add3A = arith.constant 62 : i32
    %add3A_1 = arith.addi %mul3A_0, %add3A : i32
    %get3A = arith.index_cast %add3A_1 : i32 to index
    %get3A_2 = memref.load %arg1[%get3A] : memref<1024xi32, #tpu.memory_space<smem>>
    %c0_i32 = arith.constant 0 : i32
    %c0_i32_3 = arith.constant 0 : i32
    %c0_i32_4 = arith.constant 0 : i32
    return %get3A_2, %c0_i32, %c0_i32_3 : i32, i32, i32
  }
  func.func @transform_63(%arg0: i32, %arg1: memref<1024xi32, #tpu.memory_space<smem>>, %arg2: memref<1024xi32, #tpu.memory_space<smem>>) -> (i32, i32, i32) {
    %mul3A = arith.constant 128 : i32
    %mul3A_0 = arith.muli %arg0, %mul3A : i32
    %add3A = arith.constant 63 : i32
    %add3A_1 = arith.addi %mul3A_0, %add3A : i32
    %get3A = arith.index_cast %add3A_1 : i32 to index
    %get3A_2 = memref.load %arg1[%get3A] : memref<1024xi32, #tpu.memory_space<smem>>
    %c0_i32 = arith.constant 0 : i32
    %c0_i32_3 = arith.constant 0 : i32
    %c0_i32_4 = arith.constant 0 : i32
    return %get3A_2, %c0_i32, %c0_i32_3 : i32, i32, i32
  }
  func.func @transform_64(%arg0: i32, %arg1: memref<1024xi32, #tpu.memory_space<smem>>, %arg2: memref<1024xi32, #tpu.memory_space<smem>>) -> (i32, i32, i32) {
    %mul3A = arith.constant 128 : i32
    %mul3A_0 = arith.muli %arg0, %mul3A : i32
    %add3A = arith.constant 64 : i32
    %add3A_1 = arith.addi %mul3A_0, %add3A : i32
    %get3A = arith.index_cast %add3A_1 : i32 to index
    %get3A_2 = memref.load %arg1[%get3A] : memref<1024xi32, #tpu.memory_space<smem>>
    %c0_i32 = arith.constant 0 : i32
    %c0_i32_3 = arith.constant 0 : i32
    %c0_i32_4 = arith.constant 0 : i32
    return %get3A_2, %c0_i32, %c0_i32_3 : i32, i32, i32
  }
  func.func @transform_65(%arg0: i32, %arg1: memref<1024xi32, #tpu.memory_space<smem>>, %arg2: memref<1024xi32, #tpu.memory_space<smem>>) -> (i32, i32, i32) {
    %mul3A = arith.constant 128 : i32
    %mul3A_0 = arith.muli %arg0, %mul3A : i32
    %add3A = arith.constant 65 : i32
    %add3A_1 = arith.addi %mul3A_0, %add3A : i32
    %get3A = arith.index_cast %add3A_1 : i32 to index
    %get3A_2 = memref.load %arg1[%get3A] : memref<1024xi32, #tpu.memory_space<smem>>
    %c0_i32 = arith.constant 0 : i32
    %c0_i32_3 = arith.constant 0 : i32
    %c0_i32_4 = arith.constant 0 : i32
    return %get3A_2, %c0_i32, %c0_i32_3 : i32, i32, i32
  }
  func.func @transform_66(%arg0: i32, %arg1: memref<1024xi32, #tpu.memory_space<smem>>, %arg2: memref<1024xi32, #tpu.memory_space<smem>>) -> (i32, i32, i32) {
    %mul3A = arith.constant 128 : i32
    %mul3A_0 = arith.muli %arg0, %mul3A : i32
    %add3A = arith.constant 66 : i32
    %add3A_1 = arith.addi %mul3A_0, %add3A : i32
    %get3A = arith.index_cast %add3A_1 : i32 to index
    %get3A_2 = memref.load %arg1[%get3A] : memref<1024xi32, #tpu.memory_space<smem>>
    %c0_i32 = arith.constant 0 : i32
    %c0_i32_3 = arith.constant 0 : i32
    %c0_i32_4 = arith.constant 0 : i32
    return %get3A_2, %c0_i32, %c0_i32_3 : i32, i32, i32
  }
  func.func @transform_67(%arg0: i32, %arg1: memref<1024xi32, #tpu.memory_space<smem>>, %arg2: memref<1024xi32, #tpu.memory_space<smem>>) -> (i32, i32, i32) {
    %mul3A = arith.constant 128 : i32
    %mul3A_0 = arith.muli %arg0, %mul3A : i32
    %add3A = arith.constant 67 : i32
    %add3A_1 = arith.addi %mul3A_0, %add3A : i32
    %get3A = arith.index_cast %add3A_1 : i32 to index
    %get3A_2 = memref.load %arg1[%get3A] : memref<1024xi32, #tpu.memory_space<smem>>
    %c0_i32 = arith.constant 0 : i32
    %c0_i32_3 = arith.constant 0 : i32
    %c0_i32_4 = arith.constant 0 : i32
    return %get3A_2, %c0_i32, %c0_i32_3 : i32, i32, i32
  }
  func.func @transform_68(%arg0: i32, %arg1: memref<1024xi32, #tpu.memory_space<smem>>, %arg2: memref<1024xi32, #tpu.memory_space<smem>>) -> (i32, i32, i32) {
    %mul3A = arith.constant 128 : i32
    %mul3A_0 = arith.muli %arg0, %mul3A : i32
    %add3A = arith.constant 68 : i32
    %add3A_1 = arith.addi %mul3A_0, %add3A : i32
    %get3A = arith.index_cast %add3A_1 : i32 to index
    %get3A_2 = memref.load %arg1[%get3A] : memref<1024xi32, #tpu.memory_space<smem>>
    %c0_i32 = arith.constant 0 : i32
    %c0_i32_3 = arith.constant 0 : i32
    %c0_i32_4 = arith.constant 0 : i32
    return %get3A_2, %c0_i32, %c0_i32_3 : i32, i32, i32
  }
  func.func @transform_69(%arg0: i32, %arg1: memref<1024xi32, #tpu.memory_space<smem>>, %arg2: memref<1024xi32, #tpu.memory_space<smem>>) -> (i32, i32, i32) {
    %mul3A = arith.constant 128 : i32
    %mul3A_0 = arith.muli %arg0, %mul3A : i32
    %add3A = arith.constant 69 : i32
    %add3A_1 = arith.addi %mul3A_0, %add3A : i32
    %get3A = arith.index_cast %add3A_1 : i32 to index
    %get3A_2 = memref.load %arg1[%get3A] : memref<1024xi32, #tpu.memory_space<smem>>
    %c0_i32 = arith.constant 0 : i32
    %c0_i32_3 = arith.constant 0 : i32
    %c0_i32_4 = arith.constant 0 : i32
    return %get3A_2, %c0_i32, %c0_i32_3 : i32, i32, i32
  }
  func.func @transform_70(%arg0: i32, %arg1: memref<1024xi32, #tpu.memory_space<smem>>, %arg2: memref<1024xi32, #tpu.memory_space<smem>>) -> (i32, i32, i32) {
    %mul3A = arith.constant 128 : i32
    %mul3A_0 = arith.muli %arg0, %mul3A : i32
    %add3A = arith.constant 70 : i32
    %add3A_1 = arith.addi %mul3A_0, %add3A : i32
    %get3A = arith.index_cast %add3A_1 : i32 to index
    %get3A_2 = memref.load %arg1[%get3A] : memref<1024xi32, #tpu.memory_space<smem>>
    %c0_i32 = arith.constant 0 : i32
    %c0_i32_3 = arith.constant 0 : i32
    %c0_i32_4 = arith.constant 0 : i32
    return %get3A_2, %c0_i32, %c0_i32_3 : i32, i32, i32
  }
  func.func @transform_71(%arg0: i32, %arg1: memref<1024xi32, #tpu.memory_space<smem>>, %arg2: memref<1024xi32, #tpu.memory_space<smem>>) -> (i32, i32, i32) {
    %mul3A = arith.constant 128 : i32
    %mul3A_0 = arith.muli %arg0, %mul3A : i32
    %add3A = arith.constant 71 : i32
    %add3A_1 = arith.addi %mul3A_0, %add3A : i32
    %get3A = arith.index_cast %add3A_1 : i32 to index
    %get3A_2 = memref.load %arg1[%get3A] : memref<1024xi32, #tpu.memory_space<smem>>
    %c0_i32 = arith.constant 0 : i32
    %c0_i32_3 = arith.constant 0 : i32
    %c0_i32_4 = arith.constant 0 : i32
    return %get3A_2, %c0_i32, %c0_i32_3 : i32, i32, i32
  }
  func.func @transform_72(%arg0: i32, %arg1: memref<1024xi32, #tpu.memory_space<smem>>, %arg2: memref<1024xi32, #tpu.memory_space<smem>>) -> (i32, i32, i32) {
    %mul3A = arith.constant 128 : i32
    %mul3A_0 = arith.muli %arg0, %mul3A : i32
    %add3A = arith.constant 72 : i32
    %add3A_1 = arith.addi %mul3A_0, %add3A : i32
    %get3A = arith.index_cast %add3A_1 : i32 to index
    %get3A_2 = memref.load %arg1[%get3A] : memref<1024xi32, #tpu.memory_space<smem>>
    %c0_i32 = arith.constant 0 : i32
    %c0_i32_3 = arith.constant 0 : i32
    %c0_i32_4 = arith.constant 0 : i32
    return %get3A_2, %c0_i32, %c0_i32_3 : i32, i32, i32
  }
  func.func @transform_73(%arg0: i32, %arg1: memref<1024xi32, #tpu.memory_space<smem>>, %arg2: memref<1024xi32, #tpu.memory_space<smem>>) -> (i32, i32, i32) {
    %mul3A = arith.constant 128 : i32
    %mul3A_0 = arith.muli %arg0, %mul3A : i32
    %add3A = arith.constant 73 : i32
    %add3A_1 = arith.addi %mul3A_0, %add3A : i32
    %get3A = arith.index_cast %add3A_1 : i32 to index
    %get3A_2 = memref.load %arg1[%get3A] : memref<1024xi32, #tpu.memory_space<smem>>
    %c0_i32 = arith.constant 0 : i32
    %c0_i32_3 = arith.constant 0 : i32
    %c0_i32_4 = arith.constant 0 : i32
    return %get3A_2, %c0_i32, %c0_i32_3 : i32, i32, i32
  }
  func.func @transform_74(%arg0: i32, %arg1: memref<1024xi32, #tpu.memory_space<smem>>, %arg2: memref<1024xi32, #tpu.memory_space<smem>>) -> (i32, i32, i32) {
    %mul3A = arith.constant 128 : i32
    %mul3A_0 = arith.muli %arg0, %mul3A : i32
    %add3A = arith.constant 74 : i32
    %add3A_1 = arith.addi %mul3A_0, %add3A : i32
    %get3A = arith.index_cast %add3A_1 : i32 to index
    %get3A_2 = memref.load %arg1[%get3A] : memref<1024xi32, #tpu.memory_space<smem>>
    %c0_i32 = arith.constant 0 : i32
    %c0_i32_3 = arith.constant 0 : i32
    %c0_i32_4 = arith.constant 0 : i32
    return %get3A_2, %c0_i32, %c0_i32_3 : i32, i32, i32
  }
  func.func @transform_75(%arg0: i32, %arg1: memref<1024xi32, #tpu.memory_space<smem>>, %arg2: memref<1024xi32, #tpu.memory_space<smem>>) -> (i32, i32, i32) {
    %mul3A = arith.constant 128 : i32
    %mul3A_0 = arith.muli %arg0, %mul3A : i32
    %add3A = arith.constant 75 : i32
    %add3A_1 = arith.addi %mul3A_0, %add3A : i32
    %get3A = arith.index_cast %add3A_1 : i32 to index
    %get3A_2 = memref.load %arg1[%get3A] : memref<1024xi32, #tpu.memory_space<smem>>
    %c0_i32 = arith.constant 0 : i32
    %c0_i32_3 = arith.constant 0 : i32
    %c0_i32_4 = arith.constant 0 : i32
    return %get3A_2, %c0_i32, %c0_i32_3 : i32, i32, i32
  }
  func.func @transform_76(%arg0: i32, %arg1: memref<1024xi32, #tpu.memory_space<smem>>, %arg2: memref<1024xi32, #tpu.memory_space<smem>>) -> (i32, i32, i32) {
    %mul3A = arith.constant 128 : i32
    %mul3A_0 = arith.muli %arg0, %mul3A : i32
    %add3A = arith.constant 76 : i32
    %add3A_1 = arith.addi %mul3A_0, %add3A : i32
    %get3A = arith.index_cast %add3A_1 : i32 to index
    %get3A_2 = memref.load %arg1[%get3A] : memref<1024xi32, #tpu.memory_space<smem>>
    %c0_i32 = arith.constant 0 : i32
    %c0_i32_3 = arith.constant 0 : i32
    %c0_i32_4 = arith.constant 0 : i32
    return %get3A_2, %c0_i32, %c0_i32_3 : i32, i32, i32
  }
  func.func @transform_77(%arg0: i32, %arg1: memref<1024xi32, #tpu.memory_space<smem>>, %arg2: memref<1024xi32, #tpu.memory_space<smem>>) -> (i32, i32, i32) {
    %mul3A = arith.constant 128 : i32
    %mul3A_0 = arith.muli %arg0, %mul3A : i32
    %add3A = arith.constant 77 : i32
    %add3A_1 = arith.addi %mul3A_0, %add3A : i32
    %get3A = arith.index_cast %add3A_1 : i32 to index
    %get3A_2 = memref.load %arg1[%get3A] : memref<1024xi32, #tpu.memory_space<smem>>
    %c0_i32 = arith.constant 0 : i32
    %c0_i32_3 = arith.constant 0 : i32
    %c0_i32_4 = arith.constant 0 : i32
    return %get3A_2, %c0_i32, %c0_i32_3 : i32, i32, i32
  }
  func.func @transform_78(%arg0: i32, %arg1: memref<1024xi32, #tpu.memory_space<smem>>, %arg2: memref<1024xi32, #tpu.memory_space<smem>>) -> (i32, i32, i32) {
    %mul3A = arith.constant 128 : i32
    %mul3A_0 = arith.muli %arg0, %mul3A : i32
    %add3A = arith.constant 78 : i32
    %add3A_1 = arith.addi %mul3A_0, %add3A : i32
    %get3A = arith.index_cast %add3A_1 : i32 to index
    %get3A_2 = memref.load %arg1[%get3A] : memref<1024xi32, #tpu.memory_space<smem>>
    %c0_i32 = arith.constant 0 : i32
    %c0_i32_3 = arith.constant 0 : i32
    %c0_i32_4 = arith.constant 0 : i32
    return %get3A_2, %c0_i32, %c0_i32_3 : i32, i32, i32
  }
  func.func @transform_79(%arg0: i32, %arg1: memref<1024xi32, #tpu.memory_space<smem>>, %arg2: memref<1024xi32, #tpu.memory_space<smem>>) -> (i32, i32, i32) {
    %mul3A = arith.constant 128 : i32
    %mul3A_0 = arith.muli %arg0, %mul3A : i32
    %add3A = arith.constant 79 : i32
    %add3A_1 = arith.addi %mul3A_0, %add3A : i32
    %get3A = arith.index_cast %add3A_1 : i32 to index
    %get3A_2 = memref.load %arg1[%get3A] : memref<1024xi32, #tpu.memory_space<smem>>
    %c0_i32 = arith.constant 0 : i32
    %c0_i32_3 = arith.constant 0 : i32
    %c0_i32_4 = arith.constant 0 : i32
    return %get3A_2, %c0_i32, %c0_i32_3 : i32, i32, i32
  }
  func.func @transform_80(%arg0: i32, %arg1: memref<1024xi32, #tpu.memory_space<smem>>, %arg2: memref<1024xi32, #tpu.memory_space<smem>>) -> (i32, i32, i32) {
    %mul3A = arith.constant 128 : i32
    %mul3A_0 = arith.muli %arg0, %mul3A : i32
    %add3A = arith.constant 80 : i32
    %add3A_1 = arith.addi %mul3A_0, %add3A : i32
    %get3A = arith.index_cast %add3A_1 : i32 to index
    %get3A_2 = memref.load %arg1[%get3A] : memref<1024xi32, #tpu.memory_space<smem>>
    %c0_i32 = arith.constant 0 : i32
    %c0_i32_3 = arith.constant 0 : i32
    %c0_i32_4 = arith.constant 0 : i32
    return %get3A_2, %c0_i32, %c0_i32_3 : i32, i32, i32
  }
  func.func @transform_81(%arg0: i32, %arg1: memref<1024xi32, #tpu.memory_space<smem>>, %arg2: memref<1024xi32, #tpu.memory_space<smem>>) -> (i32, i32, i32) {
    %mul3A = arith.constant 128 : i32
    %mul3A_0 = arith.muli %arg0, %mul3A : i32
    %add3A = arith.constant 81 : i32
    %add3A_1 = arith.addi %mul3A_0, %add3A : i32
    %get3A = arith.index_cast %add3A_1 : i32 to index
    %get3A_2 = memref.load %arg1[%get3A] : memref<1024xi32, #tpu.memory_space<smem>>
    %c0_i32 = arith.constant 0 : i32
    %c0_i32_3 = arith.constant 0 : i32
    %c0_i32_4 = arith.constant 0 : i32
    return %get3A_2, %c0_i32, %c0_i32_3 : i32, i32, i32
  }
  func.func @transform_82(%arg0: i32, %arg1: memref<1024xi32, #tpu.memory_space<smem>>, %arg2: memref<1024xi32, #tpu.memory_space<smem>>) -> (i32, i32, i32) {
    %mul3A = arith.constant 128 : i32
    %mul3A_0 = arith.muli %arg0, %mul3A : i32
    %add3A = arith.constant 82 : i32
    %add3A_1 = arith.addi %mul3A_0, %add3A : i32
    %get3A = arith.index_cast %add3A_1 : i32 to index
    %get3A_2 = memref.load %arg1[%get3A] : memref<1024xi32, #tpu.memory_space<smem>>
    %c0_i32 = arith.constant 0 : i32
    %c0_i32_3 = arith.constant 0 : i32
    %c0_i32_4 = arith.constant 0 : i32
    return %get3A_2, %c0_i32, %c0_i32_3 : i32, i32, i32
  }
  func.func @transform_83(%arg0: i32, %arg1: memref<1024xi32, #tpu.memory_space<smem>>, %arg2: memref<1024xi32, #tpu.memory_space<smem>>) -> (i32, i32, i32) {
    %mul3A = arith.constant 128 : i32
    %mul3A_0 = arith.muli %arg0, %mul3A : i32
    %add3A = arith.constant 83 : i32
    %add3A_1 = arith.addi %mul3A_0, %add3A : i32
    %get3A = arith.index_cast %add3A_1 : i32 to index
    %get3A_2 = memref.load %arg1[%get3A] : memref<1024xi32, #tpu.memory_space<smem>>
    %c0_i32 = arith.constant 0 : i32
    %c0_i32_3 = arith.constant 0 : i32
    %c0_i32_4 = arith.constant 0 : i32
    return %get3A_2, %c0_i32, %c0_i32_3 : i32, i32, i32
  }
  func.func @transform_84(%arg0: i32, %arg1: memref<1024xi32, #tpu.memory_space<smem>>, %arg2: memref<1024xi32, #tpu.memory_space<smem>>) -> (i32, i32, i32) {
    %mul3A = arith.constant 128 : i32
    %mul3A_0 = arith.muli %arg0, %mul3A : i32
    %add3A = arith.constant 84 : i32
    %add3A_1 = arith.addi %mul3A_0, %add3A : i32
    %get3A = arith.index_cast %add3A_1 : i32 to index
    %get3A_2 = memref.load %arg1[%get3A] : memref<1024xi32, #tpu.memory_space<smem>>
    %c0_i32 = arith.constant 0 : i32
    %c0_i32_3 = arith.constant 0 : i32
    %c0_i32_4 = arith.constant 0 : i32
    return %get3A_2, %c0_i32, %c0_i32_3 : i32, i32, i32
  }
  func.func @transform_85(%arg0: i32, %arg1: memref<1024xi32, #tpu.memory_space<smem>>, %arg2: memref<1024xi32, #tpu.memory_space<smem>>) -> (i32, i32, i32) {
    %mul3A = arith.constant 128 : i32
    %mul3A_0 = arith.muli %arg0, %mul3A : i32
    %add3A = arith.constant 85 : i32
    %add3A_1 = arith.addi %mul3A_0, %add3A : i32
    %get3A = arith.index_cast %add3A_1 : i32 to index
    %get3A_2 = memref.load %arg1[%get3A] : memref<1024xi32, #tpu.memory_space<smem>>
    %c0_i32 = arith.constant 0 : i32
    %c0_i32_3 = arith.constant 0 : i32
    %c0_i32_4 = arith.constant 0 : i32
    return %get3A_2, %c0_i32, %c0_i32_3 : i32, i32, i32
  }
  func.func @transform_86(%arg0: i32, %arg1: memref<1024xi32, #tpu.memory_space<smem>>, %arg2: memref<1024xi32, #tpu.memory_space<smem>>) -> (i32, i32, i32) {
    %mul3A = arith.constant 128 : i32
    %mul3A_0 = arith.muli %arg0, %mul3A : i32
    %add3A = arith.constant 86 : i32
    %add3A_1 = arith.addi %mul3A_0, %add3A : i32
    %get3A = arith.index_cast %add3A_1 : i32 to index
    %get3A_2 = memref.load %arg1[%get3A] : memref<1024xi32, #tpu.memory_space<smem>>
    %c0_i32 = arith.constant 0 : i32
    %c0_i32_3 = arith.constant 0 : i32
    %c0_i32_4 = arith.constant 0 : i32
    return %get3A_2, %c0_i32, %c0_i32_3 : i32, i32, i32
  }
  func.func @transform_87(%arg0: i32, %arg1: memref<1024xi32, #tpu.memory_space<smem>>, %arg2: memref<1024xi32, #tpu.memory_space<smem>>) -> (i32, i32, i32) {
    %mul3A = arith.constant 128 : i32
    %mul3A_0 = arith.muli %arg0, %mul3A : i32
    %add3A = arith.constant 87 : i32
    %add3A_1 = arith.addi %mul3A_0, %add3A : i32
    %get3A = arith.index_cast %add3A_1 : i32 to index
    %get3A_2 = memref.load %arg1[%get3A] : memref<1024xi32, #tpu.memory_space<smem>>
    %c0_i32 = arith.constant 0 : i32
    %c0_i32_3 = arith.constant 0 : i32
    %c0_i32_4 = arith.constant 0 : i32
    return %get3A_2, %c0_i32, %c0_i32_3 : i32, i32, i32
  }
  func.func @transform_88(%arg0: i32, %arg1: memref<1024xi32, #tpu.memory_space<smem>>, %arg2: memref<1024xi32, #tpu.memory_space<smem>>) -> (i32, i32, i32) {
    %mul3A = arith.constant 128 : i32
    %mul3A_0 = arith.muli %arg0, %mul3A : i32
    %add3A = arith.constant 88 : i32
    %add3A_1 = arith.addi %mul3A_0, %add3A : i32
    %get3A = arith.index_cast %add3A_1 : i32 to index
    %get3A_2 = memref.load %arg1[%get3A] : memref<1024xi32, #tpu.memory_space<smem>>
    %c0_i32 = arith.constant 0 : i32
    %c0_i32_3 = arith.constant 0 : i32
    %c0_i32_4 = arith.constant 0 : i32
    return %get3A_2, %c0_i32, %c0_i32_3 : i32, i32, i32
  }
  func.func @transform_89(%arg0: i32, %arg1: memref<1024xi32, #tpu.memory_space<smem>>, %arg2: memref<1024xi32, #tpu.memory_space<smem>>) -> (i32, i32, i32) {
    %mul3A = arith.constant 128 : i32
    %mul3A_0 = arith.muli %arg0, %mul3A : i32
    %add3A = arith.constant 89 : i32
    %add3A_1 = arith.addi %mul3A_0, %add3A : i32
    %get3A = arith.index_cast %add3A_1 : i32 to index
    %get3A_2 = memref.load %arg1[%get3A] : memref<1024xi32, #tpu.memory_space<smem>>
    %c0_i32 = arith.constant 0 : i32
    %c0_i32_3 = arith.constant 0 : i32
    %c0_i32_4 = arith.constant 0 : i32
    return %get3A_2, %c0_i32, %c0_i32_3 : i32, i32, i32
  }
  func.func @transform_90(%arg0: i32, %arg1: memref<1024xi32, #tpu.memory_space<smem>>, %arg2: memref<1024xi32, #tpu.memory_space<smem>>) -> (i32, i32, i32) {
    %mul3A = arith.constant 128 : i32
    %mul3A_0 = arith.muli %arg0, %mul3A : i32
    %add3A = arith.constant 90 : i32
    %add3A_1 = arith.addi %mul3A_0, %add3A : i32
    %get3A = arith.index_cast %add3A_1 : i32 to index
    %get3A_2 = memref.load %arg1[%get3A] : memref<1024xi32, #tpu.memory_space<smem>>
    %c0_i32 = arith.constant 0 : i32
    %c0_i32_3 = arith.constant 0 : i32
    %c0_i32_4 = arith.constant 0 : i32
    return %get3A_2, %c0_i32, %c0_i32_3 : i32, i32, i32
  }
  func.func @transform_91(%arg0: i32, %arg1: memref<1024xi32, #tpu.memory_space<smem>>, %arg2: memref<1024xi32, #tpu.memory_space<smem>>) -> (i32, i32, i32) {
    %mul3A = arith.constant 128 : i32
    %mul3A_0 = arith.muli %arg0, %mul3A : i32
    %add3A = arith.constant 91 : i32
    %add3A_1 = arith.addi %mul3A_0, %add3A : i32
    %get3A = arith.index_cast %add3A_1 : i32 to index
    %get3A_2 = memref.load %arg1[%get3A] : memref<1024xi32, #tpu.memory_space<smem>>
    %c0_i32 = arith.constant 0 : i32
    %c0_i32_3 = arith.constant 0 : i32
    %c0_i32_4 = arith.constant 0 : i32
    return %get3A_2, %c0_i32, %c0_i32_3 : i32, i32, i32
  }
  func.func @transform_92(%arg0: i32, %arg1: memref<1024xi32, #tpu.memory_space<smem>>, %arg2: memref<1024xi32, #tpu.memory_space<smem>>) -> (i32, i32, i32) {
    %mul3A = arith.constant 128 : i32
    %mul3A_0 = arith.muli %arg0, %mul3A : i32
    %add3A = arith.constant 92 : i32
    %add3A_1 = arith.addi %mul3A_0, %add3A : i32
    %get3A = arith.index_cast %add3A_1 : i32 to index
    %get3A_2 = memref.load %arg1[%get3A] : memref<1024xi32, #tpu.memory_space<smem>>
    %c0_i32 = arith.constant 0 : i32
    %c0_i32_3 = arith.constant 0 : i32
    %c0_i32_4 = arith.constant 0 : i32
    return %get3A_2, %c0_i32, %c0_i32_3 : i32, i32, i32
  }
  func.func @transform_93(%arg0: i32, %arg1: memref<1024xi32, #tpu.memory_space<smem>>, %arg2: memref<1024xi32, #tpu.memory_space<smem>>) -> (i32, i32, i32) {
    %mul3A = arith.constant 128 : i32
    %mul3A_0 = arith.muli %arg0, %mul3A : i32
    %add3A = arith.constant 93 : i32
    %add3A_1 = arith.addi %mul3A_0, %add3A : i32
    %get3A = arith.index_cast %add3A_1 : i32 to index
    %get3A_2 = memref.load %arg1[%get3A] : memref<1024xi32, #tpu.memory_space<smem>>
    %c0_i32 = arith.constant 0 : i32
    %c0_i32_3 = arith.constant 0 : i32
    %c0_i32_4 = arith.constant 0 : i32
    return %get3A_2, %c0_i32, %c0_i32_3 : i32, i32, i32
  }
  func.func @transform_94(%arg0: i32, %arg1: memref<1024xi32, #tpu.memory_space<smem>>, %arg2: memref<1024xi32, #tpu.memory_space<smem>>) -> (i32, i32, i32) {
    %mul3A = arith.constant 128 : i32
    %mul3A_0 = arith.muli %arg0, %mul3A : i32
    %add3A = arith.constant 94 : i32
    %add3A_1 = arith.addi %mul3A_0, %add3A : i32
    %get3A = arith.index_cast %add3A_1 : i32 to index
    %get3A_2 = memref.load %arg1[%get3A] : memref<1024xi32, #tpu.memory_space<smem>>
    %c0_i32 = arith.constant 0 : i32
    %c0_i32_3 = arith.constant 0 : i32
    %c0_i32_4 = arith.constant 0 : i32
    return %get3A_2, %c0_i32, %c0_i32_3 : i32, i32, i32
  }
  func.func @transform_95(%arg0: i32, %arg1: memref<1024xi32, #tpu.memory_space<smem>>, %arg2: memref<1024xi32, #tpu.memory_space<smem>>) -> (i32, i32, i32) {
    %mul3A = arith.constant 128 : i32
    %mul3A_0 = arith.muli %arg0, %mul3A : i32
    %add3A = arith.constant 95 : i32
    %add3A_1 = arith.addi %mul3A_0, %add3A : i32
    %get3A = arith.index_cast %add3A_1 : i32 to index
    %get3A_2 = memref.load %arg1[%get3A] : memref<1024xi32, #tpu.memory_space<smem>>
    %c0_i32 = arith.constant 0 : i32
    %c0_i32_3 = arith.constant 0 : i32
    %c0_i32_4 = arith.constant 0 : i32
    return %get3A_2, %c0_i32, %c0_i32_3 : i32, i32, i32
  }
  func.func @transform_96(%arg0: i32, %arg1: memref<1024xi32, #tpu.memory_space<smem>>, %arg2: memref<1024xi32, #tpu.memory_space<smem>>) -> (i32, i32, i32) {
    %mul3A = arith.constant 128 : i32
    %mul3A_0 = arith.muli %arg0, %mul3A : i32
    %add3A = arith.constant 96 : i32
    %add3A_1 = arith.addi %mul3A_0, %add3A : i32
    %get3A = arith.index_cast %add3A_1 : i32 to index
    %get3A_2 = memref.load %arg1[%get3A] : memref<1024xi32, #tpu.memory_space<smem>>
    %c0_i32 = arith.constant 0 : i32
    %c0_i32_3 = arith.constant 0 : i32
    %c0_i32_4 = arith.constant 0 : i32
    return %get3A_2, %c0_i32, %c0_i32_3 : i32, i32, i32
  }
  func.func @transform_97(%arg0: i32, %arg1: memref<1024xi32, #tpu.memory_space<smem>>, %arg2: memref<1024xi32, #tpu.memory_space<smem>>) -> (i32, i32, i32) {
    %mul3A = arith.constant 128 : i32
    %mul3A_0 = arith.muli %arg0, %mul3A : i32
    %add3A = arith.constant 97 : i32
    %add3A_1 = arith.addi %mul3A_0, %add3A : i32
    %get3A = arith.index_cast %add3A_1 : i32 to index
    %get3A_2 = memref.load %arg1[%get3A] : memref<1024xi32, #tpu.memory_space<smem>>
    %c0_i32 = arith.constant 0 : i32
    %c0_i32_3 = arith.constant 0 : i32
    %c0_i32_4 = arith.constant 0 : i32
    return %get3A_2, %c0_i32, %c0_i32_3 : i32, i32, i32
  }
  func.func @transform_98(%arg0: i32, %arg1: memref<1024xi32, #tpu.memory_space<smem>>, %arg2: memref<1024xi32, #tpu.memory_space<smem>>) -> (i32, i32, i32) {
    %mul3A = arith.constant 128 : i32
    %mul3A_0 = arith.muli %arg0, %mul3A : i32
    %add3A = arith.constant 98 : i32
    %add3A_1 = arith.addi %mul3A_0, %add3A : i32
    %get3A = arith.index_cast %add3A_1 : i32 to index
    %get3A_2 = memref.load %arg1[%get3A] : memref<1024xi32, #tpu.memory_space<smem>>
    %c0_i32 = arith.constant 0 : i32
    %c0_i32_3 = arith.constant 0 : i32
    %c0_i32_4 = arith.constant 0 : i32
    return %get3A_2, %c0_i32, %c0_i32_3 : i32, i32, i32
  }
  func.func @transform_99(%arg0: i32, %arg1: memref<1024xi32, #tpu.memory_space<smem>>, %arg2: memref<1024xi32, #tpu.memory_space<smem>>) -> (i32, i32, i32) {
    %mul3A = arith.constant 128 : i32
    %mul3A_0 = arith.muli %arg0, %mul3A : i32
    %add3A = arith.constant 99 : i32
    %add3A_1 = arith.addi %mul3A_0, %add3A : i32
    %get3A = arith.index_cast %add3A_1 : i32 to index
    %get3A_2 = memref.load %arg1[%get3A] : memref<1024xi32, #tpu.memory_space<smem>>
    %c0_i32 = arith.constant 0 : i32
    %c0_i32_3 = arith.constant 0 : i32
    %c0_i32_4 = arith.constant 0 : i32
    return %get3A_2, %c0_i32, %c0_i32_3 : i32, i32, i32
  }
  func.func @transform_100(%arg0: i32, %arg1: memref<1024xi32, #tpu.memory_space<smem>>, %arg2: memref<1024xi32, #tpu.memory_space<smem>>) -> (i32, i32, i32) {
    %mul3A = arith.constant 128 : i32
    %mul3A_0 = arith.muli %arg0, %mul3A : i32
    %add3A = arith.constant 100 : i32
    %add3A_1 = arith.addi %mul3A_0, %add3A : i32
    %get3A = arith.index_cast %add3A_1 : i32 to index
    %get3A_2 = memref.load %arg1[%get3A] : memref<1024xi32, #tpu.memory_space<smem>>
    %c0_i32 = arith.constant 0 : i32
    %c0_i32_3 = arith.constant 0 : i32
    %c0_i32_4 = arith.constant 0 : i32
    return %get3A_2, %c0_i32, %c0_i32_3 : i32, i32, i32
  }
  func.func @transform_101(%arg0: i32, %arg1: memref<1024xi32, #tpu.memory_space<smem>>, %arg2: memref<1024xi32, #tpu.memory_space<smem>>) -> (i32, i32, i32) {
    %mul3A = arith.constant 128 : i32
    %mul3A_0 = arith.muli %arg0, %mul3A : i32
    %add3A = arith.constant 101 : i32
    %add3A_1 = arith.addi %mul3A_0, %add3A : i32
    %get3A = arith.index_cast %add3A_1 : i32 to index
    %get3A_2 = memref.load %arg1[%get3A] : memref<1024xi32, #tpu.memory_space<smem>>
    %c0_i32 = arith.constant 0 : i32
    %c0_i32_3 = arith.constant 0 : i32
    %c0_i32_4 = arith.constant 0 : i32
    return %get3A_2, %c0_i32, %c0_i32_3 : i32, i32, i32
  }
  func.func @transform_102(%arg0: i32, %arg1: memref<1024xi32, #tpu.memory_space<smem>>, %arg2: memref<1024xi32, #tpu.memory_space<smem>>) -> (i32, i32, i32) {
    %mul3A = arith.constant 128 : i32
    %mul3A_0 = arith.muli %arg0, %mul3A : i32
    %add3A = arith.constant 102 : i32
    %add3A_1 = arith.addi %mul3A_0, %add3A : i32
    %get3A = arith.index_cast %add3A_1 : i32 to index
    %get3A_2 = memref.load %arg1[%get3A] : memref<1024xi32, #tpu.memory_space<smem>>
    %c0_i32 = arith.constant 0 : i32
    %c0_i32_3 = arith.constant 0 : i32
    %c0_i32_4 = arith.constant 0 : i32
    return %get3A_2, %c0_i32, %c0_i32_3 : i32, i32, i32
  }
  func.func @transform_103(%arg0: i32, %arg1: memref<1024xi32, #tpu.memory_space<smem>>, %arg2: memref<1024xi32, #tpu.memory_space<smem>>) -> (i32, i32, i32) {
    %mul3A = arith.constant 128 : i32
    %mul3A_0 = arith.muli %arg0, %mul3A : i32
    %add3A = arith.constant 103 : i32
    %add3A_1 = arith.addi %mul3A_0, %add3A : i32
    %get3A = arith.index_cast %add3A_1 : i32 to index
    %get3A_2 = memref.load %arg1[%get3A] : memref<1024xi32, #tpu.memory_space<smem>>
    %c0_i32 = arith.constant 0 : i32
    %c0_i32_3 = arith.constant 0 : i32
    %c0_i32_4 = arith.constant 0 : i32
    return %get3A_2, %c0_i32, %c0_i32_3 : i32, i32, i32
  }
  func.func @transform_104(%arg0: i32, %arg1: memref<1024xi32, #tpu.memory_space<smem>>, %arg2: memref<1024xi32, #tpu.memory_space<smem>>) -> (i32, i32, i32) {
    %mul3A = arith.constant 128 : i32
    %mul3A_0 = arith.muli %arg0, %mul3A : i32
    %add3A = arith.constant 104 : i32
    %add3A_1 = arith.addi %mul3A_0, %add3A : i32
    %get3A = arith.index_cast %add3A_1 : i32 to index
    %get3A_2 = memref.load %arg1[%get3A] : memref<1024xi32, #tpu.memory_space<smem>>
    %c0_i32 = arith.constant 0 : i32
    %c0_i32_3 = arith.constant 0 : i32
    %c0_i32_4 = arith.constant 0 : i32
    return %get3A_2, %c0_i32, %c0_i32_3 : i32, i32, i32
  }
  func.func @transform_105(%arg0: i32, %arg1: memref<1024xi32, #tpu.memory_space<smem>>, %arg2: memref<1024xi32, #tpu.memory_space<smem>>) -> (i32, i32, i32) {
    %mul3A = arith.constant 128 : i32
    %mul3A_0 = arith.muli %arg0, %mul3A : i32
    %add3A = arith.constant 105 : i32
    %add3A_1 = arith.addi %mul3A_0, %add3A : i32
    %get3A = arith.index_cast %add3A_1 : i32 to index
    %get3A_2 = memref.load %arg1[%get3A] : memref<1024xi32, #tpu.memory_space<smem>>
    %c0_i32 = arith.constant 0 : i32
    %c0_i32_3 = arith.constant 0 : i32
    %c0_i32_4 = arith.constant 0 : i32
    return %get3A_2, %c0_i32, %c0_i32_3 : i32, i32, i32
  }
  func.func @transform_106(%arg0: i32, %arg1: memref<1024xi32, #tpu.memory_space<smem>>, %arg2: memref<1024xi32, #tpu.memory_space<smem>>) -> (i32, i32, i32) {
    %mul3A = arith.constant 128 : i32
    %mul3A_0 = arith.muli %arg0, %mul3A : i32
    %add3A = arith.constant 106 : i32
    %add3A_1 = arith.addi %mul3A_0, %add3A : i32
    %get3A = arith.index_cast %add3A_1 : i32 to index
    %get3A_2 = memref.load %arg1[%get3A] : memref<1024xi32, #tpu.memory_space<smem>>
    %c0_i32 = arith.constant 0 : i32
    %c0_i32_3 = arith.constant 0 : i32
    %c0_i32_4 = arith.constant 0 : i32
    return %get3A_2, %c0_i32, %c0_i32_3 : i32, i32, i32
  }
  func.func @transform_107(%arg0: i32, %arg1: memref<1024xi32, #tpu.memory_space<smem>>, %arg2: memref<1024xi32, #tpu.memory_space<smem>>) -> (i32, i32, i32) {
    %mul3A = arith.constant 128 : i32
    %mul3A_0 = arith.muli %arg0, %mul3A : i32
    %add3A = arith.constant 107 : i32
    %add3A_1 = arith.addi %mul3A_0, %add3A : i32
    %get3A = arith.index_cast %add3A_1 : i32 to index
    %get3A_2 = memref.load %arg1[%get3A] : memref<1024xi32, #tpu.memory_space<smem>>
    %c0_i32 = arith.constant 0 : i32
    %c0_i32_3 = arith.constant 0 : i32
    %c0_i32_4 = arith.constant 0 : i32
    return %get3A_2, %c0_i32, %c0_i32_3 : i32, i32, i32
  }
  func.func @transform_108(%arg0: i32, %arg1: memref<1024xi32, #tpu.memory_space<smem>>, %arg2: memref<1024xi32, #tpu.memory_space<smem>>) -> (i32, i32, i32) {
    %mul3A = arith.constant 128 : i32
    %mul3A_0 = arith.muli %arg0, %mul3A : i32
    %add3A = arith.constant 108 : i32
    %add3A_1 = arith.addi %mul3A_0, %add3A : i32
    %get3A = arith.index_cast %add3A_1 : i32 to index
    %get3A_2 = memref.load %arg1[%get3A] : memref<1024xi32, #tpu.memory_space<smem>>
    %c0_i32 = arith.constant 0 : i32
    %c0_i32_3 = arith.constant 0 : i32
    %c0_i32_4 = arith.constant 0 : i32
    return %get3A_2, %c0_i32, %c0_i32_3 : i32, i32, i32
  }
  func.func @transform_109(%arg0: i32, %arg1: memref<1024xi32, #tpu.memory_space<smem>>, %arg2: memref<1024xi32, #tpu.memory_space<smem>>) -> (i32, i32, i32) {
    %mul3A = arith.constant 128 : i32
    %mul3A_0 = arith.muli %arg0, %mul3A : i32
    %add3A = arith.constant 109 : i32
    %add3A_1 = arith.addi %mul3A_0, %add3A : i32
    %get3A = arith.index_cast %add3A_1 : i32 to index
    %get3A_2 = memref.load %arg1[%get3A] : memref<1024xi32, #tpu.memory_space<smem>>
    %c0_i32 = arith.constant 0 : i32
    %c0_i32_3 = arith.constant 0 : i32
    %c0_i32_4 = arith.constant 0 : i32
    return %get3A_2, %c0_i32, %c0_i32_3 : i32, i32, i32
  }
  func.func @transform_110(%arg0: i32, %arg1: memref<1024xi32, #tpu.memory_space<smem>>, %arg2: memref<1024xi32, #tpu.memory_space<smem>>) -> (i32, i32, i32) {
    %mul3A = arith.constant 128 : i32
    %mul3A_0 = arith.muli %arg0, %mul3A : i32
    %add3A = arith.constant 110 : i32
    %add3A_1 = arith.addi %mul3A_0, %add3A : i32
    %get3A = arith.index_cast %add3A_1 : i32 to index
    %get3A_2 = memref.load %arg1[%get3A] : memref<1024xi32, #tpu.memory_space<smem>>
    %c0_i32 = arith.constant 0 : i32
    %c0_i32_3 = arith.constant 0 : i32
    %c0_i32_4 = arith.constant 0 : i32
    return %get3A_2, %c0_i32, %c0_i32_3 : i32, i32, i32
  }
  func.func @transform_111(%arg0: i32, %arg1: memref<1024xi32, #tpu.memory_space<smem>>, %arg2: memref<1024xi32, #tpu.memory_space<smem>>) -> (i32, i32, i32) {
    %mul3A = arith.constant 128 : i32
    %mul3A_0 = arith.muli %arg0, %mul3A : i32
    %add3A = arith.constant 111 : i32
    %add3A_1 = arith.addi %mul3A_0, %add3A : i32
    %get3A = arith.index_cast %add3A_1 : i32 to index
    %get3A_2 = memref.load %arg1[%get3A] : memref<1024xi32, #tpu.memory_space<smem>>
    %c0_i32 = arith.constant 0 : i32
    %c0_i32_3 = arith.constant 0 : i32
    %c0_i32_4 = arith.constant 0 : i32
    return %get3A_2, %c0_i32, %c0_i32_3 : i32, i32, i32
  }
  func.func @transform_112(%arg0: i32, %arg1: memref<1024xi32, #tpu.memory_space<smem>>, %arg2: memref<1024xi32, #tpu.memory_space<smem>>) -> (i32, i32, i32) {
    %mul3A = arith.constant 128 : i32
    %mul3A_0 = arith.muli %arg0, %mul3A : i32
    %add3A = arith.constant 112 : i32
    %add3A_1 = arith.addi %mul3A_0, %add3A : i32
    %get3A = arith.index_cast %add3A_1 : i32 to index
    %get3A_2 = memref.load %arg1[%get3A] : memref<1024xi32, #tpu.memory_space<smem>>
    %c0_i32 = arith.constant 0 : i32
    %c0_i32_3 = arith.constant 0 : i32
    %c0_i32_4 = arith.constant 0 : i32
    return %get3A_2, %c0_i32, %c0_i32_3 : i32, i32, i32
  }
  func.func @transform_113(%arg0: i32, %arg1: memref<1024xi32, #tpu.memory_space<smem>>, %arg2: memref<1024xi32, #tpu.memory_space<smem>>) -> (i32, i32, i32) {
    %mul3A = arith.constant 128 : i32
    %mul3A_0 = arith.muli %arg0, %mul3A : i32
    %add3A = arith.constant 113 : i32
    %add3A_1 = arith.addi %mul3A_0, %add3A : i32
    %get3A = arith.index_cast %add3A_1 : i32 to index
    %get3A_2 = memref.load %arg1[%get3A] : memref<1024xi32, #tpu.memory_space<smem>>
    %c0_i32 = arith.constant 0 : i32
    %c0_i32_3 = arith.constant 0 : i32
    %c0_i32_4 = arith.constant 0 : i32
    return %get3A_2, %c0_i32, %c0_i32_3 : i32, i32, i32
  }
  func.func @transform_114(%arg0: i32, %arg1: memref<1024xi32, #tpu.memory_space<smem>>, %arg2: memref<1024xi32, #tpu.memory_space<smem>>) -> (i32, i32, i32) {
    %mul3A = arith.constant 128 : i32
    %mul3A_0 = arith.muli %arg0, %mul3A : i32
    %add3A = arith.constant 114 : i32
    %add3A_1 = arith.addi %mul3A_0, %add3A : i32
    %get3A = arith.index_cast %add3A_1 : i32 to index
    %get3A_2 = memref.load %arg1[%get3A] : memref<1024xi32, #tpu.memory_space<smem>>
    %c0_i32 = arith.constant 0 : i32
    %c0_i32_3 = arith.constant 0 : i32
    %c0_i32_4 = arith.constant 0 : i32
    return %get3A_2, %c0_i32, %c0_i32_3 : i32, i32, i32
  }
  func.func @transform_115(%arg0: i32, %arg1: memref<1024xi32, #tpu.memory_space<smem>>, %arg2: memref<1024xi32, #tpu.memory_space<smem>>) -> (i32, i32, i32) {
    %mul3A = arith.constant 128 : i32
    %mul3A_0 = arith.muli %arg0, %mul3A : i32
    %add3A = arith.constant 115 : i32
    %add3A_1 = arith.addi %mul3A_0, %add3A : i32
    %get3A = arith.index_cast %add3A_1 : i32 to index
    %get3A_2 = memref.load %arg1[%get3A] : memref<1024xi32, #tpu.memory_space<smem>>
    %c0_i32 = arith.constant 0 : i32
    %c0_i32_3 = arith.constant 0 : i32
    %c0_i32_4 = arith.constant 0 : i32
    return %get3A_2, %c0_i32, %c0_i32_3 : i32, i32, i32
  }
  func.func @transform_116(%arg0: i32, %arg1: memref<1024xi32, #tpu.memory_space<smem>>, %arg2: memref<1024xi32, #tpu.memory_space<smem>>) -> (i32, i32, i32) {
    %mul3A = arith.constant 128 : i32
    %mul3A_0 = arith.muli %arg0, %mul3A : i32
    %add3A = arith.constant 116 : i32
    %add3A_1 = arith.addi %mul3A_0, %add3A : i32
    %get3A = arith.index_cast %add3A_1 : i32 to index
    %get3A_2 = memref.load %arg1[%get3A] : memref<1024xi32, #tpu.memory_space<smem>>
    %c0_i32 = arith.constant 0 : i32
    %c0_i32_3 = arith.constant 0 : i32
    %c0_i32_4 = arith.constant 0 : i32
    return %get3A_2, %c0_i32, %c0_i32_3 : i32, i32, i32
  }
  func.func @transform_117(%arg0: i32, %arg1: memref<1024xi32, #tpu.memory_space<smem>>, %arg2: memref<1024xi32, #tpu.memory_space<smem>>) -> (i32, i32, i32) {
    %mul3A = arith.constant 128 : i32
    %mul3A_0 = arith.muli %arg0, %mul3A : i32
    %add3A = arith.constant 117 : i32
    %add3A_1 = arith.addi %mul3A_0, %add3A : i32
    %get3A = arith.index_cast %add3A_1 : i32 to index
    %get3A_2 = memref.load %arg1[%get3A] : memref<1024xi32, #tpu.memory_space<smem>>
    %c0_i32 = arith.constant 0 : i32
    %c0_i32_3 = arith.constant 0 : i32
    %c0_i32_4 = arith.constant 0 : i32
    return %get3A_2, %c0_i32, %c0_i32_3 : i32, i32, i32
  }
  func.func @transform_118(%arg0: i32, %arg1: memref<1024xi32, #tpu.memory_space<smem>>, %arg2: memref<1024xi32, #tpu.memory_space<smem>>) -> (i32, i32, i32) {
    %mul3A = arith.constant 128 : i32
    %mul3A_0 = arith.muli %arg0, %mul3A : i32
    %add3A = arith.constant 118 : i32
    %add3A_1 = arith.addi %mul3A_0, %add3A : i32
    %get3A = arith.index_cast %add3A_1 : i32 to index
    %get3A_2 = memref.load %arg1[%get3A] : memref<1024xi32, #tpu.memory_space<smem>>
    %c0_i32 = arith.constant 0 : i32
    %c0_i32_3 = arith.constant 0 : i32
    %c0_i32_4 = arith.constant 0 : i32
    return %get3A_2, %c0_i32, %c0_i32_3 : i32, i32, i32
  }
  func.func @transform_119(%arg0: i32, %arg1: memref<1024xi32, #tpu.memory_space<smem>>, %arg2: memref<1024xi32, #tpu.memory_space<smem>>) -> (i32, i32, i32) {
    %mul3A = arith.constant 128 : i32
    %mul3A_0 = arith.muli %arg0, %mul3A : i32
    %add3A = arith.constant 119 : i32
    %add3A_1 = arith.addi %mul3A_0, %add3A : i32
    %get3A = arith.index_cast %add3A_1 : i32 to index
    %get3A_2 = memref.load %arg1[%get3A] : memref<1024xi32, #tpu.memory_space<smem>>
    %c0_i32 = arith.constant 0 : i32
    %c0_i32_3 = arith.constant 0 : i32
    %c0_i32_4 = arith.constant 0 : i32
    return %get3A_2, %c0_i32, %c0_i32_3 : i32, i32, i32
  }
  func.func @transform_120(%arg0: i32, %arg1: memref<1024xi32, #tpu.memory_space<smem>>, %arg2: memref<1024xi32, #tpu.memory_space<smem>>) -> (i32, i32, i32) {
    %mul3A = arith.constant 128 : i32
    %mul3A_0 = arith.muli %arg0, %mul3A : i32
    %add3A = arith.constant 120 : i32
    %add3A_1 = arith.addi %mul3A_0, %add3A : i32
    %get3A = arith.index_cast %add3A_1 : i32 to index
    %get3A_2 = memref.load %arg1[%get3A] : memref<1024xi32, #tpu.memory_space<smem>>
    %c0_i32 = arith.constant 0 : i32
    %c0_i32_3 = arith.constant 0 : i32
    %c0_i32_4 = arith.constant 0 : i32
    return %get3A_2, %c0_i32, %c0_i32_3 : i32, i32, i32
  }
  func.func @transform_121(%arg0: i32, %arg1: memref<1024xi32, #tpu.memory_space<smem>>, %arg2: memref<1024xi32, #tpu.memory_space<smem>>) -> (i32, i32, i32) {
    %mul3A = arith.constant 128 : i32
    %mul3A_0 = arith.muli %arg0, %mul3A : i32
    %add3A = arith.constant 121 : i32
    %add3A_1 = arith.addi %mul3A_0, %add3A : i32
    %get3A = arith.index_cast %add3A_1 : i32 to index
    %get3A_2 = memref.load %arg1[%get3A] : memref<1024xi32, #tpu.memory_space<smem>>
    %c0_i32 = arith.constant 0 : i32
    %c0_i32_3 = arith.constant 0 : i32
    %c0_i32_4 = arith.constant 0 : i32
    return %get3A_2, %c0_i32, %c0_i32_3 : i32, i32, i32
  }
  func.func @transform_122(%arg0: i32, %arg1: memref<1024xi32, #tpu.memory_space<smem>>, %arg2: memref<1024xi32, #tpu.memory_space<smem>>) -> (i32, i32, i32) {
    %mul3A = arith.constant 128 : i32
    %mul3A_0 = arith.muli %arg0, %mul3A : i32
    %add3A = arith.constant 122 : i32
    %add3A_1 = arith.addi %mul3A_0, %add3A : i32
    %get3A = arith.index_cast %add3A_1 : i32 to index
    %get3A_2 = memref.load %arg1[%get3A] : memref<1024xi32, #tpu.memory_space<smem>>
    %c0_i32 = arith.constant 0 : i32
    %c0_i32_3 = arith.constant 0 : i32
    %c0_i32_4 = arith.constant 0 : i32
    return %get3A_2, %c0_i32, %c0_i32_3 : i32, i32, i32
  }
  func.func @transform_123(%arg0: i32, %arg1: memref<1024xi32, #tpu.memory_space<smem>>, %arg2: memref<1024xi32, #tpu.memory_space<smem>>) -> (i32, i32, i32) {
    %mul3A = arith.constant 128 : i32
    %mul3A_0 = arith.muli %arg0, %mul3A : i32
    %add3A = arith.constant 123 : i32
    %add3A_1 = arith.addi %mul3A_0, %add3A : i32
    %get3A = arith.index_cast %add3A_1 : i32 to index
    %get3A_2 = memref.load %arg1[%get3A] : memref<1024xi32, #tpu.memory_space<smem>>
    %c0_i32 = arith.constant 0 : i32
    %c0_i32_3 = arith.constant 0 : i32
    %c0_i32_4 = arith.constant 0 : i32
    return %get3A_2, %c0_i32, %c0_i32_3 : i32, i32, i32
  }
  func.func @transform_124(%arg0: i32, %arg1: memref<1024xi32, #tpu.memory_space<smem>>, %arg2: memref<1024xi32, #tpu.memory_space<smem>>) -> (i32, i32, i32) {
    %mul3A = arith.constant 128 : i32
    %mul3A_0 = arith.muli %arg0, %mul3A : i32
    %add3A = arith.constant 124 : i32
    %add3A_1 = arith.addi %mul3A_0, %add3A : i32
    %get3A = arith.index_cast %add3A_1 : i32 to index
    %get3A_2 = memref.load %arg1[%get3A] : memref<1024xi32, #tpu.memory_space<smem>>
    %c0_i32 = arith.constant 0 : i32
    %c0_i32_3 = arith.constant 0 : i32
    %c0_i32_4 = arith.constant 0 : i32
    return %get3A_2, %c0_i32, %c0_i32_3 : i32, i32, i32
  }
  func.func @transform_125(%arg0: i32, %arg1: memref<1024xi32, #tpu.memory_space<smem>>, %arg2: memref<1024xi32, #tpu.memory_space<smem>>) -> (i32, i32, i32) {
    %mul3A = arith.constant 128 : i32
    %mul3A_0 = arith.muli %arg0, %mul3A : i32
    %add3A = arith.constant 125 : i32
    %add3A_1 = arith.addi %mul3A_0, %add3A : i32
    %get3A = arith.index_cast %add3A_1 : i32 to index
    %get3A_2 = memref.load %arg1[%get3A] : memref<1024xi32, #tpu.memory_space<smem>>
    %c0_i32 = arith.constant 0 : i32
    %c0_i32_3 = arith.constant 0 : i32
    %c0_i32_4 = arith.constant 0 : i32
    return %get3A_2, %c0_i32, %c0_i32_3 : i32, i32, i32
  }
  func.func @transform_126(%arg0: i32, %arg1: memref<1024xi32, #tpu.memory_space<smem>>, %arg2: memref<1024xi32, #tpu.memory_space<smem>>) -> (i32, i32, i32) {
    %mul3A = arith.constant 128 : i32
    %mul3A_0 = arith.muli %arg0, %mul3A : i32
    %add3A = arith.constant 126 : i32
    %add3A_1 = arith.addi %mul3A_0, %add3A : i32
    %get3A = arith.index_cast %add3A_1 : i32 to index
    %get3A_2 = memref.load %arg1[%get3A] : memref<1024xi32, #tpu.memory_space<smem>>
    %c0_i32 = arith.constant 0 : i32
    %c0_i32_3 = arith.constant 0 : i32
    %c0_i32_4 = arith.constant 0 : i32
    return %get3A_2, %c0_i32, %c0_i32_3 : i32, i32, i32
  }
  func.func @transform_127(%arg0: i32, %arg1: memref<1024xi32, #tpu.memory_space<smem>>, %arg2: memref<1024xi32, #tpu.memory_space<smem>>) -> (i32, i32, i32) {
    %mul3A = arith.constant 128 : i32
    %mul3A_0 = arith.muli %arg0, %mul3A : i32
    %add3A = arith.constant 127 : i32
    %add3A_1 = arith.addi %mul3A_0, %add3A : i32
    %get3A = arith.index_cast %add3A_1 : i32 to index
    %get3A_2 = memref.load %arg1[%get3A] : memref<1024xi32, #tpu.memory_space<smem>>
    %c0_i32 = arith.constant 0 : i32
    %c0_i32_3 = arith.constant 0 : i32
    %c0_i32_4 = arith.constant 0 : i32
    return %get3A_2, %c0_i32, %c0_i32_3 : i32, i32, i32
  }
  func.func @transform_128(%arg0: i32, %arg1: memref<1024xi32, #tpu.memory_space<smem>>, %arg2: memref<1024xi32, #tpu.memory_space<smem>>) -> (i32, i32) {
    %c0_i32 = arith.constant 0 : i32
    %c0_i32_0 = arith.constant 0 : i32
    return %arg0, %c0_i32 : i32, i32
  }
}

</mosaic_0001>

<sc_bundles>
// kernel: kernel.6.cloned.1.call-start
scs
__scs_entry_jumppad:
0x0: {  	(pc) =	sbr.rel $0x88, $3  }
0x1: {  	(tag) =	ssettag $0x0;
	lr =	simm.s32 $0x1  }
0x2: {  	[smem:$0x3F92] =	sst lr;
	_ =	strace $0xD0000000  }
0x3: {  	_ = 	snop  }
0x4: {  	_ = 	snop  }
0x5: {  	_ = 	snop  }
0x6: {  	_ = 	snop  }
0x7: {  	_ = 	snop  }
__scs_overlays_trampoline_lowered:
0x8: {  	[smem:$0x3FA1] =	sst s0  }
0x9: {  	[smem:$0x3FA2] =	sst s1  }
0xa: {  	[smem:$0x3FA3] =	sst s2  }
0xb: {  	[smem:$0x3FA4] =	sst s3  }
0xc: {  	[smem:$0x3FA5] =	sst s4  }
0xd: {  	[smem:$0x3FA6] =	sst s5  }
0xe: {  	[smem:$0x3FA7] =	sst s6  }
0xf: {  	[smem:$0x3FA8] =	sst s7  }
0x10: {  	[smem:$0x3FA9] =	sst s8  }
0x11: {  	[smem:$0x3FAA] =	sst s9;
	s0 =	simm.s32 @!p0 $0x0  }
0x12: {  	s1 =	sld [smem:$0x3F90];
	s0 =	simm.s32 @p0 $0x1  }
0x13: {  	[smem:$0x3FAB] =	sst s0;
	s0 =	simm.s32 @!p1 $0x0  }
0x14: {  	s2 =	sld [smem:$0x3F8F];
	s0 =	simm.s32 @p1 $0x1  }
0x15: {  	[smem:$0x3FAC] =	sst s0;
	s0 =	simm.s32 @!p2 $0x0  }
0x16: {  	s3 =	sld [smem:$0x3FDB];
	s0 =	simm.s32 @p2 $0x1  }
0x17: {  	s4 =	simm.s32 $0x1BF5;
	[smem:$0x3FAE] =	sst s0  }
0x18: {  	s0 =	sld [smem:$0x3F91];
	_ =	swait.ge [sflag:s4], $0x0  }
0x19: {  	s7 =	sld [smem:$0x3F92]  }
0x1a: {  	s8 =	sadd.s32 $0xFFFFE003, lr  }
0x1b: {  	s9 =	sadd.s32 $0xFFFFFEF7, lr;
	s5 =	simm.s32 $0xFFFFFFFF;
	p2 =	slt.u32 s8, $0xFFFFF086  }
0x1c: {  	p1 =	slt.u32 s9, $0xF7A;
	s5 =	simm.s32 @!p2 $0x0  }
0x1d: {  	s5 =	simm.s32 @p1 $0x1;
	p0 =	seq.s32 s7, s2  }
0x1e: {  	s7 =	smul.u32 @!p0 $0xF7A, s2;
	p2 =	seq.s32 @!p0 s5, $0x0  }
0x1f: {  	s9 =	smul.u32 $0xF7A, s1;
	s8 =	simm.s32 @!p0 $0x1BF5;
	p2 =	por !p2, p0  }
0x20: {  	[sflag:s8] =	ssyncset.s32 @!p0 $0xFFFFF086;
	s6 =	sadd.s32 @!p0 s3, s7;
	s7 =	simm.s32 @!p0 $0x108  }
0x21: {  	s3 =	sadd.s32 s3, s9;
	s6 =	sadd.s32 @!p0 $0x88, s6;
	s7 =	simm.s32 @p2 $0x1082  }
0x22: {  	[simem:s7], [sflag:s8] =	dma.local @!p0 [hbm:s6], $0xF7A  }
0x23: {  	s9 =	sor.u32 $0xD0000000, s2;
	s6 =	simm.s32 $0x108;
	_ =	swait.ge @!p0 [sflag:s8], $0x0  }
0x24: {  	s3 =	sadd.s32 $0x88, s3;
	s6 =	simm.s32 @!p1 $0x1082;
	[sflag:s4] =	ssyncset.s32 $0xFFFFF086  }
0x25: {  	[simem:s6], [sflag:s4] =	dma.local [hbm:s3], $0xF7A  }
0x26: {  	[smem:$0x3F92] =	sst s1;
	(tag) =	ssettag s2;
	_ =	strace s9  }
0x27: {  	s1 =	sld [smem:$0x3FA2]  }
0x28: {  	s2 =	sld [smem:$0x3FA3]  }
0x29: {  	s4 =	sld [smem:$0x3FA5]  }
0x2a: {  	p0 =	seq.s32 s5, $0x0;
	s5 =	sld [smem:$0x3FA6]  }
0x2b: {  	s6 =	sld [smem:$0x3FA7]  }
0x2c: {  	s7 =	sld [smem:$0x3FA8]  }
0x2d: {  	s3 =	simm.s32 $0x108;
	s8 =	sld [smem:$0x3FA9]  }
0x2e: {  	s3 =	simm.s32 @!p0 $0x1082;
	s9 =	sld [smem:$0x3FAA]  }
0x2f: {  	lr =	sadd.s32 s0, s3;
	s0 =	sld [smem:$0x3FA1]  }
0x30: {  	s3 =	sld [smem:$0x3FA4]  }
0x31: {  	[smem:$0x3FAD] =	sst s10  }
0x32: {  	s10 =	sld [smem:$0x3FAB];
	_ =	sdelay $0x3  }
0x33: {  	p0 =	seq.s32 s10, $0x1;
	s10 =	sld [smem:$0x3FAD];
	_ =	sdelay $0x3  }
0x34: {  	[smem:$0x3FAD] =	sst s10  }
0x35: {  	s10 =	sld [smem:$0x3FAC];
	_ =	sdelay $0x3  }
0x36: {  	p1 =	seq.s32 s10, $0x1;
	s10 =	sld [smem:$0x3FAD];
	_ =	sdelay $0x3  }
0x37: {  	[smem:$0x3FAD] =	sst s10  }
0x38: {  	s10 =	sld [smem:$0x3FAE]  }
0x39: {  	_ = 	snop;
	(pc) =	sbr.ind lr, $3  }
0x3a: {  	_ = 	snop  }
0x3b: {  	_ = 	snop  }
0x3c: {  	p2 =	seq.s32 s10, $0x1;
	s10 =	sld [smem:$0x3FAD]  }
0x3d: {  	_ =	shalt  }
0x3e: {  	_ =	shalt  }
0x3f: {  	_ =	shalt  }
0x40: {  	_ =	shalt  }
0x41: {  	_ =	shalt  }
0x42: {  	_ =	shalt  }
0x43: {  	_ =	shalt  }
0x44: {  	_ =	shalt  }
0x45: {  	_ =	shalt  }
0x46: {  	_ =	shalt  }
0x47: {  	_ =	shalt  }
0x48: {  	_ =	shalt  }
0x49: {  	_ =	shalt  }
0x4a: {  	_ =	shalt  }
0x4b: {  	_ =	shalt  }
0x4c: {  	_ =	shalt  }
0x4d: {  	_ =	shalt  }
0x4e: {  	_ =	shalt  }
0x4f: {  	_ =	shalt  }
0x50: {  	_ =	shalt  }
0x51: {  	_ =	shalt  }
0x52: {  	_ =	shalt  }
0x53: {  	_ =	shalt  }
0x54: {  	_ =	shalt  }
0x55: {  	_ =	shalt  }
0x56: {  	_ =	shalt  }
0x57: {  	_ =	shalt  }
0x58: {  	_ =	shalt  }
0x59: {  	_ =	shalt  }
0x5a: {  	_ =	shalt  }
0x5b: {  	_ =	shalt  }
0x5c: {  	_ =	shalt  }
0x5d: {  	_ =	shalt  }
0x5e: {  	_ =	shalt  }
0x5f: {  	_ =	shalt  }
0x60: {  	_ =	shalt  }
0x61: {  	_ =	shalt  }
0x62: {  	_ =	shalt  }
0x63: {  	_ =	shalt  }
0x64: {  	_ =	shalt  }
0x65: {  	_ =	shalt  }
0x66: {  	_ =	shalt  }
0x67: {  	_ =	shalt  }
0x68: {  	_ =	shalt  }
0x69: {  	_ =	shalt  }
0x6a: {  	_ =	shalt  }
0x6b: {  	_ =	shalt  }
0x6c: {  	_ =	shalt  }
0x6d: {  	_ =	shalt  }
0x6e: {  	_ =	shalt  }
0x6f: {  	_ =	shalt  }
0x70: {  	_ =	shalt  }
0x71: {  	_ =	shalt  }
0x72: {  	_ =	shalt  }
0x73: {  	_ =	shalt  }
0x74: {  	_ =	shalt  }
0x75: {  	_ =	shalt  }
0x76: {  	_ =	shalt  }
0x77: {  	_ =	shalt  }
0x78: {  	_ =	shalt  }
0x79: {  	_ =	shalt  }
0x7a: {  	_ =	shalt  }
0x7b: {  	_ =	shalt  }
0x7c: {  	_ =	shalt  }
0x7d: {  	_ =	shalt  }
0x7e: {  	_ =	shalt  }
0x7f: {  	_ =	shalt  }
0x80: {  	_ =	shalt  }
0x81: {  	_ =	shalt  }
0x82: {  	_ =	shalt  }
0x83: {  	_ =	shalt  }
0x84: {  	_ =	shalt  }
0x85: {  	_ =	shalt  }
0x86: {  	_ =	shalt  }
0x87: {  	_ =	shalt  }
.Lfunc_end0:
.L_simem_size_0:
called_computation_lowered:
.L_overlay_start_0:
0x88: {  	s2 =	sld [smem:$0x3FD9]  }
0x89: {  	s3 =	sld [smem:$0x3FFE];
	_ =	sdelay $0x1  }
0x8a: {  	s1 =	srdreg.scid  }
0x8b: {  	s0 =	sand.u32 $0x1, s1  }
0x8c: {  	s17 =	sshll.u32 s0, $0xA;
	s2 =	sadd.s32 s3, s2  }
0x8d: {  	s2 =	sadd.s32 s2, s17  }
0x8e: {  	[smem:$0x3FB9] =	sst s2  }
0x8f: {  	_ = 	snop  }
0x90: {  	s2 =	sld [smem:$0x3FD0];
	(tm) =	ssettm $0x1  }
0x91: {  	s18 =	sld [smem:$0x3FFB];
	_ =	sdelay $0x3  }
0x92: {  	_ =	strace s18  }
0x93: {  	s3 =	sld [smem:$0x3FFC];
	_ =	sdelay $0x3  }
0x94: {  	_ =	strace s3  }
0x95: {  	s3 =	sld [smem:$0x3FFD];
	_ =	sdelay $0x3  }
0x96: {  	_ =	strace s3  }
0x97: {  	_ =	strace $0x8FFFFFFF  }
0x98: {  	s19 =	sld [smem:$0x3FDB];
	_ =	sdelay $0x1  }
0x99: {  	s4 =	simm.s32 $_scs_section_size  }
0x9a: {  	s5 =	simm.s32 $_size__tile_overlayer_lowered;
	s6 =	simm.s32 $_tile_overlayer_lowered  }
0x9b: {  	s22 =	simm.s32 $0x1BFF;
	s21 =	sshll.u32 s6, $0x1;
	s3 =	sadd.s32 s4, s19  }
0x9c: {  	s7 =	simm.s32 $0x0;
	s20 =	sshll.u32 s5, $0x1;
	s5 =	sadd.s32 s21, s3  }
0x9d: {  	[timem:s7], [sflag:s22] =	dma.local [hbm:s5], s20  }
0x9e: {  	_ =	swait.ge [sflag:s22], s20  }
0x9f: {  	s4 =	ssub.s32 $0x0, s20;
	[sflag:s22] =	ssyncset.done $0x0  }
0xa0: {  	[sflag:s22] =	ssyncadd.s32 s4;
	_ =	sdelay $0x1  }
0xa1: {  	s23 =	simm.s32 $0x1B8B  }
0xa2: {  	_ =	swait.ge [sflag:s23], $0x1  }
0xa3: {  	[sflag:s23] =	ssyncset.done $0x0  }
0xa4: {  	s25 =	simm.s32 $0x1B8E;
	s24 =	sld [smem:$0x3FFE];
	[sflag:s23] =	ssyncadd.s32 $0xFFFFFFFF  }
0xa5: {  	s26 =	simm.s32 $execute0_lowered;
	[smem:$0x3FD2] =	sst s25  }
0xa6: {  	s5 =	sshll.u32 s26, $0x1;
	_ =	strace $0x80000046;
	[dreg:$0x1] =	wrdreg $0xFFFFFFFF  }
0xa7: {  	s28 =	simm.s32 $_size_execute0_lowered;
	s3 =	sadd.s32 s3, s5;
	[dreg:$0x0] =	wrdreg $0x0  }
0xa8: {  	s5 =	sshll.u32 s28, $0x1;
	[dreg:$0x2] =	wrdreg s3  }
0xa9: {  	[dreg:$0x3] =	wrdreg s5  }
0xaa: {  	[dreg:$0x4] =	wrdreg $0xC0  }
0xab: {  	_ =	task [dreg:s7], $0x5FFFF  }
0xac: {  	[dreg:$0x1] =	wrdreg $0xFFFFFFFF  }
0xad: {  	[dreg:$0x0] =	wrdreg $0x60  }
0xae: {  	[dreg:$0x2] =	wrdreg s24  }
0xaf: {  	[dreg:$0x3] =	wrdreg s2  }
0xb0: {  	[dreg:$0x4] =	wrdreg $0x9  }
0xb1: {  	_ =	task.clear_ibuf [dreg:s7], $0x5FFFF;
	_ =	strace $0x90000046  }
0xb2: {  	s29 =	simm.s32 $0x9;
	_ =	strace $0x80000048  }
0xb3: {  	_ =	swait.ge [sflag:s29], $0x1  }
0xb4: {  	[sflag:s29] =	ssyncadd.s32 $0xFFFFFFFF  }
0xb5: {  	_ =	strace $0x90000048  }
0xb6: {  	_ =	sfence  }
0xb7: {  	s30 =	sld [smem:$0x0];
	_ =	sdelay $0x2  }
0xb8: {  	s31 =	sshll.u32 s1, $0xD;
	s1 =	sshrl.u32 s1, $0x2  }
0xb9: {  	s3 =	sand.u32 $0x4000, s31;
	s1 =	sadd.s32 s1, s30  }
0xba: {  	s0 =	sor.u32 s3, s0;
	s1 =	sshll.u32 s1, $0x11  }
0xbb: {  	s0 =	sor.u32 s1, s0  }
0xbc: {  	s0 =	sadd.s32 $0x8F2B, s0  }
0xbd: {  	[sflag:s0] =	ssyncadd.remote.s32 $0x1  }
0xbe: {  	_ =	sfence.sel $0xFFFF  }
0xbf: {  	[dreg:$0x0] =	wrdreg $0xFFFFFFFF;
	(pc) =	sbr.abs _section_cstart, $3  }
0xc0: {  	[dreg:$0x1] =	wrdreg $0xFFFFFFFF  }
0xc1: {  	_ =	task.clear_ibuf [dreg:s7], $0x2FFFF;
	_ =	strace $0x9FFFFFFF  }
0xc2: {  	(tm) =	ssettm $0x7FFFFFFF  }
0xc3: {  	_ =	shalt  }
tec
execute0_lowered:
.L_overlay_start_1:
0x0: {  	(tag) =	ssettag $0x1  }
0x1: {  	s0 =	srdreg.scid  }
0x2: {  	s2 =	stileid.u32;
	s1 =	rddreg [dreg:$0x0]  }
0x3: {  	s3 =	rddreg [dreg:$0x1];
	s8 =	simm.s32 $0x50;
	s14 =	simm.s32 $0x2E80  }
0x4: {  	s22 =	simm.s32 $0xA0;
	s23 =	simm.s32 $0xF0;
	s24 =	simm.s32 $0x140  }
0x5: {  	s25 =	simm.s32 $0x190;
	s26 =	simm.s32 $0x1E0;
	s10 =	simm.s32 $0xF680  }
0x6: {  	s11 =	simm.s32 $0x11E80;
	s31 =	simm.s32 $0x280;
	s12 =	simm.s32 $0x14680  }
0x7: {  	s30 =	simm.s32 $0x2D0;
	s0 =	sand.u32 $0x1, s0;
	s2 =	sshll.u32 s2, $0x1  }
0x8: {  	s13 =	simm.s32 $0x16E80;
	s4 =	sor.u32 s0, s2;
	s2 =	simm.s32 $0x0  }
0x9: {  	s9 =	simm.s32 $0x1;
	s28 =	simm.s32 $0x410;
	[smem:$0x7FF] =	sst s2  }
0xa: {  	s29 =	simm.s32 $0x460;
	_ =	strace $0x80000047;
	[dreg:$0x8] =	wrdreg s22  }
0xb: {  	p0 =	por $0x0, $0x0;
	s7 =	sadd.s32 $0x42C00, s1;
	[dreg:$0x9] =	wrdreg s23  }
0xc: {  	s0 =	ssub.s32 $0x2, s0;
	s5 =	smul.u32 $0xC8, s4;
	[dreg:$0xa] =	wrdreg s24  }
0xd: {  	s6 =	smul.u32 $0x32000, s4;
	s20 =	sshrl.u32 s0, $0x1;
	[dreg:$0xb] =	wrdreg s25  }
0xe: {  	s4 =	smul.u32 $0x6400, s4;
	s0 =	ssub.s32 s0, s20;
	[dreg:$0xc] =	wrdreg s26  }
0xf: {  	s24 =	simm.s32 $0x320;
	s25 =	simm.s32 $0x370;
	s26 =	simm.s32 $0x3C0  }
0x10: {  	s20 =	simm.s32 $0x500;
	s22 =	simm.s32 $0x5A0;
	s23 =	simm.s32 $0x5F0  }
0x11: {  	s3 =	sadd.s32 s3, s5;
	s15 =	sshrl.u32 s6, $0x3;
	s16 =	sadd.s32 s7, s4  }
0x12: {  	s6 =	sadd.s32 $0x4400, s1;
	s0 =	smax.u32 s0, $0x1;
	s5 =	simm.s32 $0x680  }
0x13: {  	s4 =	simm.s32 $0xCE80;
	[dreg:$0x3] =	wrdreg s3;
	s17 =	sadd.s32 s7, s15  }
0x14: {  	[dreg:$0x4] =	wrdreg s16;
	s3 =	simm.s32 $0x3;
	p1 =	sne.s32 s0, $0x1  }
.Ltmp0:
0x15: {  	s15 =	simm.s32 $0x5680;
	s18 =	sadd.s32 $0x1900, s17;
	(pc) =	sbr.rel @!p1 .LBB2_1-.Ltmp0, $4  }
0x16: {  	s16 =	simm.s32 $0x7E80;
	s19 =	sadd.s32 $0x3200, s17;
	[dreg:$0x5] =	wrdreg s18  }
0x17: {  	s7 =	simm.s32 $0x2;
	s21 =	sadd.s32 $0x4B00, s17;
	[dreg:$0x6] =	wrdreg s19  }
0x18: {  	s17 =	simm.s32 $0xA680;
	[dreg:$0x7] =	wrdreg s21;
	s18 =	sadd.s32 $0xFFFFFFFF, s0  }
0x19: {  	s19 =	simm.s32 $0x4B0;
	s21 =	simm.s32 $0x550;
	s0 =	rddreg [dreg:$0x3]  }
0x1a: {  	[tilespmem:s2], [sflag:$0x3] =	stream.linear.gather [hbm4b:s0+s2], $0x640, $0x38;
	[tilespmem:$0x19680] =	vst v63  }
0x1b: {  	_ =	swait.ge [sflag:s3], $0x640  }
0x1c: {  	[sflag:s3] =	ssyncset.done $0x0  }
0x1d: {  	[sflag:s3] =	ssyncadd.s32 $0xFFFFF9C0  }
0x1e: {  	[tilespmem:s5], [sflag:$0x1] =	stream.indirect.gather [hbm4b:s6+s8], $0x80, s2, s8, $0xb8;
	[tilespmem:$0x19680] =	vst v63  }
0x1f: {  	_ = 	snop  }
0x20: {  	[tilespmem:s14], [sflag:$0x1] =	stream.indirect.gather [hbm4b:s6+s8], $0x80, s8, s8, $0xb8;
	[tilespmem:$0x19680] =	vst v63  }
0x21: {  	s0 =	rddreg [dreg:$0x8]  }
0x22: {  	[tilespmem:s15], [sflag:$0x1] =	stream.indirect.gather [hbm4b:s6+s8], $0x80, s0, s8, $0xb8;
	[tilespmem:$0x19680] =	vst v63  }
0x23: {  	s1 =	rddreg [dreg:$0x9]  }
0x24: {  	[tilespmem:s16], [sflag:$0x1] =	stream.indirect.gather [hbm4b:s6+s8], $0x80, s1, s8, $0xb8;
	[tilespmem:$0x19680] =	vst v63  }
0x25: {  	s0 =	rddreg [dreg:$0xa]  }
0x26: {  	[tilespmem:s17], [sflag:$0x1] =	stream.indirect.gather [hbm4b:s6+s8], $0x80, s0, s8, $0xb8;
	[tilespmem:$0x19680] =	vst v63  }
0x27: {  	s1 =	rddreg [dreg:$0xb]  }
0x28: {  	[tilespmem:s4], [sflag:$0x2] =	stream.indirect.gather [hbm4b:s6+s8], $0x80, s1, s8, $0xb8;
	[tilespmem:$0x19680] =	vst v63  }
0x29: {  	s0 =	rddreg [dreg:$0xc]  }
0x2a: {  	[tilespmem:s10], [sflag:$0x2] =	stream.indirect.gather [hbm4b:s6+s8], $0x80, s0, s8, $0xb8;
	[tilespmem:$0x19680] =	vst v63  }
0x2b: {  	s1 =	simm.s32 $0x230  }
0x2c: {  	[tilespmem:s11], [sflag:$0x2] =	stream.indirect.gather [hbm4b:s6+s8], $0x80, s1, s8, $0xb8;
	[tilespmem:$0x19680] =	vst v63  }
0x2d: {  	_ = 	snop  }
0x2e: {  	[tilespmem:s12], [sflag:$0x2] =	stream.indirect.gather [hbm4b:s6+s8], $0x80, s31, s8, $0xb8;
	[tilespmem:$0x19680] =	vst v63  }
0x2f: {  	_ = 	snop  }
0x30: {  	[tilespmem:s13], [sflag:$0x2] =	stream.indirect.gather [hbm4b:s6+s8], $0x80, s30, s8, $0xb8;
	[tilespmem:$0x19680] =	vst v63  }
0x31: {  	_ =	swait.ge [sflag:s9], $0x2800  }
0x32: {  	[sflag:s9] =	ssyncset.done $0x0  }
0x33: {  	[sflag:s9] =	ssyncadd.s32 $0xFFFFD800  }
0x34: {  	_ =	swait.ge [sflag:s9], $0x2800  }
0x35: {  	[sflag:s9] =	ssyncset.done $0x0  }
0x36: {  	[sflag:s9] =	ssyncadd.s32 $0xFFFFD800  }
0x37: {  	_ =	swait.ge [sflag:s9], $0x2800  }
0x38: {  	[sflag:s9] =	ssyncset.done $0x0  }
0x39: {  	[sflag:s9] =	ssyncadd.s32 $0xFFFFD800  }
0x3a: {  	_ =	swait.ge [sflag:s9], $0x2800  }
0x3b: {  	[sflag:s9] =	ssyncset.done $0x0  }
0x3c: {  	[sflag:s9] =	ssyncadd.s32 $0xFFFFD800  }
0x3d: {  	_ =	swait.ge [sflag:s9], $0x2800  }
0x3e: {  	[sflag:s9] =	ssyncset.done $0x0  }
0x3f: {  	s1 =	rddreg [dreg:$0x4];
	[sflag:s9] =	ssyncadd.s32 $0xFFFFD800  }
0x40: {  	[hbm4b:s1+s2] =	stream.linear.scatter [tilespmem:s5], [sflag:$0x3], $0xC800, $0x38;
	[tilespmem:$0x19680] =	vst v63  }
0x41: {  	_ =	swait.ge [sflag:s3], $0xC800  }
0x42: {  	[sflag:s3] =	ssyncset.done $0x0  }
0x43: {  	[sflag:s3] =	ssyncadd.s32 $0xFFFF3800  }
0x44: {  	[tilespmem:s5], [sflag:$0x1] =	stream.indirect.gather [hbm4b:s6+s8], $0x80, s24, s8, $0xb8;
	[tilespmem:$0x19680] =	vst v63  }
0x45: {  	_ = 	snop  }
0x46: {  	[tilespmem:s14], [sflag:$0x1] =	stream.indirect.gather [hbm4b:s6+s8], $0x80, s25, s8, $0xb8;
	[tilespmem:$0x19680] =	vst v63  }
0x47: {  	_ = 	snop  }
0x48: {  	[tilespmem:s15], [sflag:$0x1] =	stream.indirect.gather [hbm4b:s6+s8], $0x80, s26, s8, $0xb8;
	[tilespmem:$0x19680] =	vst v63  }
0x49: {  	_ = 	snop  }
0x4a: {  	[tilespmem:s16], [sflag:$0x1] =	stream.indirect.gather [hbm4b:s6+s8], $0x80, s28, s8, $0xb8;
	[tilespmem:$0x19680] =	vst v63  }
0x4b: {  	_ = 	snop  }
0x4c: {  	[tilespmem:s17], [sflag:$0x1] =	stream.indirect.gather [hbm4b:s6+s8], $0x80, s29, s8, $0xb8;
	[tilespmem:$0x19680] =	vst v63  }
0x4d: {  	_ =	swait.ge [sflag:s7], $0x2800  }
0x4e: {  	[sflag:s7] =	ssyncset.done $0x0  }
0x4f: {  	[sflag:s7] =	ssyncadd.s32 $0xFFFFD800  }
0x50: {  	_ =	swait.ge [sflag:s7], $0x2800  }
0x51: {  	[sflag:s7] =	ssyncset.done $0x0  }
0x52: {  	[sflag:s7] =	ssyncadd.s32 $0xFFFFD800  }
0x53: {  	_ =	swait.ge [sflag:s7], $0x2800  }
0x54: {  	[sflag:s7] =	ssyncset.done $0x0  }
0x55: {  	[sflag:s7] =	ssyncadd.s32 $0xFFFFD800  }
0x56: {  	_ =	swait.ge [sflag:s7], $0x2800  }
0x57: {  	[sflag:s7] =	ssyncset.done $0x0  }
0x58: {  	[sflag:s7] =	ssyncadd.s32 $0xFFFFD800  }
0x59: {  	_ =	swait.ge [sflag:s7], $0x2800  }
0x5a: {  	[sflag:s7] =	ssyncset.done $0x0  }
0x5b: {  	s1 =	rddreg [dreg:$0x5];
	[sflag:s7] =	ssyncadd.s32 $0xFFFFD800  }
0x5c: {  	[hbm4b:s1+s2] =	stream.linear.scatter [tilespmem:s4], [sflag:$0x3], $0xC800, $0x38;
	[tilespmem:$0x19680] =	vst v63  }
0x5d: {  	_ =	swait.ge [sflag:s3], $0xC800  }
0x5e: {  	[sflag:s3] =	ssyncset.done $0x0  }
0x5f: {  	[sflag:s3] =	ssyncadd.s32 $0xFFFF3800  }
0x60: {  	[tilespmem:s4], [sflag:$0x2] =	stream.indirect.gather [hbm4b:s6+s8], $0x80, s19, s8, $0xb8;
	[tilespmem:$0x19680] =	vst v63  }
0x61: {  	_ = 	snop  }
0x62: {  	[tilespmem:s10], [sflag:$0x2] =	stream.indirect.gather [hbm4b:s6+s8], $0x80, s20, s8, $0xb8;
	[tilespmem:$0x19680] =	vst v63  }
0x63: {  	_ = 	snop  }
0x64: {  	[tilespmem:s11], [sflag:$0x2] =	stream.indirect.gather [hbm4b:s6+s8], $0x80, s21, s8, $0xb8;
	[tilespmem:$0x19680] =	vst v63  }
0x65: {  	_ = 	snop  }
0x66: {  	[tilespmem:s12], [sflag:$0x2] =	stream.indirect.gather [hbm4b:s6+s8], $0x80, s22, s8, $0xb8;
	[tilespmem:$0x19680] =	vst v63  }
0x67: {  	_ = 	snop  }
0x68: {  	[tilespmem:s13], [sflag:$0x2] =	stream.indirect.gather [hbm4b:s6+s8], $0x80, s23, s8, $0xb8;
	[tilespmem:$0x19680] =	vst v63  }
0x69: {  	_ =	swait.ge [sflag:s9], $0x2800  }
0x6a: {  	[sflag:s9] =	ssyncset.done $0x0  }
0x6b: {  	[sflag:s9] =	ssyncadd.s32 $0xFFFFD800  }
0x6c: {  	_ =	swait.ge [sflag:s9], $0x2800  }
0x6d: {  	[sflag:s9] =	ssyncset.done $0x0  }
0x6e: {  	[sflag:s9] =	ssyncadd.s32 $0xFFFFD800  }
0x6f: {  	_ =	swait.ge [sflag:s9], $0x2800  }
0x70: {  	[sflag:s9] =	ssyncset.done $0x0  }
0x71: {  	[sflag:s9] =	ssyncadd.s32 $0xFFFFD800  }
0x72: {  	_ =	swait.ge [sflag:s9], $0x2800  }
0x73: {  	[sflag:s9] =	ssyncset.done $0x0  }
0x74: {  	[sflag:s9] =	ssyncadd.s32 $0xFFFFD800  }
0x75: {  	_ =	swait.ge [sflag:s9], $0x2800  }
0x76: {  	[sflag:s9] =	ssyncset.done $0x0  }
0x77: {  	s1 =	rddreg [dreg:$0x6];
	[sflag:s9] =	ssyncadd.s32 $0xFFFFD800  }
0x78: {  	[hbm4b:s1+s2] =	stream.linear.scatter [tilespmem:s5], [sflag:$0x3], $0xC800, $0x38;
	[tilespmem:$0x19680] =	vst v63  }
0x79: {  	_ =	swait.ge [sflag:s3], $0xC800  }
0x7a: {  	[sflag:s3] =	ssyncset.done $0x0  }
0x7b: {  	[sflag:s3] =	ssyncadd.s32 $0xFFFF3800  }
0x7c: {  	_ =	swait.ge [sflag:s7], $0x2800  }
0x7d: {  	[sflag:s7] =	ssyncset.done $0x0  }
0x7e: {  	[sflag:s7] =	ssyncadd.s32 $0xFFFFD800  }
0x7f: {  	_ =	swait.ge [sflag:s7], $0x2800  }
0x80: {  	[sflag:s7] =	ssyncset.done $0x0  }
0x81: {  	[sflag:s7] =	ssyncadd.s32 $0xFFFFD800  }
0x82: {  	_ =	swait.ge [sflag:s7], $0x2800  }
0x83: {  	[sflag:s7] =	ssyncset.done $0x0  }
0x84: {  	[sflag:s7] =	ssyncadd.s32 $0xFFFFD800  }
0x85: {  	_ =	swait.ge [sflag:s7], $0x2800  }
0x86: {  	[sflag:s7] =	ssyncset.done $0x0  }
0x87: {  	[sflag:s7] =	ssyncadd.s32 $0xFFFFD800  }
0x88: {  	p1 =	sne.s32 s18, $0x1;
	_ =	swait.ge [sflag:s7], $0x2800  }
.Ltmp1:
0x89: {  	[sflag:s7] =	ssyncset.done $0x0;
	(pc) =	sbr.rel @!p1 .LBB2_3-.Ltmp1, $4  }
0x8a: {  	s1 =	rddreg [dreg:$0x7];
	[sflag:s7] =	ssyncadd.s32 $0xFFFFD800  }
0x8b: {  	[hbm4b:s1+s2] =	stream.linear.scatter [tilespmem:s4], [sflag:$0x3], $0xC800, $0x38;
	[tilespmem:$0x19680] =	vst v63  }
0x8c: {  	p0 =	por $0x1, $0x1;
	_ =	swait.ge [sflag:s3], $0xC800  }
0x8d: {  	s1 =	sadd.s32 $0xFFFFFFFF, s18;
	s0 =	rddreg [dreg:$0x3];
	[sflag:s3] =	ssyncset.done $0x0  }
.LBB2_4:
0x8e: {  	[sflag:s3] =	ssyncadd.s32 $0xFFFF3800  }
0x8f: {  	[tilespmem:s2], [sflag:$0x3] =	stream.linear.gather [hbm4b:s0+s2], $0x640, $0x38;
	[tilespmem:$0x19680] =	vst v63  }
0x90: {  	_ =	swait.ge [sflag:s3], $0x640  }
0x91: {  	[sflag:s3] =	ssyncset.done $0x0  }
0x92: {  	[sflag:s3] =	ssyncadd.s32 $0xFFFFF9C0  }
0x93: {  	[tilespmem:s5], [sflag:$0x1] =	stream.indirect.gather [hbm4b:s6+s8], $0x80, s2, s8, $0xb8;
	[tilespmem:$0x19680] =	vst v63  }
0x94: {  	_ = 	snop  }
0x95: {  	[tilespmem:s14], [sflag:$0x1] =	stream.indirect.gather [hbm4b:s6+s8], $0x80, s8, s8, $0xb8;
	[tilespmem:$0x19680] =	vst v63  }
0x96: {  	s0 =	rddreg [dreg:$0x8]  }
0x97: {  	[tilespmem:s15], [sflag:$0x1] =	stream.indirect.gather [hbm4b:s6+s8], $0x80, s0, s8, $0xb8;
	[tilespmem:$0x19680] =	vst v63  }
0x98: {  	s18 =	rddreg [dreg:$0x9]  }
0x99: {  	[tilespmem:s16], [sflag:$0x1] =	stream.indirect.gather [hbm4b:s6+s8], $0x80, s18, s8, $0xb8;
	[tilespmem:$0x19680] =	vst v63  }
0x9a: {  	s0 =	rddreg [dreg:$0xa]  }
0x9b: {  	[tilespmem:s17], [sflag:$0x1] =	stream.indirect.gather [hbm4b:s6+s8], $0x80, s0, s8, $0xb8;
	[tilespmem:$0x19680] =	vst v63  }
0x9c: {  	s18 =	rddreg [dreg:$0xb]  }
0x9d: {  	[tilespmem:s4], [sflag:$0x2] =	stream.indirect.gather [hbm4b:s6+s8], $0x80, s18, s8, $0xb8;
	[tilespmem:$0x19680] =	vst v63  }
0x9e: {  	s0 =	rddreg [dreg:$0xc]  }
0x9f: {  	[tilespmem:s10], [sflag:$0x2] =	stream.indirect.gather [hbm4b:s6+s8], $0x80, s0, s8, $0xb8;
	[tilespmem:$0x19680] =	vst v63  }
0xa0: {  	s18 =	simm.s32 $0x230  }
0xa1: {  	[tilespmem:s11], [sflag:$0x2] =	stream.indirect.gather [hbm4b:s6+s8], $0x80, s18, s8, $0xb8;
	[tilespmem:$0x19680] =	vst v63  }
0xa2: {  	_ = 	snop  }
0xa3: {  	[tilespmem:s12], [sflag:$0x2] =	stream.indirect.gather [hbm4b:s6+s8], $0x80, s31, s8, $0xb8;
	[tilespmem:$0x19680] =	vst v63  }
0xa4: {  	_ = 	snop  }
0xa5: {  	[tilespmem:s13], [sflag:$0x2] =	stream.indirect.gather [hbm4b:s6+s8], $0x80, s30, s8, $0xb8;
	[tilespmem:$0x19680] =	vst v63  }
0xa6: {  	_ =	swait.ge [sflag:s9], $0x2800  }
0xa7: {  	[sflag:s9] =	ssyncset.done $0x0  }
0xa8: {  	[sflag:s9] =	ssyncadd.s32 $0xFFFFD800  }
0xa9: {  	_ =	swait.ge [sflag:s9], $0x2800  }
0xaa: {  	[sflag:s9] =	ssyncset.done $0x0  }
0xab: {  	[sflag:s9] =	ssyncadd.s32 $0xFFFFD800  }
0xac: {  	_ =	swait.ge [sflag:s9], $0x2800  }
0xad: {  	[sflag:s9] =	ssyncset.done $0x0  }
0xae: {  	[sflag:s9] =	ssyncadd.s32 $0xFFFFD800  }
0xaf: {  	_ =	swait.ge [sflag:s9], $0x2800  }
0xb0: {  	[sflag:s9] =	ssyncset.done $0x0  }
0xb1: {  	[sflag:s9] =	ssyncadd.s32 $0xFFFFD800  }
0xb2: {  	_ =	swait.ge [sflag:s9], $0x2800  }
0xb3: {  	[sflag:s9] =	ssyncset.done $0x0  }
0xb4: {  	s18 =	rddreg [dreg:$0x4];
	[sflag:s9] =	ssyncadd.s32 $0xFFFFD800  }
0xb5: {  	[hbm4b:s18+s2] =	stream.linear.scatter [tilespmem:s5], [sflag:$0x3], $0xC800, $0x38;
	[tilespmem:$0x19680] =	vst v63  }
0xb6: {  	_ =	swait.ge [sflag:s3], $0xC800  }
0xb7: {  	[sflag:s3] =	ssyncset.done $0x0  }
0xb8: {  	[sflag:s3] =	ssyncadd.s32 $0xFFFF3800  }
0xb9: {  	[tilespmem:s5], [sflag:$0x1] =	stream.indirect.gather [hbm4b:s6+s8], $0x80, s24, s8, $0xb8;
	[tilespmem:$0x19680] =	vst v63  }
0xba: {  	_ = 	snop  }
0xbb: {  	[tilespmem:s14], [sflag:$0x1] =	stream.indirect.gather [hbm4b:s6+s8], $0x80, s25, s8, $0xb8;
	[tilespmem:$0x19680] =	vst v63  }
0xbc: {  	_ = 	snop  }
0xbd: {  	[tilespmem:s15], [sflag:$0x1] =	stream.indirect.gather [hbm4b:s6+s8], $0x80, s26, s8, $0xb8;
	[tilespmem:$0x19680] =	vst v63  }
0xbe: {  	_ = 	snop  }
0xbf: {  	[tilespmem:s16], [sflag:$0x1] =	stream.indirect.gather [hbm4b:s6+s8], $0x80, s28, s8, $0xb8;
	[tilespmem:$0x19680] =	vst v63  }
0xc0: {  	_ = 	snop  }
0xc1: {  	[tilespmem:s17], [sflag:$0x1] =	stream.indirect.gather [hbm4b:s6+s8], $0x80, s29, s8, $0xb8;
	[tilespmem:$0x19680] =	vst v63  }
0xc2: {  	_ =	swait.ge [sflag:s7], $0x2800  }
0xc3: {  	[sflag:s7] =	ssyncset.done $0x0  }
0xc4: {  	[sflag:s7] =	ssyncadd.s32 $0xFFFFD800  }
0xc5: {  	_ =	swait.ge [sflag:s7], $0x2800  }
0xc6: {  	[sflag:s7] =	ssyncset.done $0x0  }
0xc7: {  	[sflag:s7] =	ssyncadd.s32 $0xFFFFD800  }
0xc8: {  	_ =	swait.ge [sflag:s7], $0x2800  }
0xc9: {  	[sflag:s7] =	ssyncset.done $0x0  }
0xca: {  	[sflag:s7] =	ssyncadd.s32 $0xFFFFD800  }
0xcb: {  	_ =	swait.ge [sflag:s7], $0x2800  }
0xcc: {  	[sflag:s7] =	ssyncset.done $0x0  }
0xcd: {  	[sflag:s7] =	ssyncadd.s32 $0xFFFFD800  }
0xce: {  	_ =	swait.ge [sflag:s7], $0x2800  }
0xcf: {  	[sflag:s7] =	ssyncset.done $0x0  }
0xd0: {  	s18 =	rddreg [dreg:$0x5];
	[sflag:s7] =	ssyncadd.s32 $0xFFFFD800  }
0xd1: {  	[hbm4b:s18+s2] =	stream.linear.scatter [tilespmem:s4], [sflag:$0x3], $0xC800, $0x38;
	[tilespmem:$0x19680] =	vst v63  }
0xd2: {  	_ =	swait.ge [sflag:s3], $0xC800  }
0xd3: {  	[sflag:s3] =	ssyncset.done $0x0  }
0xd4: {  	[sflag:s3] =	ssyncadd.s32 $0xFFFF3800  }
0xd5: {  	[tilespmem:s4], [sflag:$0x2] =	stream.indirect.gather [hbm4b:s6+s8], $0x80, s19, s8, $0xb8;
	[tilespmem:$0x19680] =	vst v63  }
0xd6: {  	_ = 	snop  }
0xd7: {  	[tilespmem:s10], [sflag:$0x2] =	stream.indirect.gather [hbm4b:s6+s8], $0x80, s20, s8, $0xb8;
	[tilespmem:$0x19680] =	vst v63  }
0xd8: {  	_ = 	snop  }
0xd9: {  	[tilespmem:s11], [sflag:$0x2] =	stream.indirect.gather [hbm4b:s6+s8], $0x80, s21, s8, $0xb8;
	[tilespmem:$0x19680] =	vst v63  }
0xda: {  	_ = 	snop  }
0xdb: {  	[tilespmem:s12], [sflag:$0x2] =	stream.indirect.gather [hbm4b:s6+s8], $0x80, s22, s8, $0xb8;
	[tilespmem:$0x19680] =	vst v63  }
0xdc: {  	_ = 	snop  }
0xdd: {  	[tilespmem:s13], [sflag:$0x2] =	stream.indirect.gather [hbm4b:s6+s8], $0x80, s23, s8, $0xb8;
	[tilespmem:$0x19680] =	vst v63  }
0xde: {  	_ =	swait.ge [sflag:s9], $0x2800  }
0xdf: {  	[sflag:s9] =	ssyncset.done $0x0  }
0xe0: {  	[sflag:s9] =	ssyncadd.s32 $0xFFFFD800  }
0xe1: {  	_ =	swait.ge [sflag:s9], $0x2800  }
0xe2: {  	[sflag:s9] =	ssyncset.done $0x0  }
0xe3: {  	[sflag:s9] =	ssyncadd.s32 $0xFFFFD800  }
0xe4: {  	_ =	swait.ge [sflag:s9], $0x2800  }
0xe5: {  	[sflag:s9] =	ssyncset.done $0x0  }
0xe6: {  	[sflag:s9] =	ssyncadd.s32 $0xFFFFD800  }
0xe7: {  	_ =	swait.ge [sflag:s9], $0x2800  }
0xe8: {  	[sflag:s9] =	ssyncset.done $0x0  }
0xe9: {  	[sflag:s9] =	ssyncadd.s32 $0xFFFFD800  }
0xea: {  	_ =	swait.ge [sflag:s9], $0x2800  }
0xeb: {  	[sflag:s9] =	ssyncset.done $0x0  }
0xec: {  	s18 =	rddreg [dreg:$0x6];
	[sflag:s9] =	ssyncadd.s32 $0xFFFFD800  }
0xed: {  	[hbm4b:s18+s2] =	stream.linear.scatter [tilespmem:s5], [sflag:$0x3], $0xC800, $0x38;
	[tilespmem:$0x19680] =	vst v63  }
0xee: {  	_ =	swait.ge [sflag:s3], $0xC800  }
0xef: {  	[sflag:s3] =	ssyncset.done $0x0  }
0xf0: {  	[sflag:s3] =	ssyncadd.s32 $0xFFFF3800  }
0xf1: {  	_ =	swait.ge [sflag:s7], $0x2800  }
0xf2: {  	[sflag:s7] =	ssyncset.done $0x0  }
0xf3: {  	[sflag:s7] =	ssyncadd.s32 $0xFFFFD800  }
0xf4: {  	_ =	swait.ge [sflag:s7], $0x2800  }
0xf5: {  	[sflag:s7] =	ssyncset.done $0x0  }
0xf6: {  	[sflag:s7] =	ssyncadd.s32 $0xFFFFD800  }
0xf7: {  	_ =	swait.ge [sflag:s7], $0x2800  }
0xf8: {  	[sflag:s7] =	ssyncset.done $0x0  }
0xf9: {  	[sflag:s7] =	ssyncadd.s32 $0xFFFFD800  }
0xfa: {  	_ =	swait.ge [sflag:s7], $0x2800  }
0xfb: {  	[sflag:s7] =	ssyncset.done $0x0  }
0xfc: {  	[sflag:s7] =	ssyncadd.s32 $0xFFFFD800  }
0xfd: {  	p1 =	sne.s32 s1, $0x1;
	_ =	swait.ge [sflag:s7], $0x2800  }
.Ltmp2:
0xfe: {  	[sflag:s7] =	ssyncset.done $0x0;
	(pc) =	sbr.rel @p1 .LBB2_4-.Ltmp2, $4  }
0xff: {  	s18 =	rddreg [dreg:$0x7];
	[sflag:s7] =	ssyncadd.s32 $0xFFFFD800  }
0x100: {  	[hbm4b:s18+s2] =	stream.linear.scatter [tilespmem:s4], [sflag:$0x3], $0xC800, $0x38;
	[tilespmem:$0x19680] =	vst v63  }
0x101: {  	_ =	swait.ge [sflag:s3], $0xC800  }
0x102: {  	s1 =	sadd.s32 $0xFFFFFFFF, s1;
	s0 =	rddreg [dreg:$0x3];
	[sflag:s3] =	ssyncset.done $0x0  }
0x103: {  	s18 =	simm.s32 $0x2D0  }
0x104: {  	s31 =	simm.s32 $0x280;
	s30 =	simm.s32 $0x230;
	s29 =	simm.s32 $0x460  }
0x105: {  	s28 =	simm.s32 $0x410;
	s26 =	simm.s32 $0x3C0;
	s25 =	simm.s32 $0x370  }
0x106: {  	s24 =	simm.s32 $0x320;
	s23 =	simm.s32 $0x5F0;
	s22 =	simm.s32 $0x5A0  }
0x107: {  	s21 =	simm.s32 $0x550;
	s20 =	simm.s32 $0x500;
	s19 =	simm.s32 $0x4B0  }
.LBB2_6:
0x108: {  	[sflag:s3] =	ssyncadd.s32 @p0 $0xFFFF3800  }
0x109: {  	[tilespmem:s2], [sflag:$0x3] =	stream.linear.gather [hbm4b:s0+s2], $0x640, $0x38;
	[tilespmem:$0x19680] =	vst v63  }
0x10a: {  	_ =	swait.ge [sflag:s3], $0x640  }
0x10b: {  	[sflag:s3] =	ssyncset.done $0x0  }
0x10c: {  	[sflag:s3] =	ssyncadd.s32 $0xFFFFF9C0  }
0x10d: {  	[tilespmem:s5], [sflag:$0x1] =	stream.indirect.gather [hbm4b:s6+s8], $0x80, s2, s8, $0xb8;
	[tilespmem:$0x19680] =	vst v63  }
0x10e: {  	_ = 	snop  }
0x10f: {  	[tilespmem:s14], [sflag:$0x1] =	stream.indirect.gather [hbm4b:s6+s8], $0x80, s8, s8, $0xb8;
	[tilespmem:$0x19680] =	vst v63  }
0x110: {  	s0 =	rddreg [dreg:$0x8]  }
0x111: {  	[tilespmem:s15], [sflag:$0x1] =	stream.indirect.gather [hbm4b:s6+s8], $0x80, s0, s8, $0xb8;
	[tilespmem:$0x19680] =	vst v63  }
0x112: {  	s1 =	rddreg [dreg:$0x9]  }
0x113: {  	[tilespmem:s16], [sflag:$0x1] =	stream.indirect.gather [hbm4b:s6+s8], $0x80, s1, s8, $0xb8;
	[tilespmem:$0x19680] =	vst v63  }
0x114: {  	s0 =	rddreg [dreg:$0xa]  }
0x115: {  	[tilespmem:s17], [sflag:$0x1] =	stream.indirect.gather [hbm4b:s6+s8], $0x80, s0, s8, $0xb8;
	[tilespmem:$0x19680] =	vst v63  }
0x116: {  	s1 =	rddreg [dreg:$0xb]  }
0x117: {  	[tilespmem:s4], [sflag:$0x2] =	stream.indirect.gather [hbm4b:s6+s8], $0x80, s1, s8, $0xb8;
	[tilespmem:$0x19680] =	vst v63  }
0x118: {  	s0 =	rddreg [dreg:$0xc]  }
0x119: {  	[tilespmem:s10], [sflag:$0x2] =	stream.indirect.gather [hbm4b:s6+s8], $0x80, s0, s8, $0xb8;
	[tilespmem:$0x19680] =	vst v63  }
0x11a: {  	_ = 	snop  }
0x11b: {  	[tilespmem:s11], [sflag:$0x2] =	stream.indirect.gather [hbm4b:s6+s8], $0x80, s30, s8, $0xb8;
	[tilespmem:$0x19680] =	vst v63  }
0x11c: {  	_ = 	snop  }
0x11d: {  	[tilespmem:s12], [sflag:$0x2] =	stream.indirect.gather [hbm4b:s6+s8], $0x80, s31, s8, $0xb8;
	[tilespmem:$0x19680] =	vst v63  }
0x11e: {  	_ = 	snop  }
0x11f: {  	[tilespmem:s13], [sflag:$0x2] =	stream.indirect.gather [hbm4b:s6+s8], $0x80, s18, s8, $0xb8;
	[tilespmem:$0x19680] =	vst v63  }
0x120: {  	_ =	swait.ge [sflag:s9], $0x2800  }
0x121: {  	[sflag:s9] =	ssyncset.done $0x0  }
0x122: {  	[sflag:s9] =	ssyncadd.s32 $0xFFFFD800  }
0x123: {  	_ =	swait.ge [sflag:s9], $0x2800  }
0x124: {  	[sflag:s9] =	ssyncset.done $0x0  }
0x125: {  	[sflag:s9] =	ssyncadd.s32 $0xFFFFD800  }
0x126: {  	_ =	swait.ge [sflag:s9], $0x2800  }
0x127: {  	[sflag:s9] =	ssyncset.done $0x0  }
0x128: {  	[sflag:s9] =	ssyncadd.s32 $0xFFFFD800  }
0x129: {  	_ =	swait.ge [sflag:s9], $0x2800  }
0x12a: {  	[sflag:s9] =	ssyncset.done $0x0  }
0x12b: {  	[sflag:s9] =	ssyncadd.s32 $0xFFFFD800  }
0x12c: {  	_ =	swait.ge [sflag:s9], $0x2800  }
0x12d: {  	[sflag:s9] =	ssyncset.done $0x0  }
0x12e: {  	s18 =	rddreg [dreg:$0x4];
	[sflag:s9] =	ssyncadd.s32 $0xFFFFD800  }
0x12f: {  	[hbm4b:s18+s2] =	stream.linear.scatter [tilespmem:s5], [sflag:$0x3], $0xC800, $0x38;
	[tilespmem:$0x19680] =	vst v63  }
0x130: {  	_ =	swait.ge [sflag:s3], $0xC800  }
0x131: {  	[sflag:s3] =	ssyncset.done $0x0  }
0x132: {  	[sflag:s3] =	ssyncadd.s32 $0xFFFF3800  }
0x133: {  	[tilespmem:s5], [sflag:$0x1] =	stream.indirect.gather [hbm4b:s6+s8], $0x80, s24, s8, $0xb8;
	[tilespmem:$0x19680] =	vst v63  }
0x134: {  	_ = 	snop  }
0x135: {  	[tilespmem:s14], [sflag:$0x1] =	stream.indirect.gather [hbm4b:s6+s8], $0x80, s25, s8, $0xb8;
	[tilespmem:$0x19680] =	vst v63  }
0x136: {  	_ = 	snop  }
0x137: {  	[tilespmem:s15], [sflag:$0x1] =	stream.indirect.gather [hbm4b:s6+s8], $0x80, s26, s8, $0xb8;
	[tilespmem:$0x19680] =	vst v63  }
0x138: {  	_ = 	snop  }
0x139: {  	[tilespmem:s16], [sflag:$0x1] =	stream.indirect.gather [hbm4b:s6+s8], $0x80, s28, s8, $0xb8;
	[tilespmem:$0x19680] =	vst v63  }
0x13a: {  	_ = 	snop  }
0x13b: {  	[tilespmem:s17], [sflag:$0x1] =	stream.indirect.gather [hbm4b:s6+s8], $0x80, s29, s8, $0xb8;
	[tilespmem:$0x19680] =	vst v63  }
0x13c: {  	_ =	swait.ge [sflag:s7], $0x2800  }
0x13d: {  	[sflag:s7] =	ssyncset.done $0x0  }
0x13e: {  	[sflag:s7] =	ssyncadd.s32 $0xFFFFD800  }
0x13f: {  	_ =	swait.ge [sflag:s7], $0x2800  }
0x140: {  	[sflag:s7] =	ssyncset.done $0x0  }
0x141: {  	[sflag:s7] =	ssyncadd.s32 $0xFFFFD800  }
0x142: {  	_ =	swait.ge [sflag:s7], $0x2800  }
0x143: {  	[sflag:s7] =	ssyncset.done $0x0  }
0x144: {  	[sflag:s7] =	ssyncadd.s32 $0xFFFFD800  }
0x145: {  	_ =	swait.ge [sflag:s7], $0x2800  }
0x146: {  	[sflag:s7] =	ssyncset.done $0x0  }
0x147: {  	[sflag:s7] =	ssyncadd.s32 $0xFFFFD800  }
0x148: {  	_ =	swait.ge [sflag:s7], $0x2800  }
0x149: {  	[sflag:s7] =	ssyncset.done $0x0  }
0x14a: {  	s28 =	rddreg [dreg:$0x5];
	[sflag:s7] =	ssyncadd.s32 $0xFFFFD800  }
0x14b: {  	[hbm4b:s28+s2] =	stream.linear.scatter [tilespmem:s4], [sflag:$0x3], $0xC800, $0x38;
	[tilespmem:$0x19680] =	vst v63  }
0x14c: {  	_ =	swait.ge [sflag:s3], $0xC800  }
0x14d: {  	[sflag:s3] =	ssyncset.done $0x0  }
0x14e: {  	[sflag:s3] =	ssyncadd.s32 $0xFFFF3800  }
0x14f: {  	[tilespmem:s4], [sflag:$0x2] =	stream.indirect.gather [hbm4b:s6+s8], $0x80, s19, s8, $0xb8;
	[tilespmem:$0x19680] =	vst v63  }
0x150: {  	_ = 	snop  }
0x151: {  	[tilespmem:s10], [sflag:$0x2] =	stream.indirect.gather [hbm4b:s6+s8], $0x80, s20, s8, $0xb8;
	[tilespmem:$0x19680] =	vst v63  }
0x152: {  	_ = 	snop  }
0x153: {  	[tilespmem:s11], [sflag:$0x2] =	stream.indirect.gather [hbm4b:s6+s8], $0x80, s21, s8, $0xb8;
	[tilespmem:$0x19680] =	vst v63  }
0x154: {  	_ = 	snop  }
0x155: {  	[tilespmem:s12], [sflag:$0x2] =	stream.indirect.gather [hbm4b:s6+s8], $0x80, s22, s8, $0xb8;
	[tilespmem:$0x19680] =	vst v63  }
0x156: {  	_ = 	snop  }
0x157: {  	[tilespmem:s13], [sflag:$0x2] =	stream.indirect.gather [hbm4b:s6+s8], $0x80, s23, s8, $0xb8;
	[tilespmem:$0x19680] =	vst v63  }
0x158: {  	_ =	swait.ge [sflag:s9], $0x2800  }
0x159: {  	[sflag:s9] =	ssyncset.done $0x0  }
0x15a: {  	[sflag:s9] =	ssyncadd.s32 $0xFFFFD800  }
0x15b: {  	_ =	swait.ge [sflag:s9], $0x2800  }
0x15c: {  	[sflag:s9] =	ssyncset.done $0x0  }
0x15d: {  	[sflag:s9] =	ssyncadd.s32 $0xFFFFD800  }
0x15e: {  	_ =	swait.ge [sflag:s9], $0x2800  }
0x15f: {  	[sflag:s9] =	ssyncset.done $0x0  }
0x160: {  	[sflag:s9] =	ssyncadd.s32 $0xFFFFD800  }
0x161: {  	_ =	swait.ge [sflag:s9], $0x2800  }
0x162: {  	[sflag:s9] =	ssyncset.done $0x0  }
0x163: {  	[sflag:s9] =	ssyncadd.s32 $0xFFFFD800  }
0x164: {  	_ =	swait.ge [sflag:s9], $0x2800  }
0x165: {  	[sflag:s9] =	ssyncset.done $0x0  }
0x166: {  	s29 =	rddreg [dreg:$0x6];
	[sflag:s9] =	ssyncadd.s32 $0xFFFFD800  }
0x167: {  	[hbm4b:s29+s2] =	stream.linear.scatter [tilespmem:s5], [sflag:$0x3], $0xC800, $0x38;
	[tilespmem:$0x19680] =	vst v63  }
0x168: {  	_ =	swait.ge [sflag:s3], $0xC800  }
0x169: {  	[sflag:s3] =	ssyncset.done $0x0  }
0x16a: {  	[sflag:s3] =	ssyncadd.s32 $0xFFFF3800  }
0x16b: {  	_ =	swait.ge [sflag:s7], $0x2800  }
0x16c: {  	[sflag:s7] =	ssyncset.done $0x0  }
0x16d: {  	[sflag:s7] =	ssyncadd.s32 $0xFFFFD800  }
0x16e: {  	_ =	swait.ge [sflag:s7], $0x2800  }
0x16f: {  	[sflag:s7] =	ssyncset.done $0x0  }
0x170: {  	[sflag:s7] =	ssyncadd.s32 $0xFFFFD800  }
0x171: {  	_ =	swait.ge [sflag:s7], $0x2800  }
0x172: {  	[sflag:s7] =	ssyncset.done $0x0  }
0x173: {  	[sflag:s7] =	ssyncadd.s32 $0xFFFFD800  }
0x174: {  	_ =	swait.ge [sflag:s7], $0x2800  }
0x175: {  	[sflag:s7] =	ssyncset.done $0x0  }
0x176: {  	[sflag:s7] =	ssyncadd.s32 $0xFFFFD800  }
0x177: {  	_ =	swait.ge [sflag:s7], $0x2800  }
0x178: {  	[sflag:s7] =	ssyncset.done $0x0  }
0x179: {  	s30 =	rddreg [dreg:$0x7];
	[sflag:s7] =	ssyncadd.s32 $0xFFFFD800  }
0x17a: {  	[hbm4b:s30+s2] =	stream.linear.scatter [tilespmem:s4], [sflag:$0x3], $0xC800, $0x38;
	[tilespmem:$0x19680] =	vst v63  }
0x17b: {  	_ =	swait.ge [sflag:s3], $0xC800  }
0x17c: {  	[sflag:s3] =	ssyncset.done $0x0  }
0x17d: {  	[sflag:s3] =	ssyncadd.s32 $0xFFFF3800  }
0x17e: {  	_ =	sfence.sel $0x180000  }
0x17f: {  	[bflag:$0x0] =	sbarrier.arrive $0xFFFF  }
0x180: {  	_ =	strace $0x90000047  }
0x181: {  	s31 =	stileid.u32;
	[bflag:$0x2] =	sbarrier.arrive $0xFFFF  }
0x182: {  	p0 =	sne.s32 s31, $0x0;
	s0 =	rddreg [dreg:$0x2]  }
0x183: {  	s0 =	sadd.s32 @!p0 $0x100000, s0  }
0x184: {  	[sflag:s0] =	ssyncadd.tile.s32 @!p0 $0x1;
	_ =	shalt  }
.LBB2_1:
.Ltmp3:
0x185: {  	s18 =	simm.s32 $0x2D0;
	(pc) =	sbr.rel .LBB2_6-.Ltmp3, $4  }
0x186: {  	s31 =	simm.s32 $0x280;
	s30 =	simm.s32 $0x230;
	s29 =	simm.s32 $0x460  }
0x187: {  	s28 =	simm.s32 $0x410;
	s26 =	simm.s32 $0x3C0;
	s25 =	simm.s32 $0x370  }
0x188: {  	s24 =	simm.s32 $0x320;
	s23 =	simm.s32 $0x5F0;
	s22 =	simm.s32 $0x5A0  }
0x189: {  	s21 =	simm.s32 $0x550;
	s20 =	simm.s32 $0x500;
	s19 =	simm.s32 $0x4B0  }
.LBB2_3:
.Ltmp4:
0x18a: {  	s18 =	simm.s32 $0x2D0;
	(pc) =	sbr.rel .LBB2_6-.Ltmp4, $4  }
0x18b: {  	s31 =	simm.s32 $0x280;
	s30 =	simm.s32 $0x230;
	s29 =	simm.s32 $0x460  }
0x18c: {  	s28 =	simm.s32 $0x410;
	s26 =	simm.s32 $0x3C0;
	s25 =	simm.s32 $0x370  }
0x18d: {  	s24 =	simm.s32 $0x320;
	s23 =	simm.s32 $0x5F0;
	s22 =	simm.s32 $0x5A0  }
0x18e: {  	s21 =	simm.s32 $0x550;
	s20 =	simm.s32 $0x500;
	s19 =	simm.s32 $0x4B0  }
.Lfunc_end2:
_tile_overlayer_lowered:
.L_overlay_start_2:
0x18f: {  	(tag) =	ssettag $0x2  }
0x190: {  	s0 =	rddreg [dreg:$0x0];
	s2 =	stileid.u32  }
0x191: {  	s1 =	rddreg [dreg:$0x1];
	p0 =	sne.s32 s2, $0x0  }
0x192: {  	s3 =	rddreg [dreg:$0x2];
	[bflag:$0x3] =	sbarrier.arrive $0xFFFF;
	s2 =	simm.s32 @!p0 $0x1C03  }
0x193: {  	[timem:s3], [sflag:s2] =	dma.local @!p0 [hbm:s0], s1  }
0x194: {  	s0 =	simm.s32 @!p0 $0x3  }
0x195: {  	_ =	swait.ge @!p0 [sflag:s0], s1  }
0x196: {  	s1 =	ssub.s32 @!p0 $0x0, s1;
	[sflag:s0] =	ssyncset.done @!p0 $0x0  }
0x197: {  	[sflag:s0] =	ssyncadd.s32 @!p0 s1  }
0x198: {  	[bflag:$0x3] =	sbarrier.arrive $0xFFFF  }
0x199: {  	_ =	shalt  }

</sc_bundles>
